<compile_context>
chip_gen: v7x
topology: tpu7x:2x2x1
jax: 0.10.2.dev20260603
libtpu: 0.0.44.dev20260713+nightly
codegen_flags: <defaults>
</compile_context>

<pallas_src>
import functools
import jax
import jax.numpy as jnp
from jax import lax
from jax.experimental import pallas as pl
from jax.experimental.pallas import tpu as pltpu
from jax.experimental.pallas import tpu_sc as plsc

_B, _SIZE = 128, 28
_P = _SIZE * _SIZE
_P2 = 896
_D = 2048
_L = 256
_C = 10

_DSC = 1024
_DTC = _D - _DSC

_NC, _NS, _LANES = 2, 16, 16
_NW = _NC * _NS
_DW = _DSC // _NW
_WW = _DW // 2
_KW = _WW // _LANES
_NB = 8
_NG = _B // _NB
_PC = _P // _LANES


def _idx_body(x_ref, idx_ref):
    v = x_ref[...] * jnp.float32(_L - 1)
    idx_ref[...] = jnp.clip(jnp.round(v), 0, _L - 1).astype(jnp.int32) * _WW


def _sc_body(idx_hbm, pos_hbm, lev_hbm, y_hbm,
             lev_v, pos_v, idx_v, y_v, sem0, sem1):
    w = lax.axis_index("s") * _NC + lax.axis_index("c")
    pltpu.sync_copy(lev_hbm.at[w], lev_v)
    pltpu.sync_copy(pos_hbm.at[w], pos_v)
    iota = lax.iota(jnp.int32, _LANES)
    sems = (sem0, sem1)

    pltpu.async_copy(idx_hbm.at[pl.ds(0, _NB)], idx_v.at[0], sem0)

    def process(buf, g):
        def pchunk(c, accs):
            ivecs = [idx_v[buf, j, pl.ds(c * _LANES, _LANES)]
                     for j in range(_NB)]

            def tstep(t, accs):
                accs = list(accs)
                p = c * _LANES + t
                pw = [plsc.bitcast(pos_v[p, pl.ds(k * _LANES, _LANES)],
                                   jnp.int16) for k in range(_KW)]
                tsel = jnp.full((_LANES,), 0, jnp.int32) + t
                for j in range(_NB):
                    row = jnp.take_along_axis(ivecs[j], tsel, axis=0,
                                              mode="promise_in_bounds")
                    for k in range(_KW):
                        lw = plsc.load_gather(
                            lev_v, [row + (iota + k * _LANES)])
                        accs[j * _KW + k] = accs[j * _KW + k] + (
                            pw[k] * plsc.bitcast(lw, jnp.int16))
                return tuple(accs)

            return lax.fori_loop(0, _LANES, tstep, tuple(accs), unroll=8)

        zero = jnp.zeros((2 * _LANES,), jnp.int16)
        accs = lax.fori_loop(0, _PC, pchunk,
                             tuple(zero for _ in range(_NB * _KW)))
        for j in range(_NB):
            for k in range(_KW):
                s = plsc.bitcast(accs[j * _KW + k], jnp.int32)
                lo = (s << 16) >> 16
                hi = s >> 16
                ylo = jnp.where(lo > 0, 1, -1)
                yhi = jnp.where(hi > 0, 1, -1)
                y_v[g * _NB + j, pl.ds(k * _LANES, _LANES)] = (
                    (ylo & 0xFFFF) | (yhi << 16))

    def gpair(h, _):
        for half in (0, 1):
            g = h * 2 + half
            pltpu.make_async_copy(idx_hbm.at[pl.ds(0, _NB)],
                                  idx_v.at[half], sems[half]).wait()
            nxt = g + 1

            @pl.when(nxt < _NG)
            def _():
                pltpu.async_copy(idx_hbm.at[pl.ds(nxt * _NB, _NB)],
                                 idx_v.at[1 - half], sems[1 - half])

            process(half, g)
        return 0

    lax.fori_loop(0, _NG // 2, gpair, 0)
    pltpu.sync_copy(y_v, y_hbm.at[w])


_sc_encode = functools.partial(
    pl.kernel,
    mesh=plsc.VectorSubcoreMesh(core_axis_name="c", subcore_axis_name="s"),
    out_type=jax.ShapeDtypeStruct((_NW, _B, _WW), jnp.int32),
    compiler_params=pltpu.CompilerParams(use_tc_tiling_on_sc=False,
                                         needs_layout_passes=False),
    scratch_types=[
        pltpu.VMEM((_L * _WW,), jnp.int32),
        pltpu.VMEM((_P, _WW), jnp.int32),
        pltpu.VMEM((2, _NB, _P), jnp.int32),
        pltpu.VMEM((_B, _WW), jnp.int32),
        pltpu.SemaphoreType.DMA,
        pltpu.SemaphoreType.DMA,
    ],
)(_sc_body)


def _tc_encode_body(idx_ref, pos_ref, lev_ref, y_ref):
    idx = idx_ref[0]
    lvl_iota = jax.lax.broadcasted_iota(jnp.int32, (_L, _P2), 0) * _WW
    onehot = (lvl_iota == idx).astype(jnp.bfloat16)
    m = jnp.dot(onehot, pos_ref[...],
                preferred_element_type=jnp.float32)
    s = jnp.sum(lev_ref[...].astype(jnp.float32) * m, axis=0, keepdims=True)
    y_ref[0] = jnp.where(s > 0.0, 1.0, -1.0).astype(jnp.float32)


def _classify_body(ysc_ref, csc_ref, ytc_ref, ctc_ref, out_ref):
    acc = jnp.zeros((_B, _C), jnp.float32)
    n2 = jnp.zeros((1, _C), jnp.float32)
    for w in range(_NW):
        cw = csc_ref[w]
        yw = ysc_ref[w].astype(jnp.float32)
        acc = acc + jnp.dot(yw, cw, preferred_element_type=jnp.float32)
        n2 = n2 + jnp.sum(cw * cw, axis=0, keepdims=True)
    ctc = ctc_ref[...]
    acc = acc + jnp.dot(ytc_ref[...], ctc, preferred_element_type=jnp.float32)
    n2 = n2 + jnp.sum(ctc * ctc, axis=0, keepdims=True)
    scale = 1.0 / ((jnp.sqrt(n2) + 1e-12) * jnp.sqrt(jnp.float32(_D)))
    out_ref[...] = acc * scale


def _pack16(a):
    a16 = a.astype(jnp.int16)
    return lax.bitcast_convert_type(
        a16.reshape(a.shape[:-1] + (a.shape[-1] // 2, 2)), jnp.int32)


@jax.jit
def _run(x, position_weight, level_weight, centroid_weight):
    xf = x.reshape(_B, _P)
    pos_sc = _pack16(
        position_weight[:, :_DSC].reshape(_P, _NW, _DW).transpose(1, 0, 2))
    lev_sc = _pack16(
        level_weight[:, :_DSC].reshape(_L, _NW, _DW).transpose(1, 0, 2)
    ).reshape(_NW, _L * _WW)
    pos_tc = jnp.pad(position_weight[:, _DSC:].astype(jnp.bfloat16),
                     ((0, _P2 - _P), (0, 0)))
    lev_tc = level_weight[:, _DSC:].astype(jnp.bfloat16)
    cent_sc = centroid_weight.T[:_DSC].reshape(_NW, _DW, _C)
    cent_tc = centroid_weight.T[_DSC:]

    idx = pl.pallas_call(
        _idx_body,
        in_specs=[pl.BlockSpec((_B, _P), lambda: (0, 0))],
        out_specs=pl.BlockSpec((_B, _P), lambda: (0, 0)),
        out_shape=jax.ShapeDtypeStruct((_B, _P), jnp.int32),
    )(xf)
    idx_pad = jnp.pad(idx, ((0, 0), (0, _P2 - _P)),
                      constant_values=-1).reshape(_B, 1, _P2)

    y_w = _sc_encode(idx, pos_sc, lev_sc)

    y_tc = pl.pallas_call(
        _tc_encode_body,
        grid=(_B,),
        in_specs=[
            pl.BlockSpec((1, 1, _P2), lambda i: (i, 0, 0)),
            pl.BlockSpec((_P2, _DTC), lambda i: (0, 0)),
            pl.BlockSpec((_L, _DTC), lambda i: (0, 0)),
        ],
        out_specs=pl.BlockSpec((1, 1, _DTC), lambda i: (i, 0, 0)),
        out_shape=jax.ShapeDtypeStruct((_B, 1, _DTC), jnp.float32),
        compiler_params=pltpu.CompilerParams(
            dimension_semantics=("arbitrary",)),
    )(idx_pad, pos_tc, lev_tc).reshape(_B, _DTC)
    y_sc = lax.bitcast_convert_type(y_w, jnp.int16).reshape(_NW, _B, _DW)

    out = pl.pallas_call(
        _classify_body,
        in_specs=[
            pl.BlockSpec((_NW, _B, _DW), lambda: (0, 0, 0)),
            pl.BlockSpec((_NW, _DW, _C), lambda: (0, 0, 0)),
            pl.BlockSpec((_B, _DTC), lambda: (0, 0)),
            pl.BlockSpec((_DTC, _C), lambda: (0, 0)),
        ],
        out_specs=pl.BlockSpec((_B, _C), lambda: (0, 0)),
        out_shape=jax.ShapeDtypeStruct((_B, _C), jnp.float32),
    )(y_sc, cent_sc, y_tc, cent_tc)
    return out


def kernel(x, position_weight, level_weight, centroid_weight):
    return _run(x, position_weight, level_weight, centroid_weight)

# --- scband reference (transcript-rebuilt; emitter-appended) ---
"""Pipeline reference for scband-model-23433341567655 (READ-ONLY COPY).

The authoritative reference and input builder live on the scoring server;
editing this copy changes nothing except your own understanding.
"""

import jax, jax.numpy as jnp
import numpy as np

B, SIZE, D, LEVELS, C = 128, 28, 2048, 256, 10
P = SIZE * SIZE


def _level_hv(levels, dim, seed):
    # Faithful torchhd.embeddings.Level table: interpolate between two random
    # bipolar hypervectors by flipping a growing random subset of dimensions.
    rng = np.random.default_rng(seed)
    first = rng.choice(np.array([-1.0, 1.0], dtype=np.float32), size=dim)
    last = rng.choice(np.array([-1.0, 1.0], dtype=np.float32), size=dim)
    perm = rng.permutation(dim)
    thresholds = np.floor(np.linspace(0, dim, levels)).astype(np.int64)
    hv = np.empty((levels, dim), dtype=np.float32)
    for i in range(levels):
        take_last = perm < thresholds[i]
        hv[i] = np.where(take_last, last, first)
    return jnp.asarray(hv)


def setup_inputs(seed: int = 0) -> dict:
    key = jax.random.key(seed)
    k1, k2, k3 = jax.random.split(key, 3)
    x = jax.random.uniform(k1, (B, 1, SIZE, SIZE), dtype=jnp.float32)
    # embeddings.Random(size*size, out_features): random bipolar position hvs
    position_weight = jnp.where(
        jax.random.bernoulli(k2, 0.5, (P, D)), 1.0, -1.0
    ).astype(jnp.float32)
    level_weight = _level_hv(LEVELS, D, seed=1234)
    # Centroid(dimensions, num_classes) class prototypes (trained state)
    centroid_weight = jax.random.normal(k3, (C, D), dtype=jnp.float32)
    return {
        "x": x,
        "position_weight": position_weight,
        "level_weight": level_weight,
        "centroid_weight": centroid_weight,
    }


def reference(x, position_weight, level_weight, centroid_weight):
    b = x.shape[0]
    flat = x.reshape(b, -1)  # Flatten -> [B, P]
    levels = level_weight.shape[0]
    # Level embedding: value_to_index over [0, 1] then gather
    idx = jnp.clip(jnp.round(flat * (levels - 1)), 0, levels - 1).astype(jnp.int32)
    value_hv = jnp.take(level_weight, idx, axis=0)  # [B, P, D]
    # torchhd.bind (MAP): elementwise multiply with position hypervectors
    sample_hv = position_weight[None, :, :] * value_hv  # [B, P, D]
    # torchhd.multiset: bundle (sum) over positions
    sample_hv = jnp.sum(sample_hv, axis=1)  # [B, D]
    # torchhd.hard_quantize: sign to {-1, +1}
    y = jnp.where(sample_hv > 0, 1.0, -1.0).astype(jnp.float32)
    # Centroid forward with dot=False: cosine similarity
    y_n = y / jnp.linalg.norm(y, axis=-1, keepdims=True)
    w_n = centroid_weight / (
        jnp.linalg.norm(centroid_weight, axis=-1, keepdims=True) + 1e-12
    )
    return y_n @ w_n.T  # [B, C]

if __name__ == "__main__":
    import jax
    _d = setup_inputs()
    print(jax.jit(kernel)(*tuple(_d.values())))

</pallas_src>

<mosaic_0001>
#map = affine_map<(d0, d1) -> (0, 0)>
#map1 = affine_map<(d0, d1) -> (0, 0, 0)>
module attributes {stable_mosaic.version = 14 : i64} {
  func.func @_sc_body(%arg0: i32, %arg1: i32, %arg2: memref<128x784xi32, #tpu.memory_space<hbm>>, %arg3: memref<32x784x16xi32, #tpu.memory_space<hbm>>, %arg4: memref<32x4096xi32, #tpu.memory_space<hbm>>, %arg5: memref<32x128x16xi32, #tpu.memory_space<hbm>>, %arg6: memref<4096xi32, #tpu.memory_space<vmem>>, %arg7: memref<784x16xi32, #tpu.memory_space<vmem>>, %arg8: memref<2x8x784xi32, #tpu.memory_space<vmem>>, %arg9: memref<128x16xi32, #tpu.memory_space<vmem>>, %arg10: memref<!tpu.dma_semaphore, #tpu.memory_space<semaphore_mem>>, %arg11: memref<!tpu.dma_semaphore, #tpu.memory_space<semaphore_mem>>) attributes {dimension_semantics = [#tpu.dimension_semantics<core_parallel>, #tpu.dimension_semantics<subcore_parallel>], iteration_bounds = array<i64: 2, 16>, scalar_prefetch = 0 : i64, scratch_operands = 6 : i64, tpu.core_type = #tpu.core_type<sc_vector_subcore>, window_params = [{transform_indices = #map}, {transform_indices = #map1}, {transform_indices = #map}, {transform_indices = #map1}]} {
    %mul3A = arith.constant 2 : i32
    %mul3A_0 = arith.muli %arg1, %mul3A : i32
    %add3A = arith.addi %mul3A_0, %arg0 : i32
    "tpu.region"() ({
      %run_scoped3A = tpu.sem_alloc : memref<!tpu.dma_semaphore, #tpu.memory_space<semaphore_mem>>
      %dma_start3A_21 = arith.constant 0 : i32
      %dma_start3A_22 = tpu.memref_slice %arg4[%add3A, %dma_start3A_21] : memref<32x4096xi32, #tpu.memory_space<hbm>> -> memref<1x4096xi32, #tpu.memory_space<hbm>>
      %dma_start3A_23 = tpu.memref_squeeze %dma_start3A_22 : memref<1x4096xi32, #tpu.memory_space<hbm>> -> memref<4096xi32, #tpu.memory_space<hbm>>
      %dma_start3A_24 = arith.constant 0 : i32
      %dma_start3A_25 = tpu.memref_slice %arg4[%add3A, %dma_start3A_24] : memref<32x4096xi32, #tpu.memory_space<hbm>> -> memref<1x4096xi32, #tpu.memory_space<hbm>>
      %dma_start3A_26 = tpu.memref_squeeze %dma_start3A_25 : memref<1x4096xi32, #tpu.memory_space<hbm>> -> memref<4096xi32, #tpu.memory_space<hbm>>
      tpu.enqueue_dma source(%dma_start3A_26 : memref<4096xi32, #tpu.memory_space<hbm>>) target(%arg6 : memref<4096xi32, #tpu.memory_space<vmem>>) target_semaphore(%run_scoped3A : memref<!tpu.dma_semaphore, #tpu.memory_space<semaphore_mem>>)
      %dma_wait3A = arith.constant 0 : i32
      %dma_wait3A_27 = tpu.memref_slice %arg4[%add3A, %dma_wait3A] : memref<32x4096xi32, #tpu.memory_space<hbm>> -> memref<1x4096xi32, #tpu.memory_space<hbm>>
      %dma_wait3A_28 = tpu.memref_squeeze %dma_wait3A_27 : memref<1x4096xi32, #tpu.memory_space<hbm>> -> memref<4096xi32, #tpu.memory_space<hbm>>
      %dma_wait3A_29 = arith.constant 0 : i32
      %dma_wait3A_30 = tpu.memref_slice %arg4[%add3A, %dma_wait3A_29] : memref<32x4096xi32, #tpu.memory_space<hbm>> -> memref<1x4096xi32, #tpu.memory_space<hbm>>
      %dma_wait3A_31 = tpu.memref_squeeze %dma_wait3A_30 : memref<1x4096xi32, #tpu.memory_space<hbm>> -> memref<4096xi32, #tpu.memory_space<hbm>>
      tpu.wait_dma2 semaphore(%run_scoped3A : memref<!tpu.dma_semaphore, #tpu.memory_space<semaphore_mem>>) src(%dma_wait3A_31 : memref<4096xi32, #tpu.memory_space<hbm>>) dst(%arg6 : memref<4096xi32, #tpu.memory_space<vmem>>)
      tpu.yield
    }) : () -> ()
    "tpu.region"() ({
      %run_scoped3A = tpu.sem_alloc : memref<!tpu.dma_semaphore, #tpu.memory_space<semaphore_mem>>
      %dma_start3A_21 = arith.constant 0 : i32
      %dma_start3A_22 = arith.constant 0 : i32
      %dma_start3A_23 = tpu.memref_slice %arg3[%add3A, %dma_start3A_21, %dma_start3A_22] : memref<32x784x16xi32, #tpu.memory_space<hbm>> -> memref<1x784x16xi32, #tpu.memory_space<hbm>>
      %dma_start3A_24 = tpu.memref_squeeze %dma_start3A_23 : memref<1x784x16xi32, #tpu.memory_space<hbm>> -> memref<784x16xi32, #tpu.memory_space<hbm>>
      %dma_start3A_25 = arith.constant 0 : i32
      %dma_start3A_26 = arith.constant 0 : i32
      %dma_start3A_27 = tpu.memref_slice %arg3[%add3A, %dma_start3A_25, %dma_start3A_26] : memref<32x784x16xi32, #tpu.memory_space<hbm>> -> memref<1x784x16xi32, #tpu.memory_space<hbm>>
      %dma_start3A_28 = tpu.memref_squeeze %dma_start3A_27 : memref<1x784x16xi32, #tpu.memory_space<hbm>> -> memref<784x16xi32, #tpu.memory_space<hbm>>
      tpu.enqueue_dma source(%dma_start3A_28 : memref<784x16xi32, #tpu.memory_space<hbm>>) target(%arg7 : memref<784x16xi32, #tpu.memory_space<vmem>>) target_semaphore(%run_scoped3A : memref<!tpu.dma_semaphore, #tpu.memory_space<semaphore_mem>>)
      %dma_wait3A = arith.constant 0 : i32
      %dma_wait3A_29 = arith.constant 0 : i32
      %dma_wait3A_30 = tpu.memref_slice %arg3[%add3A, %dma_wait3A, %dma_wait3A_29] : memref<32x784x16xi32, #tpu.memory_space<hbm>> -> memref<1x784x16xi32, #tpu.memory_space<hbm>>
      %dma_wait3A_31 = tpu.memref_squeeze %dma_wait3A_30 : memref<1x784x16xi32, #tpu.memory_space<hbm>> -> memref<784x16xi32, #tpu.memory_space<hbm>>
      %dma_wait3A_32 = arith.constant 0 : i32
      %dma_wait3A_33 = arith.constant 0 : i32
      %dma_wait3A_34 = tpu.memref_slice %arg3[%add3A, %dma_wait3A_32, %dma_wait3A_33] : memref<32x784x16xi32, #tpu.memory_space<hbm>> -> memref<1x784x16xi32, #tpu.memory_space<hbm>>
      %dma_wait3A_35 = tpu.memref_squeeze %dma_wait3A_34 : memref<1x784x16xi32, #tpu.memory_space<hbm>> -> memref<784x16xi32, #tpu.memory_space<hbm>>
      tpu.wait_dma2 semaphore(%run_scoped3A : memref<!tpu.dma_semaphore, #tpu.memory_space<semaphore_mem>>) src(%dma_wait3A_35 : memref<784x16xi32, #tpu.memory_space<hbm>>) dst(%arg7 : memref<784x16xi32, #tpu.memory_space<vmem>>)
      tpu.yield
    }) : () -> ()
    %iota3A = tpu.iota {dimensions = array<i32: 0>} : vector<16xi32>
    %dma_start3A = arith.constant 0 : i32
    %dma_start3A_1 = arith.constant 0 : i32
    %dma_start3A_2 = arith.constant 0 : i32
    %dma_start3A_3 = tpu.memref_slice %arg8[%dma_start3A, %dma_start3A_1, %dma_start3A_2] : memref<2x8x784xi32, #tpu.memory_space<vmem>> -> memref<1x8x784xi32, #tpu.memory_space<vmem>>
    %dma_start3A_4 = tpu.memref_squeeze %dma_start3A_3 : memref<1x8x784xi32, #tpu.memory_space<vmem>> -> memref<8x784xi32, #tpu.memory_space<vmem>>
    %dma_start3A_5 = arith.constant 0 : i32
    %dma_start3A_6 = arith.constant 0 : i32
    %dma_start3A_7 = tpu.memref_slice %arg2[%dma_start3A_5, %dma_start3A_6] : memref<128x784xi32, #tpu.memory_space<hbm>> -> memref<8x784xi32, #tpu.memory_space<hbm>>
    %dma_start3A_8 = arith.constant 0 : i32
    %dma_start3A_9 = arith.constant 0 : i32
    %dma_start3A_10 = tpu.memref_slice %arg8[%dma_start3A, %dma_start3A_8, %dma_start3A_9] : memref<2x8x784xi32, #tpu.memory_space<vmem>> -> memref<1x8x784xi32, #tpu.memory_space<vmem>>
    %dma_start3A_11 = tpu.memref_squeeze %dma_start3A_10 : memref<1x8x784xi32, #tpu.memory_space<vmem>> -> memref<8x784xi32, #tpu.memory_space<vmem>>
    %dma_start3A_12 = arith.constant 0 : i32
    %dma_start3A_13 = arith.constant 0 : i32
    %dma_start3A_14 = tpu.memref_slice %arg2[%dma_start3A_12, %dma_start3A_13] : memref<128x784xi32, #tpu.memory_space<hbm>> -> memref<8x784xi32, #tpu.memory_space<hbm>>
    tpu.enqueue_dma source(%dma_start3A_14 : memref<8x784xi32, #tpu.memory_space<hbm>>) target(%dma_start3A_11 : memref<8x784xi32, #tpu.memory_space<vmem>>) target_semaphore(%arg10 : memref<!tpu.dma_semaphore, #tpu.memory_space<semaphore_mem>>)
    %scan3A = arith.constant 0 : i32
    %scan3A_15 = arith.constant 0 : i32
    %scan3A_16 = arith.constant 8 : i32
    %scan3A_17 = arith.addi %scan3A_15, %scan3A_16 : i32
    %scan3A_18 = arith.constant 1 : i32
    %scan3A_19 = scf.for %scan3A_21 = %scan3A_15 to %scan3A_17 step %scan3A_18 iter_args(%scan3A_22 = %scan3A) -> (i32)  : i32 {
      %mul3A_23 = arith.constant 2 : i32
      %mul3A_24 = arith.muli %scan3A_21, %mul3A_23 : i32
      %add3A_25 = arith.constant 0 : i32
      %add3A_26 = arith.addi %mul3A_24, %add3A_25 : i32
      %dma_wait3A = arith.constant 0 : i32
      %dma_wait3A_27 = arith.constant 0 : i32
      %dma_wait3A_28 = arith.constant 0 : i32
      %dma_wait3A_29 = tpu.memref_slice %arg8[%dma_wait3A, %dma_wait3A_27, %dma_wait3A_28] : memref<2x8x784xi32, #tpu.memory_space<vmem>> -> memref<1x8x784xi32, #tpu.memory_space<vmem>>
      %dma_wait3A_30 = tpu.memref_squeeze %dma_wait3A_29 : memref<1x8x784xi32, #tpu.memory_space<vmem>> -> memref<8x784xi32, #tpu.memory_space<vmem>>
      %dma_wait3A_31 = arith.constant 0 : i32
      %dma_wait3A_32 = arith.constant 0 : i32
      %dma_wait3A_33 = tpu.memref_slice %arg2[%dma_wait3A_31, %dma_wait3A_32] : memref<128x784xi32, #tpu.memory_space<hbm>> -> memref<8x784xi32, #tpu.memory_space<hbm>>
      %dma_wait3A_34 = arith.constant 0 : i32
      %dma_wait3A_35 = arith.constant 0 : i32
      %dma_wait3A_36 = tpu.memref_slice %arg8[%dma_wait3A, %dma_wait3A_34, %dma_wait3A_35] : memref<2x8x784xi32, #tpu.memory_space<vmem>> -> memref<1x8x784xi32, #tpu.memory_space<vmem>>
      %dma_wait3A_37 = tpu.memref_squeeze %dma_wait3A_36 : memref<1x8x784xi32, #tpu.memory_space<vmem>> -> memref<8x784xi32, #tpu.memory_space<vmem>>
      %dma_wait3A_38 = arith.constant 0 : i32
      %dma_wait3A_39 = arith.constant 0 : i32
      %dma_wait3A_40 = tpu.memref_slice %arg2[%dma_wait3A_38, %dma_wait3A_39] : memref<128x784xi32, #tpu.memory_space<hbm>> -> memref<8x784xi32, #tpu.memory_space<hbm>>
      tpu.wait_dma2 semaphore(%arg10 : memref<!tpu.dma_semaphore, #tpu.memory_space<semaphore_mem>>) src(%dma_wait3A_40 : memref<8x784xi32, #tpu.memory_space<hbm>>) dst(%dma_wait3A_37 : memref<8x784xi32, #tpu.memory_space<vmem>>)
      %add3A_41 = arith.constant 1 : i32
      %add3A_42 = arith.addi %add3A_26, %add3A_41 : i32
      %lt3A = arith.constant 16 : i32
      %lt3A_43 = arith.cmpi slt, %add3A_42, %lt3A : i32
      %convert_element_type3A = arith.extui %lt3A_43 : i1 to i32
      %cond3A = arith.constant 0 : i32
      %cond3A_44 = arith.cmpi ne, %convert_element_type3A, %cond3A : i32
      scf.if %cond3A_44 {
        %mul3A_718 = arith.constant 8 : i32
        %mul3A_719 = arith.muli %add3A_42, %mul3A_718 : i32
        %dma_start3A_720 = arith.constant 1 : i32
        %dma_start3A_721 = arith.constant 0 : i32
        %dma_start3A_722 = arith.constant 0 : i32
        %dma_start3A_723 = tpu.memref_slice %arg8[%dma_start3A_720, %dma_start3A_721, %dma_start3A_722] : memref<2x8x784xi32, #tpu.memory_space<vmem>> -> memref<1x8x784xi32, #tpu.memory_space<vmem>>
        %dma_start3A_724 = tpu.memref_squeeze %dma_start3A_723 : memref<1x8x784xi32, #tpu.memory_space<vmem>> -> memref<8x784xi32, #tpu.memory_space<vmem>>
        %dma_start3A_725 = arith.constant 0 : i32
        %dma_start3A_726 = tpu.memref_slice %arg2[%mul3A_719, %dma_start3A_725] : memref<128x784xi32, #tpu.memory_space<hbm>> -> memref<8x784xi32, #tpu.memory_space<hbm>>
        %dma_start3A_727 = arith.constant 0 : i32
        %dma_start3A_728 = arith.constant 0 : i32
        %dma_start3A_729 = tpu.memref_slice %arg8[%dma_start3A_720, %dma_start3A_727, %dma_start3A_728] : memref<2x8x784xi32, #tpu.memory_space<vmem>> -> memref<1x8x784xi32, #tpu.memory_space<vmem>>
        %dma_start3A_730 = tpu.memref_squeeze %dma_start3A_729 : memref<1x8x784xi32, #tpu.memory_space<vmem>> -> memref<8x784xi32, #tpu.memory_space<vmem>>
        %dma_start3A_731 = arith.constant 0 : i32
        %dma_start3A_732 = tpu.memref_slice %arg2[%mul3A_719, %dma_start3A_731] : memref<128x784xi32, #tpu.memory_space<hbm>> -> memref<8x784xi32, #tpu.memory_space<hbm>>
        tpu.enqueue_dma source(%dma_start3A_732 : memref<8x784xi32, #tpu.memory_space<hbm>>) target(%dma_start3A_730 : memref<8x784xi32, #tpu.memory_space<vmem>>) target_semaphore(%arg11 : memref<!tpu.dma_semaphore, #tpu.memory_space<semaphore_mem>>)
      } else {
      }
      %broadcast_in_dim3A = arith.constant 0 : i16
      %broadcast_in_dim3A_45 = vector.broadcast %broadcast_in_dim3A : i16 to vector<32xi16>
      %scan3A_46 = arith.constant 0 : i32
      %scan3A_47 = arith.constant 49 : i32
      %scan3A_48 = arith.addi %scan3A_46, %scan3A_47 : i32
      %scan3A_49 = arith.constant 1 : i32
      %scan3A_50:8 = scf.for %scan3A_718 = %scan3A_46 to %scan3A_48 step %scan3A_49 iter_args(%scan3A_719 = %broadcast_in_dim3A_45, %scan3A_720 = %broadcast_in_dim3A_45, %scan3A_721 = %broadcast_in_dim3A_45, %scan3A_722 = %broadcast_in_dim3A_45, %scan3A_723 = %broadcast_in_dim3A_45, %scan3A_724 = %broadcast_in_dim3A_45, %scan3A_725 = %broadcast_in_dim3A_45, %scan3A_726 = %broadcast_in_dim3A_45) -> (vector<32xi16>, vector<32xi16>, vector<32xi16>, vector<32xi16>, vector<32xi16>, vector<32xi16>, vector<32xi16>, vector<32xi16>)  : i32 {
        %mul3A_727 = arith.constant 16 : i32
        %mul3A_728 = arith.muli %scan3A_718, %mul3A_727 : i32
        %get3A = arith.constant 0 : i32
        %get3A_729 = arith.constant 0 : i32
        %get3A_730 = arith.index_cast %get3A : i32 to index
        %get3A_731 = arith.index_cast %get3A_729 : i32 to index
        %get3A_732 = arith.index_cast %mul3A_728 : i32 to index
        %get3A_733 = tpu.vector_load %arg8[%get3A_730, %get3A_731, %get3A_732] {strides = array<i32>} : memref<2x8x784xi32, #tpu.memory_space<vmem>>, vector<16xi32>,
        %mul3A_734 = arith.constant 16 : i32
        %mul3A_735 = arith.muli %scan3A_718, %mul3A_734 : i32
        %get3A_736 = arith.constant 0 : i32
        %get3A_737 = arith.constant 1 : i32
        %get3A_738 = arith.index_cast %get3A_736 : i32 to index
        %get3A_739 = arith.index_cast %get3A_737 : i32 to index
        %get3A_740 = arith.index_cast %mul3A_735 : i32 to index
        %get3A_741 = tpu.vector_load %arg8[%get3A_738, %get3A_739, %get3A_740] {strides = array<i32>} : memref<2x8x784xi32, #tpu.memory_space<vmem>>, vector<16xi32>,
        %mul3A_742 = arith.constant 16 : i32
        %mul3A_743 = arith.muli %scan3A_718, %mul3A_742 : i32
        %get3A_744 = arith.constant 0 : i32
        %get3A_745 = arith.constant 2 : i32
        %get3A_746 = arith.index_cast %get3A_744 : i32 to index
        %get3A_747 = arith.index_cast %get3A_745 : i32 to index
        %get3A_748 = arith.index_cast %mul3A_743 : i32 to index
        %get3A_749 = tpu.vector_load %arg8[%get3A_746, %get3A_747, %get3A_748] {strides = array<i32>} : memref<2x8x784xi32, #tpu.memory_space<vmem>>, vector<16xi32>,
        %mul3A_750 = arith.constant 16 : i32
        %mul3A_751 = arith.muli %scan3A_718, %mul3A_750 : i32
        %get3A_752 = arith.constant 0 : i32
        %get3A_753 = arith.constant 3 : i32
        %get3A_754 = arith.index_cast %get3A_752 : i32 to index
        %get3A_755 = arith.index_cast %get3A_753 : i32 to index
        %get3A_756 = arith.index_cast %mul3A_751 : i32 to index
        %get3A_757 = tpu.vector_load %arg8[%get3A_754, %get3A_755, %get3A_756] {strides = array<i32>} : memref<2x8x784xi32, #tpu.memory_space<vmem>>, vector<16xi32>,
        %mul3A_758 = arith.constant 16 : i32
        %mul3A_759 = arith.muli %scan3A_718, %mul3A_758 : i32
        %get3A_760 = arith.constant 0 : i32
        %get3A_761 = arith.constant 4 : i32
        %get3A_762 = arith.index_cast %get3A_760 : i32 to index
        %get3A_763 = arith.index_cast %get3A_761 : i32 to index
        %get3A_764 = arith.index_cast %mul3A_759 : i32 to index
        %get3A_765 = tpu.vector_load %arg8[%get3A_762, %get3A_763, %get3A_764] {strides = array<i32>} : memref<2x8x784xi32, #tpu.memory_space<vmem>>, vector<16xi32>,
        %mul3A_766 = arith.constant 16 : i32
        %mul3A_767 = arith.muli %scan3A_718, %mul3A_766 : i32
        %get3A_768 = arith.constant 0 : i32
        %get3A_769 = arith.constant 5 : i32
        %get3A_770 = arith.index_cast %get3A_768 : i32 to index
        %get3A_771 = arith.index_cast %get3A_769 : i32 to index
        %get3A_772 = arith.index_cast %mul3A_767 : i32 to index
        %get3A_773 = tpu.vector_load %arg8[%get3A_770, %get3A_771, %get3A_772] {strides = array<i32>} : memref<2x8x784xi32, #tpu.memory_space<vmem>>, vector<16xi32>,
        %mul3A_774 = arith.constant 16 : i32
        %mul3A_775 = arith.muli %scan3A_718, %mul3A_774 : i32
        %get3A_776 = arith.constant 0 : i32
        %get3A_777 = arith.constant 6 : i32
        %get3A_778 = arith.index_cast %get3A_776 : i32 to index
        %get3A_779 = arith.index_cast %get3A_777 : i32 to index
        %get3A_780 = arith.index_cast %mul3A_775 : i32 to index
        %get3A_781 = tpu.vector_load %arg8[%get3A_778, %get3A_779, %get3A_780] {strides = array<i32>} : memref<2x8x784xi32, #tpu.memory_space<vmem>>, vector<16xi32>,
        %mul3A_782 = arith.constant 16 : i32
        %mul3A_783 = arith.muli %scan3A_718, %mul3A_782 : i32
        %get3A_784 = arith.constant 0 : i32
        %get3A_785 = arith.constant 7 : i32
        %get3A_786 = arith.index_cast %get3A_784 : i32 to index
        %get3A_787 = arith.index_cast %get3A_785 : i32 to index
        %get3A_788 = arith.index_cast %mul3A_783 : i32 to index
        %get3A_789 = tpu.vector_load %arg8[%get3A_786, %get3A_787, %get3A_788] {strides = array<i32>} : memref<2x8x784xi32, #tpu.memory_space<vmem>>, vector<16xi32>,
        %scan3A_790 = arith.constant 0 : i32
        %scan3A_791 = arith.constant 16 : i32
        %scan3A_792 = arith.addi %scan3A_790, %scan3A_791 : i32
        %scan3A_793 = arith.constant 8 : i32
        %scan3A_794:8 = scf.for %scan3A_796 = %scan3A_790 to %scan3A_792 step %scan3A_793 iter_args(%scan3A_797 = %scan3A_719, %scan3A_798 = %scan3A_720, %scan3A_799 = %scan3A_721, %scan3A_800 = %scan3A_722, %scan3A_801 = %scan3A_723, %scan3A_802 = %scan3A_724, %scan3A_803 = %scan3A_725, %scan3A_804 = %scan3A_726) -> (vector<32xi16>, vector<32xi16>, vector<32xi16>, vector<32xi16>, vector<32xi16>, vector<32xi16>, vector<32xi16>, vector<32xi16>)  : i32 {
          %mul3A_805 = arith.constant 16 : i32
          %mul3A_806 = arith.muli %scan3A_718, %mul3A_805 : i32
          %add3A_807 = arith.addi %mul3A_806, %scan3A_796 : i32
          %get3A_808 = arith.index_cast %add3A_807 : i32 to index
          %get3A_809 = arith.constant 0 : index
          %get3A_810 = tpu.vector_load %arg7[%get3A_808, %get3A_809] {strides = array<i32>} : memref<784x16xi32, #tpu.memory_space<vmem>>, vector<16xi32>,
          %bitcast3A_811 = vector.bitcast %get3A_810 : vector<16xi32> to vector<32xi16>
          %broadcast_in_dim3A_812 = arith.constant 0 : i32
          %broadcast_in_dim3A_813 = vector.broadcast %broadcast_in_dim3A_812 : i32 to vector<16xi32>
          %add3A_814 = vector.broadcast %scan3A_796 : i32 to vector<16xi32>
          %add3A_815 = arith.addi %broadcast_in_dim3A_813, %add3A_814 : vector<16xi32>
          %reshape3A = vector.shape_cast %add3A_815 : vector<16xi32> to vector<16x1xi32>
          %gather3A = vector.shape_cast %reshape3A : vector<16x1xi32> to vector<16xi32>
          %gather3A_816 = tpu.dynamic_gather %get3A_733[%gather3A] in [0] : vector<16xi32>, vector<16xi32> -> vector<16xi32>
          %add3A_817 = arith.constant 0 : i32
          %add3A_818 = vector.broadcast %add3A_817 : i32 to vector<16xi32>
          %add3A_819 = arith.addi %iota3A, %add3A_818 : vector<16xi32>
          %add3A_820 = arith.addi %gather3A_816, %add3A_819 : vector<16xi32>
          %gather3A_821 = tpu.vector_load_idx %arg6[%add3A_820] : memref<4096xi32, #tpu.memory_space<vmem>>[vector<16xi32>], vector<16xi32>,
          %bitcast3A_822 = vector.bitcast %gather3A_821 : vector<16xi32> to vector<32xi16>
          %mul3A_823 = arith.muli %bitcast3A_811, %bitcast3A_822 : vector<32xi16>
          %add3A_824 = arith.addi %scan3A_797, %mul3A_823 : vector<32xi16>
          %reshape3A_825 = vector.shape_cast %add3A_815 : vector<16xi32> to vector<16x1xi32>
          %gather3A_826 = vector.shape_cast %reshape3A_825 : vector<16x1xi32> to vector<16xi32>
          %gather3A_827 = tpu.dynamic_gather %get3A_741[%gather3A_826] in [0] : vector<16xi32>, vector<16xi32> -> vector<16xi32>
          %add3A_828 = arith.constant 0 : i32
          %add3A_829 = vector.broadcast %add3A_828 : i32 to vector<16xi32>
          %add3A_830 = arith.addi %iota3A, %add3A_829 : vector<16xi32>
          %add3A_831 = arith.addi %gather3A_827, %add3A_830 : vector<16xi32>
          %gather3A_832 = tpu.vector_load_idx %arg6[%add3A_831] : memref<4096xi32, #tpu.memory_space<vmem>>[vector<16xi32>], vector<16xi32>,
          %bitcast3A_833 = vector.bitcast %gather3A_832 : vector<16xi32> to vector<32xi16>
          %mul3A_834 = arith.muli %bitcast3A_811, %bitcast3A_833 : vector<32xi16>
          %add3A_835 = arith.addi %scan3A_798, %mul3A_834 : vector<32xi16>
          %reshape3A_836 = vector.shape_cast %add3A_815 : vector<16xi32> to vector<16x1xi32>
          %gather3A_837 = vector.shape_cast %reshape3A_836 : vector<16x1xi32> to vector<16xi32>
          %gather3A_838 = tpu.dynamic_gather %get3A_749[%gather3A_837] in [0] : vector<16xi32>, vector<16xi32> -> vector<16xi32>
          %add3A_839 = arith.constant 0 : i32
          %add3A_840 = vector.broadcast %add3A_839 : i32 to vector<16xi32>
          %add3A_841 = arith.addi %iota3A, %add3A_840 : vector<16xi32>
          %add3A_842 = arith.addi %gather3A_838, %add3A_841 : vector<16xi32>
          %gather3A_843 = tpu.vector_load_idx %arg6[%add3A_842] : memref<4096xi32, #tpu.memory_space<vmem>>[vector<16xi32>], vector<16xi32>,
          %bitcast3A_844 = vector.bitcast %gather3A_843 : vector<16xi32> to vector<32xi16>
          %mul3A_845 = arith.muli %bitcast3A_811, %bitcast3A_844 : vector<32xi16>
          %add3A_846 = arith.addi %scan3A_799, %mul3A_845 : vector<32xi16>
          %reshape3A_847 = vector.shape_cast %add3A_815 : vector<16xi32> to vector<16x1xi32>
          %gather3A_848 = vector.shape_cast %reshape3A_847 : vector<16x1xi32> to vector<16xi32>
          %gather3A_849 = tpu.dynamic_gather %get3A_757[%gather3A_848] in [0] : vector<16xi32>, vector<16xi32> -> vector<16xi32>
          %add3A_850 = arith.constant 0 : i32
          %add3A_851 = vector.broadcast %add3A_850 : i32 to vector<16xi32>
          %add3A_852 = arith.addi %iota3A, %add3A_851 : vector<16xi32>
          %add3A_853 = arith.addi %gather3A_849, %add3A_852 : vector<16xi32>
          %gather3A_854 = tpu.vector_load_idx %arg6[%add3A_853] : memref<4096xi32, #tpu.memory_space<vmem>>[vector<16xi32>], vector<16xi32>,
          %bitcast3A_855 = vector.bitcast %gather3A_854 : vector<16xi32> to vector<32xi16>
          %mul3A_856 = arith.muli %bitcast3A_811, %bitcast3A_855 : vector<32xi16>
          %add3A_857 = arith.addi %scan3A_800, %mul3A_856 : vector<32xi16>
          %reshape3A_858 = vector.shape_cast %add3A_815 : vector<16xi32> to vector<16x1xi32>
          %gather3A_859 = vector.shape_cast %reshape3A_858 : vector<16x1xi32> to vector<16xi32>
          %gather3A_860 = tpu.dynamic_gather %get3A_765[%gather3A_859] in [0] : vector<16xi32>, vector<16xi32> -> vector<16xi32>
          %add3A_861 = arith.constant 0 : i32
          %add3A_862 = vector.broadcast %add3A_861 : i32 to vector<16xi32>
          %add3A_863 = arith.addi %iota3A, %add3A_862 : vector<16xi32>
          %add3A_864 = arith.addi %gather3A_860, %add3A_863 : vector<16xi32>
          %gather3A_865 = tpu.vector_load_idx %arg6[%add3A_864] : memref<4096xi32, #tpu.memory_space<vmem>>[vector<16xi32>], vector<16xi32>,
          %bitcast3A_866 = vector.bitcast %gather3A_865 : vector<16xi32> to vector<32xi16>
          %mul3A_867 = arith.muli %bitcast3A_811, %bitcast3A_866 : vector<32xi16>
          %add3A_868 = arith.addi %scan3A_801, %mul3A_867 : vector<32xi16>
          %reshape3A_869 = vector.shape_cast %add3A_815 : vector<16xi32> to vector<16x1xi32>
          %gather3A_870 = vector.shape_cast %reshape3A_869 : vector<16x1xi32> to vector<16xi32>
          %gather3A_871 = tpu.dynamic_gather %get3A_773[%gather3A_870] in [0] : vector<16xi32>, vector<16xi32> -> vector<16xi32>
          %add3A_872 = arith.constant 0 : i32
          %add3A_873 = vector.broadcast %add3A_872 : i32 to vector<16xi32>
          %add3A_874 = arith.addi %iota3A, %add3A_873 : vector<16xi32>
          %add3A_875 = arith.addi %gather3A_871, %add3A_874 : vector<16xi32>
          %gather3A_876 = tpu.vector_load_idx %arg6[%add3A_875] : memref<4096xi32, #tpu.memory_space<vmem>>[vector<16xi32>], vector<16xi32>,
          %bitcast3A_877 = vector.bitcast %gather3A_876 : vector<16xi32> to vector<32xi16>
          %mul3A_878 = arith.muli %bitcast3A_811, %bitcast3A_877 : vector<32xi16>
          %add3A_879 = arith.addi %scan3A_802, %mul3A_878 : vector<32xi16>
          %reshape3A_880 = vector.shape_cast %add3A_815 : vector<16xi32> to vector<16x1xi32>
          %gather3A_881 = vector.shape_cast %reshape3A_880 : vector<16x1xi32> to vector<16xi32>
          %gather3A_882 = tpu.dynamic_gather %get3A_781[%gather3A_881] in [0] : vector<16xi32>, vector<16xi32> -> vector<16xi32>
          %add3A_883 = arith.constant 0 : i32
          %add3A_884 = vector.broadcast %add3A_883 : i32 to vector<16xi32>
          %add3A_885 = arith.addi %iota3A, %add3A_884 : vector<16xi32>
          %add3A_886 = arith.addi %gather3A_882, %add3A_885 : vector<16xi32>
          %gather3A_887 = tpu.vector_load_idx %arg6[%add3A_886] : memref<4096xi32, #tpu.memory_space<vmem>>[vector<16xi32>], vector<16xi32>,
          %bitcast3A_888 = vector.bitcast %gather3A_887 : vector<16xi32> to vector<32xi16>
          %mul3A_889 = arith.muli %bitcast3A_811, %bitcast3A_888 : vector<32xi16>
          %add3A_890 = arith.addi %scan3A_803, %mul3A_889 : vector<32xi16>
          %reshape3A_891 = vector.shape_cast %add3A_815 : vector<16xi32> to vector<16x1xi32>
          %gather3A_892 = vector.shape_cast %reshape3A_891 : vector<16x1xi32> to vector<16xi32>
          %gather3A_893 = tpu.dynamic_gather %get3A_789[%gather3A_892] in [0] : vector<16xi32>, vector<16xi32> -> vector<16xi32>
          %add3A_894 = arith.constant 0 : i32
          %add3A_895 = vector.broadcast %add3A_894 : i32 to vector<16xi32>
          %add3A_896 = arith.addi %iota3A, %add3A_895 : vector<16xi32>
          %add3A_897 = arith.addi %gather3A_893, %add3A_896 : vector<16xi32>
          %gather3A_898 = tpu.vector_load_idx %arg6[%add3A_897] : memref<4096xi32, #tpu.memory_space<vmem>>[vector<16xi32>], vector<16xi32>,
          %bitcast3A_899 = vector.bitcast %gather3A_898 : vector<16xi32> to vector<32xi16>
          %mul3A_900 = arith.muli %bitcast3A_811, %bitcast3A_899 : vector<32xi16>
          %add3A_901 = arith.addi %scan3A_804, %mul3A_900 : vector<32xi16>
          %scan3A_902 = arith.constant 1 : i32
          %scan3A_903 = arith.addi %scan3A_796, %scan3A_902 : i32
          %mul3A_904 = arith.constant 16 : i32
          %mul3A_905 = arith.muli %scan3A_718, %mul3A_904 : i32
          %add3A_906 = arith.addi %mul3A_905, %scan3A_903 : i32
          %get3A_907 = arith.index_cast %add3A_906 : i32 to index
          %get3A_908 = arith.constant 0 : index
          %get3A_909 = tpu.vector_load %arg7[%get3A_907, %get3A_908] {strides = array<i32>} : memref<784x16xi32, #tpu.memory_space<vmem>>, vector<16xi32>,
          %bitcast3A_910 = vector.bitcast %get3A_909 : vector<16xi32> to vector<32xi16>
          %broadcast_in_dim3A_911 = arith.constant 0 : i32
          %broadcast_in_dim3A_912 = vector.broadcast %broadcast_in_dim3A_911 : i32 to vector<16xi32>
          %add3A_913 = vector.broadcast %scan3A_903 : i32 to vector<16xi32>
          %add3A_914 = arith.addi %broadcast_in_dim3A_912, %add3A_913 : vector<16xi32>
          %reshape3A_915 = vector.shape_cast %add3A_914 : vector<16xi32> to vector<16x1xi32>
          %gather3A_916 = vector.shape_cast %reshape3A_915 : vector<16x1xi32> to vector<16xi32>
          %gather3A_917 = tpu.dynamic_gather %get3A_733[%gather3A_916] in [0] : vector<16xi32>, vector<16xi32> -> vector<16xi32>
          %add3A_918 = arith.constant 0 : i32
          %add3A_919 = vector.broadcast %add3A_918 : i32 to vector<16xi32>
          %add3A_920 = arith.addi %iota3A, %add3A_919 : vector<16xi32>
          %add3A_921 = arith.addi %gather3A_917, %add3A_920 : vector<16xi32>
          %gather3A_922 = tpu.vector_load_idx %arg6[%add3A_921] : memref<4096xi32, #tpu.memory_space<vmem>>[vector<16xi32>], vector<16xi32>,
          %bitcast3A_923 = vector.bitcast %gather3A_922 : vector<16xi32> to vector<32xi16>
          %mul3A_924 = arith.muli %bitcast3A_910, %bitcast3A_923 : vector<32xi16>
          %add3A_925 = arith.addi %add3A_824, %mul3A_924 : vector<32xi16>
          %reshape3A_926 = vector.shape_cast %add3A_914 : vector<16xi32> to vector<16x1xi32>
          %gather3A_927 = vector.shape_cast %reshape3A_926 : vector<16x1xi32> to vector<16xi32>
          %gather3A_928 = tpu.dynamic_gather %get3A_741[%gather3A_927] in [0] : vector<16xi32>, vector<16xi32> -> vector<16xi32>
          %add3A_929 = arith.constant 0 : i32
          %add3A_930 = vector.broadcast %add3A_929 : i32 to vector<16xi32>
          %add3A_931 = arith.addi %iota3A, %add3A_930 : vector<16xi32>
          %add3A_932 = arith.addi %gather3A_928, %add3A_931 : vector<16xi32>
          %gather3A_933 = tpu.vector_load_idx %arg6[%add3A_932] : memref<4096xi32, #tpu.memory_space<vmem>>[vector<16xi32>], vector<16xi32>,
          %bitcast3A_934 = vector.bitcast %gather3A_933 : vector<16xi32> to vector<32xi16>
          %mul3A_935 = arith.muli %bitcast3A_910, %bitcast3A_934 : vector<32xi16>
          %add3A_936 = arith.addi %add3A_835, %mul3A_935 : vector<32xi16>
          %reshape3A_937 = vector.shape_cast %add3A_914 : vector<16xi32> to vector<16x1xi32>
          %gather3A_938 = vector.shape_cast %reshape3A_937 : vector<16x1xi32> to vector<16xi32>
          %gather3A_939 = tpu.dynamic_gather %get3A_749[%gather3A_938] in [0] : vector<16xi32>, vector<16xi32> -> vector<16xi32>
          %add3A_940 = arith.constant 0 : i32
          %add3A_941 = vector.broadcast %add3A_940 : i32 to vector<16xi32>
          %add3A_942 = arith.addi %iota3A, %add3A_941 : vector<16xi32>
          %add3A_943 = arith.addi %gather3A_939, %add3A_942 : vector<16xi32>
          %gather3A_944 = tpu.vector_load_idx %arg6[%add3A_943] : memref<4096xi32, #tpu.memory_space<vmem>>[vector<16xi32>], vector<16xi32>,
          %bitcast3A_945 = vector.bitcast %gather3A_944 : vector<16xi32> to vector<32xi16>
          %mul3A_946 = arith.muli %bitcast3A_910, %bitcast3A_945 : vector<32xi16>
          %add3A_947 = arith.addi %add3A_846, %mul3A_946 : vector<32xi16>
          %reshape3A_948 = vector.shape_cast %add3A_914 : vector<16xi32> to vector<16x1xi32>
          %gather3A_949 = vector.shape_cast %reshape3A_948 : vector<16x1xi32> to vector<16xi32>
          %gather3A_950 = tpu.dynamic_gather %get3A_757[%gather3A_949] in [0] : vector<16xi32>, vector<16xi32> -> vector<16xi32>
          %add3A_951 = arith.constant 0 : i32
          %add3A_952 = vector.broadcast %add3A_951 : i32 to vector<16xi32>
          %add3A_953 = arith.addi %iota3A, %add3A_952 : vector<16xi32>
          %add3A_954 = arith.addi %gather3A_950, %add3A_953 : vector<16xi32>
          %gather3A_955 = tpu.vector_load_idx %arg6[%add3A_954] : memref<4096xi32, #tpu.memory_space<vmem>>[vector<16xi32>], vector<16xi32>,
          %bitcast3A_956 = vector.bitcast %gather3A_955 : vector<16xi32> to vector<32xi16>
          %mul3A_957 = arith.muli %bitcast3A_910, %bitcast3A_956 : vector<32xi16>
          %add3A_958 = arith.addi %add3A_857, %mul3A_957 : vector<32xi16>
          %reshape3A_959 = vector.shape_cast %add3A_914 : vector<16xi32> to vector<16x1xi32>
          %gather3A_960 = vector.shape_cast %reshape3A_959 : vector<16x1xi32> to vector<16xi32>
          %gather3A_961 = tpu.dynamic_gather %get3A_765[%gather3A_960] in [0] : vector<16xi32>, vector<16xi32> -> vector<16xi32>
          %add3A_962 = arith.constant 0 : i32
          %add3A_963 = vector.broadcast %add3A_962 : i32 to vector<16xi32>
          %add3A_964 = arith.addi %iota3A, %add3A_963 : vector<16xi32>
          %add3A_965 = arith.addi %gather3A_961, %add3A_964 : vector<16xi32>
          %gather3A_966 = tpu.vector_load_idx %arg6[%add3A_965] : memref<4096xi32, #tpu.memory_space<vmem>>[vector<16xi32>], vector<16xi32>,
          %bitcast3A_967 = vector.bitcast %gather3A_966 : vector<16xi32> to vector<32xi16>
          %mul3A_968 = arith.muli %bitcast3A_910, %bitcast3A_967 : vector<32xi16>
          %add3A_969 = arith.addi %add3A_868, %mul3A_968 : vector<32xi16>
          %reshape3A_970 = vector.shape_cast %add3A_914 : vector<16xi32> to vector<16x1xi32>
          %gather3A_971 = vector.shape_cast %reshape3A_970 : vector<16x1xi32> to vector<16xi32>
          %gather3A_972 = tpu.dynamic_gather %get3A_773[%gather3A_971] in [0] : vector<16xi32>, vector<16xi32> -> vector<16xi32>
          %add3A_973 = arith.constant 0 : i32
          %add3A_974 = vector.broadcast %add3A_973 : i32 to vector<16xi32>
          %add3A_975 = arith.addi %iota3A, %add3A_974 : vector<16xi32>
          %add3A_976 = arith.addi %gather3A_972, %add3A_975 : vector<16xi32>
          %gather3A_977 = tpu.vector_load_idx %arg6[%add3A_976] : memref<4096xi32, #tpu.memory_space<vmem>>[vector<16xi32>], vector<16xi32>,
          %bitcast3A_978 = vector.bitcast %gather3A_977 : vector<16xi32> to vector<32xi16>
          %mul3A_979 = arith.muli %bitcast3A_910, %bitcast3A_978 : vector<32xi16>
          %add3A_980 = arith.addi %add3A_879, %mul3A_979 : vector<32xi16>
          %reshape3A_981 = vector.shape_cast %add3A_914 : vector<16xi32> to vector<16x1xi32>
          %gather3A_982 = vector.shape_cast %reshape3A_981 : vector<16x1xi32> to vector<16xi32>
          %gather3A_983 = tpu.dynamic_gather %get3A_781[%gather3A_982] in [0] : vector<16xi32>, vector<16xi32> -> vector<16xi32>
          %add3A_984 = arith.constant 0 : i32
          %add3A_985 = vector.broadcast %add3A_984 : i32 to vector<16xi32>
          %add3A_986 = arith.addi %iota3A, %add3A_985 : vector<16xi32>
          %add3A_987 = arith.addi %gather3A_983, %add3A_986 : vector<16xi32>
          %gather3A_988 = tpu.vector_load_idx %arg6[%add3A_987] : memref<4096xi32, #tpu.memory_space<vmem>>[vector<16xi32>], vector<16xi32>,
          %bitcast3A_989 = vector.bitcast %gather3A_988 : vector<16xi32> to vector<32xi16>
          %mul3A_990 = arith.muli %bitcast3A_910, %bitcast3A_989 : vector<32xi16>
          %add3A_991 = arith.addi %add3A_890, %mul3A_990 : vector<32xi16>
          %reshape3A_992 = vector.shape_cast %add3A_914 : vector<16xi32> to vector<16x1xi32>
          %gather3A_993 = vector.shape_cast %reshape3A_992 : vector<16x1xi32> to vector<16xi32>
          %gather3A_994 = tpu.dynamic_gather %get3A_789[%gather3A_993] in [0] : vector<16xi32>, vector<16xi32> -> vector<16xi32>
          %add3A_995 = arith.constant 0 : i32
          %add3A_996 = vector.broadcast %add3A_995 : i32 to vector<16xi32>
          %add3A_997 = arith.addi %iota3A, %add3A_996 : vector<16xi32>
          %add3A_998 = arith.addi %gather3A_994, %add3A_997 : vector<16xi32>
          %gather3A_999 = tpu.vector_load_idx %arg6[%add3A_998] : memref<4096xi32, #tpu.memory_space<vmem>>[vector<16xi32>], vector<16xi32>,
          %bitcast3A_1000 = vector.bitcast %gather3A_999 : vector<16xi32> to vector<32xi16>
          %mul3A_1001 = arith.muli %bitcast3A_910, %bitcast3A_1000 : vector<32xi16>
          %add3A_1002 = arith.addi %add3A_901, %mul3A_1001 : vector<32xi16>
          %scan3A_1003 = arith.constant 2 : i32
          %scan3A_1004 = arith.addi %scan3A_796, %scan3A_1003 : i32
          %mul3A_1005 = arith.constant 16 : i32
          %mul3A_1006 = arith.muli %scan3A_718, %mul3A_1005 : i32
          %add3A_1007 = arith.addi %mul3A_1006, %scan3A_1004 : i32
          %get3A_1008 = arith.index_cast %add3A_1007 : i32 to index
          %get3A_1009 = arith.constant 0 : index
          %get3A_1010 = tpu.vector_load %arg7[%get3A_1008, %get3A_1009] {strides = array<i32>} : memref<784x16xi32, #tpu.memory_space<vmem>>, vector<16xi32>,
          %bitcast3A_1011 = vector.bitcast %get3A_1010 : vector<16xi32> to vector<32xi16>
          %broadcast_in_dim3A_1012 = arith.constant 0 : i32
          %broadcast_in_dim3A_1013 = vector.broadcast %broadcast_in_dim3A_1012 : i32 to vector<16xi32>
          %add3A_1014 = vector.broadcast %scan3A_1004 : i32 to vector<16xi32>
          %add3A_1015 = arith.addi %broadcast_in_dim3A_1013, %add3A_1014 : vector<16xi32>
          %reshape3A_1016 = vector.shape_cast %add3A_1015 : vector<16xi32> to vector<16x1xi32>
          %gather3A_1017 = vector.shape_cast %reshape3A_1016 : vector<16x1xi32> to vector<16xi32>
          %gather3A_1018 = tpu.dynamic_gather %get3A_733[%gather3A_1017] in [0] : vector<16xi32>, vector<16xi32> -> vector<16xi32>
          %add3A_1019 = arith.constant 0 : i32
          %add3A_1020 = vector.broadcast %add3A_1019 : i32 to vector<16xi32>
          %add3A_1021 = arith.addi %iota3A, %add3A_1020 : vector<16xi32>
          %add3A_1022 = arith.addi %gather3A_1018, %add3A_1021 : vector<16xi32>
          %gather3A_1023 = tpu.vector_load_idx %arg6[%add3A_1022] : memref<4096xi32, #tpu.memory_space<vmem>>[vector<16xi32>], vector<16xi32>,
          %bitcast3A_1024 = vector.bitcast %gather3A_1023 : vector<16xi32> to vector<32xi16>
          %mul3A_1025 = arith.muli %bitcast3A_1011, %bitcast3A_1024 : vector<32xi16>
          %add3A_1026 = arith.addi %add3A_925, %mul3A_1025 : vector<32xi16>
          %reshape3A_1027 = vector.shape_cast %add3A_1015 : vector<16xi32> to vector<16x1xi32>
          %gather3A_1028 = vector.shape_cast %reshape3A_1027 : vector<16x1xi32> to vector<16xi32>
          %gather3A_1029 = tpu.dynamic_gather %get3A_741[%gather3A_1028] in [0] : vector<16xi32>, vector<16xi32> -> vector<16xi32>
          %add3A_1030 = arith.constant 0 : i32
          %add3A_1031 = vector.broadcast %add3A_1030 : i32 to vector<16xi32>
          %add3A_1032 = arith.addi %iota3A, %add3A_1031 : vector<16xi32>
          %add3A_1033 = arith.addi %gather3A_1029, %add3A_1032 : vector<16xi32>
          %gather3A_1034 = tpu.vector_load_idx %arg6[%add3A_1033] : memref<4096xi32, #tpu.memory_space<vmem>>[vector<16xi32>], vector<16xi32>,
          %bitcast3A_1035 = vector.bitcast %gather3A_1034 : vector<16xi32> to vector<32xi16>
          %mul3A_1036 = arith.muli %bitcast3A_1011, %bitcast3A_1035 : vector<32xi16>
          %add3A_1037 = arith.addi %add3A_936, %mul3A_1036 : vector<32xi16>
          %reshape3A_1038 = vector.shape_cast %add3A_1015 : vector<16xi32> to vector<16x1xi32>
          %gather3A_1039 = vector.shape_cast %reshape3A_1038 : vector<16x1xi32> to vector<16xi32>
          %gather3A_1040 = tpu.dynamic_gather %get3A_749[%gather3A_1039] in [0] : vector<16xi32>, vector<16xi32> -> vector<16xi32>
          %add3A_1041 = arith.constant 0 : i32
          %add3A_1042 = vector.broadcast %add3A_1041 : i32 to vector<16xi32>
          %add3A_1043 = arith.addi %iota3A, %add3A_1042 : vector<16xi32>
          %add3A_1044 = arith.addi %gather3A_1040, %add3A_1043 : vector<16xi32>
          %gather3A_1045 = tpu.vector_load_idx %arg6[%add3A_1044] : memref<4096xi32, #tpu.memory_space<vmem>>[vector<16xi32>], vector<16xi32>,
          %bitcast3A_1046 = vector.bitcast %gather3A_1045 : vector<16xi32> to vector<32xi16>
          %mul3A_1047 = arith.muli %bitcast3A_1011, %bitcast3A_1046 : vector<32xi16>
          %add3A_1048 = arith.addi %add3A_947, %mul3A_1047 : vector<32xi16>
          %reshape3A_1049 = vector.shape_cast %add3A_1015 : vector<16xi32> to vector<16x1xi32>
          %gather3A_1050 = vector.shape_cast %reshape3A_1049 : vector<16x1xi32> to vector<16xi32>
          %gather3A_1051 = tpu.dynamic_gather %get3A_757[%gather3A_1050] in [0] : vector<16xi32>, vector<16xi32> -> vector<16xi32>
          %add3A_1052 = arith.constant 0 : i32
          %add3A_1053 = vector.broadcast %add3A_1052 : i32 to vector<16xi32>
          %add3A_1054 = arith.addi %iota3A, %add3A_1053 : vector<16xi32>
          %add3A_1055 = arith.addi %gather3A_1051, %add3A_1054 : vector<16xi32>
          %gather3A_1056 = tpu.vector_load_idx %arg6[%add3A_1055] : memref<4096xi32, #tpu.memory_space<vmem>>[vector<16xi32>], vector<16xi32>,
          %bitcast3A_1057 = vector.bitcast %gather3A_1056 : vector<16xi32> to vector<32xi16>
          %mul3A_1058 = arith.muli %bitcast3A_1011, %bitcast3A_1057 : vector<32xi16>
          %add3A_1059 = arith.addi %add3A_958, %mul3A_1058 : vector<32xi16>
          %reshape3A_1060 = vector.shape_cast %add3A_1015 : vector<16xi32> to vector<16x1xi32>
          %gather3A_1061 = vector.shape_cast %reshape3A_1060 : vector<16x1xi32> to vector<16xi32>
          %gather3A_1062 = tpu.dynamic_gather %get3A_765[%gather3A_1061] in [0] : vector<16xi32>, vector<16xi32> -> vector<16xi32>
          %add3A_1063 = arith.constant 0 : i32
          %add3A_1064 = vector.broadcast %add3A_1063 : i32 to vector<16xi32>
          %add3A_1065 = arith.addi %iota3A, %add3A_1064 : vector<16xi32>
          %add3A_1066 = arith.addi %gather3A_1062, %add3A_1065 : vector<16xi32>
          %gather3A_1067 = tpu.vector_load_idx %arg6[%add3A_1066] : memref<4096xi32, #tpu.memory_space<vmem>>[vector<16xi32>], vector<16xi32>,
          %bitcast3A_1068 = vector.bitcast %gather3A_1067 : vector<16xi32> to vector<32xi16>
          %mul3A_1069 = arith.muli %bitcast3A_1011, %bitcast3A_1068 : vector<32xi16>
          %add3A_1070 = arith.addi %add3A_969, %mul3A_1069 : vector<32xi16>
          %reshape3A_1071 = vector.shape_cast %add3A_1015 : vector<16xi32> to vector<16x1xi32>
          %gather3A_1072 = vector.shape_cast %reshape3A_1071 : vector<16x1xi32> to vector<16xi32>
          %gather3A_1073 = tpu.dynamic_gather %get3A_773[%gather3A_1072] in [0] : vector<16xi32>, vector<16xi32> -> vector<16xi32>
          %add3A_1074 = arith.constant 0 : i32
          %add3A_1075 = vector.broadcast %add3A_1074 : i32 to vector<16xi32>
          %add3A_1076 = arith.addi %iota3A, %add3A_1075 : vector<16xi32>
          %add3A_1077 = arith.addi %gather3A_1073, %add3A_1076 : vector<16xi32>
          %gather3A_1078 = tpu.vector_load_idx %arg6[%add3A_1077] : memref<4096xi32, #tpu.memory_space<vmem>>[vector<16xi32>], vector<16xi32>,
          %bitcast3A_1079 = vector.bitcast %gather3A_1078 : vector<16xi32> to vector<32xi16>
          %mul3A_1080 = arith.muli %bitcast3A_1011, %bitcast3A_1079 : vector<32xi16>
          %add3A_1081 = arith.addi %add3A_980, %mul3A_1080 : vector<32xi16>
          %reshape3A_1082 = vector.shape_cast %add3A_1015 : vector<16xi32> to vector<16x1xi32>
          %gather3A_1083 = vector.shape_cast %reshape3A_1082 : vector<16x1xi32> to vector<16xi32>
          %gather3A_1084 = tpu.dynamic_gather %get3A_781[%gather3A_1083] in [0] : vector<16xi32>, vector<16xi32> -> vector<16xi32>
          %add3A_1085 = arith.constant 0 : i32
          %add3A_1086 = vector.broadcast %add3A_1085 : i32 to vector<16xi32>
          %add3A_1087 = arith.addi %iota3A, %add3A_1086 : vector<16xi32>
          %add3A_1088 = arith.addi %gather3A_1084, %add3A_1087 : vector<16xi32>
          %gather3A_1089 = tpu.vector_load_idx %arg6[%add3A_1088] : memref<4096xi32, #tpu.memory_space<vmem>>[vector<16xi32>], vector<16xi32>,
          %bitcast3A_1090 = vector.bitcast %gather3A_1089 : vector<16xi32> to vector<32xi16>
          %mul3A_1091 = arith.muli %bitcast3A_1011, %bitcast3A_1090 : vector<32xi16>
          %add3A_1092 = arith.addi %add3A_991, %mul3A_1091 : vector<32xi16>
          %reshape3A_1093 = vector.shape_cast %add3A_1015 : vector<16xi32> to vector<16x1xi32>
          %gather3A_1094 = vector.shape_cast %reshape3A_1093 : vector<16x1xi32> to vector<16xi32>
          %gather3A_1095 = tpu.dynamic_gather %get3A_789[%gather3A_1094] in [0] : vector<16xi32>, vector<16xi32> -> vector<16xi32>
          %add3A_1096 = arith.constant 0 : i32
          %add3A_1097 = vector.broadcast %add3A_1096 : i32 to vector<16xi32>
          %add3A_1098 = arith.addi %iota3A, %add3A_1097 : vector<16xi32>
          %add3A_1099 = arith.addi %gather3A_1095, %add3A_1098 : vector<16xi32>
          %gather3A_1100 = tpu.vector_load_idx %arg6[%add3A_1099] : memref<4096xi32, #tpu.memory_space<vmem>>[vector<16xi32>], vector<16xi32>,
          %bitcast3A_1101 = vector.bitcast %gather3A_1100 : vector<16xi32> to vector<32xi16>
          %mul3A_1102 = arith.muli %bitcast3A_1011, %bitcast3A_1101 : vector<32xi16>
          %add3A_1103 = arith.addi %add3A_1002, %mul3A_1102 : vector<32xi16>
          %scan3A_1104 = arith.constant 3 : i32
          %scan3A_1105 = arith.addi %scan3A_796, %scan3A_1104 : i32
          %mul3A_1106 = arith.constant 16 : i32
          %mul3A_1107 = arith.muli %scan3A_718, %mul3A_1106 : i32
          %add3A_1108 = arith.addi %mul3A_1107, %scan3A_1105 : i32
          %get3A_1109 = arith.index_cast %add3A_1108 : i32 to index
          %get3A_1110 = arith.constant 0 : index
          %get3A_1111 = tpu.vector_load %arg7[%get3A_1109, %get3A_1110] {strides = array<i32>} : memref<784x16xi32, #tpu.memory_space<vmem>>, vector<16xi32>,
          %bitcast3A_1112 = vector.bitcast %get3A_1111 : vector<16xi32> to vector<32xi16>
          %broadcast_in_dim3A_1113 = arith.constant 0 : i32
          %broadcast_in_dim3A_1114 = vector.broadcast %broadcast_in_dim3A_1113 : i32 to vector<16xi32>
          %add3A_1115 = vector.broadcast %scan3A_1105 : i32 to vector<16xi32>
          %add3A_1116 = arith.addi %broadcast_in_dim3A_1114, %add3A_1115 : vector<16xi32>
          %reshape3A_1117 = vector.shape_cast %add3A_1116 : vector<16xi32> to vector<16x1xi32>
          %gather3A_1118 = vector.shape_cast %reshape3A_1117 : vector<16x1xi32> to vector<16xi32>
          %gather3A_1119 = tpu.dynamic_gather %get3A_733[%gather3A_1118] in [0] : vector<16xi32>, vector<16xi32> -> vector<16xi32>
          %add3A_1120 = arith.constant 0 : i32
          %add3A_1121 = vector.broadcast %add3A_1120 : i32 to vector<16xi32>
          %add3A_1122 = arith.addi %iota3A, %add3A_1121 : vector<16xi32>
          %add3A_1123 = arith.addi %gather3A_1119, %add3A_1122 : vector<16xi32>
          %gather3A_1124 = tpu.vector_load_idx %arg6[%add3A_1123] : memref<4096xi32, #tpu.memory_space<vmem>>[vector<16xi32>], vector<16xi32>,
          %bitcast3A_1125 = vector.bitcast %gather3A_1124 : vector<16xi32> to vector<32xi16>
          %mul3A_1126 = arith.muli %bitcast3A_1112, %bitcast3A_1125 : vector<32xi16>
          %add3A_1127 = arith.addi %add3A_1026, %mul3A_1126 : vector<32xi16>
          %reshape3A_1128 = vector.shape_cast %add3A_1116 : vector<16xi32> to vector<16x1xi32>
          %gather3A_1129 = vector.shape_cast %reshape3A_1128 : vector<16x1xi32> to vector<16xi32>
          %gather3A_1130 = tpu.dynamic_gather %get3A_741[%gather3A_1129] in [0] : vector<16xi32>, vector<16xi32> -> vector<16xi32>
          %add3A_1131 = arith.constant 0 : i32
          %add3A_1132 = vector.broadcast %add3A_1131 : i32 to vector<16xi32>
          %add3A_1133 = arith.addi %iota3A, %add3A_1132 : vector<16xi32>
          %add3A_1134 = arith.addi %gather3A_1130, %add3A_1133 : vector<16xi32>
          %gather3A_1135 = tpu.vector_load_idx %arg6[%add3A_1134] : memref<4096xi32, #tpu.memory_space<vmem>>[vector<16xi32>], vector<16xi32>,
          %bitcast3A_1136 = vector.bitcast %gather3A_1135 : vector<16xi32> to vector<32xi16>
          %mul3A_1137 = arith.muli %bitcast3A_1112, %bitcast3A_1136 : vector<32xi16>
          %add3A_1138 = arith.addi %add3A_1037, %mul3A_1137 : vector<32xi16>
          %reshape3A_1139 = vector.shape_cast %add3A_1116 : vector<16xi32> to vector<16x1xi32>
          %gather3A_1140 = vector.shape_cast %reshape3A_1139 : vector<16x1xi32> to vector<16xi32>
          %gather3A_1141 = tpu.dynamic_gather %get3A_749[%gather3A_1140] in [0] : vector<16xi32>, vector<16xi32> -> vector<16xi32>
          %add3A_1142 = arith.constant 0 : i32
          %add3A_1143 = vector.broadcast %add3A_1142 : i32 to vector<16xi32>
          %add3A_1144 = arith.addi %iota3A, %add3A_1143 : vector<16xi32>
          %add3A_1145 = arith.addi %gather3A_1141, %add3A_1144 : vector<16xi32>
          %gather3A_1146 = tpu.vector_load_idx %arg6[%add3A_1145] : memref<4096xi32, #tpu.memory_space<vmem>>[vector<16xi32>], vector<16xi32>,
          %bitcast3A_1147 = vector.bitcast %gather3A_1146 : vector<16xi32> to vector<32xi16>
          %mul3A_1148 = arith.muli %bitcast3A_1112, %bitcast3A_1147 : vector<32xi16>
          %add3A_1149 = arith.addi %add3A_1048, %mul3A_1148 : vector<32xi16>
          %reshape3A_1150 = vector.shape_cast %add3A_1116 : vector<16xi32> to vector<16x1xi32>
          %gather3A_1151 = vector.shape_cast %reshape3A_1150 : vector<16x1xi32> to vector<16xi32>
          %gather3A_1152 = tpu.dynamic_gather %get3A_757[%gather3A_1151] in [0] : vector<16xi32>, vector<16xi32> -> vector<16xi32>
          %add3A_1153 = arith.constant 0 : i32
          %add3A_1154 = vector.broadcast %add3A_1153 : i32 to vector<16xi32>
          %add3A_1155 = arith.addi %iota3A, %add3A_1154 : vector<16xi32>
          %add3A_1156 = arith.addi %gather3A_1152, %add3A_1155 : vector<16xi32>
          %gather3A_1157 = tpu.vector_load_idx %arg6[%add3A_1156] : memref<4096xi32, #tpu.memory_space<vmem>>[vector<16xi32>], vector<16xi32>,
          %bitcast3A_1158 = vector.bitcast %gather3A_1157 : vector<16xi32> to vector<32xi16>
          %mul3A_1159 = arith.muli %bitcast3A_1112, %bitcast3A_1158 : vector<32xi16>
          %add3A_1160 = arith.addi %add3A_1059, %mul3A_1159 : vector<32xi16>
          %reshape3A_1161 = vector.shape_cast %add3A_1116 : vector<16xi32> to vector<16x1xi32>
          %gather3A_1162 = vector.shape_cast %reshape3A_1161 : vector<16x1xi32> to vector<16xi32>
          %gather3A_1163 = tpu.dynamic_gather %get3A_765[%gather3A_1162] in [0] : vector<16xi32>, vector<16xi32> -> vector<16xi32>
          %add3A_1164 = arith.constant 0 : i32
          %add3A_1165 = vector.broadcast %add3A_1164 : i32 to vector<16xi32>
          %add3A_1166 = arith.addi %iota3A, %add3A_1165 : vector<16xi32>
          %add3A_1167 = arith.addi %gather3A_1163, %add3A_1166 : vector<16xi32>
          %gather3A_1168 = tpu.vector_load_idx %arg6[%add3A_1167] : memref<4096xi32, #tpu.memory_space<vmem>>[vector<16xi32>], vector<16xi32>,
          %bitcast3A_1169 = vector.bitcast %gather3A_1168 : vector<16xi32> to vector<32xi16>
          %mul3A_1170 = arith.muli %bitcast3A_1112, %bitcast3A_1169 : vector<32xi16>
          %add3A_1171 = arith.addi %add3A_1070, %mul3A_1170 : vector<32xi16>
          %reshape3A_1172 = vector.shape_cast %add3A_1116 : vector<16xi32> to vector<16x1xi32>
          %gather3A_1173 = vector.shape_cast %reshape3A_1172 : vector<16x1xi32> to vector<16xi32>
          %gather3A_1174 = tpu.dynamic_gather %get3A_773[%gather3A_1173] in [0] : vector<16xi32>, vector<16xi32> -> vector<16xi32>
          %add3A_1175 = arith.constant 0 : i32
          %add3A_1176 = vector.broadcast %add3A_1175 : i32 to vector<16xi32>
          %add3A_1177 = arith.addi %iota3A, %add3A_1176 : vector<16xi32>
          %add3A_1178 = arith.addi %gather3A_1174, %add3A_1177 : vector<16xi32>
          %gather3A_1179 = tpu.vector_load_idx %arg6[%add3A_1178] : memref<4096xi32, #tpu.memory_space<vmem>>[vector<16xi32>], vector<16xi32>,
          %bitcast3A_1180 = vector.bitcast %gather3A_1179 : vector<16xi32> to vector<32xi16>
          %mul3A_1181 = arith.muli %bitcast3A_1112, %bitcast3A_1180 : vector<32xi16>
          %add3A_1182 = arith.addi %add3A_1081, %mul3A_1181 : vector<32xi16>
          %reshape3A_1183 = vector.shape_cast %add3A_1116 : vector<16xi32> to vector<16x1xi32>
          %gather3A_1184 = vector.shape_cast %reshape3A_1183 : vector<16x1xi32> to vector<16xi32>
          %gather3A_1185 = tpu.dynamic_gather %get3A_781[%gather3A_1184] in [0] : vector<16xi32>, vector<16xi32> -> vector<16xi32>
          %add3A_1186 = arith.constant 0 : i32
          %add3A_1187 = vector.broadcast %add3A_1186 : i32 to vector<16xi32>
          %add3A_1188 = arith.addi %iota3A, %add3A_1187 : vector<16xi32>
          %add3A_1189 = arith.addi %gather3A_1185, %add3A_1188 : vector<16xi32>
          %gather3A_1190 = tpu.vector_load_idx %arg6[%add3A_1189] : memref<4096xi32, #tpu.memory_space<vmem>>[vector<16xi32>], vector<16xi32>,
          %bitcast3A_1191 = vector.bitcast %gather3A_1190 : vector<16xi32> to vector<32xi16>
          %mul3A_1192 = arith.muli %bitcast3A_1112, %bitcast3A_1191 : vector<32xi16>
          %add3A_1193 = arith.addi %add3A_1092, %mul3A_1192 : vector<32xi16>
          %reshape3A_1194 = vector.shape_cast %add3A_1116 : vector<16xi32> to vector<16x1xi32>
          %gather3A_1195 = vector.shape_cast %reshape3A_1194 : vector<16x1xi32> to vector<16xi32>
          %gather3A_1196 = tpu.dynamic_gather %get3A_789[%gather3A_1195] in [0] : vector<16xi32>, vector<16xi32> -> vector<16xi32>
          %add3A_1197 = arith.constant 0 : i32
          %add3A_1198 = vector.broadcast %add3A_1197 : i32 to vector<16xi32>
          %add3A_1199 = arith.addi %iota3A, %add3A_1198 : vector<16xi32>
          %add3A_1200 = arith.addi %gather3A_1196, %add3A_1199 : vector<16xi32>
          %gather3A_1201 = tpu.vector_load_idx %arg6[%add3A_1200] : memref<4096xi32, #tpu.memory_space<vmem>>[vector<16xi32>], vector<16xi32>,
          %bitcast3A_1202 = vector.bitcast %gather3A_1201 : vector<16xi32> to vector<32xi16>
          %mul3A_1203 = arith.muli %bitcast3A_1112, %bitcast3A_1202 : vector<32xi16>
          %add3A_1204 = arith.addi %add3A_1103, %mul3A_1203 : vector<32xi16>
          %scan3A_1205 = arith.constant 4 : i32
          %scan3A_1206 = arith.addi %scan3A_796, %scan3A_1205 : i32
          %mul3A_1207 = arith.constant 16 : i32
          %mul3A_1208 = arith.muli %scan3A_718, %mul3A_1207 : i32
          %add3A_1209 = arith.addi %mul3A_1208, %scan3A_1206 : i32
          %get3A_1210 = arith.index_cast %add3A_1209 : i32 to index
          %get3A_1211 = arith.constant 0 : index
          %get3A_1212 = tpu.vector_load %arg7[%get3A_1210, %get3A_1211] {strides = array<i32>} : memref<784x16xi32, #tpu.memory_space<vmem>>, vector<16xi32>,
          %bitcast3A_1213 = vector.bitcast %get3A_1212 : vector<16xi32> to vector<32xi16>
          %broadcast_in_dim3A_1214 = arith.constant 0 : i32
          %broadcast_in_dim3A_1215 = vector.broadcast %broadcast_in_dim3A_1214 : i32 to vector<16xi32>
          %add3A_1216 = vector.broadcast %scan3A_1206 : i32 to vector<16xi32>
          %add3A_1217 = arith.addi %broadcast_in_dim3A_1215, %add3A_1216 : vector<16xi32>
          %reshape3A_1218 = vector.shape_cast %add3A_1217 : vector<16xi32> to vector<16x1xi32>
          %gather3A_1219 = vector.shape_cast %reshape3A_1218 : vector<16x1xi32> to vector<16xi32>
          %gather3A_1220 = tpu.dynamic_gather %get3A_733[%gather3A_1219] in [0] : vector<16xi32>, vector<16xi32> -> vector<16xi32>
          %add3A_1221 = arith.constant 0 : i32
          %add3A_1222 = vector.broadcast %add3A_1221 : i32 to vector<16xi32>
          %add3A_1223 = arith.addi %iota3A, %add3A_1222 : vector<16xi32>
          %add3A_1224 = arith.addi %gather3A_1220, %add3A_1223 : vector<16xi32>
          %gather3A_1225 = tpu.vector_load_idx %arg6[%add3A_1224] : memref<4096xi32, #tpu.memory_space<vmem>>[vector<16xi32>], vector<16xi32>,
          %bitcast3A_1226 = vector.bitcast %gather3A_1225 : vector<16xi32> to vector<32xi16>
          %mul3A_1227 = arith.muli %bitcast3A_1213, %bitcast3A_1226 : vector<32xi16>
          %add3A_1228 = arith.addi %add3A_1127, %mul3A_1227 : vector<32xi16>
          %reshape3A_1229 = vector.shape_cast %add3A_1217 : vector<16xi32> to vector<16x1xi32>
          %gather3A_1230 = vector.shape_cast %reshape3A_1229 : vector<16x1xi32> to vector<16xi32>
          %gather3A_1231 = tpu.dynamic_gather %get3A_741[%gather3A_1230] in [0] : vector<16xi32>, vector<16xi32> -> vector<16xi32>
          %add3A_1232 = arith.constant 0 : i32
          %add3A_1233 = vector.broadcast %add3A_1232 : i32 to vector<16xi32>
          %add3A_1234 = arith.addi %iota3A, %add3A_1233 : vector<16xi32>
          %add3A_1235 = arith.addi %gather3A_1231, %add3A_1234 : vector<16xi32>
          %gather3A_1236 = tpu.vector_load_idx %arg6[%add3A_1235] : memref<4096xi32, #tpu.memory_space<vmem>>[vector<16xi32>], vector<16xi32>,
          %bitcast3A_1237 = vector.bitcast %gather3A_1236 : vector<16xi32> to vector<32xi16>
          %mul3A_1238 = arith.muli %bitcast3A_1213, %bitcast3A_1237 : vector<32xi16>
          %add3A_1239 = arith.addi %add3A_1138, %mul3A_1238 : vector<32xi16>
          %reshape3A_1240 = vector.shape_cast %add3A_1217 : vector<16xi32> to vector<16x1xi32>
          %gather3A_1241 = vector.shape_cast %reshape3A_1240 : vector<16x1xi32> to vector<16xi32>
          %gather3A_1242 = tpu.dynamic_gather %get3A_749[%gather3A_1241] in [0] : vector<16xi32>, vector<16xi32> -> vector<16xi32>
          %add3A_1243 = arith.constant 0 : i32
          %add3A_1244 = vector.broadcast %add3A_1243 : i32 to vector<16xi32>
          %add3A_1245 = arith.addi %iota3A, %add3A_1244 : vector<16xi32>
          %add3A_1246 = arith.addi %gather3A_1242, %add3A_1245 : vector<16xi32>
          %gather3A_1247 = tpu.vector_load_idx %arg6[%add3A_1246] : memref<4096xi32, #tpu.memory_space<vmem>>[vector<16xi32>], vector<16xi32>,
          %bitcast3A_1248 = vector.bitcast %gather3A_1247 : vector<16xi32> to vector<32xi16>
          %mul3A_1249 = arith.muli %bitcast3A_1213, %bitcast3A_1248 : vector<32xi16>
          %add3A_1250 = arith.addi %add3A_1149, %mul3A_1249 : vector<32xi16>
          %reshape3A_1251 = vector.shape_cast %add3A_1217 : vector<16xi32> to vector<16x1xi32>
          %gather3A_1252 = vector.shape_cast %reshape3A_1251 : vector<16x1xi32> to vector<16xi32>
          %gather3A_1253 = tpu.dynamic_gather %get3A_757[%gather3A_1252] in [0] : vector<16xi32>, vector<16xi32> -> vector<16xi32>
          %add3A_1254 = arith.constant 0 : i32
          %add3A_1255 = vector.broadcast %add3A_1254 : i32 to vector<16xi32>
          %add3A_1256 = arith.addi %iota3A, %add3A_1255 : vector<16xi32>
          %add3A_1257 = arith.addi %gather3A_1253, %add3A_1256 : vector<16xi32>
          %gather3A_1258 = tpu.vector_load_idx %arg6[%add3A_1257] : memref<4096xi32, #tpu.memory_space<vmem>>[vector<16xi32>], vector<16xi32>,
          %bitcast3A_1259 = vector.bitcast %gather3A_1258 : vector<16xi32> to vector<32xi16>
          %mul3A_1260 = arith.muli %bitcast3A_1213, %bitcast3A_1259 : vector<32xi16>
          %add3A_1261 = arith.addi %add3A_1160, %mul3A_1260 : vector<32xi16>
          %reshape3A_1262 = vector.shape_cast %add3A_1217 : vector<16xi32> to vector<16x1xi32>
          %gather3A_1263 = vector.shape_cast %reshape3A_1262 : vector<16x1xi32> to vector<16xi32>
          %gather3A_1264 = tpu.dynamic_gather %get3A_765[%gather3A_1263] in [0] : vector<16xi32>, vector<16xi32> -> vector<16xi32>
          %add3A_1265 = arith.constant 0 : i32
          %add3A_1266 = vector.broadcast %add3A_1265 : i32 to vector<16xi32>
          %add3A_1267 = arith.addi %iota3A, %add3A_1266 : vector<16xi32>
          %add3A_1268 = arith.addi %gather3A_1264, %add3A_1267 : vector<16xi32>
          %gather3A_1269 = tpu.vector_load_idx %arg6[%add3A_1268] : memref<4096xi32, #tpu.memory_space<vmem>>[vector<16xi32>], vector<16xi32>,
          %bitcast3A_1270 = vector.bitcast %gather3A_1269 : vector<16xi32> to vector<32xi16>
          %mul3A_1271 = arith.muli %bitcast3A_1213, %bitcast3A_1270 : vector<32xi16>
          %add3A_1272 = arith.addi %add3A_1171, %mul3A_1271 : vector<32xi16>
          %reshape3A_1273 = vector.shape_cast %add3A_1217 : vector<16xi32> to vector<16x1xi32>
          %gather3A_1274 = vector.shape_cast %reshape3A_1273 : vector<16x1xi32> to vector<16xi32>
          %gather3A_1275 = tpu.dynamic_gather %get3A_773[%gather3A_1274] in [0] : vector<16xi32>, vector<16xi32> -> vector<16xi32>
          %add3A_1276 = arith.constant 0 : i32
          %add3A_1277 = vector.broadcast %add3A_1276 : i32 to vector<16xi32>
          %add3A_1278 = arith.addi %iota3A, %add3A_1277 : vector<16xi32>
          %add3A_1279 = arith.addi %gather3A_1275, %add3A_1278 : vector<16xi32>
          %gather3A_1280 = tpu.vector_load_idx %arg6[%add3A_1279] : memref<4096xi32, #tpu.memory_space<vmem>>[vector<16xi32>], vector<16xi32>,
          %bitcast3A_1281 = vector.bitcast %gather3A_1280 : vector<16xi32> to vector<32xi16>
          %mul3A_1282 = arith.muli %bitcast3A_1213, %bitcast3A_1281 : vector<32xi16>
          %add3A_1283 = arith.addi %add3A_1182, %mul3A_1282 : vector<32xi16>
          %reshape3A_1284 = vector.shape_cast %add3A_1217 : vector<16xi32> to vector<16x1xi32>
          %gather3A_1285 = vector.shape_cast %reshape3A_1284 : vector<16x1xi32> to vector<16xi32>
          %gather3A_1286 = tpu.dynamic_gather %get3A_781[%gather3A_1285] in [0] : vector<16xi32>, vector<16xi32> -> vector<16xi32>
          %add3A_1287 = arith.constant 0 : i32
          %add3A_1288 = vector.broadcast %add3A_1287 : i32 to vector<16xi32>
          %add3A_1289 = arith.addi %iota3A, %add3A_1288 : vector<16xi32>
          %add3A_1290 = arith.addi %gather3A_1286, %add3A_1289 : vector<16xi32>
          %gather3A_1291 = tpu.vector_load_idx %arg6[%add3A_1290] : memref<4096xi32, #tpu.memory_space<vmem>>[vector<16xi32>], vector<16xi32>,
          %bitcast3A_1292 = vector.bitcast %gather3A_1291 : vector<16xi32> to vector<32xi16>
          %mul3A_1293 = arith.muli %bitcast3A_1213, %bitcast3A_1292 : vector<32xi16>
          %add3A_1294 = arith.addi %add3A_1193, %mul3A_1293 : vector<32xi16>
          %reshape3A_1295 = vector.shape_cast %add3A_1217 : vector<16xi32> to vector<16x1xi32>
          %gather3A_1296 = vector.shape_cast %reshape3A_1295 : vector<16x1xi32> to vector<16xi32>
          %gather3A_1297 = tpu.dynamic_gather %get3A_789[%gather3A_1296] in [0] : vector<16xi32>, vector<16xi32> -> vector<16xi32>
          %add3A_1298 = arith.constant 0 : i32
          %add3A_1299 = vector.broadcast %add3A_1298 : i32 to vector<16xi32>
          %add3A_1300 = arith.addi %iota3A, %add3A_1299 : vector<16xi32>
          %add3A_1301 = arith.addi %gather3A_1297, %add3A_1300 : vector<16xi32>
          %gather3A_1302 = tpu.vector_load_idx %arg6[%add3A_1301] : memref<4096xi32, #tpu.memory_space<vmem>>[vector<16xi32>], vector<16xi32>,
          %bitcast3A_1303 = vector.bitcast %gather3A_1302 : vector<16xi32> to vector<32xi16>
          %mul3A_1304 = arith.muli %bitcast3A_1213, %bitcast3A_1303 : vector<32xi16>
          %add3A_1305 = arith.addi %add3A_1204, %mul3A_1304 : vector<32xi16>
          %scan3A_1306 = arith.constant 5 : i32
          %scan3A_1307 = arith.addi %scan3A_796, %scan3A_1306 : i32
          %mul3A_1308 = arith.constant 16 : i32
          %mul3A_1309 = arith.muli %scan3A_718, %mul3A_1308 : i32
          %add3A_1310 = arith.addi %mul3A_1309, %scan3A_1307 : i32
          %get3A_1311 = arith.index_cast %add3A_1310 : i32 to index
          %get3A_1312 = arith.constant 0 : index
          %get3A_1313 = tpu.vector_load %arg7[%get3A_1311, %get3A_1312] {strides = array<i32>} : memref<784x16xi32, #tpu.memory_space<vmem>>, vector<16xi32>,
          %bitcast3A_1314 = vector.bitcast %get3A_1313 : vector<16xi32> to vector<32xi16>
          %broadcast_in_dim3A_1315 = arith.constant 0 : i32
          %broadcast_in_dim3A_1316 = vector.broadcast %broadcast_in_dim3A_1315 : i32 to vector<16xi32>
          %add3A_1317 = vector.broadcast %scan3A_1307 : i32 to vector<16xi32>
          %add3A_1318 = arith.addi %broadcast_in_dim3A_1316, %add3A_1317 : vector<16xi32>
          %reshape3A_1319 = vector.shape_cast %add3A_1318 : vector<16xi32> to vector<16x1xi32>
          %gather3A_1320 = vector.shape_cast %reshape3A_1319 : vector<16x1xi32> to vector<16xi32>
          %gather3A_1321 = tpu.dynamic_gather %get3A_733[%gather3A_1320] in [0] : vector<16xi32>, vector<16xi32> -> vector<16xi32>
          %add3A_1322 = arith.constant 0 : i32
          %add3A_1323 = vector.broadcast %add3A_1322 : i32 to vector<16xi32>
          %add3A_1324 = arith.addi %iota3A, %add3A_1323 : vector<16xi32>
          %add3A_1325 = arith.addi %gather3A_1321, %add3A_1324 : vector<16xi32>
          %gather3A_1326 = tpu.vector_load_idx %arg6[%add3A_1325] : memref<4096xi32, #tpu.memory_space<vmem>>[vector<16xi32>], vector<16xi32>,
          %bitcast3A_1327 = vector.bitcast %gather3A_1326 : vector<16xi32> to vector<32xi16>
          %mul3A_1328 = arith.muli %bitcast3A_1314, %bitcast3A_1327 : vector<32xi16>
          %add3A_1329 = arith.addi %add3A_1228, %mul3A_1328 : vector<32xi16>
          %reshape3A_1330 = vector.shape_cast %add3A_1318 : vector<16xi32> to vector<16x1xi32>
          %gather3A_1331 = vector.shape_cast %reshape3A_1330 : vector<16x1xi32> to vector<16xi32>
          %gather3A_1332 = tpu.dynamic_gather %get3A_741[%gather3A_1331] in [0] : vector<16xi32>, vector<16xi32> -> vector<16xi32>
          %add3A_1333 = arith.constant 0 : i32
          %add3A_1334 = vector.broadcast %add3A_1333 : i32 to vector<16xi32>
          %add3A_1335 = arith.addi %iota3A, %add3A_1334 : vector<16xi32>
          %add3A_1336 = arith.addi %gather3A_1332, %add3A_1335 : vector<16xi32>
          %gather3A_1337 = tpu.vector_load_idx %arg6[%add3A_1336] : memref<4096xi32, #tpu.memory_space<vmem>>[vector<16xi32>], vector<16xi32>,
          %bitcast3A_1338 = vector.bitcast %gather3A_1337 : vector<16xi32> to vector<32xi16>
          %mul3A_1339 = arith.muli %bitcast3A_1314, %bitcast3A_1338 : vector<32xi16>
          %add3A_1340 = arith.addi %add3A_1239, %mul3A_1339 : vector<32xi16>
          %reshape3A_1341 = vector.shape_cast %add3A_1318 : vector<16xi32> to vector<16x1xi32>
          %gather3A_1342 = vector.shape_cast %reshape3A_1341 : vector<16x1xi32> to vector<16xi32>
          %gather3A_1343 = tpu.dynamic_gather %get3A_749[%gather3A_1342] in [0] : vector<16xi32>, vector<16xi32> -> vector<16xi32>
          %add3A_1344 = arith.constant 0 : i32
          %add3A_1345 = vector.broadcast %add3A_1344 : i32 to vector<16xi32>
          %add3A_1346 = arith.addi %iota3A, %add3A_1345 : vector<16xi32>
          %add3A_1347 = arith.addi %gather3A_1343, %add3A_1346 : vector<16xi32>
          %gather3A_1348 = tpu.vector_load_idx %arg6[%add3A_1347] : memref<4096xi32, #tpu.memory_space<vmem>>[vector<16xi32>], vector<16xi32>,
          %bitcast3A_1349 = vector.bitcast %gather3A_1348 : vector<16xi32> to vector<32xi16>
          %mul3A_1350 = arith.muli %bitcast3A_1314, %bitcast3A_1349 : vector<32xi16>
          %add3A_1351 = arith.addi %add3A_1250, %mul3A_1350 : vector<32xi16>
          %reshape3A_1352 = vector.shape_cast %add3A_1318 : vector<16xi32> to vector<16x1xi32>
          %gather3A_1353 = vector.shape_cast %reshape3A_1352 : vector<16x1xi32> to vector<16xi32>
          %gather3A_1354 = tpu.dynamic_gather %get3A_757[%gather3A_1353] in [0] : vector<16xi32>, vector<16xi32> -> vector<16xi32>
          %add3A_1355 = arith.constant 0 : i32
          %add3A_1356 = vector.broadcast %add3A_1355 : i32 to vector<16xi32>
          %add3A_1357 = arith.addi %iota3A, %add3A_1356 : vector<16xi32>
          %add3A_1358 = arith.addi %gather3A_1354, %add3A_1357 : vector<16xi32>
          %gather3A_1359 = tpu.vector_load_idx %arg6[%add3A_1358] : memref<4096xi32, #tpu.memory_space<vmem>>[vector<16xi32>], vector<16xi32>,
          %bitcast3A_1360 = vector.bitcast %gather3A_1359 : vector<16xi32> to vector<32xi16>
          %mul3A_1361 = arith.muli %bitcast3A_1314, %bitcast3A_1360 : vector<32xi16>
          %add3A_1362 = arith.addi %add3A_1261, %mul3A_1361 : vector<32xi16>
          %reshape3A_1363 = vector.shape_cast %add3A_1318 : vector<16xi32> to vector<16x1xi32>
          %gather3A_1364 = vector.shape_cast %reshape3A_1363 : vector<16x1xi32> to vector<16xi32>
          %gather3A_1365 = tpu.dynamic_gather %get3A_765[%gather3A_1364] in [0] : vector<16xi32>, vector<16xi32> -> vector<16xi32>
          %add3A_1366 = arith.constant 0 : i32
          %add3A_1367 = vector.broadcast %add3A_1366 : i32 to vector<16xi32>
          %add3A_1368 = arith.addi %iota3A, %add3A_1367 : vector<16xi32>
          %add3A_1369 = arith.addi %gather3A_1365, %add3A_1368 : vector<16xi32>
          %gather3A_1370 = tpu.vector_load_idx %arg6[%add3A_1369] : memref<4096xi32, #tpu.memory_space<vmem>>[vector<16xi32>], vector<16xi32>,
          %bitcast3A_1371 = vector.bitcast %gather3A_1370 : vector<16xi32> to vector<32xi16>
          %mul3A_1372 = arith.muli %bitcast3A_1314, %bitcast3A_1371 : vector<32xi16>
          %add3A_1373 = arith.addi %add3A_1272, %mul3A_1372 : vector<32xi16>
          %reshape3A_1374 = vector.shape_cast %add3A_1318 : vector<16xi32> to vector<16x1xi32>
          %gather3A_1375 = vector.shape_cast %reshape3A_1374 : vector<16x1xi32> to vector<16xi32>
          %gather3A_1376 = tpu.dynamic_gather %get3A_773[%gather3A_1375] in [0] : vector<16xi32>, vector<16xi32> -> vector<16xi32>
          %add3A_1377 = arith.constant 0 : i32
          %add3A_1378 = vector.broadcast %add3A_1377 : i32 to vector<16xi32>
          %add3A_1379 = arith.addi %iota3A, %add3A_1378 : vector<16xi32>
          %add3A_1380 = arith.addi %gather3A_1376, %add3A_1379 : vector<16xi32>
          %gather3A_1381 = tpu.vector_load_idx %arg6[%add3A_1380] : memref<4096xi32, #tpu.memory_space<vmem>>[vector<16xi32>], vector<16xi32>,
          %bitcast3A_1382 = vector.bitcast %gather3A_1381 : vector<16xi32> to vector<32xi16>
          %mul3A_1383 = arith.muli %bitcast3A_1314, %bitcast3A_1382 : vector<32xi16>
          %add3A_1384 = arith.addi %add3A_1283, %mul3A_1383 : vector<32xi16>
          %reshape3A_1385 = vector.shape_cast %add3A_1318 : vector<16xi32> to vector<16x1xi32>
          %gather3A_1386 = vector.shape_cast %reshape3A_1385 : vector<16x1xi32> to vector<16xi32>
          %gather3A_1387 = tpu.dynamic_gather %get3A_781[%gather3A_1386] in [0] : vector<16xi32>, vector<16xi32> -> vector<16xi32>
          %add3A_1388 = arith.constant 0 : i32
          %add3A_1389 = vector.broadcast %add3A_1388 : i32 to vector<16xi32>
          %add3A_1390 = arith.addi %iota3A, %add3A_1389 : vector<16xi32>
          %add3A_1391 = arith.addi %gather3A_1387, %add3A_1390 : vector<16xi32>
          %gather3A_1392 = tpu.vector_load_idx %arg6[%add3A_1391] : memref<4096xi32, #tpu.memory_space<vmem>>[vector<16xi32>], vector<16xi32>,
          %bitcast3A_1393 = vector.bitcast %gather3A_1392 : vector<16xi32> to vector<32xi16>
          %mul3A_1394 = arith.muli %bitcast3A_1314, %bitcast3A_1393 : vector<32xi16>
          %add3A_1395 = arith.addi %add3A_1294, %mul3A_1394 : vector<32xi16>
          %reshape3A_1396 = vector.shape_cast %add3A_1318 : vector<16xi32> to vector<16x1xi32>
          %gather3A_1397 = vector.shape_cast %reshape3A_1396 : vector<16x1xi32> to vector<16xi32>
          %gather3A_1398 = tpu.dynamic_gather %get3A_789[%gather3A_1397] in [0] : vector<16xi32>, vector<16xi32> -> vector<16xi32>
          %add3A_1399 = arith.constant 0 : i32
          %add3A_1400 = vector.broadcast %add3A_1399 : i32 to vector<16xi32>
          %add3A_1401 = arith.addi %iota3A, %add3A_1400 : vector<16xi32>
          %add3A_1402 = arith.addi %gather3A_1398, %add3A_1401 : vector<16xi32>
          %gather3A_1403 = tpu.vector_load_idx %arg6[%add3A_1402] : memref<4096xi32, #tpu.memory_space<vmem>>[vector<16xi32>], vector<16xi32>,
          %bitcast3A_1404 = vector.bitcast %gather3A_1403 : vector<16xi32> to vector<32xi16>
          %mul3A_1405 = arith.muli %bitcast3A_1314, %bitcast3A_1404 : vector<32xi16>
          %add3A_1406 = arith.addi %add3A_1305, %mul3A_1405 : vector<32xi16>
          %scan3A_1407 = arith.constant 6 : i32
          %scan3A_1408 = arith.addi %scan3A_796, %scan3A_1407 : i32
          %mul3A_1409 = arith.constant 16 : i32
          %mul3A_1410 = arith.muli %scan3A_718, %mul3A_1409 : i32
          %add3A_1411 = arith.addi %mul3A_1410, %scan3A_1408 : i32
          %get3A_1412 = arith.index_cast %add3A_1411 : i32 to index
          %get3A_1413 = arith.constant 0 : index
          %get3A_1414 = tpu.vector_load %arg7[%get3A_1412, %get3A_1413] {strides = array<i32>} : memref<784x16xi32, #tpu.memory_space<vmem>>, vector<16xi32>,
          %bitcast3A_1415 = vector.bitcast %get3A_1414 : vector<16xi32> to vector<32xi16>
          %broadcast_in_dim3A_1416 = arith.constant 0 : i32
          %broadcast_in_dim3A_1417 = vector.broadcast %broadcast_in_dim3A_1416 : i32 to vector<16xi32>
          %add3A_1418 = vector.broadcast %scan3A_1408 : i32 to vector<16xi32>
          %add3A_1419 = arith.addi %broadcast_in_dim3A_1417, %add3A_1418 : vector<16xi32>
          %reshape3A_1420 = vector.shape_cast %add3A_1419 : vector<16xi32> to vector<16x1xi32>
          %gather3A_1421 = vector.shape_cast %reshape3A_1420 : vector<16x1xi32> to vector<16xi32>
          %gather3A_1422 = tpu.dynamic_gather %get3A_733[%gather3A_1421] in [0] : vector<16xi32>, vector<16xi32> -> vector<16xi32>
          %add3A_1423 = arith.constant 0 : i32
          %add3A_1424 = vector.broadcast %add3A_1423 : i32 to vector<16xi32>
          %add3A_1425 = arith.addi %iota3A, %add3A_1424 : vector<16xi32>
          %add3A_1426 = arith.addi %gather3A_1422, %add3A_1425 : vector<16xi32>
          %gather3A_1427 = tpu.vector_load_idx %arg6[%add3A_1426] : memref<4096xi32, #tpu.memory_space<vmem>>[vector<16xi32>], vector<16xi32>,
          %bitcast3A_1428 = vector.bitcast %gather3A_1427 : vector<16xi32> to vector<32xi16>
          %mul3A_1429 = arith.muli %bitcast3A_1415, %bitcast3A_1428 : vector<32xi16>
          %add3A_1430 = arith.addi %add3A_1329, %mul3A_1429 : vector<32xi16>
          %reshape3A_1431 = vector.shape_cast %add3A_1419 : vector<16xi32> to vector<16x1xi32>
          %gather3A_1432 = vector.shape_cast %reshape3A_1431 : vector<16x1xi32> to vector<16xi32>
          %gather3A_1433 = tpu.dynamic_gather %get3A_741[%gather3A_1432] in [0] : vector<16xi32>, vector<16xi32> -> vector<16xi32>
          %add3A_1434 = arith.constant 0 : i32
          %add3A_1435 = vector.broadcast %add3A_1434 : i32 to vector<16xi32>
          %add3A_1436 = arith.addi %iota3A, %add3A_1435 : vector<16xi32>
          %add3A_1437 = arith.addi %gather3A_1433, %add3A_1436 : vector<16xi32>
          %gather3A_1438 = tpu.vector_load_idx %arg6[%add3A_1437] : memref<4096xi32, #tpu.memory_space<vmem>>[vector<16xi32>], vector<16xi32>,
          %bitcast3A_1439 = vector.bitcast %gather3A_1438 : vector<16xi32> to vector<32xi16>
          %mul3A_1440 = arith.muli %bitcast3A_1415, %bitcast3A_1439 : vector<32xi16>
          %add3A_1441 = arith.addi %add3A_1340, %mul3A_1440 : vector<32xi16>
          %reshape3A_1442 = vector.shape_cast %add3A_1419 : vector<16xi32> to vector<16x1xi32>
          %gather3A_1443 = vector.shape_cast %reshape3A_1442 : vector<16x1xi32> to vector<16xi32>
          %gather3A_1444 = tpu.dynamic_gather %get3A_749[%gather3A_1443] in [0] : vector<16xi32>, vector<16xi32> -> vector<16xi32>
          %add3A_1445 = arith.constant 0 : i32
          %add3A_1446 = vector.broadcast %add3A_1445 : i32 to vector<16xi32>
          %add3A_1447 = arith.addi %iota3A, %add3A_1446 : vector<16xi32>
          %add3A_1448 = arith.addi %gather3A_1444, %add3A_1447 : vector<16xi32>
          %gather3A_1449 = tpu.vector_load_idx %arg6[%add3A_1448] : memref<4096xi32, #tpu.memory_space<vmem>>[vector<16xi32>], vector<16xi32>,
          %bitcast3A_1450 = vector.bitcast %gather3A_1449 : vector<16xi32> to vector<32xi16>
          %mul3A_1451 = arith.muli %bitcast3A_1415, %bitcast3A_1450 : vector<32xi16>
          %add3A_1452 = arith.addi %add3A_1351, %mul3A_1451 : vector<32xi16>
          %reshape3A_1453 = vector.shape_cast %add3A_1419 : vector<16xi32> to vector<16x1xi32>
          %gather3A_1454 = vector.shape_cast %reshape3A_1453 : vector<16x1xi32> to vector<16xi32>
          %gather3A_1455 = tpu.dynamic_gather %get3A_757[%gather3A_1454] in [0] : vector<16xi32>, vector<16xi32> -> vector<16xi32>
          %add3A_1456 = arith.constant 0 : i32
          %add3A_1457 = vector.broadcast %add3A_1456 : i32 to vector<16xi32>
          %add3A_1458 = arith.addi %iota3A, %add3A_1457 : vector<16xi32>
          %add3A_1459 = arith.addi %gather3A_1455, %add3A_1458 : vector<16xi32>
          %gather3A_1460 = tpu.vector_load_idx %arg6[%add3A_1459] : memref<4096xi32, #tpu.memory_space<vmem>>[vector<16xi32>], vector<16xi32>,
          %bitcast3A_1461 = vector.bitcast %gather3A_1460 : vector<16xi32> to vector<32xi16>
          %mul3A_1462 = arith.muli %bitcast3A_1415, %bitcast3A_1461 : vector<32xi16>
          %add3A_1463 = arith.addi %add3A_1362, %mul3A_1462 : vector<32xi16>
          %reshape3A_1464 = vector.shape_cast %add3A_1419 : vector<16xi32> to vector<16x1xi32>
          %gather3A_1465 = vector.shape_cast %reshape3A_1464 : vector<16x1xi32> to vector<16xi32>
          %gather3A_1466 = tpu.dynamic_gather %get3A_765[%gather3A_1465] in [0] : vector<16xi32>, vector<16xi32> -> vector<16xi32>
          %add3A_1467 = arith.constant 0 : i32
          %add3A_1468 = vector.broadcast %add3A_1467 : i32 to vector<16xi32>
          %add3A_1469 = arith.addi %iota3A, %add3A_1468 : vector<16xi32>
          %add3A_1470 = arith.addi %gather3A_1466, %add3A_1469 : vector<16xi32>
          %gather3A_1471 = tpu.vector_load_idx %arg6[%add3A_1470] : memref<4096xi32, #tpu.memory_space<vmem>>[vector<16xi32>], vector<16xi32>,
          %bitcast3A_1472 = vector.bitcast %gather3A_1471 : vector<16xi32> to vector<32xi16>
          %mul3A_1473 = arith.muli %bitcast3A_1415, %bitcast3A_1472 : vector<32xi16>
          %add3A_1474 = arith.addi %add3A_1373, %mul3A_1473 : vector<32xi16>
          %reshape3A_1475 = vector.shape_cast %add3A_1419 : vector<16xi32> to vector<16x1xi32>
          %gather3A_1476 = vector.shape_cast %reshape3A_1475 : vector<16x1xi32> to vector<16xi32>
          %gather3A_1477 = tpu.dynamic_gather %get3A_773[%gather3A_1476] in [0] : vector<16xi32>, vector<16xi32> -> vector<16xi32>
          %add3A_1478 = arith.constant 0 : i32
          %add3A_1479 = vector.broadcast %add3A_1478 : i32 to vector<16xi32>
          %add3A_1480 = arith.addi %iota3A, %add3A_1479 : vector<16xi32>
          %add3A_1481 = arith.addi %gather3A_1477, %add3A_1480 : vector<16xi32>
          %gather3A_1482 = tpu.vector_load_idx %arg6[%add3A_1481] : memref<4096xi32, #tpu.memory_space<vmem>>[vector<16xi32>], vector<16xi32>,
          %bitcast3A_1483 = vector.bitcast %gather3A_1482 : vector<16xi32> to vector<32xi16>
          %mul3A_1484 = arith.muli %bitcast3A_1415, %bitcast3A_1483 : vector<32xi16>
          %add3A_1485 = arith.addi %add3A_1384, %mul3A_1484 : vector<32xi16>
          %reshape3A_1486 = vector.shape_cast %add3A_1419 : vector<16xi32> to vector<16x1xi32>
          %gather3A_1487 = vector.shape_cast %reshape3A_1486 : vector<16x1xi32> to vector<16xi32>
          %gather3A_1488 = tpu.dynamic_gather %get3A_781[%gather3A_1487] in [0] : vector<16xi32>, vector<16xi32> -> vector<16xi32>
          %add3A_1489 = arith.constant 0 : i32
          %add3A_1490 = vector.broadcast %add3A_1489 : i32 to vector<16xi32>
          %add3A_1491 = arith.addi %iota3A, %add3A_1490 : vector<16xi32>
          %add3A_1492 = arith.addi %gather3A_1488, %add3A_1491 : vector<16xi32>
          %gather3A_1493 = tpu.vector_load_idx %arg6[%add3A_1492] : memref<4096xi32, #tpu.memory_space<vmem>>[vector<16xi32>], vector<16xi32>,
          %bitcast3A_1494 = vector.bitcast %gather3A_1493 : vector<16xi32> to vector<32xi16>
          %mul3A_1495 = arith.muli %bitcast3A_1415, %bitcast3A_1494 : vector<32xi16>
          %add3A_1496 = arith.addi %add3A_1395, %mul3A_1495 : vector<32xi16>
          %reshape3A_1497 = vector.shape_cast %add3A_1419 : vector<16xi32> to vector<16x1xi32>
          %gather3A_1498 = vector.shape_cast %reshape3A_1497 : vector<16x1xi32> to vector<16xi32>
          %gather3A_1499 = tpu.dynamic_gather %get3A_789[%gather3A_1498] in [0] : vector<16xi32>, vector<16xi32> -> vector<16xi32>
          %add3A_1500 = arith.constant 0 : i32
          %add3A_1501 = vector.broadcast %add3A_1500 : i32 to vector<16xi32>
          %add3A_1502 = arith.addi %iota3A, %add3A_1501 : vector<16xi32>
          %add3A_1503 = arith.addi %gather3A_1499, %add3A_1502 : vector<16xi32>
          %gather3A_1504 = tpu.vector_load_idx %arg6[%add3A_1503] : memref<4096xi32, #tpu.memory_space<vmem>>[vector<16xi32>], vector<16xi32>,
          %bitcast3A_1505 = vector.bitcast %gather3A_1504 : vector<16xi32> to vector<32xi16>
          %mul3A_1506 = arith.muli %bitcast3A_1415, %bitcast3A_1505 : vector<32xi16>
          %add3A_1507 = arith.addi %add3A_1406, %mul3A_1506 : vector<32xi16>
          %scan3A_1508 = arith.constant 7 : i32
          %scan3A_1509 = arith.addi %scan3A_796, %scan3A_1508 : i32
          %mul3A_1510 = arith.constant 16 : i32
          %mul3A_1511 = arith.muli %scan3A_718, %mul3A_1510 : i32
          %add3A_1512 = arith.addi %mul3A_1511, %scan3A_1509 : i32
          %get3A_1513 = arith.index_cast %add3A_1512 : i32 to index
          %get3A_1514 = arith.constant 0 : index
          %get3A_1515 = tpu.vector_load %arg7[%get3A_1513, %get3A_1514] {strides = array<i32>} : memref<784x16xi32, #tpu.memory_space<vmem>>, vector<16xi32>,
          %bitcast3A_1516 = vector.bitcast %get3A_1515 : vector<16xi32> to vector<32xi16>
          %broadcast_in_dim3A_1517 = arith.constant 0 : i32
          %broadcast_in_dim3A_1518 = vector.broadcast %broadcast_in_dim3A_1517 : i32 to vector<16xi32>
          %add3A_1519 = vector.broadcast %scan3A_1509 : i32 to vector<16xi32>
          %add3A_1520 = arith.addi %broadcast_in_dim3A_1518, %add3A_1519 : vector<16xi32>
          %reshape3A_1521 = vector.shape_cast %add3A_1520 : vector<16xi32> to vector<16x1xi32>
          %gather3A_1522 = vector.shape_cast %reshape3A_1521 : vector<16x1xi32> to vector<16xi32>
          %gather3A_1523 = tpu.dynamic_gather %get3A_733[%gather3A_1522] in [0] : vector<16xi32>, vector<16xi32> -> vector<16xi32>
          %add3A_1524 = arith.constant 0 : i32
          %add3A_1525 = vector.broadcast %add3A_1524 : i32 to vector<16xi32>
          %add3A_1526 = arith.addi %iota3A, %add3A_1525 : vector<16xi32>
          %add3A_1527 = arith.addi %gather3A_1523, %add3A_1526 : vector<16xi32>
          %gather3A_1528 = tpu.vector_load_idx %arg6[%add3A_1527] : memref<4096xi32, #tpu.memory_space<vmem>>[vector<16xi32>], vector<16xi32>,
          %bitcast3A_1529 = vector.bitcast %gather3A_1528 : vector<16xi32> to vector<32xi16>
          %mul3A_1530 = arith.muli %bitcast3A_1516, %bitcast3A_1529 : vector<32xi16>
          %add3A_1531 = arith.addi %add3A_1430, %mul3A_1530 : vector<32xi16>
          %reshape3A_1532 = vector.shape_cast %add3A_1520 : vector<16xi32> to vector<16x1xi32>
          %gather3A_1533 = vector.shape_cast %reshape3A_1532 : vector<16x1xi32> to vector<16xi32>
          %gather3A_1534 = tpu.dynamic_gather %get3A_741[%gather3A_1533] in [0] : vector<16xi32>, vector<16xi32> -> vector<16xi32>
          %add3A_1535 = arith.constant 0 : i32
          %add3A_1536 = vector.broadcast %add3A_1535 : i32 to vector<16xi32>
          %add3A_1537 = arith.addi %iota3A, %add3A_1536 : vector<16xi32>
          %add3A_1538 = arith.addi %gather3A_1534, %add3A_1537 : vector<16xi32>
          %gather3A_1539 = tpu.vector_load_idx %arg6[%add3A_1538] : memref<4096xi32, #tpu.memory_space<vmem>>[vector<16xi32>], vector<16xi32>,
          %bitcast3A_1540 = vector.bitcast %gather3A_1539 : vector<16xi32> to vector<32xi16>
          %mul3A_1541 = arith.muli %bitcast3A_1516, %bitcast3A_1540 : vector<32xi16>
          %add3A_1542 = arith.addi %add3A_1441, %mul3A_1541 : vector<32xi16>
          %reshape3A_1543 = vector.shape_cast %add3A_1520 : vector<16xi32> to vector<16x1xi32>
          %gather3A_1544 = vector.shape_cast %reshape3A_1543 : vector<16x1xi32> to vector<16xi32>
          %gather3A_1545 = tpu.dynamic_gather %get3A_749[%gather3A_1544] in [0] : vector<16xi32>, vector<16xi32> -> vector<16xi32>
          %add3A_1546 = arith.constant 0 : i32
          %add3A_1547 = vector.broadcast %add3A_1546 : i32 to vector<16xi32>
          %add3A_1548 = arith.addi %iota3A, %add3A_1547 : vector<16xi32>
          %add3A_1549 = arith.addi %gather3A_1545, %add3A_1548 : vector<16xi32>
          %gather3A_1550 = tpu.vector_load_idx %arg6[%add3A_1549] : memref<4096xi32, #tpu.memory_space<vmem>>[vector<16xi32>], vector<16xi32>,
          %bitcast3A_1551 = vector.bitcast %gather3A_1550 : vector<16xi32> to vector<32xi16>
          %mul3A_1552 = arith.muli %bitcast3A_1516, %bitcast3A_1551 : vector<32xi16>
          %add3A_1553 = arith.addi %add3A_1452, %mul3A_1552 : vector<32xi16>
          %reshape3A_1554 = vector.shape_cast %add3A_1520 : vector<16xi32> to vector<16x1xi32>
          %gather3A_1555 = vector.shape_cast %reshape3A_1554 : vector<16x1xi32> to vector<16xi32>
          %gather3A_1556 = tpu.dynamic_gather %get3A_757[%gather3A_1555] in [0] : vector<16xi32>, vector<16xi32> -> vector<16xi32>
          %add3A_1557 = arith.constant 0 : i32
          %add3A_1558 = vector.broadcast %add3A_1557 : i32 to vector<16xi32>
          %add3A_1559 = arith.addi %iota3A, %add3A_1558 : vector<16xi32>
          %add3A_1560 = arith.addi %gather3A_1556, %add3A_1559 : vector<16xi32>
          %gather3A_1561 = tpu.vector_load_idx %arg6[%add3A_1560] : memref<4096xi32, #tpu.memory_space<vmem>>[vector<16xi32>], vector<16xi32>,
          %bitcast3A_1562 = vector.bitcast %gather3A_1561 : vector<16xi32> to vector<32xi16>
          %mul3A_1563 = arith.muli %bitcast3A_1516, %bitcast3A_1562 : vector<32xi16>
          %add3A_1564 = arith.addi %add3A_1463, %mul3A_1563 : vector<32xi16>
          %reshape3A_1565 = vector.shape_cast %add3A_1520 : vector<16xi32> to vector<16x1xi32>
          %gather3A_1566 = vector.shape_cast %reshape3A_1565 : vector<16x1xi32> to vector<16xi32>
          %gather3A_1567 = tpu.dynamic_gather %get3A_765[%gather3A_1566] in [0] : vector<16xi32>, vector<16xi32> -> vector<16xi32>
          %add3A_1568 = arith.constant 0 : i32
          %add3A_1569 = vector.broadcast %add3A_1568 : i32 to vector<16xi32>
          %add3A_1570 = arith.addi %iota3A, %add3A_1569 : vector<16xi32>
          %add3A_1571 = arith.addi %gather3A_1567, %add3A_1570 : vector<16xi32>
          %gather3A_1572 = tpu.vector_load_idx %arg6[%add3A_1571] : memref<4096xi32, #tpu.memory_space<vmem>>[vector<16xi32>], vector<16xi32>,
          %bitcast3A_1573 = vector.bitcast %gather3A_1572 : vector<16xi32> to vector<32xi16>
          %mul3A_1574 = arith.muli %bitcast3A_1516, %bitcast3A_1573 : vector<32xi16>
          %add3A_1575 = arith.addi %add3A_1474, %mul3A_1574 : vector<32xi16>
          %reshape3A_1576 = vector.shape_cast %add3A_1520 : vector<16xi32> to vector<16x1xi32>
          %gather3A_1577 = vector.shape_cast %reshape3A_1576 : vector<16x1xi32> to vector<16xi32>
          %gather3A_1578 = tpu.dynamic_gather %get3A_773[%gather3A_1577] in [0] : vector<16xi32>, vector<16xi32> -> vector<16xi32>
          %add3A_1579 = arith.constant 0 : i32
          %add3A_1580 = vector.broadcast %add3A_1579 : i32 to vector<16xi32>
          %add3A_1581 = arith.addi %iota3A, %add3A_1580 : vector<16xi32>
          %add3A_1582 = arith.addi %gather3A_1578, %add3A_1581 : vector<16xi32>
          %gather3A_1583 = tpu.vector_load_idx %arg6[%add3A_1582] : memref<4096xi32, #tpu.memory_space<vmem>>[vector<16xi32>], vector<16xi32>,
          %bitcast3A_1584 = vector.bitcast %gather3A_1583 : vector<16xi32> to vector<32xi16>
          %mul3A_1585 = arith.muli %bitcast3A_1516, %bitcast3A_1584 : vector<32xi16>
          %add3A_1586 = arith.addi %add3A_1485, %mul3A_1585 : vector<32xi16>
          %reshape3A_1587 = vector.shape_cast %add3A_1520 : vector<16xi32> to vector<16x1xi32>
          %gather3A_1588 = vector.shape_cast %reshape3A_1587 : vector<16x1xi32> to vector<16xi32>
          %gather3A_1589 = tpu.dynamic_gather %get3A_781[%gather3A_1588] in [0] : vector<16xi32>, vector<16xi32> -> vector<16xi32>
          %add3A_1590 = arith.constant 0 : i32
          %add3A_1591 = vector.broadcast %add3A_1590 : i32 to vector<16xi32>
          %add3A_1592 = arith.addi %iota3A, %add3A_1591 : vector<16xi32>
          %add3A_1593 = arith.addi %gather3A_1589, %add3A_1592 : vector<16xi32>
          %gather3A_1594 = tpu.vector_load_idx %arg6[%add3A_1593] : memref<4096xi32, #tpu.memory_space<vmem>>[vector<16xi32>], vector<16xi32>,
          %bitcast3A_1595 = vector.bitcast %gather3A_1594 : vector<16xi32> to vector<32xi16>
          %mul3A_1596 = arith.muli %bitcast3A_1516, %bitcast3A_1595 : vector<32xi16>
          %add3A_1597 = arith.addi %add3A_1496, %mul3A_1596 : vector<32xi16>
          %reshape3A_1598 = vector.shape_cast %add3A_1520 : vector<16xi32> to vector<16x1xi32>
          %gather3A_1599 = vector.shape_cast %reshape3A_1598 : vector<16x1xi32> to vector<16xi32>
          %gather3A_1600 = tpu.dynamic_gather %get3A_789[%gather3A_1599] in [0] : vector<16xi32>, vector<16xi32> -> vector<16xi32>
          %add3A_1601 = arith.constant 0 : i32
          %add3A_1602 = vector.broadcast %add3A_1601 : i32 to vector<16xi32>
          %add3A_1603 = arith.addi %iota3A, %add3A_1602 : vector<16xi32>
          %add3A_1604 = arith.addi %gather3A_1600, %add3A_1603 : vector<16xi32>
          %gather3A_1605 = tpu.vector_load_idx %arg6[%add3A_1604] : memref<4096xi32, #tpu.memory_space<vmem>>[vector<16xi32>], vector<16xi32>,
          %bitcast3A_1606 = vector.bitcast %gather3A_1605 : vector<16xi32> to vector<32xi16>
          %mul3A_1607 = arith.muli %bitcast3A_1516, %bitcast3A_1606 : vector<32xi16>
          %add3A_1608 = arith.addi %add3A_1507, %mul3A_1607 : vector<32xi16>
          scf.yield %add3A_1531, %add3A_1542, %add3A_1553, %add3A_1564, %add3A_1575, %add3A_1586, %add3A_1597, %add3A_1608 : vector<32xi16>, vector<32xi16>, vector<32xi16>, vector<32xi16>, vector<32xi16>, vector<32xi16>, vector<32xi16>, vector<32xi16>
        }
        %scan3A_795 = arith.constant 16 : i32
        scf.yield %scan3A_794#0, %scan3A_794#1, %scan3A_794#2, %scan3A_794#3, %scan3A_794#4, %scan3A_794#5, %scan3A_794#6, %scan3A_794#7 : vector<32xi16>, vector<32xi16>, vector<32xi16>, vector<32xi16>, vector<32xi16>, vector<32xi16>, vector<32xi16>, vector<32xi16>
      }
      %scan3A_51 = arith.constant 49 : i32
      %bitcast3A = vector.bitcast %scan3A_50#0 : vector<32xi16> to vector<16xi32>
      %shift_left3A = arith.constant 16 : i32
      %shift_left3A_52 = vector.broadcast %shift_left3A : i32 to vector<16xi32>
      %shift_left3A_53 = arith.shli %bitcast3A, %shift_left3A_52 : vector<16xi32>
      %shift_right_arithmetic3A = arith.constant 16 : i32
      %shift_right_arithmetic3A_54 = vector.broadcast %shift_right_arithmetic3A : i32 to vector<16xi32>
      %shift_right_arithmetic3A_55 = arith.shrsi %shift_left3A_53, %shift_right_arithmetic3A_54 : vector<16xi32>
      %shift_right_arithmetic3A_56 = arith.constant 16 : i32
      %shift_right_arithmetic3A_57 = vector.broadcast %shift_right_arithmetic3A_56 : i32 to vector<16xi32>
      %shift_right_arithmetic3A_58 = arith.shrsi %bitcast3A, %shift_right_arithmetic3A_57 : vector<16xi32>
      %gt3A = arith.constant 0 : i32
      %gt3A_59 = vector.broadcast %gt3A : i32 to vector<16xi32>
      %gt3A_60 = arith.cmpi sgt, %shift_right_arithmetic3A_55, %gt3A_59 : vector<16xi32>
      %jit3A = arith.constant 1 : i32
      %jit3A_61 = arith.constant -1 : i32
      %broadcast_in_dim3A_62 = vector.broadcast %jit3A : i32 to vector<16xi32>
      %broadcast_in_dim3A_63 = vector.broadcast %jit3A_61 : i32 to vector<16xi32>
      %select_n3A = arith.select %gt3A_60, %broadcast_in_dim3A_62, %broadcast_in_dim3A_63 : vector<16xi1>, vector<16xi32>
      %gt3A_64 = arith.constant 0 : i32
      %gt3A_65 = vector.broadcast %gt3A_64 : i32 to vector<16xi32>
      %gt3A_66 = arith.cmpi sgt, %shift_right_arithmetic3A_58, %gt3A_65 : vector<16xi32>
      %jit3A_67 = arith.constant 1 : i32
      %jit3A_68 = arith.constant -1 : i32
      %broadcast_in_dim3A_69 = vector.broadcast %jit3A_67 : i32 to vector<16xi32>
      %broadcast_in_dim3A_70 = vector.broadcast %jit3A_68 : i32 to vector<16xi32>
      %select_n3A_71 = arith.select %gt3A_66, %broadcast_in_dim3A_69, %broadcast_in_dim3A_70 : vector<16xi1>, vector<16xi32>
      %and3A = arith.constant 65535 : i32
      %and3A_72 = vector.broadcast %and3A : i32 to vector<16xi32>
      %and3A_73 = arith.andi %select_n3A, %and3A_72 : vector<16xi32>
      %shift_left3A_74 = arith.constant 16 : i32
      %shift_left3A_75 = vector.broadcast %shift_left3A_74 : i32 to vector<16xi32>
      %shift_left3A_76 = arith.shli %select_n3A_71, %shift_left3A_75 : vector<16xi32>
      %or3A = arith.ori %and3A_73, %shift_left3A_76 : vector<16xi32>
      %mul3A_77 = arith.constant 8 : i32
      %mul3A_78 = arith.muli %add3A_26, %mul3A_77 : i32
      %add3A_79 = arith.constant 0 : i32
      %add3A_80 = arith.addi %mul3A_78, %add3A_79 : i32
      %swap3A = arith.index_cast %add3A_80 : i32 to index
      %swap3A_81 = arith.constant 0 : index
      %swap3A_82 = tpu.vector_load %arg9[%swap3A, %swap3A_81] {strides = array<i32>} : memref<128x16xi32, #tpu.memory_space<vmem>>, vector<16xi32>,
      tpu.vector_store %arg9[%swap3A, %swap3A_81], %or3A {strides = array<i32>} : memref<128x16xi32, #tpu.memory_space<vmem>>, vector<16xi32>,
      %bitcast3A_83 = vector.bitcast %scan3A_50#1 : vector<32xi16> to vector<16xi32>
      %shift_left3A_84 = arith.constant 16 : i32
      %shift_left3A_85 = vector.broadcast %shift_left3A_84 : i32 to vector<16xi32>
      %shift_left3A_86 = arith.shli %bitcast3A_83, %shift_left3A_85 : vector<16xi32>
      %shift_right_arithmetic3A_87 = arith.constant 16 : i32
      %shift_right_arithmetic3A_88 = vector.broadcast %shift_right_arithmetic3A_87 : i32 to vector<16xi32>
      %shift_right_arithmetic3A_89 = arith.shrsi %shift_left3A_86, %shift_right_arithmetic3A_88 : vector<16xi32>
      %shift_right_arithmetic3A_90 = arith.constant 16 : i32
      %shift_right_arithmetic3A_91 = vector.broadcast %shift_right_arithmetic3A_90 : i32 to vector<16xi32>
      %shift_right_arithmetic3A_92 = arith.shrsi %bitcast3A_83, %shift_right_arithmetic3A_91 : vector<16xi32>
      %gt3A_93 = arith.constant 0 : i32
      %gt3A_94 = vector.broadcast %gt3A_93 : i32 to vector<16xi32>
      %gt3A_95 = arith.cmpi sgt, %shift_right_arithmetic3A_89, %gt3A_94 : vector<16xi32>
      %jit3A_96 = arith.constant 1 : i32
      %jit3A_97 = arith.constant -1 : i32
      %broadcast_in_dim3A_98 = vector.broadcast %jit3A_96 : i32 to vector<16xi32>
      %broadcast_in_dim3A_99 = vector.broadcast %jit3A_97 : i32 to vector<16xi32>
      %select_n3A_100 = arith.select %gt3A_95, %broadcast_in_dim3A_98, %broadcast_in_dim3A_99 : vector<16xi1>, vector<16xi32>
      %gt3A_101 = arith.constant 0 : i32
      %gt3A_102 = vector.broadcast %gt3A_101 : i32 to vector<16xi32>
      %gt3A_103 = arith.cmpi sgt, %shift_right_arithmetic3A_92, %gt3A_102 : vector<16xi32>
      %jit3A_104 = arith.constant 1 : i32
      %jit3A_105 = arith.constant -1 : i32
      %broadcast_in_dim3A_106 = vector.broadcast %jit3A_104 : i32 to vector<16xi32>
      %broadcast_in_dim3A_107 = vector.broadcast %jit3A_105 : i32 to vector<16xi32>
      %select_n3A_108 = arith.select %gt3A_103, %broadcast_in_dim3A_106, %broadcast_in_dim3A_107 : vector<16xi1>, vector<16xi32>
      %and3A_109 = arith.constant 65535 : i32
      %and3A_110 = vector.broadcast %and3A_109 : i32 to vector<16xi32>
      %and3A_111 = arith.andi %select_n3A_100, %and3A_110 : vector<16xi32>
      %shift_left3A_112 = arith.constant 16 : i32
      %shift_left3A_113 = vector.broadcast %shift_left3A_112 : i32 to vector<16xi32>
      %shift_left3A_114 = arith.shli %select_n3A_108, %shift_left3A_113 : vector<16xi32>
      %or3A_115 = arith.ori %and3A_111, %shift_left3A_114 : vector<16xi32>
      %mul3A_116 = arith.constant 8 : i32
      %mul3A_117 = arith.muli %add3A_26, %mul3A_116 : i32
      %add3A_118 = arith.constant 1 : i32
      %add3A_119 = arith.addi %mul3A_117, %add3A_118 : i32
      %swap3A_120 = arith.index_cast %add3A_119 : i32 to index
      %swap3A_121 = arith.constant 0 : index
      %swap3A_122 = tpu.vector_load %arg9[%swap3A_120, %swap3A_121] {strides = array<i32>} : memref<128x16xi32, #tpu.memory_space<vmem>>, vector<16xi32>,
      tpu.vector_store %arg9[%swap3A_120, %swap3A_121], %or3A_115 {strides = array<i32>} : memref<128x16xi32, #tpu.memory_space<vmem>>, vector<16xi32>,
      %bitcast3A_123 = vector.bitcast %scan3A_50#2 : vector<32xi16> to vector<16xi32>
      %shift_left3A_124 = arith.constant 16 : i32
      %shift_left3A_125 = vector.broadcast %shift_left3A_124 : i32 to vector<16xi32>
      %shift_left3A_126 = arith.shli %bitcast3A_123, %shift_left3A_125 : vector<16xi32>
      %shift_right_arithmetic3A_127 = arith.constant 16 : i32
      %shift_right_arithmetic3A_128 = vector.broadcast %shift_right_arithmetic3A_127 : i32 to vector<16xi32>
      %shift_right_arithmetic3A_129 = arith.shrsi %shift_left3A_126, %shift_right_arithmetic3A_128 : vector<16xi32>
      %shift_right_arithmetic3A_130 = arith.constant 16 : i32
      %shift_right_arithmetic3A_131 = vector.broadcast %shift_right_arithmetic3A_130 : i32 to vector<16xi32>
      %shift_right_arithmetic3A_132 = arith.shrsi %bitcast3A_123, %shift_right_arithmetic3A_131 : vector<16xi32>
      %gt3A_133 = arith.constant 0 : i32
      %gt3A_134 = vector.broadcast %gt3A_133 : i32 to vector<16xi32>
      %gt3A_135 = arith.cmpi sgt, %shift_right_arithmetic3A_129, %gt3A_134 : vector<16xi32>
      %jit3A_136 = arith.constant 1 : i32
      %jit3A_137 = arith.constant -1 : i32
      %broadcast_in_dim3A_138 = vector.broadcast %jit3A_136 : i32 to vector<16xi32>
      %broadcast_in_dim3A_139 = vector.broadcast %jit3A_137 : i32 to vector<16xi32>
      %select_n3A_140 = arith.select %gt3A_135, %broadcast_in_dim3A_138, %broadcast_in_dim3A_139 : vector<16xi1>, vector<16xi32>
      %gt3A_141 = arith.constant 0 : i32
      %gt3A_142 = vector.broadcast %gt3A_141 : i32 to vector<16xi32>
      %gt3A_143 = arith.cmpi sgt, %shift_right_arithmetic3A_132, %gt3A_142 : vector<16xi32>
      %jit3A_144 = arith.constant 1 : i32
      %jit3A_145 = arith.constant -1 : i32
      %broadcast_in_dim3A_146 = vector.broadcast %jit3A_144 : i32 to vector<16xi32>
      %broadcast_in_dim3A_147 = vector.broadcast %jit3A_145 : i32 to vector<16xi32>
      %select_n3A_148 = arith.select %gt3A_143, %broadcast_in_dim3A_146, %broadcast_in_dim3A_147 : vector<16xi1>, vector<16xi32>
      %and3A_149 = arith.constant 65535 : i32
      %and3A_150 = vector.broadcast %and3A_149 : i32 to vector<16xi32>
      %and3A_151 = arith.andi %select_n3A_140, %and3A_150 : vector<16xi32>
      %shift_left3A_152 = arith.constant 16 : i32
      %shift_left3A_153 = vector.broadcast %shift_left3A_152 : i32 to vector<16xi32>
      %shift_left3A_154 = arith.shli %select_n3A_148, %shift_left3A_153 : vector<16xi32>
      %or3A_155 = arith.ori %and3A_151, %shift_left3A_154 : vector<16xi32>
      %mul3A_156 = arith.constant 8 : i32
      %mul3A_157 = arith.muli %add3A_26, %mul3A_156 : i32
      %add3A_158 = arith.constant 2 : i32
      %add3A_159 = arith.addi %mul3A_157, %add3A_158 : i32
      %swap3A_160 = arith.index_cast %add3A_159 : i32 to index
      %swap3A_161 = arith.constant 0 : index
      %swap3A_162 = tpu.vector_load %arg9[%swap3A_160, %swap3A_161] {strides = array<i32>} : memref<128x16xi32, #tpu.memory_space<vmem>>, vector<16xi32>,
      tpu.vector_store %arg9[%swap3A_160, %swap3A_161], %or3A_155 {strides = array<i32>} : memref<128x16xi32, #tpu.memory_space<vmem>>, vector<16xi32>,
      %bitcast3A_163 = vector.bitcast %scan3A_50#3 : vector<32xi16> to vector<16xi32>
      %shift_left3A_164 = arith.constant 16 : i32
      %shift_left3A_165 = vector.broadcast %shift_left3A_164 : i32 to vector<16xi32>
      %shift_left3A_166 = arith.shli %bitcast3A_163, %shift_left3A_165 : vector<16xi32>
      %shift_right_arithmetic3A_167 = arith.constant 16 : i32
      %shift_right_arithmetic3A_168 = vector.broadcast %shift_right_arithmetic3A_167 : i32 to vector<16xi32>
      %shift_right_arithmetic3A_169 = arith.shrsi %shift_left3A_166, %shift_right_arithmetic3A_168 : vector<16xi32>
      %shift_right_arithmetic3A_170 = arith.constant 16 : i32
      %shift_right_arithmetic3A_171 = vector.broadcast %shift_right_arithmetic3A_170 : i32 to vector<16xi32>
      %shift_right_arithmetic3A_172 = arith.shrsi %bitcast3A_163, %shift_right_arithmetic3A_171 : vector<16xi32>
      %gt3A_173 = arith.constant 0 : i32
      %gt3A_174 = vector.broadcast %gt3A_173 : i32 to vector<16xi32>
      %gt3A_175 = arith.cmpi sgt, %shift_right_arithmetic3A_169, %gt3A_174 : vector<16xi32>
      %jit3A_176 = arith.constant 1 : i32
      %jit3A_177 = arith.constant -1 : i32
      %broadcast_in_dim3A_178 = vector.broadcast %jit3A_176 : i32 to vector<16xi32>
      %broadcast_in_dim3A_179 = vector.broadcast %jit3A_177 : i32 to vector<16xi32>
      %select_n3A_180 = arith.select %gt3A_175, %broadcast_in_dim3A_178, %broadcast_in_dim3A_179 : vector<16xi1>, vector<16xi32>
      %gt3A_181 = arith.constant 0 : i32
      %gt3A_182 = vector.broadcast %gt3A_181 : i32 to vector<16xi32>
      %gt3A_183 = arith.cmpi sgt, %shift_right_arithmetic3A_172, %gt3A_182 : vector<16xi32>
      %jit3A_184 = arith.constant 1 : i32
      %jit3A_185 = arith.constant -1 : i32
      %broadcast_in_dim3A_186 = vector.broadcast %jit3A_184 : i32 to vector<16xi32>
      %broadcast_in_dim3A_187 = vector.broadcast %jit3A_185 : i32 to vector<16xi32>
      %select_n3A_188 = arith.select %gt3A_183, %broadcast_in_dim3A_186, %broadcast_in_dim3A_187 : vector<16xi1>, vector<16xi32>
      %and3A_189 = arith.constant 65535 : i32
      %and3A_190 = vector.broadcast %and3A_189 : i32 to vector<16xi32>
      %and3A_191 = arith.andi %select_n3A_180, %and3A_190 : vector<16xi32>
      %shift_left3A_192 = arith.constant 16 : i32
      %shift_left3A_193 = vector.broadcast %shift_left3A_192 : i32 to vector<16xi32>
      %shift_left3A_194 = arith.shli %select_n3A_188, %shift_left3A_193 : vector<16xi32>
      %or3A_195 = arith.ori %and3A_191, %shift_left3A_194 : vector<16xi32>
      %mul3A_196 = arith.constant 8 : i32
      %mul3A_197 = arith.muli %add3A_26, %mul3A_196 : i32
      %add3A_198 = arith.constant 3 : i32
      %add3A_199 = arith.addi %mul3A_197, %add3A_198 : i32
      %swap3A_200 = arith.index_cast %add3A_199 : i32 to index
      %swap3A_201 = arith.constant 0 : index
      %swap3A_202 = tpu.vector_load %arg9[%swap3A_200, %swap3A_201] {strides = array<i32>} : memref<128x16xi32, #tpu.memory_space<vmem>>, vector<16xi32>,
      tpu.vector_store %arg9[%swap3A_200, %swap3A_201], %or3A_195 {strides = array<i32>} : memref<128x16xi32, #tpu.memory_space<vmem>>, vector<16xi32>,
      %bitcast3A_203 = vector.bitcast %scan3A_50#4 : vector<32xi16> to vector<16xi32>
      %shift_left3A_204 = arith.constant 16 : i32
      %shift_left3A_205 = vector.broadcast %shift_left3A_204 : i32 to vector<16xi32>
      %shift_left3A_206 = arith.shli %bitcast3A_203, %shift_left3A_205 : vector<16xi32>
      %shift_right_arithmetic3A_207 = arith.constant 16 : i32
      %shift_right_arithmetic3A_208 = vector.broadcast %shift_right_arithmetic3A_207 : i32 to vector<16xi32>
      %shift_right_arithmetic3A_209 = arith.shrsi %shift_left3A_206, %shift_right_arithmetic3A_208 : vector<16xi32>
      %shift_right_arithmetic3A_210 = arith.constant 16 : i32
      %shift_right_arithmetic3A_211 = vector.broadcast %shift_right_arithmetic3A_210 : i32 to vector<16xi32>
      %shift_right_arithmetic3A_212 = arith.shrsi %bitcast3A_203, %shift_right_arithmetic3A_211 : vector<16xi32>
      %gt3A_213 = arith.constant 0 : i32
      %gt3A_214 = vector.broadcast %gt3A_213 : i32 to vector<16xi32>
      %gt3A_215 = arith.cmpi sgt, %shift_right_arithmetic3A_209, %gt3A_214 : vector<16xi32>
      %jit3A_216 = arith.constant 1 : i32
      %jit3A_217 = arith.constant -1 : i32
      %broadcast_in_dim3A_218 = vector.broadcast %jit3A_216 : i32 to vector<16xi32>
      %broadcast_in_dim3A_219 = vector.broadcast %jit3A_217 : i32 to vector<16xi32>
      %select_n3A_220 = arith.select %gt3A_215, %broadcast_in_dim3A_218, %broadcast_in_dim3A_219 : vector<16xi1>, vector<16xi32>
      %gt3A_221 = arith.constant 0 : i32
      %gt3A_222 = vector.broadcast %gt3A_221 : i32 to vector<16xi32>
      %gt3A_223 = arith.cmpi sgt, %shift_right_arithmetic3A_212, %gt3A_222 : vector<16xi32>
      %jit3A_224 = arith.constant 1 : i32
      %jit3A_225 = arith.constant -1 : i32
      %broadcast_in_dim3A_226 = vector.broadcast %jit3A_224 : i32 to vector<16xi32>
      %broadcast_in_dim3A_227 = vector.broadcast %jit3A_225 : i32 to vector<16xi32>
      %select_n3A_228 = arith.select %gt3A_223, %broadcast_in_dim3A_226, %broadcast_in_dim3A_227 : vector<16xi1>, vector<16xi32>
      %and3A_229 = arith.constant 65535 : i32
      %and3A_230 = vector.broadcast %and3A_229 : i32 to vector<16xi32>
      %and3A_231 = arith.andi %select_n3A_220, %and3A_230 : vector<16xi32>
      %shift_left3A_232 = arith.constant 16 : i32
      %shift_left3A_233 = vector.broadcast %shift_left3A_232 : i32 to vector<16xi32>
      %shift_left3A_234 = arith.shli %select_n3A_228, %shift_left3A_233 : vector<16xi32>
      %or3A_235 = arith.ori %and3A_231, %shift_left3A_234 : vector<16xi32>
      %mul3A_236 = arith.constant 8 : i32
      %mul3A_237 = arith.muli %add3A_26, %mul3A_236 : i32
      %add3A_238 = arith.constant 4 : i32
      %add3A_239 = arith.addi %mul3A_237, %add3A_238 : i32
      %swap3A_240 = arith.index_cast %add3A_239 : i32 to index
      %swap3A_241 = arith.constant 0 : index
      %swap3A_242 = tpu.vector_load %arg9[%swap3A_240, %swap3A_241] {strides = array<i32>} : memref<128x16xi32, #tpu.memory_space<vmem>>, vector<16xi32>,
      tpu.vector_store %arg9[%swap3A_240, %swap3A_241], %or3A_235 {strides = array<i32>} : memref<128x16xi32, #tpu.memory_space<vmem>>, vector<16xi32>,
      %bitcast3A_243 = vector.bitcast %scan3A_50#5 : vector<32xi16> to vector<16xi32>
      %shift_left3A_244 = arith.constant 16 : i32
      %shift_left3A_245 = vector.broadcast %shift_left3A_244 : i32 to vector<16xi32>
      %shift_left3A_246 = arith.shli %bitcast3A_243, %shift_left3A_245 : vector<16xi32>
      %shift_right_arithmetic3A_247 = arith.constant 16 : i32
      %shift_right_arithmetic3A_248 = vector.broadcast %shift_right_arithmetic3A_247 : i32 to vector<16xi32>
      %shift_right_arithmetic3A_249 = arith.shrsi %shift_left3A_246, %shift_right_arithmetic3A_248 : vector<16xi32>
      %shift_right_arithmetic3A_250 = arith.constant 16 : i32
      %shift_right_arithmetic3A_251 = vector.broadcast %shift_right_arithmetic3A_250 : i32 to vector<16xi32>
      %shift_right_arithmetic3A_252 = arith.shrsi %bitcast3A_243, %shift_right_arithmetic3A_251 : vector<16xi32>
      %gt3A_253 = arith.constant 0 : i32
      %gt3A_254 = vector.broadcast %gt3A_253 : i32 to vector<16xi32>
      %gt3A_255 = arith.cmpi sgt, %shift_right_arithmetic3A_249, %gt3A_254 : vector<16xi32>
      %jit3A_256 = arith.constant 1 : i32
      %jit3A_257 = arith.constant -1 : i32
      %broadcast_in_dim3A_258 = vector.broadcast %jit3A_256 : i32 to vector<16xi32>
      %broadcast_in_dim3A_259 = vector.broadcast %jit3A_257 : i32 to vector<16xi32>
      %select_n3A_260 = arith.select %gt3A_255, %broadcast_in_dim3A_258, %broadcast_in_dim3A_259 : vector<16xi1>, vector<16xi32>
      %gt3A_261 = arith.constant 0 : i32
      %gt3A_262 = vector.broadcast %gt3A_261 : i32 to vector<16xi32>
      %gt3A_263 = arith.cmpi sgt, %shift_right_arithmetic3A_252, %gt3A_262 : vector<16xi32>
      %jit3A_264 = arith.constant 1 : i32
      %jit3A_265 = arith.constant -1 : i32
      %broadcast_in_dim3A_266 = vector.broadcast %jit3A_264 : i32 to vector<16xi32>
      %broadcast_in_dim3A_267 = vector.broadcast %jit3A_265 : i32 to vector<16xi32>
      %select_n3A_268 = arith.select %gt3A_263, %broadcast_in_dim3A_266, %broadcast_in_dim3A_267 : vector<16xi1>, vector<16xi32>
      %and3A_269 = arith.constant 65535 : i32
      %and3A_270 = vector.broadcast %and3A_269 : i32 to vector<16xi32>
      %and3A_271 = arith.andi %select_n3A_260, %and3A_270 : vector<16xi32>
      %shift_left3A_272 = arith.constant 16 : i32
      %shift_left3A_273 = vector.broadcast %shift_left3A_272 : i32 to vector<16xi32>
      %shift_left3A_274 = arith.shli %select_n3A_268, %shift_left3A_273 : vector<16xi32>
      %or3A_275 = arith.ori %and3A_271, %shift_left3A_274 : vector<16xi32>
      %mul3A_276 = arith.constant 8 : i32
      %mul3A_277 = arith.muli %add3A_26, %mul3A_276 : i32
      %add3A_278 = arith.constant 5 : i32
      %add3A_279 = arith.addi %mul3A_277, %add3A_278 : i32
      %swap3A_280 = arith.index_cast %add3A_279 : i32 to index
      %swap3A_281 = arith.constant 0 : index
      %swap3A_282 = tpu.vector_load %arg9[%swap3A_280, %swap3A_281] {strides = array<i32>} : memref<128x16xi32, #tpu.memory_space<vmem>>, vector<16xi32>,
      tpu.vector_store %arg9[%swap3A_280, %swap3A_281], %or3A_275 {strides = array<i32>} : memref<128x16xi32, #tpu.memory_space<vmem>>, vector<16xi32>,
      %bitcast3A_283 = vector.bitcast %scan3A_50#6 : vector<32xi16> to vector<16xi32>
      %shift_left3A_284 = arith.constant 16 : i32
      %shift_left3A_285 = vector.broadcast %shift_left3A_284 : i32 to vector<16xi32>
      %shift_left3A_286 = arith.shli %bitcast3A_283, %shift_left3A_285 : vector<16xi32>
      %shift_right_arithmetic3A_287 = arith.constant 16 : i32
      %shift_right_arithmetic3A_288 = vector.broadcast %shift_right_arithmetic3A_287 : i32 to vector<16xi32>
      %shift_right_arithmetic3A_289 = arith.shrsi %shift_left3A_286, %shift_right_arithmetic3A_288 : vector<16xi32>
      %shift_right_arithmetic3A_290 = arith.constant 16 : i32
      %shift_right_arithmetic3A_291 = vector.broadcast %shift_right_arithmetic3A_290 : i32 to vector<16xi32>
      %shift_right_arithmetic3A_292 = arith.shrsi %bitcast3A_283, %shift_right_arithmetic3A_291 : vector<16xi32>
      %gt3A_293 = arith.constant 0 : i32
      %gt3A_294 = vector.broadcast %gt3A_293 : i32 to vector<16xi32>
      %gt3A_295 = arith.cmpi sgt, %shift_right_arithmetic3A_289, %gt3A_294 : vector<16xi32>
      %jit3A_296 = arith.constant 1 : i32
      %jit3A_297 = arith.constant -1 : i32
      %broadcast_in_dim3A_298 = vector.broadcast %jit3A_296 : i32 to vector<16xi32>
      %broadcast_in_dim3A_299 = vector.broadcast %jit3A_297 : i32 to vector<16xi32>
      %select_n3A_300 = arith.select %gt3A_295, %broadcast_in_dim3A_298, %broadcast_in_dim3A_299 : vector<16xi1>, vector<16xi32>
      %gt3A_301 = arith.constant 0 : i32
      %gt3A_302 = vector.broadcast %gt3A_301 : i32 to vector<16xi32>
      %gt3A_303 = arith.cmpi sgt, %shift_right_arithmetic3A_292, %gt3A_302 : vector<16xi32>
      %jit3A_304 = arith.constant 1 : i32
      %jit3A_305 = arith.constant -1 : i32
      %broadcast_in_dim3A_306 = vector.broadcast %jit3A_304 : i32 to vector<16xi32>
      %broadcast_in_dim3A_307 = vector.broadcast %jit3A_305 : i32 to vector<16xi32>
      %select_n3A_308 = arith.select %gt3A_303, %broadcast_in_dim3A_306, %broadcast_in_dim3A_307 : vector<16xi1>, vector<16xi32>
      %and3A_309 = arith.constant 65535 : i32
      %and3A_310 = vector.broadcast %and3A_309 : i32 to vector<16xi32>
      %and3A_311 = arith.andi %select_n3A_300, %and3A_310 : vector<16xi32>
      %shift_left3A_312 = arith.constant 16 : i32
      %shift_left3A_313 = vector.broadcast %shift_left3A_312 : i32 to vector<16xi32>
      %shift_left3A_314 = arith.shli %select_n3A_308, %shift_left3A_313 : vector<16xi32>
      %or3A_315 = arith.ori %and3A_311, %shift_left3A_314 : vector<16xi32>
      %mul3A_316 = arith.constant 8 : i32
      %mul3A_317 = arith.muli %add3A_26, %mul3A_316 : i32
      %add3A_318 = arith.constant 6 : i32
      %add3A_319 = arith.addi %mul3A_317, %add3A_318 : i32
      %swap3A_320 = arith.index_cast %add3A_319 : i32 to index
      %swap3A_321 = arith.constant 0 : index
      %swap3A_322 = tpu.vector_load %arg9[%swap3A_320, %swap3A_321] {strides = array<i32>} : memref<128x16xi32, #tpu.memory_space<vmem>>, vector<16xi32>,
      tpu.vector_store %arg9[%swap3A_320, %swap3A_321], %or3A_315 {strides = array<i32>} : memref<128x16xi32, #tpu.memory_space<vmem>>, vector<16xi32>,
      %bitcast3A_323 = vector.bitcast %scan3A_50#7 : vector<32xi16> to vector<16xi32>
      %shift_left3A_324 = arith.constant 16 : i32
      %shift_left3A_325 = vector.broadcast %shift_left3A_324 : i32 to vector<16xi32>
      %shift_left3A_326 = arith.shli %bitcast3A_323, %shift_left3A_325 : vector<16xi32>
      %shift_right_arithmetic3A_327 = arith.constant 16 : i32
      %shift_right_arithmetic3A_328 = vector.broadcast %shift_right_arithmetic3A_327 : i32 to vector<16xi32>
      %shift_right_arithmetic3A_329 = arith.shrsi %shift_left3A_326, %shift_right_arithmetic3A_328 : vector<16xi32>
      %shift_right_arithmetic3A_330 = arith.constant 16 : i32
      %shift_right_arithmetic3A_331 = vector.broadcast %shift_right_arithmetic3A_330 : i32 to vector<16xi32>
      %shift_right_arithmetic3A_332 = arith.shrsi %bitcast3A_323, %shift_right_arithmetic3A_331 : vector<16xi32>
      %gt3A_333 = arith.constant 0 : i32
      %gt3A_334 = vector.broadcast %gt3A_333 : i32 to vector<16xi32>
      %gt3A_335 = arith.cmpi sgt, %shift_right_arithmetic3A_329, %gt3A_334 : vector<16xi32>
      %jit3A_336 = arith.constant 1 : i32
      %jit3A_337 = arith.constant -1 : i32
      %broadcast_in_dim3A_338 = vector.broadcast %jit3A_336 : i32 to vector<16xi32>
      %broadcast_in_dim3A_339 = vector.broadcast %jit3A_337 : i32 to vector<16xi32>
      %select_n3A_340 = arith.select %gt3A_335, %broadcast_in_dim3A_338, %broadcast_in_dim3A_339 : vector<16xi1>, vector<16xi32>
      %gt3A_341 = arith.constant 0 : i32
      %gt3A_342 = vector.broadcast %gt3A_341 : i32 to vector<16xi32>
      %gt3A_343 = arith.cmpi sgt, %shift_right_arithmetic3A_332, %gt3A_342 : vector<16xi32>
      %jit3A_344 = arith.constant 1 : i32
      %jit3A_345 = arith.constant -1 : i32
      %broadcast_in_dim3A_346 = vector.broadcast %jit3A_344 : i32 to vector<16xi32>
      %broadcast_in_dim3A_347 = vector.broadcast %jit3A_345 : i32 to vector<16xi32>
      %select_n3A_348 = arith.select %gt3A_343, %broadcast_in_dim3A_346, %broadcast_in_dim3A_347 : vector<16xi1>, vector<16xi32>
      %and3A_349 = arith.constant 65535 : i32
      %and3A_350 = vector.broadcast %and3A_349 : i32 to vector<16xi32>
      %and3A_351 = arith.andi %select_n3A_340, %and3A_350 : vector<16xi32>
      %shift_left3A_352 = arith.constant 16 : i32
      %shift_left3A_353 = vector.broadcast %shift_left3A_352 : i32 to vector<16xi32>
      %shift_left3A_354 = arith.shli %select_n3A_348, %shift_left3A_353 : vector<16xi32>
      %or3A_355 = arith.ori %and3A_351, %shift_left3A_354 : vector<16xi32>
      %mul3A_356 = arith.constant 8 : i32
      %mul3A_357 = arith.muli %add3A_26, %mul3A_356 : i32
      %add3A_358 = arith.constant 7 : i32
      %add3A_359 = arith.addi %mul3A_357, %add3A_358 : i32
      %swap3A_360 = arith.index_cast %add3A_359 : i32 to index
      %swap3A_361 = arith.constant 0 : index
      %swap3A_362 = tpu.vector_load %arg9[%swap3A_360, %swap3A_361] {strides = array<i32>} : memref<128x16xi32, #tpu.memory_space<vmem>>, vector<16xi32>,
      tpu.vector_store %arg9[%swap3A_360, %swap3A_361], %or3A_355 {strides = array<i32>} : memref<128x16xi32, #tpu.memory_space<vmem>>, vector<16xi32>,
      %mul3A_363 = arith.constant 2 : i32
      %mul3A_364 = arith.muli %scan3A_21, %mul3A_363 : i32
      %add3A_365 = arith.constant 1 : i32
      %add3A_366 = arith.addi %mul3A_364, %add3A_365 : i32
      %dma_wait3A_367 = arith.constant 1 : i32
      %dma_wait3A_368 = arith.constant 0 : i32
      %dma_wait3A_369 = arith.constant 0 : i32
      %dma_wait3A_370 = tpu.memref_slice %arg8[%dma_wait3A_367, %dma_wait3A_368, %dma_wait3A_369] : memref<2x8x784xi32, #tpu.memory_space<vmem>> -> memref<1x8x784xi32, #tpu.memory_space<vmem>>
      %dma_wait3A_371 = tpu.memref_squeeze %dma_wait3A_370 : memref<1x8x784xi32, #tpu.memory_space<vmem>> -> memref<8x784xi32, #tpu.memory_space<vmem>>
      %dma_wait3A_372 = arith.constant 0 : i32
      %dma_wait3A_373 = arith.constant 0 : i32
      %dma_wait3A_374 = tpu.memref_slice %arg2[%dma_wait3A_372, %dma_wait3A_373] : memref<128x784xi32, #tpu.memory_space<hbm>> -> memref<8x784xi32, #tpu.memory_space<hbm>>
      %dma_wait3A_375 = arith.constant 0 : i32
      %dma_wait3A_376 = arith.constant 0 : i32
      %dma_wait3A_377 = tpu.memref_slice %arg8[%dma_wait3A_367, %dma_wait3A_375, %dma_wait3A_376] : memref<2x8x784xi32, #tpu.memory_space<vmem>> -> memref<1x8x784xi32, #tpu.memory_space<vmem>>
      %dma_wait3A_378 = tpu.memref_squeeze %dma_wait3A_377 : memref<1x8x784xi32, #tpu.memory_space<vmem>> -> memref<8x784xi32, #tpu.memory_space<vmem>>
      %dma_wait3A_379 = arith.constant 0 : i32
      %dma_wait3A_380 = arith.constant 0 : i32
      %dma_wait3A_381 = tpu.memref_slice %arg2[%dma_wait3A_379, %dma_wait3A_380] : memref<128x784xi32, #tpu.memory_space<hbm>> -> memref<8x784xi32, #tpu.memory_space<hbm>>
      tpu.wait_dma2 semaphore(%arg11 : memref<!tpu.dma_semaphore, #tpu.memory_space<semaphore_mem>>) src(%dma_wait3A_381 : memref<8x784xi32, #tpu.memory_space<hbm>>) dst(%dma_wait3A_378 : memref<8x784xi32, #tpu.memory_space<vmem>>)
      %add3A_382 = arith.constant 1 : i32
      %add3A_383 = arith.addi %add3A_366, %add3A_382 : i32
      %lt3A_384 = arith.constant 16 : i32
      %lt3A_385 = arith.cmpi slt, %add3A_383, %lt3A_384 : i32
      %convert_element_type3A_386 = arith.extui %lt3A_385 : i1 to i32
      %cond3A_387 = arith.constant 0 : i32
      %cond3A_388 = arith.cmpi ne, %convert_element_type3A_386, %cond3A_387 : i32
      scf.if %cond3A_388 {
        %mul3A_718 = arith.constant 8 : i32
        %mul3A_719 = arith.muli %add3A_383, %mul3A_718 : i32
        %dma_start3A_720 = arith.constant 0 : i32
        %dma_start3A_721 = arith.constant 0 : i32
        %dma_start3A_722 = arith.constant 0 : i32
        %dma_start3A_723 = tpu.memref_slice %arg8[%dma_start3A_720, %dma_start3A_721, %dma_start3A_722] : memref<2x8x784xi32, #tpu.memory_space<vmem>> -> memref<1x8x784xi32, #tpu.memory_space<vmem>>
        %dma_start3A_724 = tpu.memref_squeeze %dma_start3A_723 : memref<1x8x784xi32, #tpu.memory_space<vmem>> -> memref<8x784xi32, #tpu.memory_space<vmem>>
        %dma_start3A_725 = arith.constant 0 : i32
        %dma_start3A_726 = tpu.memref_slice %arg2[%mul3A_719, %dma_start3A_725] : memref<128x784xi32, #tpu.memory_space<hbm>> -> memref<8x784xi32, #tpu.memory_space<hbm>>
        %dma_start3A_727 = arith.constant 0 : i32
        %dma_start3A_728 = arith.constant 0 : i32
        %dma_start3A_729 = tpu.memref_slice %arg8[%dma_start3A_720, %dma_start3A_727, %dma_start3A_728] : memref<2x8x784xi32, #tpu.memory_space<vmem>> -> memref<1x8x784xi32, #tpu.memory_space<vmem>>
        %dma_start3A_730 = tpu.memref_squeeze %dma_start3A_729 : memref<1x8x784xi32, #tpu.memory_space<vmem>> -> memref<8x784xi32, #tpu.memory_space<vmem>>
        %dma_start3A_731 = arith.constant 0 : i32
        %dma_start3A_732 = tpu.memref_slice %arg2[%mul3A_719, %dma_start3A_731] : memref<128x784xi32, #tpu.memory_space<hbm>> -> memref<8x784xi32, #tpu.memory_space<hbm>>
        tpu.enqueue_dma source(%dma_start3A_732 : memref<8x784xi32, #tpu.memory_space<hbm>>) target(%dma_start3A_730 : memref<8x784xi32, #tpu.memory_space<vmem>>) target_semaphore(%arg10 : memref<!tpu.dma_semaphore, #tpu.memory_space<semaphore_mem>>)
      } else {
      }
      %broadcast_in_dim3A_389 = arith.constant 0 : i16
      %broadcast_in_dim3A_390 = vector.broadcast %broadcast_in_dim3A_389 : i16 to vector<32xi16>
      %scan3A_391 = arith.constant 0 : i32
      %scan3A_392 = arith.constant 49 : i32
      %scan3A_393 = arith.addi %scan3A_391, %scan3A_392 : i32
      %scan3A_394 = arith.constant 1 : i32
      %scan3A_395:8 = scf.for %scan3A_718 = %scan3A_391 to %scan3A_393 step %scan3A_394 iter_args(%scan3A_719 = %broadcast_in_dim3A_390, %scan3A_720 = %broadcast_in_dim3A_390, %scan3A_721 = %broadcast_in_dim3A_390, %scan3A_722 = %broadcast_in_dim3A_390, %scan3A_723 = %broadcast_in_dim3A_390, %scan3A_724 = %broadcast_in_dim3A_390, %scan3A_725 = %broadcast_in_dim3A_390, %scan3A_726 = %broadcast_in_dim3A_390) -> (vector<32xi16>, vector<32xi16>, vector<32xi16>, vector<32xi16>, vector<32xi16>, vector<32xi16>, vector<32xi16>, vector<32xi16>)  : i32 {
        %mul3A_727 = arith.constant 16 : i32
        %mul3A_728 = arith.muli %scan3A_718, %mul3A_727 : i32
        %get3A = arith.constant 1 : i32
        %get3A_729 = arith.constant 0 : i32
        %get3A_730 = arith.index_cast %get3A : i32 to index
        %get3A_731 = arith.index_cast %get3A_729 : i32 to index
        %get3A_732 = arith.index_cast %mul3A_728 : i32 to index
        %get3A_733 = tpu.vector_load %arg8[%get3A_730, %get3A_731, %get3A_732] {strides = array<i32>} : memref<2x8x784xi32, #tpu.memory_space<vmem>>, vector<16xi32>,
        %mul3A_734 = arith.constant 16 : i32
        %mul3A_735 = arith.muli %scan3A_718, %mul3A_734 : i32
        %get3A_736 = arith.constant 1 : i32
        %get3A_737 = arith.constant 1 : i32
        %get3A_738 = arith.index_cast %get3A_736 : i32 to index
        %get3A_739 = arith.index_cast %get3A_737 : i32 to index
        %get3A_740 = arith.index_cast %mul3A_735 : i32 to index
        %get3A_741 = tpu.vector_load %arg8[%get3A_738, %get3A_739, %get3A_740] {strides = array<i32>} : memref<2x8x784xi32, #tpu.memory_space<vmem>>, vector<16xi32>,
        %mul3A_742 = arith.constant 16 : i32
        %mul3A_743 = arith.muli %scan3A_718, %mul3A_742 : i32
        %get3A_744 = arith.constant 1 : i32
        %get3A_745 = arith.constant 2 : i32
        %get3A_746 = arith.index_cast %get3A_744 : i32 to index
        %get3A_747 = arith.index_cast %get3A_745 : i32 to index
        %get3A_748 = arith.index_cast %mul3A_743 : i32 to index
        %get3A_749 = tpu.vector_load %arg8[%get3A_746, %get3A_747, %get3A_748] {strides = array<i32>} : memref<2x8x784xi32, #tpu.memory_space<vmem>>, vector<16xi32>,
        %mul3A_750 = arith.constant 16 : i32
        %mul3A_751 = arith.muli %scan3A_718, %mul3A_750 : i32
        %get3A_752 = arith.constant 1 : i32
        %get3A_753 = arith.constant 3 : i32
        %get3A_754 = arith.index_cast %get3A_752 : i32 to index
        %get3A_755 = arith.index_cast %get3A_753 : i32 to index
        %get3A_756 = arith.index_cast %mul3A_751 : i32 to index
        %get3A_757 = tpu.vector_load %arg8[%get3A_754, %get3A_755, %get3A_756] {strides = array<i32>} : memref<2x8x784xi32, #tpu.memory_space<vmem>>, vector<16xi32>,
        %mul3A_758 = arith.constant 16 : i32
        %mul3A_759 = arith.muli %scan3A_718, %mul3A_758 : i32
        %get3A_760 = arith.constant 1 : i32
        %get3A_761 = arith.constant 4 : i32
        %get3A_762 = arith.index_cast %get3A_760 : i32 to index
        %get3A_763 = arith.index_cast %get3A_761 : i32 to index
        %get3A_764 = arith.index_cast %mul3A_759 : i32 to index
        %get3A_765 = tpu.vector_load %arg8[%get3A_762, %get3A_763, %get3A_764] {strides = array<i32>} : memref<2x8x784xi32, #tpu.memory_space<vmem>>, vector<16xi32>,
        %mul3A_766 = arith.constant 16 : i32
        %mul3A_767 = arith.muli %scan3A_718, %mul3A_766 : i32
        %get3A_768 = arith.constant 1 : i32
        %get3A_769 = arith.constant 5 : i32
        %get3A_770 = arith.index_cast %get3A_768 : i32 to index
        %get3A_771 = arith.index_cast %get3A_769 : i32 to index
        %get3A_772 = arith.index_cast %mul3A_767 : i32 to index
        %get3A_773 = tpu.vector_load %arg8[%get3A_770, %get3A_771, %get3A_772] {strides = array<i32>} : memref<2x8x784xi32, #tpu.memory_space<vmem>>, vector<16xi32>,
        %mul3A_774 = arith.constant 16 : i32
        %mul3A_775 = arith.muli %scan3A_718, %mul3A_774 : i32
        %get3A_776 = arith.constant 1 : i32
        %get3A_777 = arith.constant 6 : i32
        %get3A_778 = arith.index_cast %get3A_776 : i32 to index
        %get3A_779 = arith.index_cast %get3A_777 : i32 to index
        %get3A_780 = arith.index_cast %mul3A_775 : i32 to index
        %get3A_781 = tpu.vector_load %arg8[%get3A_778, %get3A_779, %get3A_780] {strides = array<i32>} : memref<2x8x784xi32, #tpu.memory_space<vmem>>, vector<16xi32>,
        %mul3A_782 = arith.constant 16 : i32
        %mul3A_783 = arith.muli %scan3A_718, %mul3A_782 : i32
        %get3A_784 = arith.constant 1 : i32
        %get3A_785 = arith.constant 7 : i32
        %get3A_786 = arith.index_cast %get3A_784 : i32 to index
        %get3A_787 = arith.index_cast %get3A_785 : i32 to index
        %get3A_788 = arith.index_cast %mul3A_783 : i32 to index
        %get3A_789 = tpu.vector_load %arg8[%get3A_786, %get3A_787, %get3A_788] {strides = array<i32>} : memref<2x8x784xi32, #tpu.memory_space<vmem>>, vector<16xi32>,
        %scan3A_790 = arith.constant 0 : i32
        %scan3A_791 = arith.constant 16 : i32
        %scan3A_792 = arith.addi %scan3A_790, %scan3A_791 : i32
        %scan3A_793 = arith.constant 8 : i32
        %scan3A_794:8 = scf.for %scan3A_796 = %scan3A_790 to %scan3A_792 step %scan3A_793 iter_args(%scan3A_797 = %scan3A_719, %scan3A_798 = %scan3A_720, %scan3A_799 = %scan3A_721, %scan3A_800 = %scan3A_722, %scan3A_801 = %scan3A_723, %scan3A_802 = %scan3A_724, %scan3A_803 = %scan3A_725, %scan3A_804 = %scan3A_726) -> (vector<32xi16>, vector<32xi16>, vector<32xi16>, vector<32xi16>, vector<32xi16>, vector<32xi16>, vector<32xi16>, vector<32xi16>)  : i32 {
          %mul3A_805 = arith.constant 16 : i32
          %mul3A_806 = arith.muli %scan3A_718, %mul3A_805 : i32
          %add3A_807 = arith.addi %mul3A_806, %scan3A_796 : i32
          %get3A_808 = arith.index_cast %add3A_807 : i32 to index
          %get3A_809 = arith.constant 0 : index
          %get3A_810 = tpu.vector_load %arg7[%get3A_808, %get3A_809] {strides = array<i32>} : memref<784x16xi32, #tpu.memory_space<vmem>>, vector<16xi32>,
          %bitcast3A_811 = vector.bitcast %get3A_810 : vector<16xi32> to vector<32xi16>
          %broadcast_in_dim3A_812 = arith.constant 0 : i32
          %broadcast_in_dim3A_813 = vector.broadcast %broadcast_in_dim3A_812 : i32 to vector<16xi32>
          %add3A_814 = vector.broadcast %scan3A_796 : i32 to vector<16xi32>
          %add3A_815 = arith.addi %broadcast_in_dim3A_813, %add3A_814 : vector<16xi32>
          %reshape3A = vector.shape_cast %add3A_815 : vector<16xi32> to vector<16x1xi32>
          %gather3A = vector.shape_cast %reshape3A : vector<16x1xi32> to vector<16xi32>
          %gather3A_816 = tpu.dynamic_gather %get3A_733[%gather3A] in [0] : vector<16xi32>, vector<16xi32> -> vector<16xi32>
          %add3A_817 = arith.constant 0 : i32
          %add3A_818 = vector.broadcast %add3A_817 : i32 to vector<16xi32>
          %add3A_819 = arith.addi %iota3A, %add3A_818 : vector<16xi32>
          %add3A_820 = arith.addi %gather3A_816, %add3A_819 : vector<16xi32>
          %gather3A_821 = tpu.vector_load_idx %arg6[%add3A_820] : memref<4096xi32, #tpu.memory_space<vmem>>[vector<16xi32>], vector<16xi32>,
          %bitcast3A_822 = vector.bitcast %gather3A_821 : vector<16xi32> to vector<32xi16>
          %mul3A_823 = arith.muli %bitcast3A_811, %bitcast3A_822 : vector<32xi16>
          %add3A_824 = arith.addi %scan3A_797, %mul3A_823 : vector<32xi16>
          %reshape3A_825 = vector.shape_cast %add3A_815 : vector<16xi32> to vector<16x1xi32>
          %gather3A_826 = vector.shape_cast %reshape3A_825 : vector<16x1xi32> to vector<16xi32>
          %gather3A_827 = tpu.dynamic_gather %get3A_741[%gather3A_826] in [0] : vector<16xi32>, vector<16xi32> -> vector<16xi32>
          %add3A_828 = arith.constant 0 : i32
          %add3A_829 = vector.broadcast %add3A_828 : i32 to vector<16xi32>
          %add3A_830 = arith.addi %iota3A, %add3A_829 : vector<16xi32>
          %add3A_831 = arith.addi %gather3A_827, %add3A_830 : vector<16xi32>
          %gather3A_832 = tpu.vector_load_idx %arg6[%add3A_831] : memref<4096xi32, #tpu.memory_space<vmem>>[vector<16xi32>], vector<16xi32>,
          %bitcast3A_833 = vector.bitcast %gather3A_832 : vector<16xi32> to vector<32xi16>
          %mul3A_834 = arith.muli %bitcast3A_811, %bitcast3A_833 : vector<32xi16>
          %add3A_835 = arith.addi %scan3A_798, %mul3A_834 : vector<32xi16>
          %reshape3A_836 = vector.shape_cast %add3A_815 : vector<16xi32> to vector<16x1xi32>
          %gather3A_837 = vector.shape_cast %reshape3A_836 : vector<16x1xi32> to vector<16xi32>
          %gather3A_838 = tpu.dynamic_gather %get3A_749[%gather3A_837] in [0] : vector<16xi32>, vector<16xi32> -> vector<16xi32>
          %add3A_839 = arith.constant 0 : i32
          %add3A_840 = vector.broadcast %add3A_839 : i32 to vector<16xi32>
          %add3A_841 = arith.addi %iota3A, %add3A_840 : vector<16xi32>
          %add3A_842 = arith.addi %gather3A_838, %add3A_841 : vector<16xi32>
          %gather3A_843 = tpu.vector_load_idx %arg6[%add3A_842] : memref<4096xi32, #tpu.memory_space<vmem>>[vector<16xi32>], vector<16xi32>,
          %bitcast3A_844 = vector.bitcast %gather3A_843 : vector<16xi32> to vector<32xi16>
          %mul3A_845 = arith.muli %bitcast3A_811, %bitcast3A_844 : vector<32xi16>
          %add3A_846 = arith.addi %scan3A_799, %mul3A_845 : vector<32xi16>
          %reshape3A_847 = vector.shape_cast %add3A_815 : vector<16xi32> to vector<16x1xi32>
          %gather3A_848 = vector.shape_cast %reshape3A_847 : vector<16x1xi32> to vector<16xi32>
          %gather3A_849 = tpu.dynamic_gather %get3A_757[%gather3A_848] in [0] : vector<16xi32>, vector<16xi32> -> vector<16xi32>
          %add3A_850 = arith.constant 0 : i32
          %add3A_851 = vector.broadcast %add3A_850 : i32 to vector<16xi32>
          %add3A_852 = arith.addi %iota3A, %add3A_851 : vector<16xi32>
          %add3A_853 = arith.addi %gather3A_849, %add3A_852 : vector<16xi32>
          %gather3A_854 = tpu.vector_load_idx %arg6[%add3A_853] : memref<4096xi32, #tpu.memory_space<vmem>>[vector<16xi32>], vector<16xi32>,
          %bitcast3A_855 = vector.bitcast %gather3A_854 : vector<16xi32> to vector<32xi16>
          %mul3A_856 = arith.muli %bitcast3A_811, %bitcast3A_855 : vector<32xi16>
          %add3A_857 = arith.addi %scan3A_800, %mul3A_856 : vector<32xi16>
          %reshape3A_858 = vector.shape_cast %add3A_815 : vector<16xi32> to vector<16x1xi32>
          %gather3A_859 = vector.shape_cast %reshape3A_858 : vector<16x1xi32> to vector<16xi32>
          %gather3A_860 = tpu.dynamic_gather %get3A_765[%gather3A_859] in [0] : vector<16xi32>, vector<16xi32> -> vector<16xi32>
          %add3A_861 = arith.constant 0 : i32
          %add3A_862 = vector.broadcast %add3A_861 : i32 to vector<16xi32>
          %add3A_863 = arith.addi %iota3A, %add3A_862 : vector<16xi32>
          %add3A_864 = arith.addi %gather3A_860, %add3A_863 : vector<16xi32>
          %gather3A_865 = tpu.vector_load_idx %arg6[%add3A_864] : memref<4096xi32, #tpu.memory_space<vmem>>[vector<16xi32>], vector<16xi32>,
          %bitcast3A_866 = vector.bitcast %gather3A_865 : vector<16xi32> to vector<32xi16>
          %mul3A_867 = arith.muli %bitcast3A_811, %bitcast3A_866 : vector<32xi16>
          %add3A_868 = arith.addi %scan3A_801, %mul3A_867 : vector<32xi16>
          %reshape3A_869 = vector.shape_cast %add3A_815 : vector<16xi32> to vector<16x1xi32>
          %gather3A_870 = vector.shape_cast %reshape3A_869 : vector<16x1xi32> to vector<16xi32>
          %gather3A_871 = tpu.dynamic_gather %get3A_773[%gather3A_870] in [0] : vector<16xi32>, vector<16xi32> -> vector<16xi32>
          %add3A_872 = arith.constant 0 : i32
          %add3A_873 = vector.broadcast %add3A_872 : i32 to vector<16xi32>
          %add3A_874 = arith.addi %iota3A, %add3A_873 : vector<16xi32>
          %add3A_875 = arith.addi %gather3A_871, %add3A_874 : vector<16xi32>
          %gather3A_876 = tpu.vector_load_idx %arg6[%add3A_875] : memref<4096xi32, #tpu.memory_space<vmem>>[vector<16xi32>], vector<16xi32>,
          %bitcast3A_877 = vector.bitcast %gather3A_876 : vector<16xi32> to vector<32xi16>
          %mul3A_878 = arith.muli %bitcast3A_811, %bitcast3A_877 : vector<32xi16>
          %add3A_879 = arith.addi %scan3A_802, %mul3A_878 : vector<32xi16>
          %reshape3A_880 = vector.shape_cast %add3A_815 : vector<16xi32> to vector<16x1xi32>
          %gather3A_881 = vector.shape_cast %reshape3A_880 : vector<16x1xi32> to vector<16xi32>
          %gather3A_882 = tpu.dynamic_gather %get3A_781[%gather3A_881] in [0] : vector<16xi32>, vector<16xi32> -> vector<16xi32>
          %add3A_883 = arith.constant 0 : i32
          %add3A_884 = vector.broadcast %add3A_883 : i32 to vector<16xi32>
          %add3A_885 = arith.addi %iota3A, %add3A_884 : vector<16xi32>
          %add3A_886 = arith.addi %gather3A_882, %add3A_885 : vector<16xi32>
          %gather3A_887 = tpu.vector_load_idx %arg6[%add3A_886] : memref<4096xi32, #tpu.memory_space<vmem>>[vector<16xi32>], vector<16xi32>,
          %bitcast3A_888 = vector.bitcast %gather3A_887 : vector<16xi32> to vector<32xi16>
          %mul3A_889 = arith.muli %bitcast3A_811, %bitcast3A_888 : vector<32xi16>
          %add3A_890 = arith.addi %scan3A_803, %mul3A_889 : vector<32xi16>
          %reshape3A_891 = vector.shape_cast %add3A_815 : vector<16xi32> to vector<16x1xi32>
          %gather3A_892 = vector.shape_cast %reshape3A_891 : vector<16x1xi32> to vector<16xi32>
          %gather3A_893 = tpu.dynamic_gather %get3A_789[%gather3A_892] in [0] : vector<16xi32>, vector<16xi32> -> vector<16xi32>
          %add3A_894 = arith.constant 0 : i32
          %add3A_895 = vector.broadcast %add3A_894 : i32 to vector<16xi32>
          %add3A_896 = arith.addi %iota3A, %add3A_895 : vector<16xi32>
          %add3A_897 = arith.addi %gather3A_893, %add3A_896 : vector<16xi32>
          %gather3A_898 = tpu.vector_load_idx %arg6[%add3A_897] : memref<4096xi32, #tpu.memory_space<vmem>>[vector<16xi32>], vector<16xi32>,
          %bitcast3A_899 = vector.bitcast %gather3A_898 : vector<16xi32> to vector<32xi16>
          %mul3A_900 = arith.muli %bitcast3A_811, %bitcast3A_899 : vector<32xi16>
          %add3A_901 = arith.addi %scan3A_804, %mul3A_900 : vector<32xi16>
          %scan3A_902 = arith.constant 1 : i32
          %scan3A_903 = arith.addi %scan3A_796, %scan3A_902 : i32
          %mul3A_904 = arith.constant 16 : i32
          %mul3A_905 = arith.muli %scan3A_718, %mul3A_904 : i32
          %add3A_906 = arith.addi %mul3A_905, %scan3A_903 : i32
          %get3A_907 = arith.index_cast %add3A_906 : i32 to index
          %get3A_908 = arith.constant 0 : index
          %get3A_909 = tpu.vector_load %arg7[%get3A_907, %get3A_908] {strides = array<i32>} : memref<784x16xi32, #tpu.memory_space<vmem>>, vector<16xi32>,
          %bitcast3A_910 = vector.bitcast %get3A_909 : vector<16xi32> to vector<32xi16>
          %broadcast_in_dim3A_911 = arith.constant 0 : i32
          %broadcast_in_dim3A_912 = vector.broadcast %broadcast_in_dim3A_911 : i32 to vector<16xi32>
          %add3A_913 = vector.broadcast %scan3A_903 : i32 to vector<16xi32>
          %add3A_914 = arith.addi %broadcast_in_dim3A_912, %add3A_913 : vector<16xi32>
          %reshape3A_915 = vector.shape_cast %add3A_914 : vector<16xi32> to vector<16x1xi32>
          %gather3A_916 = vector.shape_cast %reshape3A_915 : vector<16x1xi32> to vector<16xi32>
          %gather3A_917 = tpu.dynamic_gather %get3A_733[%gather3A_916] in [0] : vector<16xi32>, vector<16xi32> -> vector<16xi32>
          %add3A_918 = arith.constant 0 : i32
          %add3A_919 = vector.broadcast %add3A_918 : i32 to vector<16xi32>
          %add3A_920 = arith.addi %iota3A, %add3A_919 : vector<16xi32>
          %add3A_921 = arith.addi %gather3A_917, %add3A_920 : vector<16xi32>
          %gather3A_922 = tpu.vector_load_idx %arg6[%add3A_921] : memref<4096xi32, #tpu.memory_space<vmem>>[vector<16xi32>], vector<16xi32>,
          %bitcast3A_923 = vector.bitcast %gather3A_922 : vector<16xi32> to vector<32xi16>
          %mul3A_924 = arith.muli %bitcast3A_910, %bitcast3A_923 : vector<32xi16>
          %add3A_925 = arith.addi %add3A_824, %mul3A_924 : vector<32xi16>
          %reshape3A_926 = vector.shape_cast %add3A_914 : vector<16xi32> to vector<16x1xi32>
          %gather3A_927 = vector.shape_cast %reshape3A_926 : vector<16x1xi32> to vector<16xi32>
          %gather3A_928 = tpu.dynamic_gather %get3A_741[%gather3A_927] in [0] : vector<16xi32>, vector<16xi32> -> vector<16xi32>
          %add3A_929 = arith.constant 0 : i32
          %add3A_930 = vector.broadcast %add3A_929 : i32 to vector<16xi32>
          %add3A_931 = arith.addi %iota3A, %add3A_930 : vector<16xi32>
          %add3A_932 = arith.addi %gather3A_928, %add3A_931 : vector<16xi32>
          %gather3A_933 = tpu.vector_load_idx %arg6[%add3A_932] : memref<4096xi32, #tpu.memory_space<vmem>>[vector<16xi32>], vector<16xi32>,
          %bitcast3A_934 = vector.bitcast %gather3A_933 : vector<16xi32> to vector<32xi16>
          %mul3A_935 = arith.muli %bitcast3A_910, %bitcast3A_934 : vector<32xi16>
          %add3A_936 = arith.addi %add3A_835, %mul3A_935 : vector<32xi16>
          %reshape3A_937 = vector.shape_cast %add3A_914 : vector<16xi32> to vector<16x1xi32>
          %gather3A_938 = vector.shape_cast %reshape3A_937 : vector<16x1xi32> to vector<16xi32>
          %gather3A_939 = tpu.dynamic_gather %get3A_749[%gather3A_938] in [0] : vector<16xi32>, vector<16xi32> -> vector<16xi32>
          %add3A_940 = arith.constant 0 : i32
          %add3A_941 = vector.broadcast %add3A_940 : i32 to vector<16xi32>
          %add3A_942 = arith.addi %iota3A, %add3A_941 : vector<16xi32>
          %add3A_943 = arith.addi %gather3A_939, %add3A_942 : vector<16xi32>
          %gather3A_944 = tpu.vector_load_idx %arg6[%add3A_943] : memref<4096xi32, #tpu.memory_space<vmem>>[vector<16xi32>], vector<16xi32>,
          %bitcast3A_945 = vector.bitcast %gather3A_944 : vector<16xi32> to vector<32xi16>
          %mul3A_946 = arith.muli %bitcast3A_910, %bitcast3A_945 : vector<32xi16>
          %add3A_947 = arith.addi %add3A_846, %mul3A_946 : vector<32xi16>
          %reshape3A_948 = vector.shape_cast %add3A_914 : vector<16xi32> to vector<16x1xi32>
          %gather3A_949 = vector.shape_cast %reshape3A_948 : vector<16x1xi32> to vector<16xi32>
          %gather3A_950 = tpu.dynamic_gather %get3A_757[%gather3A_949] in [0] : vector<16xi32>, vector<16xi32> -> vector<16xi32>
          %add3A_951 = arith.constant 0 : i32
          %add3A_952 = vector.broadcast %add3A_951 : i32 to vector<16xi32>
          %add3A_953 = arith.addi %iota3A, %add3A_952 : vector<16xi32>
          %add3A_954 = arith.addi %gather3A_950, %add3A_953 : vector<16xi32>
          %gather3A_955 = tpu.vector_load_idx %arg6[%add3A_954] : memref<4096xi32, #tpu.memory_space<vmem>>[vector<16xi32>], vector<16xi32>,
          %bitcast3A_956 = vector.bitcast %gather3A_955 : vector<16xi32> to vector<32xi16>
          %mul3A_957 = arith.muli %bitcast3A_910, %bitcast3A_956 : vector<32xi16>
          %add3A_958 = arith.addi %add3A_857, %mul3A_957 : vector<32xi16>
          %reshape3A_959 = vector.shape_cast %add3A_914 : vector<16xi32> to vector<16x1xi32>
          %gather3A_960 = vector.shape_cast %reshape3A_959 : vector<16x1xi32> to vector<16xi32>
          %gather3A_961 = tpu.dynamic_gather %get3A_765[%gather3A_960] in [0] : vector<16xi32>, vector<16xi32> -> vector<16xi32>
          %add3A_962 = arith.constant 0 : i32
          %add3A_963 = vector.broadcast %add3A_962 : i32 to vector<16xi32>
          %add3A_964 = arith.addi %iota3A, %add3A_963 : vector<16xi32>
          %add3A_965 = arith.addi %gather3A_961, %add3A_964 : vector<16xi32>
          %gather3A_966 = tpu.vector_load_idx %arg6[%add3A_965] : memref<4096xi32, #tpu.memory_space<vmem>>[vector<16xi32>], vector<16xi32>,
          %bitcast3A_967 = vector.bitcast %gather3A_966 : vector<16xi32> to vector<32xi16>
          %mul3A_968 = arith.muli %bitcast3A_910, %bitcast3A_967 : vector<32xi16>
          %add3A_969 = arith.addi %add3A_868, %mul3A_968 : vector<32xi16>
          %reshape3A_970 = vector.shape_cast %add3A_914 : vector<16xi32> to vector<16x1xi32>
          %gather3A_971 = vector.shape_cast %reshape3A_970 : vector<16x1xi32> to vector<16xi32>
          %gather3A_972 = tpu.dynamic_gather %get3A_773[%gather3A_971] in [0] : vector<16xi32>, vector<16xi32> -> vector<16xi32>
          %add3A_973 = arith.constant 0 : i32
          %add3A_974 = vector.broadcast %add3A_973 : i32 to vector<16xi32>
          %add3A_975 = arith.addi %iota3A, %add3A_974 : vector<16xi32>
          %add3A_976 = arith.addi %gather3A_972, %add3A_975 : vector<16xi32>
          %gather3A_977 = tpu.vector_load_idx %arg6[%add3A_976] : memref<4096xi32, #tpu.memory_space<vmem>>[vector<16xi32>], vector<16xi32>,
          %bitcast3A_978 = vector.bitcast %gather3A_977 : vector<16xi32> to vector<32xi16>
          %mul3A_979 = arith.muli %bitcast3A_910, %bitcast3A_978 : vector<32xi16>
          %add3A_980 = arith.addi %add3A_879, %mul3A_979 : vector<32xi16>
          %reshape3A_981 = vector.shape_cast %add3A_914 : vector<16xi32> to vector<16x1xi32>
          %gather3A_982 = vector.shape_cast %reshape3A_981 : vector<16x1xi32> to vector<16xi32>
          %gather3A_983 = tpu.dynamic_gather %get3A_781[%gather3A_982] in [0] : vector<16xi32>, vector<16xi32> -> vector<16xi32>
          %add3A_984 = arith.constant 0 : i32
          %add3A_985 = vector.broadcast %add3A_984 : i32 to vector<16xi32>
          %add3A_986 = arith.addi %iota3A, %add3A_985 : vector<16xi32>
          %add3A_987 = arith.addi %gather3A_983, %add3A_986 : vector<16xi32>
          %gather3A_988 = tpu.vector_load_idx %arg6[%add3A_987] : memref<4096xi32, #tpu.memory_space<vmem>>[vector<16xi32>], vector<16xi32>,
          %bitcast3A_989 = vector.bitcast %gather3A_988 : vector<16xi32> to vector<32xi16>
          %mul3A_990 = arith.muli %bitcast3A_910, %bitcast3A_989 : vector<32xi16>
          %add3A_991 = arith.addi %add3A_890, %mul3A_990 : vector<32xi16>
          %reshape3A_992 = vector.shape_cast %add3A_914 : vector<16xi32> to vector<16x1xi32>
          %gather3A_993 = vector.shape_cast %reshape3A_992 : vector<16x1xi32> to vector<16xi32>
          %gather3A_994 = tpu.dynamic_gather %get3A_789[%gather3A_993] in [0] : vector<16xi32>, vector<16xi32> -> vector<16xi32>
          %add3A_995 = arith.constant 0 : i32
          %add3A_996 = vector.broadcast %add3A_995 : i32 to vector<16xi32>
          %add3A_997 = arith.addi %iota3A, %add3A_996 : vector<16xi32>
          %add3A_998 = arith.addi %gather3A_994, %add3A_997 : vector<16xi32>
          %gather3A_999 = tpu.vector_load_idx %arg6[%add3A_998] : memref<4096xi32, #tpu.memory_space<vmem>>[vector<16xi32>], vector<16xi32>,
          %bitcast3A_1000 = vector.bitcast %gather3A_999 : vector<16xi32> to vector<32xi16>
          %mul3A_1001 = arith.muli %bitcast3A_910, %bitcast3A_1000 : vector<32xi16>
          %add3A_1002 = arith.addi %add3A_901, %mul3A_1001 : vector<32xi16>
          %scan3A_1003 = arith.constant 2 : i32
          %scan3A_1004 = arith.addi %scan3A_796, %scan3A_1003 : i32
          %mul3A_1005 = arith.constant 16 : i32
          %mul3A_1006 = arith.muli %scan3A_718, %mul3A_1005 : i32
          %add3A_1007 = arith.addi %mul3A_1006, %scan3A_1004 : i32
          %get3A_1008 = arith.index_cast %add3A_1007 : i32 to index
          %get3A_1009 = arith.constant 0 : index
          %get3A_1010 = tpu.vector_load %arg7[%get3A_1008, %get3A_1009] {strides = array<i32>} : memref<784x16xi32, #tpu.memory_space<vmem>>, vector<16xi32>,
          %bitcast3A_1011 = vector.bitcast %get3A_1010 : vector<16xi32> to vector<32xi16>
          %broadcast_in_dim3A_1012 = arith.constant 0 : i32
          %broadcast_in_dim3A_1013 = vector.broadcast %broadcast_in_dim3A_1012 : i32 to vector<16xi32>
          %add3A_1014 = vector.broadcast %scan3A_1004 : i32 to vector<16xi32>
          %add3A_1015 = arith.addi %broadcast_in_dim3A_1013, %add3A_1014 : vector<16xi32>
          %reshape3A_1016 = vector.shape_cast %add3A_1015 : vector<16xi32> to vector<16x1xi32>
          %gather3A_1017 = vector.shape_cast %reshape3A_1016 : vector<16x1xi32> to vector<16xi32>
          %gather3A_1018 = tpu.dynamic_gather %get3A_733[%gather3A_1017] in [0] : vector<16xi32>, vector<16xi32> -> vector<16xi32>
          %add3A_1019 = arith.constant 0 : i32
          %add3A_1020 = vector.broadcast %add3A_1019 : i32 to vector<16xi32>
          %add3A_1021 = arith.addi %iota3A, %add3A_1020 : vector<16xi32>
          %add3A_1022 = arith.addi %gather3A_1018, %add3A_1021 : vector<16xi32>
          %gather3A_1023 = tpu.vector_load_idx %arg6[%add3A_1022] : memref<4096xi32, #tpu.memory_space<vmem>>[vector<16xi32>], vector<16xi32>,
          %bitcast3A_1024 = vector.bitcast %gather3A_1023 : vector<16xi32> to vector<32xi16>
          %mul3A_1025 = arith.muli %bitcast3A_1011, %bitcast3A_1024 : vector<32xi16>
          %add3A_1026 = arith.addi %add3A_925, %mul3A_1025 : vector<32xi16>
          %reshape3A_1027 = vector.shape_cast %add3A_1015 : vector<16xi32> to vector<16x1xi32>
          %gather3A_1028 = vector.shape_cast %reshape3A_1027 : vector<16x1xi32> to vector<16xi32>
          %gather3A_1029 = tpu.dynamic_gather %get3A_741[%gather3A_1028] in [0] : vector<16xi32>, vector<16xi32> -> vector<16xi32>
          %add3A_1030 = arith.constant 0 : i32
          %add3A_1031 = vector.broadcast %add3A_1030 : i32 to vector<16xi32>
          %add3A_1032 = arith.addi %iota3A, %add3A_1031 : vector<16xi32>
          %add3A_1033 = arith.addi %gather3A_1029, %add3A_1032 : vector<16xi32>
          %gather3A_1034 = tpu.vector_load_idx %arg6[%add3A_1033] : memref<4096xi32, #tpu.memory_space<vmem>>[vector<16xi32>], vector<16xi32>,
          %bitcast3A_1035 = vector.bitcast %gather3A_1034 : vector<16xi32> to vector<32xi16>
          %mul3A_1036 = arith.muli %bitcast3A_1011, %bitcast3A_1035 : vector<32xi16>
          %add3A_1037 = arith.addi %add3A_936, %mul3A_1036 : vector<32xi16>
          %reshape3A_1038 = vector.shape_cast %add3A_1015 : vector<16xi32> to vector<16x1xi32>
          %gather3A_1039 = vector.shape_cast %reshape3A_1038 : vector<16x1xi32> to vector<16xi32>
          %gather3A_1040 = tpu.dynamic_gather %get3A_749[%gather3A_1039] in [0] : vector<16xi32>, vector<16xi32> -> vector<16xi32>
          %add3A_1041 = arith.constant 0 : i32
          %add3A_1042 = vector.broadcast %add3A_1041 : i32 to vector<16xi32>
          %add3A_1043 = arith.addi %iota3A, %add3A_1042 : vector<16xi32>
          %add3A_1044 = arith.addi %gather3A_1040, %add3A_1043 : vector<16xi32>
          %gather3A_1045 = tpu.vector_load_idx %arg6[%add3A_1044] : memref<4096xi32, #tpu.memory_space<vmem>>[vector<16xi32>], vector<16xi32>,
          %bitcast3A_1046 = vector.bitcast %gather3A_1045 : vector<16xi32> to vector<32xi16>
          %mul3A_1047 = arith.muli %bitcast3A_1011, %bitcast3A_1046 : vector<32xi16>
          %add3A_1048 = arith.addi %add3A_947, %mul3A_1047 : vector<32xi16>
          %reshape3A_1049 = vector.shape_cast %add3A_1015 : vector<16xi32> to vector<16x1xi32>
          %gather3A_1050 = vector.shape_cast %reshape3A_1049 : vector<16x1xi32> to vector<16xi32>
          %gather3A_1051 = tpu.dynamic_gather %get3A_757[%gather3A_1050] in [0] : vector<16xi32>, vector<16xi32> -> vector<16xi32>
          %add3A_1052 = arith.constant 0 : i32
          %add3A_1053 = vector.broadcast %add3A_1052 : i32 to vector<16xi32>
          %add3A_1054 = arith.addi %iota3A, %add3A_1053 : vector<16xi32>
          %add3A_1055 = arith.addi %gather3A_1051, %add3A_1054 : vector<16xi32>
          %gather3A_1056 = tpu.vector_load_idx %arg6[%add3A_1055] : memref<4096xi32, #tpu.memory_space<vmem>>[vector<16xi32>], vector<16xi32>,
          %bitcast3A_1057 = vector.bitcast %gather3A_1056 : vector<16xi32> to vector<32xi16>
          %mul3A_1058 = arith.muli %bitcast3A_1011, %bitcast3A_1057 : vector<32xi16>
          %add3A_1059 = arith.addi %add3A_958, %mul3A_1058 : vector<32xi16>
          %reshape3A_1060 = vector.shape_cast %add3A_1015 : vector<16xi32> to vector<16x1xi32>
          %gather3A_1061 = vector.shape_cast %reshape3A_1060 : vector<16x1xi32> to vector<16xi32>
          %gather3A_1062 = tpu.dynamic_gather %get3A_765[%gather3A_1061] in [0] : vector<16xi32>, vector<16xi32> -> vector<16xi32>
          %add3A_1063 = arith.constant 0 : i32
          %add3A_1064 = vector.broadcast %add3A_1063 : i32 to vector<16xi32>
          %add3A_1065 = arith.addi %iota3A, %add3A_1064 : vector<16xi32>
          %add3A_1066 = arith.addi %gather3A_1062, %add3A_1065 : vector<16xi32>
          %gather3A_1067 = tpu.vector_load_idx %arg6[%add3A_1066] : memref<4096xi32, #tpu.memory_space<vmem>>[vector<16xi32>], vector<16xi32>,
          %bitcast3A_1068 = vector.bitcast %gather3A_1067 : vector<16xi32> to vector<32xi16>
          %mul3A_1069 = arith.muli %bitcast3A_1011, %bitcast3A_1068 : vector<32xi16>
          %add3A_1070 = arith.addi %add3A_969, %mul3A_1069 : vector<32xi16>
          %reshape3A_1071 = vector.shape_cast %add3A_1015 : vector<16xi32> to vector<16x1xi32>
          %gather3A_1072 = vector.shape_cast %reshape3A_1071 : vector<16x1xi32> to vector<16xi32>
          %gather3A_1073 = tpu.dynamic_gather %get3A_773[%gather3A_1072] in [0] : vector<16xi32>, vector<16xi32> -> vector<16xi32>
          %add3A_1074 = arith.constant 0 : i32
          %add3A_1075 = vector.broadcast %add3A_1074 : i32 to vector<16xi32>
          %add3A_1076 = arith.addi %iota3A, %add3A_1075 : vector<16xi32>
          %add3A_1077 = arith.addi %gather3A_1073, %add3A_1076 : vector<16xi32>
          %gather3A_1078 = tpu.vector_load_idx %arg6[%add3A_1077] : memref<4096xi32, #tpu.memory_space<vmem>>[vector<16xi32>], vector<16xi32>,
          %bitcast3A_1079 = vector.bitcast %gather3A_1078 : vector<16xi32> to vector<32xi16>
          %mul3A_1080 = arith.muli %bitcast3A_1011, %bitcast3A_1079 : vector<32xi16>
          %add3A_1081 = arith.addi %add3A_980, %mul3A_1080 : vector<32xi16>
          %reshape3A_1082 = vector.shape_cast %add3A_1015 : vector<16xi32> to vector<16x1xi32>
          %gather3A_1083 = vector.shape_cast %reshape3A_1082 : vector<16x1xi32> to vector<16xi32>
          %gather3A_1084 = tpu.dynamic_gather %get3A_781[%gather3A_1083] in [0] : vector<16xi32>, vector<16xi32> -> vector<16xi32>
          %add3A_1085 = arith.constant 0 : i32
          %add3A_1086 = vector.broadcast %add3A_1085 : i32 to vector<16xi32>
          %add3A_1087 = arith.addi %iota3A, %add3A_1086 : vector<16xi32>
          %add3A_1088 = arith.addi %gather3A_1084, %add3A_1087 : vector<16xi32>
          %gather3A_1089 = tpu.vector_load_idx %arg6[%add3A_1088] : memref<4096xi32, #tpu.memory_space<vmem>>[vector<16xi32>], vector<16xi32>,
          %bitcast3A_1090 = vector.bitcast %gather3A_1089 : vector<16xi32> to vector<32xi16>
          %mul3A_1091 = arith.muli %bitcast3A_1011, %bitcast3A_1090 : vector<32xi16>
          %add3A_1092 = arith.addi %add3A_991, %mul3A_1091 : vector<32xi16>
          %reshape3A_1093 = vector.shape_cast %add3A_1015 : vector<16xi32> to vector<16x1xi32>
          %gather3A_1094 = vector.shape_cast %reshape3A_1093 : vector<16x1xi32> to vector<16xi32>
          %gather3A_1095 = tpu.dynamic_gather %get3A_789[%gather3A_1094] in [0] : vector<16xi32>, vector<16xi32> -> vector<16xi32>
          %add3A_1096 = arith.constant 0 : i32
          %add3A_1097 = vector.broadcast %add3A_1096 : i32 to vector<16xi32>
          %add3A_1098 = arith.addi %iota3A, %add3A_1097 : vector<16xi32>
          %add3A_1099 = arith.addi %gather3A_1095, %add3A_1098 : vector<16xi32>
          %gather3A_1100 = tpu.vector_load_idx %arg6[%add3A_1099] : memref<4096xi32, #tpu.memory_space<vmem>>[vector<16xi32>], vector<16xi32>,
          %bitcast3A_1101 = vector.bitcast %gather3A_1100 : vector<16xi32> to vector<32xi16>
          %mul3A_1102 = arith.muli %bitcast3A_1011, %bitcast3A_1101 : vector<32xi16>
          %add3A_1103 = arith.addi %add3A_1002, %mul3A_1102 : vector<32xi16>
          %scan3A_1104 = arith.constant 3 : i32
          %scan3A_1105 = arith.addi %scan3A_796, %scan3A_1104 : i32
          %mul3A_1106 = arith.constant 16 : i32
          %mul3A_1107 = arith.muli %scan3A_718, %mul3A_1106 : i32
          %add3A_1108 = arith.addi %mul3A_1107, %scan3A_1105 : i32
          %get3A_1109 = arith.index_cast %add3A_1108 : i32 to index
          %get3A_1110 = arith.constant 0 : index
          %get3A_1111 = tpu.vector_load %arg7[%get3A_1109, %get3A_1110] {strides = array<i32>} : memref<784x16xi32, #tpu.memory_space<vmem>>, vector<16xi32>,
          %bitcast3A_1112 = vector.bitcast %get3A_1111 : vector<16xi32> to vector<32xi16>
          %broadcast_in_dim3A_1113 = arith.constant 0 : i32
          %broadcast_in_dim3A_1114 = vector.broadcast %broadcast_in_dim3A_1113 : i32 to vector<16xi32>
          %add3A_1115 = vector.broadcast %scan3A_1105 : i32 to vector<16xi32>
          %add3A_1116 = arith.addi %broadcast_in_dim3A_1114, %add3A_1115 : vector<16xi32>
          %reshape3A_1117 = vector.shape_cast %add3A_1116 : vector<16xi32> to vector<16x1xi32>
          %gather3A_1118 = vector.shape_cast %reshape3A_1117 : vector<16x1xi32> to vector<16xi32>
          %gather3A_1119 = tpu.dynamic_gather %get3A_733[%gather3A_1118] in [0] : vector<16xi32>, vector<16xi32> -> vector<16xi32>
          %add3A_1120 = arith.constant 0 : i32
          %add3A_1121 = vector.broadcast %add3A_1120 : i32 to vector<16xi32>
          %add3A_1122 = arith.addi %iota3A, %add3A_1121 : vector<16xi32>
          %add3A_1123 = arith.addi %gather3A_1119, %add3A_1122 : vector<16xi32>
          %gather3A_1124 = tpu.vector_load_idx %arg6[%add3A_1123] : memref<4096xi32, #tpu.memory_space<vmem>>[vector<16xi32>], vector<16xi32>,
          %bitcast3A_1125 = vector.bitcast %gather3A_1124 : vector<16xi32> to vector<32xi16>
          %mul3A_1126 = arith.muli %bitcast3A_1112, %bitcast3A_1125 : vector<32xi16>
          %add3A_1127 = arith.addi %add3A_1026, %mul3A_1126 : vector<32xi16>
          %reshape3A_1128 = vector.shape_cast %add3A_1116 : vector<16xi32> to vector<16x1xi32>
          %gather3A_1129 = vector.shape_cast %reshape3A_1128 : vector<16x1xi32> to vector<16xi32>
          %gather3A_1130 = tpu.dynamic_gather %get3A_741[%gather3A_1129] in [0] : vector<16xi32>, vector<16xi32> -> vector<16xi32>
          %add3A_1131 = arith.constant 0 : i32
          %add3A_1132 = vector.broadcast %add3A_1131 : i32 to vector<16xi32>
          %add3A_1133 = arith.addi %iota3A, %add3A_1132 : vector<16xi32>
          %add3A_1134 = arith.addi %gather3A_1130, %add3A_1133 : vector<16xi32>
          %gather3A_1135 = tpu.vector_load_idx %arg6[%add3A_1134] : memref<4096xi32, #tpu.memory_space<vmem>>[vector<16xi32>], vector<16xi32>,
          %bitcast3A_1136 = vector.bitcast %gather3A_1135 : vector<16xi32> to vector<32xi16>
          %mul3A_1137 = arith.muli %bitcast3A_1112, %bitcast3A_1136 : vector<32xi16>
          %add3A_1138 = arith.addi %add3A_1037, %mul3A_1137 : vector<32xi16>
          %reshape3A_1139 = vector.shape_cast %add3A_1116 : vector<16xi32> to vector<16x1xi32>
          %gather3A_1140 = vector.shape_cast %reshape3A_1139 : vector<16x1xi32> to vector<16xi32>
          %gather3A_1141 = tpu.dynamic_gather %get3A_749[%gather3A_1140] in [0] : vector<16xi32>, vector<16xi32> -> vector<16xi32>
          %add3A_1142 = arith.constant 0 : i32
          %add3A_1143 = vector.broadcast %add3A_1142 : i32 to vector<16xi32>
          %add3A_1144 = arith.addi %iota3A, %add3A_1143 : vector<16xi32>
          %add3A_1145 = arith.addi %gather3A_1141, %add3A_1144 : vector<16xi32>
          %gather3A_1146 = tpu.vector_load_idx %arg6[%add3A_1145] : memref<4096xi32, #tpu.memory_space<vmem>>[vector<16xi32>], vector<16xi32>,
          %bitcast3A_1147 = vector.bitcast %gather3A_1146 : vector<16xi32> to vector<32xi16>
          %mul3A_1148 = arith.muli %bitcast3A_1112, %bitcast3A_1147 : vector<32xi16>
          %add3A_1149 = arith.addi %add3A_1048, %mul3A_1148 : vector<32xi16>
          %reshape3A_1150 = vector.shape_cast %add3A_1116 : vector<16xi32> to vector<16x1xi32>
          %gather3A_1151 = vector.shape_cast %reshape3A_1150 : vector<16x1xi32> to vector<16xi32>
          %gather3A_1152 = tpu.dynamic_gather %get3A_757[%gather3A_1151] in [0] : vector<16xi32>, vector<16xi32> -> vector<16xi32>
          %add3A_1153 = arith.constant 0 : i32
          %add3A_1154 = vector.broadcast %add3A_1153 : i32 to vector<16xi32>
          %add3A_1155 = arith.addi %iota3A, %add3A_1154 : vector<16xi32>
          %add3A_1156 = arith.addi %gather3A_1152, %add3A_1155 : vector<16xi32>
          %gather3A_1157 = tpu.vector_load_idx %arg6[%add3A_1156] : memref<4096xi32, #tpu.memory_space<vmem>>[vector<16xi32>], vector<16xi32>,
          %bitcast3A_1158 = vector.bitcast %gather3A_1157 : vector<16xi32> to vector<32xi16>
          %mul3A_1159 = arith.muli %bitcast3A_1112, %bitcast3A_1158 : vector<32xi16>
          %add3A_1160 = arith.addi %add3A_1059, %mul3A_1159 : vector<32xi16>
          %reshape3A_1161 = vector.shape_cast %add3A_1116 : vector<16xi32> to vector<16x1xi32>
          %gather3A_1162 = vector.shape_cast %reshape3A_1161 : vector<16x1xi32> to vector<16xi32>
          %gather3A_1163 = tpu.dynamic_gather %get3A_765[%gather3A_1162] in [0] : vector<16xi32>, vector<16xi32> -> vector<16xi32>
          %add3A_1164 = arith.constant 0 : i32
          %add3A_1165 = vector.broadcast %add3A_1164 : i32 to vector<16xi32>
          %add3A_1166 = arith.addi %iota3A, %add3A_1165 : vector<16xi32>
          %add3A_1167 = arith.addi %gather3A_1163, %add3A_1166 : vector<16xi32>
          %gather3A_1168 = tpu.vector_load_idx %arg6[%add3A_1167] : memref<4096xi32, #tpu.memory_space<vmem>>[vector<16xi32>], vector<16xi32>,
          %bitcast3A_1169 = vector.bitcast %gather3A_1168 : vector<16xi32> to vector<32xi16>
          %mul3A_1170 = arith.muli %bitcast3A_1112, %bitcast3A_1169 : vector<32xi16>
          %add3A_1171 = arith.addi %add3A_1070, %mul3A_1170 : vector<32xi16>
          %reshape3A_1172 = vector.shape_cast %add3A_1116 : vector<16xi32> to vector<16x1xi32>
          %gather3A_1173 = vector.shape_cast %reshape3A_1172 : vector<16x1xi32> to vector<16xi32>
          %gather3A_1174 = tpu.dynamic_gather %get3A_773[%gather3A_1173] in [0] : vector<16xi32>, vector<16xi32> -> vector<16xi32>
          %add3A_1175 = arith.constant 0 : i32
          %add3A_1176 = vector.broadcast %add3A_1175 : i32 to vector<16xi32>
          %add3A_1177 = arith.addi %iota3A, %add3A_1176 : vector<16xi32>
          %add3A_1178 = arith.addi %gather3A_1174, %add3A_1177 : vector<16xi32>
          %gather3A_1179 = tpu.vector_load_idx %arg6[%add3A_1178] : memref<4096xi32, #tpu.memory_space<vmem>>[vector<16xi32>], vector<16xi32>,
          %bitcast3A_1180 = vector.bitcast %gather3A_1179 : vector<16xi32> to vector<32xi16>
          %mul3A_1181 = arith.muli %bitcast3A_1112, %bitcast3A_1180 : vector<32xi16>
          %add3A_1182 = arith.addi %add3A_1081, %mul3A_1181 : vector<32xi16>
          %reshape3A_1183 = vector.shape_cast %add3A_1116 : vector<16xi32> to vector<16x1xi32>
          %gather3A_1184 = vector.shape_cast %reshape3A_1183 : vector<16x1xi32> to vector<16xi32>
          %gather3A_1185 = tpu.dynamic_gather %get3A_781[%gather3A_1184] in [0] : vector<16xi32>, vector<16xi32> -> vector<16xi32>
          %add3A_1186 = arith.constant 0 : i32
          %add3A_1187 = vector.broadcast %add3A_1186 : i32 to vector<16xi32>
          %add3A_1188 = arith.addi %iota3A, %add3A_1187 : vector<16xi32>
          %add3A_1189 = arith.addi %gather3A_1185, %add3A_1188 : vector<16xi32>
          %gather3A_1190 = tpu.vector_load_idx %arg6[%add3A_1189] : memref<4096xi32, #tpu.memory_space<vmem>>[vector<16xi32>], vector<16xi32>,
          %bitcast3A_1191 = vector.bitcast %gather3A_1190 : vector<16xi32> to vector<32xi16>
          %mul3A_1192 = arith.muli %bitcast3A_1112, %bitcast3A_1191 : vector<32xi16>
          %add3A_1193 = arith.addi %add3A_1092, %mul3A_1192 : vector<32xi16>
          %reshape3A_1194 = vector.shape_cast %add3A_1116 : vector<16xi32> to vector<16x1xi32>
          %gather3A_1195 = vector.shape_cast %reshape3A_1194 : vector<16x1xi32> to vector<16xi32>
          %gather3A_1196 = tpu.dynamic_gather %get3A_789[%gather3A_1195] in [0] : vector<16xi32>, vector<16xi32> -> vector<16xi32>
          %add3A_1197 = arith.constant 0 : i32
          %add3A_1198 = vector.broadcast %add3A_1197 : i32 to vector<16xi32>
          %add3A_1199 = arith.addi %iota3A, %add3A_1198 : vector<16xi32>
          %add3A_1200 = arith.addi %gather3A_1196, %add3A_1199 : vector<16xi32>
          %gather3A_1201 = tpu.vector_load_idx %arg6[%add3A_1200] : memref<4096xi32, #tpu.memory_space<vmem>>[vector<16xi32>], vector<16xi32>,
          %bitcast3A_1202 = vector.bitcast %gather3A_1201 : vector<16xi32> to vector<32xi16>
          %mul3A_1203 = arith.muli %bitcast3A_1112, %bitcast3A_1202 : vector<32xi16>
          %add3A_1204 = arith.addi %add3A_1103, %mul3A_1203 : vector<32xi16>
          %scan3A_1205 = arith.constant 4 : i32
          %scan3A_1206 = arith.addi %scan3A_796, %scan3A_1205 : i32
          %mul3A_1207 = arith.constant 16 : i32
          %mul3A_1208 = arith.muli %scan3A_718, %mul3A_1207 : i32
          %add3A_1209 = arith.addi %mul3A_1208, %scan3A_1206 : i32
          %get3A_1210 = arith.index_cast %add3A_1209 : i32 to index
          %get3A_1211 = arith.constant 0 : index
          %get3A_1212 = tpu.vector_load %arg7[%get3A_1210, %get3A_1211] {strides = array<i32>} : memref<784x16xi32, #tpu.memory_space<vmem>>, vector<16xi32>,
          %bitcast3A_1213 = vector.bitcast %get3A_1212 : vector<16xi32> to vector<32xi16>
          %broadcast_in_dim3A_1214 = arith.constant 0 : i32
          %broadcast_in_dim3A_1215 = vector.broadcast %broadcast_in_dim3A_1214 : i32 to vector<16xi32>
          %add3A_1216 = vector.broadcast %scan3A_1206 : i32 to vector<16xi32>
          %add3A_1217 = arith.addi %broadcast_in_dim3A_1215, %add3A_1216 : vector<16xi32>
          %reshape3A_1218 = vector.shape_cast %add3A_1217 : vector<16xi32> to vector<16x1xi32>
          %gather3A_1219 = vector.shape_cast %reshape3A_1218 : vector<16x1xi32> to vector<16xi32>
          %gather3A_1220 = tpu.dynamic_gather %get3A_733[%gather3A_1219] in [0] : vector<16xi32>, vector<16xi32> -> vector<16xi32>
          %add3A_1221 = arith.constant 0 : i32
          %add3A_1222 = vector.broadcast %add3A_1221 : i32 to vector<16xi32>
          %add3A_1223 = arith.addi %iota3A, %add3A_1222 : vector<16xi32>
          %add3A_1224 = arith.addi %gather3A_1220, %add3A_1223 : vector<16xi32>
          %gather3A_1225 = tpu.vector_load_idx %arg6[%add3A_1224] : memref<4096xi32, #tpu.memory_space<vmem>>[vector<16xi32>], vector<16xi32>,
          %bitcast3A_1226 = vector.bitcast %gather3A_1225 : vector<16xi32> to vector<32xi16>
          %mul3A_1227 = arith.muli %bitcast3A_1213, %bitcast3A_1226 : vector<32xi16>
          %add3A_1228 = arith.addi %add3A_1127, %mul3A_1227 : vector<32xi16>
          %reshape3A_1229 = vector.shape_cast %add3A_1217 : vector<16xi32> to vector<16x1xi32>
          %gather3A_1230 = vector.shape_cast %reshape3A_1229 : vector<16x1xi32> to vector<16xi32>
          %gather3A_1231 = tpu.dynamic_gather %get3A_741[%gather3A_1230] in [0] : vector<16xi32>, vector<16xi32> -> vector<16xi32>
          %add3A_1232 = arith.constant 0 : i32
          %add3A_1233 = vector.broadcast %add3A_1232 : i32 to vector<16xi32>
          %add3A_1234 = arith.addi %iota3A, %add3A_1233 : vector<16xi32>
          %add3A_1235 = arith.addi %gather3A_1231, %add3A_1234 : vector<16xi32>
          %gather3A_1236 = tpu.vector_load_idx %arg6[%add3A_1235] : memref<4096xi32, #tpu.memory_space<vmem>>[vector<16xi32>], vector<16xi32>,
          %bitcast3A_1237 = vector.bitcast %gather3A_1236 : vector<16xi32> to vector<32xi16>
          %mul3A_1238 = arith.muli %bitcast3A_1213, %bitcast3A_1237 : vector<32xi16>
          %add3A_1239 = arith.addi %add3A_1138, %mul3A_1238 : vector<32xi16>
          %reshape3A_1240 = vector.shape_cast %add3A_1217 : vector<16xi32> to vector<16x1xi32>
          %gather3A_1241 = vector.shape_cast %reshape3A_1240 : vector<16x1xi32> to vector<16xi32>
          %gather3A_1242 = tpu.dynamic_gather %get3A_749[%gather3A_1241] in [0] : vector<16xi32>, vector<16xi32> -> vector<16xi32>
          %add3A_1243 = arith.constant 0 : i32
          %add3A_1244 = vector.broadcast %add3A_1243 : i32 to vector<16xi32>
          %add3A_1245 = arith.addi %iota3A, %add3A_1244 : vector<16xi32>
          %add3A_1246 = arith.addi %gather3A_1242, %add3A_1245 : vector<16xi32>
          %gather3A_1247 = tpu.vector_load_idx %arg6[%add3A_1246] : memref<4096xi32, #tpu.memory_space<vmem>>[vector<16xi32>], vector<16xi32>,
          %bitcast3A_1248 = vector.bitcast %gather3A_1247 : vector<16xi32> to vector<32xi16>
          %mul3A_1249 = arith.muli %bitcast3A_1213, %bitcast3A_1248 : vector<32xi16>
          %add3A_1250 = arith.addi %add3A_1149, %mul3A_1249 : vector<32xi16>
          %reshape3A_1251 = vector.shape_cast %add3A_1217 : vector<16xi32> to vector<16x1xi32>
          %gather3A_1252 = vector.shape_cast %reshape3A_1251 : vector<16x1xi32> to vector<16xi32>
          %gather3A_1253 = tpu.dynamic_gather %get3A_757[%gather3A_1252] in [0] : vector<16xi32>, vector<16xi32> -> vector<16xi32>
          %add3A_1254 = arith.constant 0 : i32
          %add3A_1255 = vector.broadcast %add3A_1254 : i32 to vector<16xi32>
          %add3A_1256 = arith.addi %iota3A, %add3A_1255 : vector<16xi32>
          %add3A_1257 = arith.addi %gather3A_1253, %add3A_1256 : vector<16xi32>
          %gather3A_1258 = tpu.vector_load_idx %arg6[%add3A_1257] : memref<4096xi32, #tpu.memory_space<vmem>>[vector<16xi32>], vector<16xi32>,
          %bitcast3A_1259 = vector.bitcast %gather3A_1258 : vector<16xi32> to vector<32xi16>
          %mul3A_1260 = arith.muli %bitcast3A_1213, %bitcast3A_1259 : vector<32xi16>
          %add3A_1261 = arith.addi %add3A_1160, %mul3A_1260 : vector<32xi16>
          %reshape3A_1262 = vector.shape_cast %add3A_1217 : vector<16xi32> to vector<16x1xi32>
          %gather3A_1263 = vector.shape_cast %reshape3A_1262 : vector<16x1xi32> to vector<16xi32>
          %gather3A_1264 = tpu.dynamic_gather %get3A_765[%gather3A_1263] in [0] : vector<16xi32>, vector<16xi32> -> vector<16xi32>
          %add3A_1265 = arith.constant 0 : i32
          %add3A_1266 = vector.broadcast %add3A_1265 : i32 to vector<16xi32>
          %add3A_1267 = arith.addi %iota3A, %add3A_1266 : vector<16xi32>
          %add3A_1268 = arith.addi %gather3A_1264, %add3A_1267 : vector<16xi32>
          %gather3A_1269 = tpu.vector_load_idx %arg6[%add3A_1268] : memref<4096xi32, #tpu.memory_space<vmem>>[vector<16xi32>], vector<16xi32>,
          %bitcast3A_1270 = vector.bitcast %gather3A_1269 : vector<16xi32> to vector<32xi16>
          %mul3A_1271 = arith.muli %bitcast3A_1213, %bitcast3A_1270 : vector<32xi16>
          %add3A_1272 = arith.addi %add3A_1171, %mul3A_1271 : vector<32xi16>
          %reshape3A_1273 = vector.shape_cast %add3A_1217 : vector<16xi32> to vector<16x1xi32>
          %gather3A_1274 = vector.shape_cast %reshape3A_1273 : vector<16x1xi32> to vector<16xi32>
          %gather3A_1275 = tpu.dynamic_gather %get3A_773[%gather3A_1274] in [0] : vector<16xi32>, vector<16xi32> -> vector<16xi32>
          %add3A_1276 = arith.constant 0 : i32
          %add3A_1277 = vector.broadcast %add3A_1276 : i32 to vector<16xi32>
          %add3A_1278 = arith.addi %iota3A, %add3A_1277 : vector<16xi32>
          %add3A_1279 = arith.addi %gather3A_1275, %add3A_1278 : vector<16xi32>
          %gather3A_1280 = tpu.vector_load_idx %arg6[%add3A_1279] : memref<4096xi32, #tpu.memory_space<vmem>>[vector<16xi32>], vector<16xi32>,
          %bitcast3A_1281 = vector.bitcast %gather3A_1280 : vector<16xi32> to vector<32xi16>
          %mul3A_1282 = arith.muli %bitcast3A_1213, %bitcast3A_1281 : vector<32xi16>
          %add3A_1283 = arith.addi %add3A_1182, %mul3A_1282 : vector<32xi16>
          %reshape3A_1284 = vector.shape_cast %add3A_1217 : vector<16xi32> to vector<16x1xi32>
          %gather3A_1285 = vector.shape_cast %reshape3A_1284 : vector<16x1xi32> to vector<16xi32>
          %gather3A_1286 = tpu.dynamic_gather %get3A_781[%gather3A_1285] in [0] : vector<16xi32>, vector<16xi32> -> vector<16xi32>
          %add3A_1287 = arith.constant 0 : i32
          %add3A_1288 = vector.broadcast %add3A_1287 : i32 to vector<16xi32>
          %add3A_1289 = arith.addi %iota3A, %add3A_1288 : vector<16xi32>
          %add3A_1290 = arith.addi %gather3A_1286, %add3A_1289 : vector<16xi32>
          %gather3A_1291 = tpu.vector_load_idx %arg6[%add3A_1290] : memref<4096xi32, #tpu.memory_space<vmem>>[vector<16xi32>], vector<16xi32>,
          %bitcast3A_1292 = vector.bitcast %gather3A_1291 : vector<16xi32> to vector<32xi16>
          %mul3A_1293 = arith.muli %bitcast3A_1213, %bitcast3A_1292 : vector<32xi16>
          %add3A_1294 = arith.addi %add3A_1193, %mul3A_1293 : vector<32xi16>
          %reshape3A_1295 = vector.shape_cast %add3A_1217 : vector<16xi32> to vector<16x1xi32>
          %gather3A_1296 = vector.shape_cast %reshape3A_1295 : vector<16x1xi32> to vector<16xi32>
          %gather3A_1297 = tpu.dynamic_gather %get3A_789[%gather3A_1296] in [0] : vector<16xi32>, vector<16xi32> -> vector<16xi32>
          %add3A_1298 = arith.constant 0 : i32
          %add3A_1299 = vector.broadcast %add3A_1298 : i32 to vector<16xi32>
          %add3A_1300 = arith.addi %iota3A, %add3A_1299 : vector<16xi32>
          %add3A_1301 = arith.addi %gather3A_1297, %add3A_1300 : vector<16xi32>
          %gather3A_1302 = tpu.vector_load_idx %arg6[%add3A_1301] : memref<4096xi32, #tpu.memory_space<vmem>>[vector<16xi32>], vector<16xi32>,
          %bitcast3A_1303 = vector.bitcast %gather3A_1302 : vector<16xi32> to vector<32xi16>
          %mul3A_1304 = arith.muli %bitcast3A_1213, %bitcast3A_1303 : vector<32xi16>
          %add3A_1305 = arith.addi %add3A_1204, %mul3A_1304 : vector<32xi16>
          %scan3A_1306 = arith.constant 5 : i32
          %scan3A_1307 = arith.addi %scan3A_796, %scan3A_1306 : i32
          %mul3A_1308 = arith.constant 16 : i32
          %mul3A_1309 = arith.muli %scan3A_718, %mul3A_1308 : i32
          %add3A_1310 = arith.addi %mul3A_1309, %scan3A_1307 : i32
          %get3A_1311 = arith.index_cast %add3A_1310 : i32 to index
          %get3A_1312 = arith.constant 0 : index
          %get3A_1313 = tpu.vector_load %arg7[%get3A_1311, %get3A_1312] {strides = array<i32>} : memref<784x16xi32, #tpu.memory_space<vmem>>, vector<16xi32>,
          %bitcast3A_1314 = vector.bitcast %get3A_1313 : vector<16xi32> to vector<32xi16>
          %broadcast_in_dim3A_1315 = arith.constant 0 : i32
          %broadcast_in_dim3A_1316 = vector.broadcast %broadcast_in_dim3A_1315 : i32 to vector<16xi32>
          %add3A_1317 = vector.broadcast %scan3A_1307 : i32 to vector<16xi32>
          %add3A_1318 = arith.addi %broadcast_in_dim3A_1316, %add3A_1317 : vector<16xi32>
          %reshape3A_1319 = vector.shape_cast %add3A_1318 : vector<16xi32> to vector<16x1xi32>
          %gather3A_1320 = vector.shape_cast %reshape3A_1319 : vector<16x1xi32> to vector<16xi32>
          %gather3A_1321 = tpu.dynamic_gather %get3A_733[%gather3A_1320] in [0] : vector<16xi32>, vector<16xi32> -> vector<16xi32>
          %add3A_1322 = arith.constant 0 : i32
          %add3A_1323 = vector.broadcast %add3A_1322 : i32 to vector<16xi32>
          %add3A_1324 = arith.addi %iota3A, %add3A_1323 : vector<16xi32>
          %add3A_1325 = arith.addi %gather3A_1321, %add3A_1324 : vector<16xi32>
          %gather3A_1326 = tpu.vector_load_idx %arg6[%add3A_1325] : memref<4096xi32, #tpu.memory_space<vmem>>[vector<16xi32>], vector<16xi32>,
          %bitcast3A_1327 = vector.bitcast %gather3A_1326 : vector<16xi32> to vector<32xi16>
          %mul3A_1328 = arith.muli %bitcast3A_1314, %bitcast3A_1327 : vector<32xi16>
          %add3A_1329 = arith.addi %add3A_1228, %mul3A_1328 : vector<32xi16>
          %reshape3A_1330 = vector.shape_cast %add3A_1318 : vector<16xi32> to vector<16x1xi32>
          %gather3A_1331 = vector.shape_cast %reshape3A_1330 : vector<16x1xi32> to vector<16xi32>
          %gather3A_1332 = tpu.dynamic_gather %get3A_741[%gather3A_1331] in [0] : vector<16xi32>, vector<16xi32> -> vector<16xi32>
          %add3A_1333 = arith.constant 0 : i32
          %add3A_1334 = vector.broadcast %add3A_1333 : i32 to vector<16xi32>
          %add3A_1335 = arith.addi %iota3A, %add3A_1334 : vector<16xi32>
          %add3A_1336 = arith.addi %gather3A_1332, %add3A_1335 : vector<16xi32>
          %gather3A_1337 = tpu.vector_load_idx %arg6[%add3A_1336] : memref<4096xi32, #tpu.memory_space<vmem>>[vector<16xi32>], vector<16xi32>,
          %bitcast3A_1338 = vector.bitcast %gather3A_1337 : vector<16xi32> to vector<32xi16>
          %mul3A_1339 = arith.muli %bitcast3A_1314, %bitcast3A_1338 : vector<32xi16>
          %add3A_1340 = arith.addi %add3A_1239, %mul3A_1339 : vector<32xi16>
          %reshape3A_1341 = vector.shape_cast %add3A_1318 : vector<16xi32> to vector<16x1xi32>
          %gather3A_1342 = vector.shape_cast %reshape3A_1341 : vector<16x1xi32> to vector<16xi32>
          %gather3A_1343 = tpu.dynamic_gather %get3A_749[%gather3A_1342] in [0] : vector<16xi32>, vector<16xi32> -> vector<16xi32>
          %add3A_1344 = arith.constant 0 : i32
          %add3A_1345 = vector.broadcast %add3A_1344 : i32 to vector<16xi32>
          %add3A_1346 = arith.addi %iota3A, %add3A_1345 : vector<16xi32>
          %add3A_1347 = arith.addi %gather3A_1343, %add3A_1346 : vector<16xi32>
          %gather3A_1348 = tpu.vector_load_idx %arg6[%add3A_1347] : memref<4096xi32, #tpu.memory_space<vmem>>[vector<16xi32>], vector<16xi32>,
          %bitcast3A_1349 = vector.bitcast %gather3A_1348 : vector<16xi32> to vector<32xi16>
          %mul3A_1350 = arith.muli %bitcast3A_1314, %bitcast3A_1349 : vector<32xi16>
          %add3A_1351 = arith.addi %add3A_1250, %mul3A_1350 : vector<32xi16>
          %reshape3A_1352 = vector.shape_cast %add3A_1318 : vector<16xi32> to vector<16x1xi32>
          %gather3A_1353 = vector.shape_cast %reshape3A_1352 : vector<16x1xi32> to vector<16xi32>
          %gather3A_1354 = tpu.dynamic_gather %get3A_757[%gather3A_1353] in [0] : vector<16xi32>, vector<16xi32> -> vector<16xi32>
          %add3A_1355 = arith.constant 0 : i32
          %add3A_1356 = vector.broadcast %add3A_1355 : i32 to vector<16xi32>
          %add3A_1357 = arith.addi %iota3A, %add3A_1356 : vector<16xi32>
          %add3A_1358 = arith.addi %gather3A_1354, %add3A_1357 : vector<16xi32>
          %gather3A_1359 = tpu.vector_load_idx %arg6[%add3A_1358] : memref<4096xi32, #tpu.memory_space<vmem>>[vector<16xi32>], vector<16xi32>,
          %bitcast3A_1360 = vector.bitcast %gather3A_1359 : vector<16xi32> to vector<32xi16>
          %mul3A_1361 = arith.muli %bitcast3A_1314, %bitcast3A_1360 : vector<32xi16>
          %add3A_1362 = arith.addi %add3A_1261, %mul3A_1361 : vector<32xi16>
          %reshape3A_1363 = vector.shape_cast %add3A_1318 : vector<16xi32> to vector<16x1xi32>
          %gather3A_1364 = vector.shape_cast %reshape3A_1363 : vector<16x1xi32> to vector<16xi32>
          %gather3A_1365 = tpu.dynamic_gather %get3A_765[%gather3A_1364] in [0] : vector<16xi32>, vector<16xi32> -> vector<16xi32>
          %add3A_1366 = arith.constant 0 : i32
          %add3A_1367 = vector.broadcast %add3A_1366 : i32 to vector<16xi32>
          %add3A_1368 = arith.addi %iota3A, %add3A_1367 : vector<16xi32>
          %add3A_1369 = arith.addi %gather3A_1365, %add3A_1368 : vector<16xi32>
          %gather3A_1370 = tpu.vector_load_idx %arg6[%add3A_1369] : memref<4096xi32, #tpu.memory_space<vmem>>[vector<16xi32>], vector<16xi32>,
          %bitcast3A_1371 = vector.bitcast %gather3A_1370 : vector<16xi32> to vector<32xi16>
          %mul3A_1372 = arith.muli %bitcast3A_1314, %bitcast3A_1371 : vector<32xi16>
          %add3A_1373 = arith.addi %add3A_1272, %mul3A_1372 : vector<32xi16>
          %reshape3A_1374 = vector.shape_cast %add3A_1318 : vector<16xi32> to vector<16x1xi32>
          %gather3A_1375 = vector.shape_cast %reshape3A_1374 : vector<16x1xi32> to vector<16xi32>
          %gather3A_1376 = tpu.dynamic_gather %get3A_773[%gather3A_1375] in [0] : vector<16xi32>, vector<16xi32> -> vector<16xi32>
          %add3A_1377 = arith.constant 0 : i32
          %add3A_1378 = vector.broadcast %add3A_1377 : i32 to vector<16xi32>
          %add3A_1379 = arith.addi %iota3A, %add3A_1378 : vector<16xi32>
          %add3A_1380 = arith.addi %gather3A_1376, %add3A_1379 : vector<16xi32>
          %gather3A_1381 = tpu.vector_load_idx %arg6[%add3A_1380] : memref<4096xi32, #tpu.memory_space<vmem>>[vector<16xi32>], vector<16xi32>,
          %bitcast3A_1382 = vector.bitcast %gather3A_1381 : vector<16xi32> to vector<32xi16>
          %mul3A_1383 = arith.muli %bitcast3A_1314, %bitcast3A_1382 : vector<32xi16>
          %add3A_1384 = arith.addi %add3A_1283, %mul3A_1383 : vector<32xi16>
          %reshape3A_1385 = vector.shape_cast %add3A_1318 : vector<16xi32> to vector<16x1xi32>
          %gather3A_1386 = vector.shape_cast %reshape3A_1385 : vector<16x1xi32> to vector<16xi32>
          %gather3A_1387 = tpu.dynamic_gather %get3A_781[%gather3A_1386] in [0] : vector<16xi32>, vector<16xi32> -> vector<16xi32>
          %add3A_1388 = arith.constant 0 : i32
          %add3A_1389 = vector.broadcast %add3A_1388 : i32 to vector<16xi32>
          %add3A_1390 = arith.addi %iota3A, %add3A_1389 : vector<16xi32>
          %add3A_1391 = arith.addi %gather3A_1387, %add3A_1390 : vector<16xi32>
          %gather3A_1392 = tpu.vector_load_idx %arg6[%add3A_1391] : memref<4096xi32, #tpu.memory_space<vmem>>[vector<16xi32>], vector<16xi32>,
          %bitcast3A_1393 = vector.bitcast %gather3A_1392 : vector<16xi32> to vector<32xi16>
          %mul3A_1394 = arith.muli %bitcast3A_1314, %bitcast3A_1393 : vector<32xi16>
          %add3A_1395 = arith.addi %add3A_1294, %mul3A_1394 : vector<32xi16>
          %reshape3A_1396 = vector.shape_cast %add3A_1318 : vector<16xi32> to vector<16x1xi32>
          %gather3A_1397 = vector.shape_cast %reshape3A_1396 : vector<16x1xi32> to vector<16xi32>
          %gather3A_1398 = tpu.dynamic_gather %get3A_789[%gather3A_1397] in [0] : vector<16xi32>, vector<16xi32> -> vector<16xi32>
          %add3A_1399 = arith.constant 0 : i32
          %add3A_1400 = vector.broadcast %add3A_1399 : i32 to vector<16xi32>
          %add3A_1401 = arith.addi %iota3A, %add3A_1400 : vector<16xi32>
          %add3A_1402 = arith.addi %gather3A_1398, %add3A_1401 : vector<16xi32>
          %gather3A_1403 = tpu.vector_load_idx %arg6[%add3A_1402] : memref<4096xi32, #tpu.memory_space<vmem>>[vector<16xi32>], vector<16xi32>,
          %bitcast3A_1404 = vector.bitcast %gather3A_1403 : vector<16xi32> to vector<32xi16>
          %mul3A_1405 = arith.muli %bitcast3A_1314, %bitcast3A_1404 : vector<32xi16>
          %add3A_1406 = arith.addi %add3A_1305, %mul3A_1405 : vector<32xi16>
          %scan3A_1407 = arith.constant 6 : i32
          %scan3A_1408 = arith.addi %scan3A_796, %scan3A_1407 : i32
          %mul3A_1409 = arith.constant 16 : i32
          %mul3A_1410 = arith.muli %scan3A_718, %mul3A_1409 : i32
          %add3A_1411 = arith.addi %mul3A_1410, %scan3A_1408 : i32
          %get3A_1412 = arith.index_cast %add3A_1411 : i32 to index
          %get3A_1413 = arith.constant 0 : index
          %get3A_1414 = tpu.vector_load %arg7[%get3A_1412, %get3A_1413] {strides = array<i32>} : memref<784x16xi32, #tpu.memory_space<vmem>>, vector<16xi32>,
          %bitcast3A_1415 = vector.bitcast %get3A_1414 : vector<16xi32> to vector<32xi16>
          %broadcast_in_dim3A_1416 = arith.constant 0 : i32
          %broadcast_in_dim3A_1417 = vector.broadcast %broadcast_in_dim3A_1416 : i32 to vector<16xi32>
          %add3A_1418 = vector.broadcast %scan3A_1408 : i32 to vector<16xi32>
          %add3A_1419 = arith.addi %broadcast_in_dim3A_1417, %add3A_1418 : vector<16xi32>
          %reshape3A_1420 = vector.shape_cast %add3A_1419 : vector<16xi32> to vector<16x1xi32>
          %gather3A_1421 = vector.shape_cast %reshape3A_1420 : vector<16x1xi32> to vector<16xi32>
          %gather3A_1422 = tpu.dynamic_gather %get3A_733[%gather3A_1421] in [0] : vector<16xi32>, vector<16xi32> -> vector<16xi32>
          %add3A_1423 = arith.constant 0 : i32
          %add3A_1424 = vector.broadcast %add3A_1423 : i32 to vector<16xi32>
          %add3A_1425 = arith.addi %iota3A, %add3A_1424 : vector<16xi32>
          %add3A_1426 = arith.addi %gather3A_1422, %add3A_1425 : vector<16xi32>
          %gather3A_1427 = tpu.vector_load_idx %arg6[%add3A_1426] : memref<4096xi32, #tpu.memory_space<vmem>>[vector<16xi32>], vector<16xi32>,
          %bitcast3A_1428 = vector.bitcast %gather3A_1427 : vector<16xi32> to vector<32xi16>
          %mul3A_1429 = arith.muli %bitcast3A_1415, %bitcast3A_1428 : vector<32xi16>
          %add3A_1430 = arith.addi %add3A_1329, %mul3A_1429 : vector<32xi16>
          %reshape3A_1431 = vector.shape_cast %add3A_1419 : vector<16xi32> to vector<16x1xi32>
          %gather3A_1432 = vector.shape_cast %reshape3A_1431 : vector<16x1xi32> to vector<16xi32>
          %gather3A_1433 = tpu.dynamic_gather %get3A_741[%gather3A_1432] in [0] : vector<16xi32>, vector<16xi32> -> vector<16xi32>
          %add3A_1434 = arith.constant 0 : i32
          %add3A_1435 = vector.broadcast %add3A_1434 : i32 to vector<16xi32>
          %add3A_1436 = arith.addi %iota3A, %add3A_1435 : vector<16xi32>
          %add3A_1437 = arith.addi %gather3A_1433, %add3A_1436 : vector<16xi32>
          %gather3A_1438 = tpu.vector_load_idx %arg6[%add3A_1437] : memref<4096xi32, #tpu.memory_space<vmem>>[vector<16xi32>], vector<16xi32>,
          %bitcast3A_1439 = vector.bitcast %gather3A_1438 : vector<16xi32> to vector<32xi16>
          %mul3A_1440 = arith.muli %bitcast3A_1415, %bitcast3A_1439 : vector<32xi16>
          %add3A_1441 = arith.addi %add3A_1340, %mul3A_1440 : vector<32xi16>
          %reshape3A_1442 = vector.shape_cast %add3A_1419 : vector<16xi32> to vector<16x1xi32>
          %gather3A_1443 = vector.shape_cast %reshape3A_1442 : vector<16x1xi32> to vector<16xi32>
          %gather3A_1444 = tpu.dynamic_gather %get3A_749[%gather3A_1443] in [0] : vector<16xi32>, vector<16xi32> -> vector<16xi32>
          %add3A_1445 = arith.constant 0 : i32
          %add3A_1446 = vector.broadcast %add3A_1445 : i32 to vector<16xi32>
          %add3A_1447 = arith.addi %iota3A, %add3A_1446 : vector<16xi32>
          %add3A_1448 = arith.addi %gather3A_1444, %add3A_1447 : vector<16xi32>
          %gather3A_1449 = tpu.vector_load_idx %arg6[%add3A_1448] : memref<4096xi32, #tpu.memory_space<vmem>>[vector<16xi32>], vector<16xi32>,
          %bitcast3A_1450 = vector.bitcast %gather3A_1449 : vector<16xi32> to vector<32xi16>
          %mul3A_1451 = arith.muli %bitcast3A_1415, %bitcast3A_1450 : vector<32xi16>
          %add3A_1452 = arith.addi %add3A_1351, %mul3A_1451 : vector<32xi16>
          %reshape3A_1453 = vector.shape_cast %add3A_1419 : vector<16xi32> to vector<16x1xi32>
          %gather3A_1454 = vector.shape_cast %reshape3A_1453 : vector<16x1xi32> to vector<16xi32>
          %gather3A_1455 = tpu.dynamic_gather %get3A_757[%gather3A_1454] in [0] : vector<16xi32>, vector<16xi32> -> vector<16xi32>
          %add3A_1456 = arith.constant 0 : i32
          %add3A_1457 = vector.broadcast %add3A_1456 : i32 to vector<16xi32>
          %add3A_1458 = arith.addi %iota3A, %add3A_1457 : vector<16xi32>
          %add3A_1459 = arith.addi %gather3A_1455, %add3A_1458 : vector<16xi32>
          %gather3A_1460 = tpu.vector_load_idx %arg6[%add3A_1459] : memref<4096xi32, #tpu.memory_space<vmem>>[vector<16xi32>], vector<16xi32>,
          %bitcast3A_1461 = vector.bitcast %gather3A_1460 : vector<16xi32> to vector<32xi16>
          %mul3A_1462 = arith.muli %bitcast3A_1415, %bitcast3A_1461 : vector<32xi16>
          %add3A_1463 = arith.addi %add3A_1362, %mul3A_1462 : vector<32xi16>
          %reshape3A_1464 = vector.shape_cast %add3A_1419 : vector<16xi32> to vector<16x1xi32>
          %gather3A_1465 = vector.shape_cast %reshape3A_1464 : vector<16x1xi32> to vector<16xi32>
          %gather3A_1466 = tpu.dynamic_gather %get3A_765[%gather3A_1465] in [0] : vector<16xi32>, vector<16xi32> -> vector<16xi32>
          %add3A_1467 = arith.constant 0 : i32
          %add3A_1468 = vector.broadcast %add3A_1467 : i32 to vector<16xi32>
          %add3A_1469 = arith.addi %iota3A, %add3A_1468 : vector<16xi32>
          %add3A_1470 = arith.addi %gather3A_1466, %add3A_1469 : vector<16xi32>
          %gather3A_1471 = tpu.vector_load_idx %arg6[%add3A_1470] : memref<4096xi32, #tpu.memory_space<vmem>>[vector<16xi32>], vector<16xi32>,
          %bitcast3A_1472 = vector.bitcast %gather3A_1471 : vector<16xi32> to vector<32xi16>
          %mul3A_1473 = arith.muli %bitcast3A_1415, %bitcast3A_1472 : vector<32xi16>
          %add3A_1474 = arith.addi %add3A_1373, %mul3A_1473 : vector<32xi16>
          %reshape3A_1475 = vector.shape_cast %add3A_1419 : vector<16xi32> to vector<16x1xi32>
          %gather3A_1476 = vector.shape_cast %reshape3A_1475 : vector<16x1xi32> to vector<16xi32>
          %gather3A_1477 = tpu.dynamic_gather %get3A_773[%gather3A_1476] in [0] : vector<16xi32>, vector<16xi32> -> vector<16xi32>
          %add3A_1478 = arith.constant 0 : i32
          %add3A_1479 = vector.broadcast %add3A_1478 : i32 to vector<16xi32>
          %add3A_1480 = arith.addi %iota3A, %add3A_1479 : vector<16xi32>
          %add3A_1481 = arith.addi %gather3A_1477, %add3A_1480 : vector<16xi32>
          %gather3A_1482 = tpu.vector_load_idx %arg6[%add3A_1481] : memref<4096xi32, #tpu.memory_space<vmem>>[vector<16xi32>], vector<16xi32>,
          %bitcast3A_1483 = vector.bitcast %gather3A_1482 : vector<16xi32> to vector<32xi16>
          %mul3A_1484 = arith.muli %bitcast3A_1415, %bitcast3A_1483 : vector<32xi16>
          %add3A_1485 = arith.addi %add3A_1384, %mul3A_1484 : vector<32xi16>
          %reshape3A_1486 = vector.shape_cast %add3A_1419 : vector<16xi32> to vector<16x1xi32>
          %gather3A_1487 = vector.shape_cast %reshape3A_1486 : vector<16x1xi32> to vector<16xi32>
          %gather3A_1488 = tpu.dynamic_gather %get3A_781[%gather3A_1487] in [0] : vector<16xi32>, vector<16xi32> -> vector<16xi32>
          %add3A_1489 = arith.constant 0 : i32
          %add3A_1490 = vector.broadcast %add3A_1489 : i32 to vector<16xi32>
          %add3A_1491 = arith.addi %iota3A, %add3A_1490 : vector<16xi32>
          %add3A_1492 = arith.addi %gather3A_1488, %add3A_1491 : vector<16xi32>
          %gather3A_1493 = tpu.vector_load_idx %arg6[%add3A_1492] : memref<4096xi32, #tpu.memory_space<vmem>>[vector<16xi32>], vector<16xi32>,
          %bitcast3A_1494 = vector.bitcast %gather3A_1493 : vector<16xi32> to vector<32xi16>
          %mul3A_1495 = arith.muli %bitcast3A_1415, %bitcast3A_1494 : vector<32xi16>
          %add3A_1496 = arith.addi %add3A_1395, %mul3A_1495 : vector<32xi16>
          %reshape3A_1497 = vector.shape_cast %add3A_1419 : vector<16xi32> to vector<16x1xi32>
          %gather3A_1498 = vector.shape_cast %reshape3A_1497 : vector<16x1xi32> to vector<16xi32>
          %gather3A_1499 = tpu.dynamic_gather %get3A_789[%gather3A_1498] in [0] : vector<16xi32>, vector<16xi32> -> vector<16xi32>
          %add3A_1500 = arith.constant 0 : i32
          %add3A_1501 = vector.broadcast %add3A_1500 : i32 to vector<16xi32>
          %add3A_1502 = arith.addi %iota3A, %add3A_1501 : vector<16xi32>
          %add3A_1503 = arith.addi %gather3A_1499, %add3A_1502 : vector<16xi32>
          %gather3A_1504 = tpu.vector_load_idx %arg6[%add3A_1503] : memref<4096xi32, #tpu.memory_space<vmem>>[vector<16xi32>], vector<16xi32>,
          %bitcast3A_1505 = vector.bitcast %gather3A_1504 : vector<16xi32> to vector<32xi16>
          %mul3A_1506 = arith.muli %bitcast3A_1415, %bitcast3A_1505 : vector<32xi16>
          %add3A_1507 = arith.addi %add3A_1406, %mul3A_1506 : vector<32xi16>
          %scan3A_1508 = arith.constant 7 : i32
          %scan3A_1509 = arith.addi %scan3A_796, %scan3A_1508 : i32
          %mul3A_1510 = arith.constant 16 : i32
          %mul3A_1511 = arith.muli %scan3A_718, %mul3A_1510 : i32
          %add3A_1512 = arith.addi %mul3A_1511, %scan3A_1509 : i32
          %get3A_1513 = arith.index_cast %add3A_1512 : i32 to index
          %get3A_1514 = arith.constant 0 : index
          %get3A_1515 = tpu.vector_load %arg7[%get3A_1513, %get3A_1514] {strides = array<i32>} : memref<784x16xi32, #tpu.memory_space<vmem>>, vector<16xi32>,
          %bitcast3A_1516 = vector.bitcast %get3A_1515 : vector<16xi32> to vector<32xi16>
          %broadcast_in_dim3A_1517 = arith.constant 0 : i32
          %broadcast_in_dim3A_1518 = vector.broadcast %broadcast_in_dim3A_1517 : i32 to vector<16xi32>
          %add3A_1519 = vector.broadcast %scan3A_1509 : i32 to vector<16xi32>
          %add3A_1520 = arith.addi %broadcast_in_dim3A_1518, %add3A_1519 : vector<16xi32>
          %reshape3A_1521 = vector.shape_cast %add3A_1520 : vector<16xi32> to vector<16x1xi32>
          %gather3A_1522 = vector.shape_cast %reshape3A_1521 : vector<16x1xi32> to vector<16xi32>
          %gather3A_1523 = tpu.dynamic_gather %get3A_733[%gather3A_1522] in [0] : vector<16xi32>, vector<16xi32> -> vector<16xi32>
          %add3A_1524 = arith.constant 0 : i32
          %add3A_1525 = vector.broadcast %add3A_1524 : i32 to vector<16xi32>
          %add3A_1526 = arith.addi %iota3A, %add3A_1525 : vector<16xi32>
          %add3A_1527 = arith.addi %gather3A_1523, %add3A_1526 : vector<16xi32>
          %gather3A_1528 = tpu.vector_load_idx %arg6[%add3A_1527] : memref<4096xi32, #tpu.memory_space<vmem>>[vector<16xi32>], vector<16xi32>,
          %bitcast3A_1529 = vector.bitcast %gather3A_1528 : vector<16xi32> to vector<32xi16>
          %mul3A_1530 = arith.muli %bitcast3A_1516, %bitcast3A_1529 : vector<32xi16>
          %add3A_1531 = arith.addi %add3A_1430, %mul3A_1530 : vector<32xi16>
          %reshape3A_1532 = vector.shape_cast %add3A_1520 : vector<16xi32> to vector<16x1xi32>
          %gather3A_1533 = vector.shape_cast %reshape3A_1532 : vector<16x1xi32> to vector<16xi32>
          %gather3A_1534 = tpu.dynamic_gather %get3A_741[%gather3A_1533] in [0] : vector<16xi32>, vector<16xi32> -> vector<16xi32>
          %add3A_1535 = arith.constant 0 : i32
          %add3A_1536 = vector.broadcast %add3A_1535 : i32 to vector<16xi32>
          %add3A_1537 = arith.addi %iota3A, %add3A_1536 : vector<16xi32>
          %add3A_1538 = arith.addi %gather3A_1534, %add3A_1537 : vector<16xi32>
          %gather3A_1539 = tpu.vector_load_idx %arg6[%add3A_1538] : memref<4096xi32, #tpu.memory_space<vmem>>[vector<16xi32>], vector<16xi32>,
          %bitcast3A_1540 = vector.bitcast %gather3A_1539 : vector<16xi32> to vector<32xi16>
          %mul3A_1541 = arith.muli %bitcast3A_1516, %bitcast3A_1540 : vector<32xi16>
          %add3A_1542 = arith.addi %add3A_1441, %mul3A_1541 : vector<32xi16>
          %reshape3A_1543 = vector.shape_cast %add3A_1520 : vector<16xi32> to vector<16x1xi32>
          %gather3A_1544 = vector.shape_cast %reshape3A_1543 : vector<16x1xi32> to vector<16xi32>
          %gather3A_1545 = tpu.dynamic_gather %get3A_749[%gather3A_1544] in [0] : vector<16xi32>, vector<16xi32> -> vector<16xi32>
          %add3A_1546 = arith.constant 0 : i32
          %add3A_1547 = vector.broadcast %add3A_1546 : i32 to vector<16xi32>
          %add3A_1548 = arith.addi %iota3A, %add3A_1547 : vector<16xi32>
          %add3A_1549 = arith.addi %gather3A_1545, %add3A_1548 : vector<16xi32>
          %gather3A_1550 = tpu.vector_load_idx %arg6[%add3A_1549] : memref<4096xi32, #tpu.memory_space<vmem>>[vector<16xi32>], vector<16xi32>,
          %bitcast3A_1551 = vector.bitcast %gather3A_1550 : vector<16xi32> to vector<32xi16>
          %mul3A_1552 = arith.muli %bitcast3A_1516, %bitcast3A_1551 : vector<32xi16>
          %add3A_1553 = arith.addi %add3A_1452, %mul3A_1552 : vector<32xi16>
          %reshape3A_1554 = vector.shape_cast %add3A_1520 : vector<16xi32> to vector<16x1xi32>
          %gather3A_1555 = vector.shape_cast %reshape3A_1554 : vector<16x1xi32> to vector<16xi32>
          %gather3A_1556 = tpu.dynamic_gather %get3A_757[%gather3A_1555] in [0] : vector<16xi32>, vector<16xi32> -> vector<16xi32>
          %add3A_1557 = arith.constant 0 : i32
          %add3A_1558 = vector.broadcast %add3A_1557 : i32 to vector<16xi32>
          %add3A_1559 = arith.addi %iota3A, %add3A_1558 : vector<16xi32>
          %add3A_1560 = arith.addi %gather3A_1556, %add3A_1559 : vector<16xi32>
          %gather3A_1561 = tpu.vector_load_idx %arg6[%add3A_1560] : memref<4096xi32, #tpu.memory_space<vmem>>[vector<16xi32>], vector<16xi32>,
          %bitcast3A_1562 = vector.bitcast %gather3A_1561 : vector<16xi32> to vector<32xi16>
          %mul3A_1563 = arith.muli %bitcast3A_1516, %bitcast3A_1562 : vector<32xi16>
          %add3A_1564 = arith.addi %add3A_1463, %mul3A_1563 : vector<32xi16>
          %reshape3A_1565 = vector.shape_cast %add3A_1520 : vector<16xi32> to vector<16x1xi32>
          %gather3A_1566 = vector.shape_cast %reshape3A_1565 : vector<16x1xi32> to vector<16xi32>
          %gather3A_1567 = tpu.dynamic_gather %get3A_765[%gather3A_1566] in [0] : vector<16xi32>, vector<16xi32> -> vector<16xi32>
          %add3A_1568 = arith.constant 0 : i32
          %add3A_1569 = vector.broadcast %add3A_1568 : i32 to vector<16xi32>
          %add3A_1570 = arith.addi %iota3A, %add3A_1569 : vector<16xi32>
          %add3A_1571 = arith.addi %gather3A_1567, %add3A_1570 : vector<16xi32>
          %gather3A_1572 = tpu.vector_load_idx %arg6[%add3A_1571] : memref<4096xi32, #tpu.memory_space<vmem>>[vector<16xi32>], vector<16xi32>,
          %bitcast3A_1573 = vector.bitcast %gather3A_1572 : vector<16xi32> to vector<32xi16>
          %mul3A_1574 = arith.muli %bitcast3A_1516, %bitcast3A_1573 : vector<32xi16>
          %add3A_1575 = arith.addi %add3A_1474, %mul3A_1574 : vector<32xi16>
          %reshape3A_1576 = vector.shape_cast %add3A_1520 : vector<16xi32> to vector<16x1xi32>
          %gather3A_1577 = vector.shape_cast %reshape3A_1576 : vector<16x1xi32> to vector<16xi32>
          %gather3A_1578 = tpu.dynamic_gather %get3A_773[%gather3A_1577] in [0] : vector<16xi32>, vector<16xi32> -> vector<16xi32>
          %add3A_1579 = arith.constant 0 : i32
          %add3A_1580 = vector.broadcast %add3A_1579 : i32 to vector<16xi32>
          %add3A_1581 = arith.addi %iota3A, %add3A_1580 : vector<16xi32>
          %add3A_1582 = arith.addi %gather3A_1578, %add3A_1581 : vector<16xi32>
          %gather3A_1583 = tpu.vector_load_idx %arg6[%add3A_1582] : memref<4096xi32, #tpu.memory_space<vmem>>[vector<16xi32>], vector<16xi32>,
          %bitcast3A_1584 = vector.bitcast %gather3A_1583 : vector<16xi32> to vector<32xi16>
          %mul3A_1585 = arith.muli %bitcast3A_1516, %bitcast3A_1584 : vector<32xi16>
          %add3A_1586 = arith.addi %add3A_1485, %mul3A_1585 : vector<32xi16>
          %reshape3A_1587 = vector.shape_cast %add3A_1520 : vector<16xi32> to vector<16x1xi32>
          %gather3A_1588 = vector.shape_cast %reshape3A_1587 : vector<16x1xi32> to vector<16xi32>
          %gather3A_1589 = tpu.dynamic_gather %get3A_781[%gather3A_1588] in [0] : vector<16xi32>, vector<16xi32> -> vector<16xi32>
          %add3A_1590 = arith.constant 0 : i32
          %add3A_1591 = vector.broadcast %add3A_1590 : i32 to vector<16xi32>
          %add3A_1592 = arith.addi %iota3A, %add3A_1591 : vector<16xi32>
          %add3A_1593 = arith.addi %gather3A_1589, %add3A_1592 : vector<16xi32>
          %gather3A_1594 = tpu.vector_load_idx %arg6[%add3A_1593] : memref<4096xi32, #tpu.memory_space<vmem>>[vector<16xi32>], vector<16xi32>,
          %bitcast3A_1595 = vector.bitcast %gather3A_1594 : vector<16xi32> to vector<32xi16>
          %mul3A_1596 = arith.muli %bitcast3A_1516, %bitcast3A_1595 : vector<32xi16>
          %add3A_1597 = arith.addi %add3A_1496, %mul3A_1596 : vector<32xi16>
          %reshape3A_1598 = vector.shape_cast %add3A_1520 : vector<16xi32> to vector<16x1xi32>
          %gather3A_1599 = vector.shape_cast %reshape3A_1598 : vector<16x1xi32> to vector<16xi32>
          %gather3A_1600 = tpu.dynamic_gather %get3A_789[%gather3A_1599] in [0] : vector<16xi32>, vector<16xi32> -> vector<16xi32>
          %add3A_1601 = arith.constant 0 : i32
          %add3A_1602 = vector.broadcast %add3A_1601 : i32 to vector<16xi32>
          %add3A_1603 = arith.addi %iota3A, %add3A_1602 : vector<16xi32>
          %add3A_1604 = arith.addi %gather3A_1600, %add3A_1603 : vector<16xi32>
          %gather3A_1605 = tpu.vector_load_idx %arg6[%add3A_1604] : memref<4096xi32, #tpu.memory_space<vmem>>[vector<16xi32>], vector<16xi32>,
          %bitcast3A_1606 = vector.bitcast %gather3A_1605 : vector<16xi32> to vector<32xi16>
          %mul3A_1607 = arith.muli %bitcast3A_1516, %bitcast3A_1606 : vector<32xi16>
          %add3A_1608 = arith.addi %add3A_1507, %mul3A_1607 : vector<32xi16>
          scf.yield %add3A_1531, %add3A_1542, %add3A_1553, %add3A_1564, %add3A_1575, %add3A_1586, %add3A_1597, %add3A_1608 : vector<32xi16>, vector<32xi16>, vector<32xi16>, vector<32xi16>, vector<32xi16>, vector<32xi16>, vector<32xi16>, vector<32xi16>
        }
        %scan3A_795 = arith.constant 16 : i32
        scf.yield %scan3A_794#0, %scan3A_794#1, %scan3A_794#2, %scan3A_794#3, %scan3A_794#4, %scan3A_794#5, %scan3A_794#6, %scan3A_794#7 : vector<32xi16>, vector<32xi16>, vector<32xi16>, vector<32xi16>, vector<32xi16>, vector<32xi16>, vector<32xi16>, vector<32xi16>
      }
      %scan3A_396 = arith.constant 49 : i32
      %bitcast3A_397 = vector.bitcast %scan3A_395#0 : vector<32xi16> to vector<16xi32>
      %shift_left3A_398 = arith.constant 16 : i32
      %shift_left3A_399 = vector.broadcast %shift_left3A_398 : i32 to vector<16xi32>
      %shift_left3A_400 = arith.shli %bitcast3A_397, %shift_left3A_399 : vector<16xi32>
      %shift_right_arithmetic3A_401 = arith.constant 16 : i32
      %shift_right_arithmetic3A_402 = vector.broadcast %shift_right_arithmetic3A_401 : i32 to vector<16xi32>
      %shift_right_arithmetic3A_403 = arith.shrsi %shift_left3A_400, %shift_right_arithmetic3A_402 : vector<16xi32>
      %shift_right_arithmetic3A_404 = arith.constant 16 : i32
      %shift_right_arithmetic3A_405 = vector.broadcast %shift_right_arithmetic3A_404 : i32 to vector<16xi32>
      %shift_right_arithmetic3A_406 = arith.shrsi %bitcast3A_397, %shift_right_arithmetic3A_405 : vector<16xi32>
      %gt3A_407 = arith.constant 0 : i32
      %gt3A_408 = vector.broadcast %gt3A_407 : i32 to vector<16xi32>
      %gt3A_409 = arith.cmpi sgt, %shift_right_arithmetic3A_403, %gt3A_408 : vector<16xi32>
      %jit3A_410 = arith.constant 1 : i32
      %jit3A_411 = arith.constant -1 : i32
      %broadcast_in_dim3A_412 = vector.broadcast %jit3A_410 : i32 to vector<16xi32>
      %broadcast_in_dim3A_413 = vector.broadcast %jit3A_411 : i32 to vector<16xi32>
      %select_n3A_414 = arith.select %gt3A_409, %broadcast_in_dim3A_412, %broadcast_in_dim3A_413 : vector<16xi1>, vector<16xi32>
      %gt3A_415 = arith.constant 0 : i32
      %gt3A_416 = vector.broadcast %gt3A_415 : i32 to vector<16xi32>
      %gt3A_417 = arith.cmpi sgt, %shift_right_arithmetic3A_406, %gt3A_416 : vector<16xi32>
      %jit3A_418 = arith.constant 1 : i32
      %jit3A_419 = arith.constant -1 : i32
      %broadcast_in_dim3A_420 = vector.broadcast %jit3A_418 : i32 to vector<16xi32>
      %broadcast_in_dim3A_421 = vector.broadcast %jit3A_419 : i32 to vector<16xi32>
      %select_n3A_422 = arith.select %gt3A_417, %broadcast_in_dim3A_420, %broadcast_in_dim3A_421 : vector<16xi1>, vector<16xi32>
      %and3A_423 = arith.constant 65535 : i32
      %and3A_424 = vector.broadcast %and3A_423 : i32 to vector<16xi32>
      %and3A_425 = arith.andi %select_n3A_414, %and3A_424 : vector<16xi32>
      %shift_left3A_426 = arith.constant 16 : i32
      %shift_left3A_427 = vector.broadcast %shift_left3A_426 : i32 to vector<16xi32>
      %shift_left3A_428 = arith.shli %select_n3A_422, %shift_left3A_427 : vector<16xi32>
      %or3A_429 = arith.ori %and3A_425, %shift_left3A_428 : vector<16xi32>
      %mul3A_430 = arith.constant 8 : i32
      %mul3A_431 = arith.muli %add3A_366, %mul3A_430 : i32
      %add3A_432 = arith.constant 0 : i32
      %add3A_433 = arith.addi %mul3A_431, %add3A_432 : i32
      %swap3A_434 = arith.index_cast %add3A_433 : i32 to index
      %swap3A_435 = arith.constant 0 : index
      %swap3A_436 = tpu.vector_load %arg9[%swap3A_434, %swap3A_435] {strides = array<i32>} : memref<128x16xi32, #tpu.memory_space<vmem>>, vector<16xi32>,
      tpu.vector_store %arg9[%swap3A_434, %swap3A_435], %or3A_429 {strides = array<i32>} : memref<128x16xi32, #tpu.memory_space<vmem>>, vector<16xi32>,
      %bitcast3A_437 = vector.bitcast %scan3A_395#1 : vector<32xi16> to vector<16xi32>
      %shift_left3A_438 = arith.constant 16 : i32
      %shift_left3A_439 = vector.broadcast %shift_left3A_438 : i32 to vector<16xi32>
      %shift_left3A_440 = arith.shli %bitcast3A_437, %shift_left3A_439 : vector<16xi32>
      %shift_right_arithmetic3A_441 = arith.constant 16 : i32
      %shift_right_arithmetic3A_442 = vector.broadcast %shift_right_arithmetic3A_441 : i32 to vector<16xi32>
      %shift_right_arithmetic3A_443 = arith.shrsi %shift_left3A_440, %shift_right_arithmetic3A_442 : vector<16xi32>
      %shift_right_arithmetic3A_444 = arith.constant 16 : i32
      %shift_right_arithmetic3A_445 = vector.broadcast %shift_right_arithmetic3A_444 : i32 to vector<16xi32>
      %shift_right_arithmetic3A_446 = arith.shrsi %bitcast3A_437, %shift_right_arithmetic3A_445 : vector<16xi32>
      %gt3A_447 = arith.constant 0 : i32
      %gt3A_448 = vector.broadcast %gt3A_447 : i32 to vector<16xi32>
      %gt3A_449 = arith.cmpi sgt, %shift_right_arithmetic3A_443, %gt3A_448 : vector<16xi32>
      %jit3A_450 = arith.constant 1 : i32
      %jit3A_451 = arith.constant -1 : i32
      %broadcast_in_dim3A_452 = vector.broadcast %jit3A_450 : i32 to vector<16xi32>
      %broadcast_in_dim3A_453 = vector.broadcast %jit3A_451 : i32 to vector<16xi32>
      %select_n3A_454 = arith.select %gt3A_449, %broadcast_in_dim3A_452, %broadcast_in_dim3A_453 : vector<16xi1>, vector<16xi32>
      %gt3A_455 = arith.constant 0 : i32
      %gt3A_456 = vector.broadcast %gt3A_455 : i32 to vector<16xi32>
      %gt3A_457 = arith.cmpi sgt, %shift_right_arithmetic3A_446, %gt3A_456 : vector<16xi32>
      %jit3A_458 = arith.constant 1 : i32
      %jit3A_459 = arith.constant -1 : i32
      %broadcast_in_dim3A_460 = vector.broadcast %jit3A_458 : i32 to vector<16xi32>
      %broadcast_in_dim3A_461 = vector.broadcast %jit3A_459 : i32 to vector<16xi32>
      %select_n3A_462 = arith.select %gt3A_457, %broadcast_in_dim3A_460, %broadcast_in_dim3A_461 : vector<16xi1>, vector<16xi32>
      %and3A_463 = arith.constant 65535 : i32
      %and3A_464 = vector.broadcast %and3A_463 : i32 to vector<16xi32>
      %and3A_465 = arith.andi %select_n3A_454, %and3A_464 : vector<16xi32>
      %shift_left3A_466 = arith.constant 16 : i32
      %shift_left3A_467 = vector.broadcast %shift_left3A_466 : i32 to vector<16xi32>
      %shift_left3A_468 = arith.shli %select_n3A_462, %shift_left3A_467 : vector<16xi32>
      %or3A_469 = arith.ori %and3A_465, %shift_left3A_468 : vector<16xi32>
      %mul3A_470 = arith.constant 8 : i32
      %mul3A_471 = arith.muli %add3A_366, %mul3A_470 : i32
      %add3A_472 = arith.constant 1 : i32
      %add3A_473 = arith.addi %mul3A_471, %add3A_472 : i32
      %swap3A_474 = arith.index_cast %add3A_473 : i32 to index
      %swap3A_475 = arith.constant 0 : index
      %swap3A_476 = tpu.vector_load %arg9[%swap3A_474, %swap3A_475] {strides = array<i32>} : memref<128x16xi32, #tpu.memory_space<vmem>>, vector<16xi32>,
      tpu.vector_store %arg9[%swap3A_474, %swap3A_475], %or3A_469 {strides = array<i32>} : memref<128x16xi32, #tpu.memory_space<vmem>>, vector<16xi32>,
      %bitcast3A_477 = vector.bitcast %scan3A_395#2 : vector<32xi16> to vector<16xi32>
      %shift_left3A_478 = arith.constant 16 : i32
      %shift_left3A_479 = vector.broadcast %shift_left3A_478 : i32 to vector<16xi32>
      %shift_left3A_480 = arith.shli %bitcast3A_477, %shift_left3A_479 : vector<16xi32>
      %shift_right_arithmetic3A_481 = arith.constant 16 : i32
      %shift_right_arithmetic3A_482 = vector.broadcast %shift_right_arithmetic3A_481 : i32 to vector<16xi32>
      %shift_right_arithmetic3A_483 = arith.shrsi %shift_left3A_480, %shift_right_arithmetic3A_482 : vector<16xi32>
      %shift_right_arithmetic3A_484 = arith.constant 16 : i32
      %shift_right_arithmetic3A_485 = vector.broadcast %shift_right_arithmetic3A_484 : i32 to vector<16xi32>
      %shift_right_arithmetic3A_486 = arith.shrsi %bitcast3A_477, %shift_right_arithmetic3A_485 : vector<16xi32>
      %gt3A_487 = arith.constant 0 : i32
      %gt3A_488 = vector.broadcast %gt3A_487 : i32 to vector<16xi32>
      %gt3A_489 = arith.cmpi sgt, %shift_right_arithmetic3A_483, %gt3A_488 : vector<16xi32>
      %jit3A_490 = arith.constant 1 : i32
      %jit3A_491 = arith.constant -1 : i32
      %broadcast_in_dim3A_492 = vector.broadcast %jit3A_490 : i32 to vector<16xi32>
      %broadcast_in_dim3A_493 = vector.broadcast %jit3A_491 : i32 to vector<16xi32>
      %select_n3A_494 = arith.select %gt3A_489, %broadcast_in_dim3A_492, %broadcast_in_dim3A_493 : vector<16xi1>, vector<16xi32>
      %gt3A_495 = arith.constant 0 : i32
      %gt3A_496 = vector.broadcast %gt3A_495 : i32 to vector<16xi32>
      %gt3A_497 = arith.cmpi sgt, %shift_right_arithmetic3A_486, %gt3A_496 : vector<16xi32>
      %jit3A_498 = arith.constant 1 : i32
      %jit3A_499 = arith.constant -1 : i32
      %broadcast_in_dim3A_500 = vector.broadcast %jit3A_498 : i32 to vector<16xi32>
      %broadcast_in_dim3A_501 = vector.broadcast %jit3A_499 : i32 to vector<16xi32>
      %select_n3A_502 = arith.select %gt3A_497, %broadcast_in_dim3A_500, %broadcast_in_dim3A_501 : vector<16xi1>, vector<16xi32>
      %and3A_503 = arith.constant 65535 : i32
      %and3A_504 = vector.broadcast %and3A_503 : i32 to vector<16xi32>
      %and3A_505 = arith.andi %select_n3A_494, %and3A_504 : vector<16xi32>
      %shift_left3A_506 = arith.constant 16 : i32
      %shift_left3A_507 = vector.broadcast %shift_left3A_506 : i32 to vector<16xi32>
      %shift_left3A_508 = arith.shli %select_n3A_502, %shift_left3A_507 : vector<16xi32>
      %or3A_509 = arith.ori %and3A_505, %shift_left3A_508 : vector<16xi32>
      %mul3A_510 = arith.constant 8 : i32
      %mul3A_511 = arith.muli %add3A_366, %mul3A_510 : i32
      %add3A_512 = arith.constant 2 : i32
      %add3A_513 = arith.addi %mul3A_511, %add3A_512 : i32
      %swap3A_514 = arith.index_cast %add3A_513 : i32 to index
      %swap3A_515 = arith.constant 0 : index
      %swap3A_516 = tpu.vector_load %arg9[%swap3A_514, %swap3A_515] {strides = array<i32>} : memref<128x16xi32, #tpu.memory_space<vmem>>, vector<16xi32>,
      tpu.vector_store %arg9[%swap3A_514, %swap3A_515], %or3A_509 {strides = array<i32>} : memref<128x16xi32, #tpu.memory_space<vmem>>, vector<16xi32>,
      %bitcast3A_517 = vector.bitcast %scan3A_395#3 : vector<32xi16> to vector<16xi32>
      %shift_left3A_518 = arith.constant 16 : i32
      %shift_left3A_519 = vector.broadcast %shift_left3A_518 : i32 to vector<16xi32>
      %shift_left3A_520 = arith.shli %bitcast3A_517, %shift_left3A_519 : vector<16xi32>
      %shift_right_arithmetic3A_521 = arith.constant 16 : i32
      %shift_right_arithmetic3A_522 = vector.broadcast %shift_right_arithmetic3A_521 : i32 to vector<16xi32>
      %shift_right_arithmetic3A_523 = arith.shrsi %shift_left3A_520, %shift_right_arithmetic3A_522 : vector<16xi32>
      %shift_right_arithmetic3A_524 = arith.constant 16 : i32
      %shift_right_arithmetic3A_525 = vector.broadcast %shift_right_arithmetic3A_524 : i32 to vector<16xi32>
      %shift_right_arithmetic3A_526 = arith.shrsi %bitcast3A_517, %shift_right_arithmetic3A_525 : vector<16xi32>
      %gt3A_527 = arith.constant 0 : i32
      %gt3A_528 = vector.broadcast %gt3A_527 : i32 to vector<16xi32>
      %gt3A_529 = arith.cmpi sgt, %shift_right_arithmetic3A_523, %gt3A_528 : vector<16xi32>
      %jit3A_530 = arith.constant 1 : i32
      %jit3A_531 = arith.constant -1 : i32
      %broadcast_in_dim3A_532 = vector.broadcast %jit3A_530 : i32 to vector<16xi32>
      %broadcast_in_dim3A_533 = vector.broadcast %jit3A_531 : i32 to vector<16xi32>
      %select_n3A_534 = arith.select %gt3A_529, %broadcast_in_dim3A_532, %broadcast_in_dim3A_533 : vector<16xi1>, vector<16xi32>
      %gt3A_535 = arith.constant 0 : i32
      %gt3A_536 = vector.broadcast %gt3A_535 : i32 to vector<16xi32>
      %gt3A_537 = arith.cmpi sgt, %shift_right_arithmetic3A_526, %gt3A_536 : vector<16xi32>
      %jit3A_538 = arith.constant 1 : i32
      %jit3A_539 = arith.constant -1 : i32
      %broadcast_in_dim3A_540 = vector.broadcast %jit3A_538 : i32 to vector<16xi32>
      %broadcast_in_dim3A_541 = vector.broadcast %jit3A_539 : i32 to vector<16xi32>
      %select_n3A_542 = arith.select %gt3A_537, %broadcast_in_dim3A_540, %broadcast_in_dim3A_541 : vector<16xi1>, vector<16xi32>
      %and3A_543 = arith.constant 65535 : i32
      %and3A_544 = vector.broadcast %and3A_543 : i32 to vector<16xi32>
      %and3A_545 = arith.andi %select_n3A_534, %and3A_544 : vector<16xi32>
      %shift_left3A_546 = arith.constant 16 : i32
      %shift_left3A_547 = vector.broadcast %shift_left3A_546 : i32 to vector<16xi32>
      %shift_left3A_548 = arith.shli %select_n3A_542, %shift_left3A_547 : vector<16xi32>
      %or3A_549 = arith.ori %and3A_545, %shift_left3A_548 : vector<16xi32>
      %mul3A_550 = arith.constant 8 : i32
      %mul3A_551 = arith.muli %add3A_366, %mul3A_550 : i32
      %add3A_552 = arith.constant 3 : i32
      %add3A_553 = arith.addi %mul3A_551, %add3A_552 : i32
      %swap3A_554 = arith.index_cast %add3A_553 : i32 to index
      %swap3A_555 = arith.constant 0 : index
      %swap3A_556 = tpu.vector_load %arg9[%swap3A_554, %swap3A_555] {strides = array<i32>} : memref<128x16xi32, #tpu.memory_space<vmem>>, vector<16xi32>,
      tpu.vector_store %arg9[%swap3A_554, %swap3A_555], %or3A_549 {strides = array<i32>} : memref<128x16xi32, #tpu.memory_space<vmem>>, vector<16xi32>,
      %bitcast3A_557 = vector.bitcast %scan3A_395#4 : vector<32xi16> to vector<16xi32>
      %shift_left3A_558 = arith.constant 16 : i32
      %shift_left3A_559 = vector.broadcast %shift_left3A_558 : i32 to vector<16xi32>
      %shift_left3A_560 = arith.shli %bitcast3A_557, %shift_left3A_559 : vector<16xi32>
      %shift_right_arithmetic3A_561 = arith.constant 16 : i32
      %shift_right_arithmetic3A_562 = vector.broadcast %shift_right_arithmetic3A_561 : i32 to vector<16xi32>
      %shift_right_arithmetic3A_563 = arith.shrsi %shift_left3A_560, %shift_right_arithmetic3A_562 : vector<16xi32>
      %shift_right_arithmetic3A_564 = arith.constant 16 : i32
      %shift_right_arithmetic3A_565 = vector.broadcast %shift_right_arithmetic3A_564 : i32 to vector<16xi32>
      %shift_right_arithmetic3A_566 = arith.shrsi %bitcast3A_557, %shift_right_arithmetic3A_565 : vector<16xi32>
      %gt3A_567 = arith.constant 0 : i32
      %gt3A_568 = vector.broadcast %gt3A_567 : i32 to vector<16xi32>
      %gt3A_569 = arith.cmpi sgt, %shift_right_arithmetic3A_563, %gt3A_568 : vector<16xi32>
      %jit3A_570 = arith.constant 1 : i32
      %jit3A_571 = arith.constant -1 : i32
      %broadcast_in_dim3A_572 = vector.broadcast %jit3A_570 : i32 to vector<16xi32>
      %broadcast_in_dim3A_573 = vector.broadcast %jit3A_571 : i32 to vector<16xi32>
      %select_n3A_574 = arith.select %gt3A_569, %broadcast_in_dim3A_572, %broadcast_in_dim3A_573 : vector<16xi1>, vector<16xi32>
      %gt3A_575 = arith.constant 0 : i32
      %gt3A_576 = vector.broadcast %gt3A_575 : i32 to vector<16xi32>
      %gt3A_577 = arith.cmpi sgt, %shift_right_arithmetic3A_566, %gt3A_576 : vector<16xi32>
      %jit3A_578 = arith.constant 1 : i32
      %jit3A_579 = arith.constant -1 : i32
      %broadcast_in_dim3A_580 = vector.broadcast %jit3A_578 : i32 to vector<16xi32>
      %broadcast_in_dim3A_581 = vector.broadcast %jit3A_579 : i32 to vector<16xi32>
      %select_n3A_582 = arith.select %gt3A_577, %broadcast_in_dim3A_580, %broadcast_in_dim3A_581 : vector<16xi1>, vector<16xi32>
      %and3A_583 = arith.constant 65535 : i32
      %and3A_584 = vector.broadcast %and3A_583 : i32 to vector<16xi32>
      %and3A_585 = arith.andi %select_n3A_574, %and3A_584 : vector<16xi32>
      %shift_left3A_586 = arith.constant 16 : i32
      %shift_left3A_587 = vector.broadcast %shift_left3A_586 : i32 to vector<16xi32>
      %shift_left3A_588 = arith.shli %select_n3A_582, %shift_left3A_587 : vector<16xi32>
      %or3A_589 = arith.ori %and3A_585, %shift_left3A_588 : vector<16xi32>
      %mul3A_590 = arith.constant 8 : i32
      %mul3A_591 = arith.muli %add3A_366, %mul3A_590 : i32
      %add3A_592 = arith.constant 4 : i32
      %add3A_593 = arith.addi %mul3A_591, %add3A_592 : i32
      %swap3A_594 = arith.index_cast %add3A_593 : i32 to index
      %swap3A_595 = arith.constant 0 : index
      %swap3A_596 = tpu.vector_load %arg9[%swap3A_594, %swap3A_595] {strides = array<i32>} : memref<128x16xi32, #tpu.memory_space<vmem>>, vector<16xi32>,
      tpu.vector_store %arg9[%swap3A_594, %swap3A_595], %or3A_589 {strides = array<i32>} : memref<128x16xi32, #tpu.memory_space<vmem>>, vector<16xi32>,
      %bitcast3A_597 = vector.bitcast %scan3A_395#5 : vector<32xi16> to vector<16xi32>
      %shift_left3A_598 = arith.constant 16 : i32
      %shift_left3A_599 = vector.broadcast %shift_left3A_598 : i32 to vector<16xi32>
      %shift_left3A_600 = arith.shli %bitcast3A_597, %shift_left3A_599 : vector<16xi32>
      %shift_right_arithmetic3A_601 = arith.constant 16 : i32
      %shift_right_arithmetic3A_602 = vector.broadcast %shift_right_arithmetic3A_601 : i32 to vector<16xi32>
      %shift_right_arithmetic3A_603 = arith.shrsi %shift_left3A_600, %shift_right_arithmetic3A_602 : vector<16xi32>
      %shift_right_arithmetic3A_604 = arith.constant 16 : i32
      %shift_right_arithmetic3A_605 = vector.broadcast %shift_right_arithmetic3A_604 : i32 to vector<16xi32>
      %shift_right_arithmetic3A_606 = arith.shrsi %bitcast3A_597, %shift_right_arithmetic3A_605 : vector<16xi32>
      %gt3A_607 = arith.constant 0 : i32
      %gt3A_608 = vector.broadcast %gt3A_607 : i32 to vector<16xi32>
      %gt3A_609 = arith.cmpi sgt, %shift_right_arithmetic3A_603, %gt3A_608 : vector<16xi32>
      %jit3A_610 = arith.constant 1 : i32
      %jit3A_611 = arith.constant -1 : i32
      %broadcast_in_dim3A_612 = vector.broadcast %jit3A_610 : i32 to vector<16xi32>
      %broadcast_in_dim3A_613 = vector.broadcast %jit3A_611 : i32 to vector<16xi32>
      %select_n3A_614 = arith.select %gt3A_609, %broadcast_in_dim3A_612, %broadcast_in_dim3A_613 : vector<16xi1>, vector<16xi32>
      %gt3A_615 = arith.constant 0 : i32
      %gt3A_616 = vector.broadcast %gt3A_615 : i32 to vector<16xi32>
      %gt3A_617 = arith.cmpi sgt, %shift_right_arithmetic3A_606, %gt3A_616 : vector<16xi32>
      %jit3A_618 = arith.constant 1 : i32
      %jit3A_619 = arith.constant -1 : i32
      %broadcast_in_dim3A_620 = vector.broadcast %jit3A_618 : i32 to vector<16xi32>
      %broadcast_in_dim3A_621 = vector.broadcast %jit3A_619 : i32 to vector<16xi32>
      %select_n3A_622 = arith.select %gt3A_617, %broadcast_in_dim3A_620, %broadcast_in_dim3A_621 : vector<16xi1>, vector<16xi32>
      %and3A_623 = arith.constant 65535 : i32
      %and3A_624 = vector.broadcast %and3A_623 : i32 to vector<16xi32>
      %and3A_625 = arith.andi %select_n3A_614, %and3A_624 : vector<16xi32>
      %shift_left3A_626 = arith.constant 16 : i32
      %shift_left3A_627 = vector.broadcast %shift_left3A_626 : i32 to vector<16xi32>
      %shift_left3A_628 = arith.shli %select_n3A_622, %shift_left3A_627 : vector<16xi32>
      %or3A_629 = arith.ori %and3A_625, %shift_left3A_628 : vector<16xi32>
      %mul3A_630 = arith.constant 8 : i32
      %mul3A_631 = arith.muli %add3A_366, %mul3A_630 : i32
      %add3A_632 = arith.constant 5 : i32
      %add3A_633 = arith.addi %mul3A_631, %add3A_632 : i32
      %swap3A_634 = arith.index_cast %add3A_633 : i32 to index
      %swap3A_635 = arith.constant 0 : index
      %swap3A_636 = tpu.vector_load %arg9[%swap3A_634, %swap3A_635] {strides = array<i32>} : memref<128x16xi32, #tpu.memory_space<vmem>>, vector<16xi32>,
      tpu.vector_store %arg9[%swap3A_634, %swap3A_635], %or3A_629 {strides = array<i32>} : memref<128x16xi32, #tpu.memory_space<vmem>>, vector<16xi32>,
      %bitcast3A_637 = vector.bitcast %scan3A_395#6 : vector<32xi16> to vector<16xi32>
      %shift_left3A_638 = arith.constant 16 : i32
      %shift_left3A_639 = vector.broadcast %shift_left3A_638 : i32 to vector<16xi32>
      %shift_left3A_640 = arith.shli %bitcast3A_637, %shift_left3A_639 : vector<16xi32>
      %shift_right_arithmetic3A_641 = arith.constant 16 : i32
      %shift_right_arithmetic3A_642 = vector.broadcast %shift_right_arithmetic3A_641 : i32 to vector<16xi32>
      %shift_right_arithmetic3A_643 = arith.shrsi %shift_left3A_640, %shift_right_arithmetic3A_642 : vector<16xi32>
      %shift_right_arithmetic3A_644 = arith.constant 16 : i32
      %shift_right_arithmetic3A_645 = vector.broadcast %shift_right_arithmetic3A_644 : i32 to vector<16xi32>
      %shift_right_arithmetic3A_646 = arith.shrsi %bitcast3A_637, %shift_right_arithmetic3A_645 : vector<16xi32>
      %gt3A_647 = arith.constant 0 : i32
      %gt3A_648 = vector.broadcast %gt3A_647 : i32 to vector<16xi32>
      %gt3A_649 = arith.cmpi sgt, %shift_right_arithmetic3A_643, %gt3A_648 : vector<16xi32>
      %jit3A_650 = arith.constant 1 : i32
      %jit3A_651 = arith.constant -1 : i32
      %broadcast_in_dim3A_652 = vector.broadcast %jit3A_650 : i32 to vector<16xi32>
      %broadcast_in_dim3A_653 = vector.broadcast %jit3A_651 : i32 to vector<16xi32>
      %select_n3A_654 = arith.select %gt3A_649, %broadcast_in_dim3A_652, %broadcast_in_dim3A_653 : vector<16xi1>, vector<16xi32>
      %gt3A_655 = arith.constant 0 : i32
      %gt3A_656 = vector.broadcast %gt3A_655 : i32 to vector<16xi32>
      %gt3A_657 = arith.cmpi sgt, %shift_right_arithmetic3A_646, %gt3A_656 : vector<16xi32>
      %jit3A_658 = arith.constant 1 : i32
      %jit3A_659 = arith.constant -1 : i32
      %broadcast_in_dim3A_660 = vector.broadcast %jit3A_658 : i32 to vector<16xi32>
      %broadcast_in_dim3A_661 = vector.broadcast %jit3A_659 : i32 to vector<16xi32>
      %select_n3A_662 = arith.select %gt3A_657, %broadcast_in_dim3A_660, %broadcast_in_dim3A_661 : vector<16xi1>, vector<16xi32>
      %and3A_663 = arith.constant 65535 : i32
      %and3A_664 = vector.broadcast %and3A_663 : i32 to vector<16xi32>
      %and3A_665 = arith.andi %select_n3A_654, %and3A_664 : vector<16xi32>
      %shift_left3A_666 = arith.constant 16 : i32
      %shift_left3A_667 = vector.broadcast %shift_left3A_666 : i32 to vector<16xi32>
      %shift_left3A_668 = arith.shli %select_n3A_662, %shift_left3A_667 : vector<16xi32>
      %or3A_669 = arith.ori %and3A_665, %shift_left3A_668 : vector<16xi32>
      %mul3A_670 = arith.constant 8 : i32
      %mul3A_671 = arith.muli %add3A_366, %mul3A_670 : i32
      %add3A_672 = arith.constant 6 : i32
      %add3A_673 = arith.addi %mul3A_671, %add3A_672 : i32
      %swap3A_674 = arith.index_cast %add3A_673 : i32 to index
      %swap3A_675 = arith.constant 0 : index
      %swap3A_676 = tpu.vector_load %arg9[%swap3A_674, %swap3A_675] {strides = array<i32>} : memref<128x16xi32, #tpu.memory_space<vmem>>, vector<16xi32>,
      tpu.vector_store %arg9[%swap3A_674, %swap3A_675], %or3A_669 {strides = array<i32>} : memref<128x16xi32, #tpu.memory_space<vmem>>, vector<16xi32>,
      %bitcast3A_677 = vector.bitcast %scan3A_395#7 : vector<32xi16> to vector<16xi32>
      %shift_left3A_678 = arith.constant 16 : i32
      %shift_left3A_679 = vector.broadcast %shift_left3A_678 : i32 to vector<16xi32>
      %shift_left3A_680 = arith.shli %bitcast3A_677, %shift_left3A_679 : vector<16xi32>
      %shift_right_arithmetic3A_681 = arith.constant 16 : i32
      %shift_right_arithmetic3A_682 = vector.broadcast %shift_right_arithmetic3A_681 : i32 to vector<16xi32>
      %shift_right_arithmetic3A_683 = arith.shrsi %shift_left3A_680, %shift_right_arithmetic3A_682 : vector<16xi32>
      %shift_right_arithmetic3A_684 = arith.constant 16 : i32
      %shift_right_arithmetic3A_685 = vector.broadcast %shift_right_arithmetic3A_684 : i32 to vector<16xi32>
      %shift_right_arithmetic3A_686 = arith.shrsi %bitcast3A_677, %shift_right_arithmetic3A_685 : vector<16xi32>
      %gt3A_687 = arith.constant 0 : i32
      %gt3A_688 = vector.broadcast %gt3A_687 : i32 to vector<16xi32>
      %gt3A_689 = arith.cmpi sgt, %shift_right_arithmetic3A_683, %gt3A_688 : vector<16xi32>
      %jit3A_690 = arith.constant 1 : i32
      %jit3A_691 = arith.constant -1 : i32
      %broadcast_in_dim3A_692 = vector.broadcast %jit3A_690 : i32 to vector<16xi32>
      %broadcast_in_dim3A_693 = vector.broadcast %jit3A_691 : i32 to vector<16xi32>
      %select_n3A_694 = arith.select %gt3A_689, %broadcast_in_dim3A_692, %broadcast_in_dim3A_693 : vector<16xi1>, vector<16xi32>
      %gt3A_695 = arith.constant 0 : i32
      %gt3A_696 = vector.broadcast %gt3A_695 : i32 to vector<16xi32>
      %gt3A_697 = arith.cmpi sgt, %shift_right_arithmetic3A_686, %gt3A_696 : vector<16xi32>
      %jit3A_698 = arith.constant 1 : i32
      %jit3A_699 = arith.constant -1 : i32
      %broadcast_in_dim3A_700 = vector.broadcast %jit3A_698 : i32 to vector<16xi32>
      %broadcast_in_dim3A_701 = vector.broadcast %jit3A_699 : i32 to vector<16xi32>
      %select_n3A_702 = arith.select %gt3A_697, %broadcast_in_dim3A_700, %broadcast_in_dim3A_701 : vector<16xi1>, vector<16xi32>
      %and3A_703 = arith.constant 65535 : i32
      %and3A_704 = vector.broadcast %and3A_703 : i32 to vector<16xi32>
      %and3A_705 = arith.andi %select_n3A_694, %and3A_704 : vector<16xi32>
      %shift_left3A_706 = arith.constant 16 : i32
      %shift_left3A_707 = vector.broadcast %shift_left3A_706 : i32 to vector<16xi32>
      %shift_left3A_708 = arith.shli %select_n3A_702, %shift_left3A_707 : vector<16xi32>
      %or3A_709 = arith.ori %and3A_705, %shift_left3A_708 : vector<16xi32>
      %mul3A_710 = arith.constant 8 : i32
      %mul3A_711 = arith.muli %add3A_366, %mul3A_710 : i32
      %add3A_712 = arith.constant 7 : i32
      %add3A_713 = arith.addi %mul3A_711, %add3A_712 : i32
      %swap3A_714 = arith.index_cast %add3A_713 : i32 to index
      %swap3A_715 = arith.constant 0 : index
      %swap3A_716 = tpu.vector_load %arg9[%swap3A_714, %swap3A_715] {strides = array<i32>} : memref<128x16xi32, #tpu.memory_space<vmem>>, vector<16xi32>,
      tpu.vector_store %arg9[%swap3A_714, %swap3A_715], %or3A_709 {strides = array<i32>} : memref<128x16xi32, #tpu.memory_space<vmem>>, vector<16xi32>,
      %scan3A_717 = arith.constant 0 : i32
      scf.yield %scan3A_717 : i32
    }
    %scan3A_20 = arith.constant 8 : i32
    "tpu.region"() ({
      %run_scoped3A = tpu.sem_alloc : memref<!tpu.dma_semaphore, #tpu.memory_space<semaphore_mem>>
      %dma_start3A_21 = arith.constant 0 : i32
      %dma_start3A_22 = arith.constant 0 : i32
      %dma_start3A_23 = tpu.memref_slice %arg5[%add3A, %dma_start3A_21, %dma_start3A_22] : memref<32x128x16xi32, #tpu.memory_space<hbm>> -> memref<1x128x16xi32, #tpu.memory_space<hbm>>
      %dma_start3A_24 = tpu.memref_squeeze %dma_start3A_23 : memref<1x128x16xi32, #tpu.memory_space<hbm>> -> memref<128x16xi32, #tpu.memory_space<hbm>>
      %dma_start3A_25 = arith.constant 0 : i32
      %dma_start3A_26 = arith.constant 0 : i32
      %dma_start3A_27 = tpu.memref_slice %arg5[%add3A, %dma_start3A_25, %dma_start3A_26] : memref<32x128x16xi32, #tpu.memory_space<hbm>> -> memref<1x128x16xi32, #tpu.memory_space<hbm>>
      %dma_start3A_28 = tpu.memref_squeeze %dma_start3A_27 : memref<1x128x16xi32, #tpu.memory_space<hbm>> -> memref<128x16xi32, #tpu.memory_space<hbm>>
      tpu.enqueue_dma source(%arg9 : memref<128x16xi32, #tpu.memory_space<vmem>>) target(%dma_start3A_28 : memref<128x16xi32, #tpu.memory_space<hbm>>) target_semaphore(%run_scoped3A : memref<!tpu.dma_semaphore, #tpu.memory_space<semaphore_mem>>)
      %dma_wait3A = arith.constant 0 : i32
      %dma_wait3A_29 = arith.constant 0 : i32
      %dma_wait3A_30 = tpu.memref_slice %arg5[%add3A, %dma_wait3A, %dma_wait3A_29] : memref<32x128x16xi32, #tpu.memory_space<hbm>> -> memref<1x128x16xi32, #tpu.memory_space<hbm>>
      %dma_wait3A_31 = tpu.memref_squeeze %dma_wait3A_30 : memref<1x128x16xi32, #tpu.memory_space<hbm>> -> memref<128x16xi32, #tpu.memory_space<hbm>>
      %dma_wait3A_32 = arith.constant 0 : i32
      %dma_wait3A_33 = arith.constant 0 : i32
      %dma_wait3A_34 = tpu.memref_slice %arg5[%add3A, %dma_wait3A_32, %dma_wait3A_33] : memref<32x128x16xi32, #tpu.memory_space<hbm>> -> memref<1x128x16xi32, #tpu.memory_space<hbm>>
      %dma_wait3A_35 = tpu.memref_squeeze %dma_wait3A_34 : memref<1x128x16xi32, #tpu.memory_space<hbm>> -> memref<128x16xi32, #tpu.memory_space<hbm>>
      tpu.wait_dma2 semaphore(%run_scoped3A : memref<!tpu.dma_semaphore, #tpu.memory_space<semaphore_mem>>) src(%arg9 : memref<128x16xi32, #tpu.memory_space<vmem>>) dst(%dma_wait3A_35 : memref<128x16xi32, #tpu.memory_space<hbm>>)
      tpu.yield
    }) : () -> ()
    return
  }
}

module attributes {stable_mosaic.version = 14 : i64} {
  func.func @_idx_body(%arg0: memref<128x784xf32, #tpu.memory_space<vmem>>, %arg1: memref<128x784xi32, #tpu.memory_space<vmem>>) attributes {dimension_semantics = [], scalar_prefetch = 0 : i64, scratch_operands = 0 : i64, tpu.core_type = #tpu.core_type<tc>} {
    %get3A = arith.constant 0 : index
    %get3A_0 = arith.constant 0 : index
    %get3A_1 = vector.load %arg0[%get3A, %get3A_0] : memref<128x784xf32, #tpu.memory_space<vmem>>, vector<128x784xf32>
    %mul3A = arith.constant 2.550000e+02 : f32
    %mul3A_2 = vector.broadcast %mul3A : f32 to vector<128x784xf32>
    %mul3A_3 = arith.mulf %get3A_1, %mul3A_2 : vector<128x784xf32>
    %round3A = math.roundeven %mul3A_3 : vector<128x784xf32>
    %jit3A = arith.constant 0 : i32
    %jit3A_4 = arith.constant 255 : i32
    %convert_element_type3A = arith.sitofp %jit3A : i32 to f32
    %max3A = vector.broadcast %convert_element_type3A : f32 to vector<128x784xf32>
    %max3A_5 = arith.maximumf %max3A, %round3A : vector<128x784xf32>
    %convert_element_type3A_6 = arith.sitofp %jit3A_4 : i32 to f32
    %min3A = vector.broadcast %convert_element_type3A_6 : f32 to vector<128x784xf32>
    %min3A_7 = arith.minimumf %min3A, %max3A_5 : vector<128x784xf32>
    %convert_element_type3A_8 = arith.fptosi %min3A_7 : vector<128x784xf32> to vector<128x784xi32>
    %mul3A_9 = arith.constant 16 : i32
    %mul3A_10 = vector.broadcast %mul3A_9 : i32 to vector<128x784xi32>
    %mul3A_11 = arith.muli %convert_element_type3A_8, %mul3A_10 : vector<128x784xi32>
    %swap3A = arith.constant 0 : index
    %swap3A_12 = arith.constant 0 : index
    %swap3A_13 = vector.load %arg1[%swap3A, %swap3A_12] : memref<128x784xi32, #tpu.memory_space<vmem>>, vector<128x784xi32>
    tpu.vector_store %arg1[%swap3A, %swap3A_12], %mul3A_11 {strides = array<i32>} : memref<128x784xi32, #tpu.memory_space<vmem>>, vector<128x784xi32>,
    return
  }
}

module attributes {stable_mosaic.version = 14 : i64} {
  func.func @_tc_encode_body(%arg0: i32, %arg1: memref<1x1x896xi32, #tpu.memory_space<vmem>>, %arg2: memref<896x1024xbf16, #tpu.memory_space<vmem>>, %arg3: memref<256x1024xbf16, #tpu.memory_space<vmem>>, %arg4: memref<1x1x1024xf32, #tpu.memory_space<vmem>>) attributes {dimension_semantics = [#tpu.dimension_semantics<arbitrary>], iteration_bounds = array<i64: 128>, scalar_prefetch = 0 : i64, scratch_operands = 0 : i64, tpu.core_type = #tpu.core_type<tc>, window_params = [{transform_indices = @transform_0, window_bounds = array<i64: 1, 1, 896>}, {pipeline_mode = #tpu.pipeline_mode<synchronous>, transform_indices = @transform_1, window_bounds = array<i64: 896, 1024>}, {pipeline_mode = #tpu.pipeline_mode<synchronous>, transform_indices = @transform_2, window_bounds = array<i64: 256, 1024>}, {transform_indices = @transform_3, window_bounds = array<i64: 1, 1, 1024>}]} {
    %get3A = arith.constant 0 : index
    %get3A_0 = arith.constant 0 : index
    %get3A_1 = arith.constant 0 : index
    %get3A_2 = vector.load %arg1[%get3A, %get3A_0, %get3A_1] : memref<1x1x896xi32, #tpu.memory_space<vmem>>, vector<1x1x896xi32>
    %get3A_3 = vector.shape_cast %get3A_2 : vector<1x1x896xi32> to vector<1x896xi32>
    %iota3A = tpu.iota {dimensions = array<i32: 0>} : vector<256x896xi32>
    %mul3A = arith.constant 16 : i32
    %mul3A_4 = vector.broadcast %mul3A : i32 to vector<256x896xi32>
    %mul3A_5 = arith.muli %iota3A, %mul3A_4 : vector<256x896xi32>
    %eq3A = vector.broadcast %get3A_3 : vector<1x896xi32> to vector<256x896xi32>
    %eq3A_6 = arith.cmpi eq, %mul3A_5, %eq3A : vector<256x896xi32>
    %convert_element_type3A = arith.extui %eq3A_6 : vector<256x896xi1> to vector<256x896xi32>
    %convert_element_type3A_7 = arith.sitofp %convert_element_type3A : vector<256x896xi32> to vector<256x896xf32>
    %convert_element_type3A_8 = arith.truncf %convert_element_type3A_7 : vector<256x896xf32> to vector<256x896xbf16>
    %get3A_9 = arith.constant 0 : index
    %get3A_10 = arith.constant 0 : index
    %get3A_11 = vector.load %arg2[%get3A_9, %get3A_10] : memref<896x1024xbf16, #tpu.memory_space<vmem>>, vector<896x1024xbf16>
    %dot_general3A = arith.constant dense<0.000000e+00> : vector<256x1024xf32>
    %dot_general3A_12 = tpu.matmul %convert_element_type3A_8, %get3A_11, %dot_general3A {dimension_numbers = #tpu.dot_dimension_numbers<[1], [0], [0], [1], [0, 0, 1, 1], [], []>, transpose_lhs_hint = false} : vector<256x896xbf16>, vector<896x1024xbf16>, vector<256x1024xf32> -> vector<256x1024xf32>
    %get3A_13 = arith.constant 0 : index
    %get3A_14 = arith.constant 0 : index
    %get3A_15 = vector.load %arg3[%get3A_13, %get3A_14] : memref<256x1024xbf16, #tpu.memory_space<vmem>>, vector<256x1024xbf16>
    %convert_element_type3A_16 = arith.extf %get3A_15 : vector<256x1024xbf16> to vector<256x1024xf32>
    %mul3A_17 = arith.mulf %convert_element_type3A_16, %dot_general3A_12 : vector<256x1024xf32>
    %reduce_sum3A = arith.constant dense<0.000000e+00> : vector<1024xf32>
    %reduce_sum3A_18 = vector.multi_reduction <add>, %mul3A_17, %reduce_sum3A [0] : vector<256x1024xf32> to vector<1024xf32>
    %broadcast_in_dim3A = vector.shape_cast %reduce_sum3A_18 : vector<1024xf32> to vector<1x1024xf32>
    %gt3A = arith.constant 0.000000e+00 : f32
    %gt3A_19 = vector.broadcast %gt3A : f32 to vector<1x1024xf32>
    %gt3A_20 = arith.cmpf ogt, %broadcast_in_dim3A, %gt3A_19 : vector<1x1024xf32>
    %jit3A = arith.constant 1.000000e+00 : f32
    %jit3A_21 = arith.constant -1.000000e+00 : f32
    %broadcast_in_dim3A_22 = vector.broadcast %jit3A : f32 to vector<1x1024xf32>
    %broadcast_in_dim3A_23 = vector.broadcast %jit3A_21 : f32 to vector<1x1024xf32>
    %select_n3A = arith.select %gt3A_20, %broadcast_in_dim3A_22, %broadcast_in_dim3A_23 : vector<1x1024xi1>, vector<1x1024xf32>
    %swap3A = arith.constant 0 : index
    %swap3A_24 = arith.constant 0 : index
    %swap3A_25 = arith.constant 0 : index
    %swap3A_26 = vector.load %arg4[%swap3A, %swap3A_24, %swap3A_25] : memref<1x1x1024xf32, #tpu.memory_space<vmem>>, vector<1x1x1024xf32>
    %swap3A_27 = vector.shape_cast %swap3A_26 : vector<1x1x1024xf32> to vector<1x1024xf32>
    %swap3A_28 = vector.shape_cast %select_n3A : vector<1x1024xf32> to vector<1x1x1024xf32>
    tpu.vector_store %arg4[%swap3A, %swap3A_24, %swap3A_25], %swap3A_28 {strides = array<i32>} : memref<1x1x1024xf32, #tpu.memory_space<vmem>>, vector<1x1x1024xf32>,
    return
  }
  func.func @transform_0(%arg0: i32) -> (i32, i32, i32) {
    %c0_i32 = arith.constant 0 : i32
    %c0_i32_0 = arith.constant 0 : i32
    %c0_i32_1 = arith.constant 0 : i32
    return %arg0, %c0_i32, %c0_i32_0 : i32, i32, i32
  }
  func.func @transform_1(%arg0: i32) -> (i32, i32) {
    %c0_i32 = arith.constant 0 : i32
    %c0_i32_0 = arith.constant 0 : i32
    %c0_i32_1 = arith.constant 0 : i32
    return %c0_i32, %c0_i32_0 : i32, i32
  }
  func.func @transform_2(%arg0: i32) -> (i32, i32) {
    %c0_i32 = arith.constant 0 : i32
    %c0_i32_0 = arith.constant 0 : i32
    %c0_i32_1 = arith.constant 0 : i32
    return %c0_i32, %c0_i32_0 : i32, i32
  }
  func.func @transform_3(%arg0: i32) -> (i32, i32, i32) {
    %c0_i32 = arith.constant 0 : i32
    %c0_i32_0 = arith.constant 0 : i32
    %c0_i32_1 = arith.constant 0 : i32
    return %arg0, %c0_i32, %c0_i32_0 : i32, i32, i32
  }
}

module attributes {stable_mosaic.version = 14 : i64} {
  func.func @_classify_body(%arg0: memref<32x128x32xi16, #tpu.memory_space<vmem>>, %arg1: memref<32x32x10xf32, #tpu.memory_space<vmem>>, %arg2: memref<128x1024xf32, #tpu.memory_space<vmem>>, %arg3: memref<1024x10xf32, #tpu.memory_space<vmem>>, %arg4: memref<128x10xf32, #tpu.memory_space<vmem>>) attributes {dimension_semantics = [], scalar_prefetch = 0 : i64, scratch_operands = 0 : i64, tpu.core_type = #tpu.core_type<tc>} {
    %broadcast_in_dim3A = arith.constant 0.000000e+00 : f32
    %broadcast_in_dim3A_0 = vector.broadcast %broadcast_in_dim3A : f32 to vector<128x10xf32>
    %broadcast_in_dim3A_1 = arith.constant 0.000000e+00 : f32
    %broadcast_in_dim3A_2 = vector.broadcast %broadcast_in_dim3A_1 : f32 to vector<1x10xf32>
    %get3A = arith.constant 0 : index
    %get3A_3 = arith.constant 0 : index
    %get3A_4 = arith.constant 0 : index
    %get3A_5 = vector.load %arg1[%get3A, %get3A_3, %get3A_4] : memref<32x32x10xf32, #tpu.memory_space<vmem>>, vector<1x32x10xf32>
    %get3A_6 = vector.shape_cast %get3A_5 : vector<1x32x10xf32> to vector<32x10xf32>
    %get3A_7 = arith.constant 0 : index
    %get3A_8 = arith.constant 0 : index
    %get3A_9 = arith.constant 0 : index
    %get3A_10 = vector.load %arg0[%get3A_7, %get3A_8, %get3A_9] : memref<32x128x32xi16, #tpu.memory_space<vmem>>, vector<1x128x32xi16>
    %get3A_11 = vector.shape_cast %get3A_10 : vector<1x128x32xi16> to vector<128x32xi16>
    %convert_element_type3A = arith.sitofp %get3A_11 : vector<128x32xi16> to vector<128x32xf32>
    %dot_general3A = arith.constant dense<0.000000e+00> : vector<128x10xf32>
    %dot_general3A_12 = tpu.matmul %convert_element_type3A, %get3A_6, %dot_general3A {dimension_numbers = #tpu.dot_dimension_numbers<[1], [0], [0], [1], [0, 0, 1, 1], [], []>, transpose_lhs_hint = false} : vector<128x32xf32>, vector<32x10xf32>, vector<128x10xf32> -> vector<128x10xf32>
    %add3A = arith.addf %broadcast_in_dim3A_0, %dot_general3A_12 : vector<128x10xf32>
    %mul3A = arith.mulf %get3A_6, %get3A_6 : vector<32x10xf32>
    %reduce_sum3A = arith.constant dense<0.000000e+00> : vector<10xf32>
    %reduce_sum3A_13 = vector.multi_reduction <add>, %mul3A, %reduce_sum3A [0] : vector<32x10xf32> to vector<10xf32>
    %broadcast_in_dim3A_14 = vector.shape_cast %reduce_sum3A_13 : vector<10xf32> to vector<1x10xf32>
    %add3A_15 = arith.addf %broadcast_in_dim3A_2, %broadcast_in_dim3A_14 : vector<1x10xf32>
    %get3A_16 = arith.constant 1 : index
    %get3A_17 = arith.constant 0 : index
    %get3A_18 = arith.constant 0 : index
    %get3A_19 = vector.load %arg1[%get3A_16, %get3A_17, %get3A_18] : memref<32x32x10xf32, #tpu.memory_space<vmem>>, vector<1x32x10xf32>
    %get3A_20 = vector.shape_cast %get3A_19 : vector<1x32x10xf32> to vector<32x10xf32>
    %get3A_21 = arith.constant 1 : index
    %get3A_22 = arith.constant 0 : index
    %get3A_23 = arith.constant 0 : index
    %get3A_24 = vector.load %arg0[%get3A_21, %get3A_22, %get3A_23] : memref<32x128x32xi16, #tpu.memory_space<vmem>>, vector<1x128x32xi16>
    %get3A_25 = vector.shape_cast %get3A_24 : vector<1x128x32xi16> to vector<128x32xi16>
    %convert_element_type3A_26 = arith.sitofp %get3A_25 : vector<128x32xi16> to vector<128x32xf32>
    %dot_general3A_27 = arith.constant dense<0.000000e+00> : vector<128x10xf32>
    %dot_general3A_28 = tpu.matmul %convert_element_type3A_26, %get3A_20, %dot_general3A_27 {dimension_numbers = #tpu.dot_dimension_numbers<[1], [0], [0], [1], [0, 0, 1, 1], [], []>, transpose_lhs_hint = false} : vector<128x32xf32>, vector<32x10xf32>, vector<128x10xf32> -> vector<128x10xf32>
    %add3A_29 = arith.addf %add3A, %dot_general3A_28 : vector<128x10xf32>
    %mul3A_30 = arith.mulf %get3A_20, %get3A_20 : vector<32x10xf32>
    %reduce_sum3A_31 = arith.constant dense<0.000000e+00> : vector<10xf32>
    %reduce_sum3A_32 = vector.multi_reduction <add>, %mul3A_30, %reduce_sum3A_31 [0] : vector<32x10xf32> to vector<10xf32>
    %broadcast_in_dim3A_33 = vector.shape_cast %reduce_sum3A_32 : vector<10xf32> to vector<1x10xf32>
    %add3A_34 = arith.addf %add3A_15, %broadcast_in_dim3A_33 : vector<1x10xf32>
    %get3A_35 = arith.constant 2 : index
    %get3A_36 = arith.constant 0 : index
    %get3A_37 = arith.constant 0 : index
    %get3A_38 = vector.load %arg1[%get3A_35, %get3A_36, %get3A_37] : memref<32x32x10xf32, #tpu.memory_space<vmem>>, vector<1x32x10xf32>
    %get3A_39 = vector.shape_cast %get3A_38 : vector<1x32x10xf32> to vector<32x10xf32>
    %get3A_40 = arith.constant 2 : index
    %get3A_41 = arith.constant 0 : index
    %get3A_42 = arith.constant 0 : index
    %get3A_43 = vector.load %arg0[%get3A_40, %get3A_41, %get3A_42] : memref<32x128x32xi16, #tpu.memory_space<vmem>>, vector<1x128x32xi16>
    %get3A_44 = vector.shape_cast %get3A_43 : vector<1x128x32xi16> to vector<128x32xi16>
    %convert_element_type3A_45 = arith.sitofp %get3A_44 : vector<128x32xi16> to vector<128x32xf32>
    %dot_general3A_46 = arith.constant dense<0.000000e+00> : vector<128x10xf32>
    %dot_general3A_47 = tpu.matmul %convert_element_type3A_45, %get3A_39, %dot_general3A_46 {dimension_numbers = #tpu.dot_dimension_numbers<[1], [0], [0], [1], [0, 0, 1, 1], [], []>, transpose_lhs_hint = false} : vector<128x32xf32>, vector<32x10xf32>, vector<128x10xf32> -> vector<128x10xf32>
    %add3A_48 = arith.addf %add3A_29, %dot_general3A_47 : vector<128x10xf32>
    %mul3A_49 = arith.mulf %get3A_39, %get3A_39 : vector<32x10xf32>
    %reduce_sum3A_50 = arith.constant dense<0.000000e+00> : vector<10xf32>
    %reduce_sum3A_51 = vector.multi_reduction <add>, %mul3A_49, %reduce_sum3A_50 [0] : vector<32x10xf32> to vector<10xf32>
    %broadcast_in_dim3A_52 = vector.shape_cast %reduce_sum3A_51 : vector<10xf32> to vector<1x10xf32>
    %add3A_53 = arith.addf %add3A_34, %broadcast_in_dim3A_52 : vector<1x10xf32>
    %get3A_54 = arith.constant 3 : index
    %get3A_55 = arith.constant 0 : index
    %get3A_56 = arith.constant 0 : index
    %get3A_57 = vector.load %arg1[%get3A_54, %get3A_55, %get3A_56] : memref<32x32x10xf32, #tpu.memory_space<vmem>>, vector<1x32x10xf32>
    %get3A_58 = vector.shape_cast %get3A_57 : vector<1x32x10xf32> to vector<32x10xf32>
    %get3A_59 = arith.constant 3 : index
    %get3A_60 = arith.constant 0 : index
    %get3A_61 = arith.constant 0 : index
    %get3A_62 = vector.load %arg0[%get3A_59, %get3A_60, %get3A_61] : memref<32x128x32xi16, #tpu.memory_space<vmem>>, vector<1x128x32xi16>
    %get3A_63 = vector.shape_cast %get3A_62 : vector<1x128x32xi16> to vector<128x32xi16>
    %convert_element_type3A_64 = arith.sitofp %get3A_63 : vector<128x32xi16> to vector<128x32xf32>
    %dot_general3A_65 = arith.constant dense<0.000000e+00> : vector<128x10xf32>
    %dot_general3A_66 = tpu.matmul %convert_element_type3A_64, %get3A_58, %dot_general3A_65 {dimension_numbers = #tpu.dot_dimension_numbers<[1], [0], [0], [1], [0, 0, 1, 1], [], []>, transpose_lhs_hint = false} : vector<128x32xf32>, vector<32x10xf32>, vector<128x10xf32> -> vector<128x10xf32>
    %add3A_67 = arith.addf %add3A_48, %dot_general3A_66 : vector<128x10xf32>
    %mul3A_68 = arith.mulf %get3A_58, %get3A_58 : vector<32x10xf32>
    %reduce_sum3A_69 = arith.constant dense<0.000000e+00> : vector<10xf32>
    %reduce_sum3A_70 = vector.multi_reduction <add>, %mul3A_68, %reduce_sum3A_69 [0] : vector<32x10xf32> to vector<10xf32>
    %broadcast_in_dim3A_71 = vector.shape_cast %reduce_sum3A_70 : vector<10xf32> to vector<1x10xf32>
    %add3A_72 = arith.addf %add3A_53, %broadcast_in_dim3A_71 : vector<1x10xf32>
    %get3A_73 = arith.constant 4 : index
    %get3A_74 = arith.constant 0 : index
    %get3A_75 = arith.constant 0 : index
    %get3A_76 = vector.load %arg1[%get3A_73, %get3A_74, %get3A_75] : memref<32x32x10xf32, #tpu.memory_space<vmem>>, vector<1x32x10xf32>
    %get3A_77 = vector.shape_cast %get3A_76 : vector<1x32x10xf32> to vector<32x10xf32>
    %get3A_78 = arith.constant 4 : index
    %get3A_79 = arith.constant 0 : index
    %get3A_80 = arith.constant 0 : index
    %get3A_81 = vector.load %arg0[%get3A_78, %get3A_79, %get3A_80] : memref<32x128x32xi16, #tpu.memory_space<vmem>>, vector<1x128x32xi16>
    %get3A_82 = vector.shape_cast %get3A_81 : vector<1x128x32xi16> to vector<128x32xi16>
    %convert_element_type3A_83 = arith.sitofp %get3A_82 : vector<128x32xi16> to vector<128x32xf32>
    %dot_general3A_84 = arith.constant dense<0.000000e+00> : vector<128x10xf32>
    %dot_general3A_85 = tpu.matmul %convert_element_type3A_83, %get3A_77, %dot_general3A_84 {dimension_numbers = #tpu.dot_dimension_numbers<[1], [0], [0], [1], [0, 0, 1, 1], [], []>, transpose_lhs_hint = false} : vector<128x32xf32>, vector<32x10xf32>, vector<128x10xf32> -> vector<128x10xf32>
    %add3A_86 = arith.addf %add3A_67, %dot_general3A_85 : vector<128x10xf32>
    %mul3A_87 = arith.mulf %get3A_77, %get3A_77 : vector<32x10xf32>
    %reduce_sum3A_88 = arith.constant dense<0.000000e+00> : vector<10xf32>
    %reduce_sum3A_89 = vector.multi_reduction <add>, %mul3A_87, %reduce_sum3A_88 [0] : vector<32x10xf32> to vector<10xf32>
    %broadcast_in_dim3A_90 = vector.shape_cast %reduce_sum3A_89 : vector<10xf32> to vector<1x10xf32>
    %add3A_91 = arith.addf %add3A_72, %broadcast_in_dim3A_90 : vector<1x10xf32>
    %get3A_92 = arith.constant 5 : index
    %get3A_93 = arith.constant 0 : index
    %get3A_94 = arith.constant 0 : index
    %get3A_95 = vector.load %arg1[%get3A_92, %get3A_93, %get3A_94] : memref<32x32x10xf32, #tpu.memory_space<vmem>>, vector<1x32x10xf32>
    %get3A_96 = vector.shape_cast %get3A_95 : vector<1x32x10xf32> to vector<32x10xf32>
    %get3A_97 = arith.constant 5 : index
    %get3A_98 = arith.constant 0 : index
    %get3A_99 = arith.constant 0 : index
    %get3A_100 = vector.load %arg0[%get3A_97, %get3A_98, %get3A_99] : memref<32x128x32xi16, #tpu.memory_space<vmem>>, vector<1x128x32xi16>
    %get3A_101 = vector.shape_cast %get3A_100 : vector<1x128x32xi16> to vector<128x32xi16>
    %convert_element_type3A_102 = arith.sitofp %get3A_101 : vector<128x32xi16> to vector<128x32xf32>
    %dot_general3A_103 = arith.constant dense<0.000000e+00> : vector<128x10xf32>
    %dot_general3A_104 = tpu.matmul %convert_element_type3A_102, %get3A_96, %dot_general3A_103 {dimension_numbers = #tpu.dot_dimension_numbers<[1], [0], [0], [1], [0, 0, 1, 1], [], []>, transpose_lhs_hint = false} : vector<128x32xf32>, vector<32x10xf32>, vector<128x10xf32> -> vector<128x10xf32>
    %add3A_105 = arith.addf %add3A_86, %dot_general3A_104 : vector<128x10xf32>
    %mul3A_106 = arith.mulf %get3A_96, %get3A_96 : vector<32x10xf32>
    %reduce_sum3A_107 = arith.constant dense<0.000000e+00> : vector<10xf32>
    %reduce_sum3A_108 = vector.multi_reduction <add>, %mul3A_106, %reduce_sum3A_107 [0] : vector<32x10xf32> to vector<10xf32>
    %broadcast_in_dim3A_109 = vector.shape_cast %reduce_sum3A_108 : vector<10xf32> to vector<1x10xf32>
    %add3A_110 = arith.addf %add3A_91, %broadcast_in_dim3A_109 : vector<1x10xf32>
    %get3A_111 = arith.constant 6 : index
    %get3A_112 = arith.constant 0 : index
    %get3A_113 = arith.constant 0 : index
    %get3A_114 = vector.load %arg1[%get3A_111, %get3A_112, %get3A_113] : memref<32x32x10xf32, #tpu.memory_space<vmem>>, vector<1x32x10xf32>
    %get3A_115 = vector.shape_cast %get3A_114 : vector<1x32x10xf32> to vector<32x10xf32>
    %get3A_116 = arith.constant 6 : index
    %get3A_117 = arith.constant 0 : index
    %get3A_118 = arith.constant 0 : index
    %get3A_119 = vector.load %arg0[%get3A_116, %get3A_117, %get3A_118] : memref<32x128x32xi16, #tpu.memory_space<vmem>>, vector<1x128x32xi16>
    %get3A_120 = vector.shape_cast %get3A_119 : vector<1x128x32xi16> to vector<128x32xi16>
    %convert_element_type3A_121 = arith.sitofp %get3A_120 : vector<128x32xi16> to vector<128x32xf32>
    %dot_general3A_122 = arith.constant dense<0.000000e+00> : vector<128x10xf32>
    %dot_general3A_123 = tpu.matmul %convert_element_type3A_121, %get3A_115, %dot_general3A_122 {dimension_numbers = #tpu.dot_dimension_numbers<[1], [0], [0], [1], [0, 0, 1, 1], [], []>, transpose_lhs_hint = false} : vector<128x32xf32>, vector<32x10xf32>, vector<128x10xf32> -> vector<128x10xf32>
    %add3A_124 = arith.addf %add3A_105, %dot_general3A_123 : vector<128x10xf32>
    %mul3A_125 = arith.mulf %get3A_115, %get3A_115 : vector<32x10xf32>
    %reduce_sum3A_126 = arith.constant dense<0.000000e+00> : vector<10xf32>
    %reduce_sum3A_127 = vector.multi_reduction <add>, %mul3A_125, %reduce_sum3A_126 [0] : vector<32x10xf32> to vector<10xf32>
    %broadcast_in_dim3A_128 = vector.shape_cast %reduce_sum3A_127 : vector<10xf32> to vector<1x10xf32>
    %add3A_129 = arith.addf %add3A_110, %broadcast_in_dim3A_128 : vector<1x10xf32>
    %get3A_130 = arith.constant 7 : index
    %get3A_131 = arith.constant 0 : index
    %get3A_132 = arith.constant 0 : index
    %get3A_133 = vector.load %arg1[%get3A_130, %get3A_131, %get3A_132] : memref<32x32x10xf32, #tpu.memory_space<vmem>>, vector<1x32x10xf32>
    %get3A_134 = vector.shape_cast %get3A_133 : vector<1x32x10xf32> to vector<32x10xf32>
    %get3A_135 = arith.constant 7 : index
    %get3A_136 = arith.constant 0 : index
    %get3A_137 = arith.constant 0 : index
    %get3A_138 = vector.load %arg0[%get3A_135, %get3A_136, %get3A_137] : memref<32x128x32xi16, #tpu.memory_space<vmem>>, vector<1x128x32xi16>
    %get3A_139 = vector.shape_cast %get3A_138 : vector<1x128x32xi16> to vector<128x32xi16>
    %convert_element_type3A_140 = arith.sitofp %get3A_139 : vector<128x32xi16> to vector<128x32xf32>
    %dot_general3A_141 = arith.constant dense<0.000000e+00> : vector<128x10xf32>
    %dot_general3A_142 = tpu.matmul %convert_element_type3A_140, %get3A_134, %dot_general3A_141 {dimension_numbers = #tpu.dot_dimension_numbers<[1], [0], [0], [1], [0, 0, 1, 1], [], []>, transpose_lhs_hint = false} : vector<128x32xf32>, vector<32x10xf32>, vector<128x10xf32> -> vector<128x10xf32>
    %add3A_143 = arith.addf %add3A_124, %dot_general3A_142 : vector<128x10xf32>
    %mul3A_144 = arith.mulf %get3A_134, %get3A_134 : vector<32x10xf32>
    %reduce_sum3A_145 = arith.constant dense<0.000000e+00> : vector<10xf32>
    %reduce_sum3A_146 = vector.multi_reduction <add>, %mul3A_144, %reduce_sum3A_145 [0] : vector<32x10xf32> to vector<10xf32>
    %broadcast_in_dim3A_147 = vector.shape_cast %reduce_sum3A_146 : vector<10xf32> to vector<1x10xf32>
    %add3A_148 = arith.addf %add3A_129, %broadcast_in_dim3A_147 : vector<1x10xf32>
    %get3A_149 = arith.constant 8 : index
    %get3A_150 = arith.constant 0 : index
    %get3A_151 = arith.constant 0 : index
    %get3A_152 = vector.load %arg1[%get3A_149, %get3A_150, %get3A_151] : memref<32x32x10xf32, #tpu.memory_space<vmem>>, vector<1x32x10xf32>
    %get3A_153 = vector.shape_cast %get3A_152 : vector<1x32x10xf32> to vector<32x10xf32>
    %get3A_154 = arith.constant 8 : index
    %get3A_155 = arith.constant 0 : index
    %get3A_156 = arith.constant 0 : index
    %get3A_157 = vector.load %arg0[%get3A_154, %get3A_155, %get3A_156] : memref<32x128x32xi16, #tpu.memory_space<vmem>>, vector<1x128x32xi16>
    %get3A_158 = vector.shape_cast %get3A_157 : vector<1x128x32xi16> to vector<128x32xi16>
    %convert_element_type3A_159 = arith.sitofp %get3A_158 : vector<128x32xi16> to vector<128x32xf32>
    %dot_general3A_160 = arith.constant dense<0.000000e+00> : vector<128x10xf32>
    %dot_general3A_161 = tpu.matmul %convert_element_type3A_159, %get3A_153, %dot_general3A_160 {dimension_numbers = #tpu.dot_dimension_numbers<[1], [0], [0], [1], [0, 0, 1, 1], [], []>, transpose_lhs_hint = false} : vector<128x32xf32>, vector<32x10xf32>, vector<128x10xf32> -> vector<128x10xf32>
    %add3A_162 = arith.addf %add3A_143, %dot_general3A_161 : vector<128x10xf32>
    %mul3A_163 = arith.mulf %get3A_153, %get3A_153 : vector<32x10xf32>
    %reduce_sum3A_164 = arith.constant dense<0.000000e+00> : vector<10xf32>
    %reduce_sum3A_165 = vector.multi_reduction <add>, %mul3A_163, %reduce_sum3A_164 [0] : vector<32x10xf32> to vector<10xf32>
    %broadcast_in_dim3A_166 = vector.shape_cast %reduce_sum3A_165 : vector<10xf32> to vector<1x10xf32>
    %add3A_167 = arith.addf %add3A_148, %broadcast_in_dim3A_166 : vector<1x10xf32>
    %get3A_168 = arith.constant 9 : index
    %get3A_169 = arith.constant 0 : index
    %get3A_170 = arith.constant 0 : index
    %get3A_171 = vector.load %arg1[%get3A_168, %get3A_169, %get3A_170] : memref<32x32x10xf32, #tpu.memory_space<vmem>>, vector<1x32x10xf32>
    %get3A_172 = vector.shape_cast %get3A_171 : vector<1x32x10xf32> to vector<32x10xf32>
    %get3A_173 = arith.constant 9 : index
    %get3A_174 = arith.constant 0 : index
    %get3A_175 = arith.constant 0 : index
    %get3A_176 = vector.load %arg0[%get3A_173, %get3A_174, %get3A_175] : memref<32x128x32xi16, #tpu.memory_space<vmem>>, vector<1x128x32xi16>
    %get3A_177 = vector.shape_cast %get3A_176 : vector<1x128x32xi16> to vector<128x32xi16>
    %convert_element_type3A_178 = arith.sitofp %get3A_177 : vector<128x32xi16> to vector<128x32xf32>
    %dot_general3A_179 = arith.constant dense<0.000000e+00> : vector<128x10xf32>
    %dot_general3A_180 = tpu.matmul %convert_element_type3A_178, %get3A_172, %dot_general3A_179 {dimension_numbers = #tpu.dot_dimension_numbers<[1], [0], [0], [1], [0, 0, 1, 1], [], []>, transpose_lhs_hint = false} : vector<128x32xf32>, vector<32x10xf32>, vector<128x10xf32> -> vector<128x10xf32>
    %add3A_181 = arith.addf %add3A_162, %dot_general3A_180 : vector<128x10xf32>
    %mul3A_182 = arith.mulf %get3A_172, %get3A_172 : vector<32x10xf32>
    %reduce_sum3A_183 = arith.constant dense<0.000000e+00> : vector<10xf32>
    %reduce_sum3A_184 = vector.multi_reduction <add>, %mul3A_182, %reduce_sum3A_183 [0] : vector<32x10xf32> to vector<10xf32>
    %broadcast_in_dim3A_185 = vector.shape_cast %reduce_sum3A_184 : vector<10xf32> to vector<1x10xf32>
    %add3A_186 = arith.addf %add3A_167, %broadcast_in_dim3A_185 : vector<1x10xf32>
    %get3A_187 = arith.constant 10 : index
    %get3A_188 = arith.constant 0 : index
    %get3A_189 = arith.constant 0 : index
    %get3A_190 = vector.load %arg1[%get3A_187, %get3A_188, %get3A_189] : memref<32x32x10xf32, #tpu.memory_space<vmem>>, vector<1x32x10xf32>
    %get3A_191 = vector.shape_cast %get3A_190 : vector<1x32x10xf32> to vector<32x10xf32>
    %get3A_192 = arith.constant 10 : index
    %get3A_193 = arith.constant 0 : index
    %get3A_194 = arith.constant 0 : index
    %get3A_195 = vector.load %arg0[%get3A_192, %get3A_193, %get3A_194] : memref<32x128x32xi16, #tpu.memory_space<vmem>>, vector<1x128x32xi16>
    %get3A_196 = vector.shape_cast %get3A_195 : vector<1x128x32xi16> to vector<128x32xi16>
    %convert_element_type3A_197 = arith.sitofp %get3A_196 : vector<128x32xi16> to vector<128x32xf32>
    %dot_general3A_198 = arith.constant dense<0.000000e+00> : vector<128x10xf32>
    %dot_general3A_199 = tpu.matmul %convert_element_type3A_197, %get3A_191, %dot_general3A_198 {dimension_numbers = #tpu.dot_dimension_numbers<[1], [0], [0], [1], [0, 0, 1, 1], [], []>, transpose_lhs_hint = false} : vector<128x32xf32>, vector<32x10xf32>, vector<128x10xf32> -> vector<128x10xf32>
    %add3A_200 = arith.addf %add3A_181, %dot_general3A_199 : vector<128x10xf32>
    %mul3A_201 = arith.mulf %get3A_191, %get3A_191 : vector<32x10xf32>
    %reduce_sum3A_202 = arith.constant dense<0.000000e+00> : vector<10xf32>
    %reduce_sum3A_203 = vector.multi_reduction <add>, %mul3A_201, %reduce_sum3A_202 [0] : vector<32x10xf32> to vector<10xf32>
    %broadcast_in_dim3A_204 = vector.shape_cast %reduce_sum3A_203 : vector<10xf32> to vector<1x10xf32>
    %add3A_205 = arith.addf %add3A_186, %broadcast_in_dim3A_204 : vector<1x10xf32>
    %get3A_206 = arith.constant 11 : index
    %get3A_207 = arith.constant 0 : index
    %get3A_208 = arith.constant 0 : index
    %get3A_209 = vector.load %arg1[%get3A_206, %get3A_207, %get3A_208] : memref<32x32x10xf32, #tpu.memory_space<vmem>>, vector<1x32x10xf32>
    %get3A_210 = vector.shape_cast %get3A_209 : vector<1x32x10xf32> to vector<32x10xf32>
    %get3A_211 = arith.constant 11 : index
    %get3A_212 = arith.constant 0 : index
    %get3A_213 = arith.constant 0 : index
    %get3A_214 = vector.load %arg0[%get3A_211, %get3A_212, %get3A_213] : memref<32x128x32xi16, #tpu.memory_space<vmem>>, vector<1x128x32xi16>
    %get3A_215 = vector.shape_cast %get3A_214 : vector<1x128x32xi16> to vector<128x32xi16>
    %convert_element_type3A_216 = arith.sitofp %get3A_215 : vector<128x32xi16> to vector<128x32xf32>
    %dot_general3A_217 = arith.constant dense<0.000000e+00> : vector<128x10xf32>
    %dot_general3A_218 = tpu.matmul %convert_element_type3A_216, %get3A_210, %dot_general3A_217 {dimension_numbers = #tpu.dot_dimension_numbers<[1], [0], [0], [1], [0, 0, 1, 1], [], []>, transpose_lhs_hint = false} : vector<128x32xf32>, vector<32x10xf32>, vector<128x10xf32> -> vector<128x10xf32>
    %add3A_219 = arith.addf %add3A_200, %dot_general3A_218 : vector<128x10xf32>
    %mul3A_220 = arith.mulf %get3A_210, %get3A_210 : vector<32x10xf32>
    %reduce_sum3A_221 = arith.constant dense<0.000000e+00> : vector<10xf32>
    %reduce_sum3A_222 = vector.multi_reduction <add>, %mul3A_220, %reduce_sum3A_221 [0] : vector<32x10xf32> to vector<10xf32>
    %broadcast_in_dim3A_223 = vector.shape_cast %reduce_sum3A_222 : vector<10xf32> to vector<1x10xf32>
    %add3A_224 = arith.addf %add3A_205, %broadcast_in_dim3A_223 : vector<1x10xf32>
    %get3A_225 = arith.constant 12 : index
    %get3A_226 = arith.constant 0 : index
    %get3A_227 = arith.constant 0 : index
    %get3A_228 = vector.load %arg1[%get3A_225, %get3A_226, %get3A_227] : memref<32x32x10xf32, #tpu.memory_space<vmem>>, vector<1x32x10xf32>
    %get3A_229 = vector.shape_cast %get3A_228 : vector<1x32x10xf32> to vector<32x10xf32>
    %get3A_230 = arith.constant 12 : index
    %get3A_231 = arith.constant 0 : index
    %get3A_232 = arith.constant 0 : index
    %get3A_233 = vector.load %arg0[%get3A_230, %get3A_231, %get3A_232] : memref<32x128x32xi16, #tpu.memory_space<vmem>>, vector<1x128x32xi16>
    %get3A_234 = vector.shape_cast %get3A_233 : vector<1x128x32xi16> to vector<128x32xi16>
    %convert_element_type3A_235 = arith.sitofp %get3A_234 : vector<128x32xi16> to vector<128x32xf32>
    %dot_general3A_236 = arith.constant dense<0.000000e+00> : vector<128x10xf32>
    %dot_general3A_237 = tpu.matmul %convert_element_type3A_235, %get3A_229, %dot_general3A_236 {dimension_numbers = #tpu.dot_dimension_numbers<[1], [0], [0], [1], [0, 0, 1, 1], [], []>, transpose_lhs_hint = false} : vector<128x32xf32>, vector<32x10xf32>, vector<128x10xf32> -> vector<128x10xf32>
    %add3A_238 = arith.addf %add3A_219, %dot_general3A_237 : vector<128x10xf32>
    %mul3A_239 = arith.mulf %get3A_229, %get3A_229 : vector<32x10xf32>
    %reduce_sum3A_240 = arith.constant dense<0.000000e+00> : vector<10xf32>
    %reduce_sum3A_241 = vector.multi_reduction <add>, %mul3A_239, %reduce_sum3A_240 [0] : vector<32x10xf32> to vector<10xf32>
    %broadcast_in_dim3A_242 = vector.shape_cast %reduce_sum3A_241 : vector<10xf32> to vector<1x10xf32>
    %add3A_243 = arith.addf %add3A_224, %broadcast_in_dim3A_242 : vector<1x10xf32>
    %get3A_244 = arith.constant 13 : index
    %get3A_245 = arith.constant 0 : index
    %get3A_246 = arith.constant 0 : index
    %get3A_247 = vector.load %arg1[%get3A_244, %get3A_245, %get3A_246] : memref<32x32x10xf32, #tpu.memory_space<vmem>>, vector<1x32x10xf32>
    %get3A_248 = vector.shape_cast %get3A_247 : vector<1x32x10xf32> to vector<32x10xf32>
    %get3A_249 = arith.constant 13 : index
    %get3A_250 = arith.constant 0 : index
    %get3A_251 = arith.constant 0 : index
    %get3A_252 = vector.load %arg0[%get3A_249, %get3A_250, %get3A_251] : memref<32x128x32xi16, #tpu.memory_space<vmem>>, vector<1x128x32xi16>
    %get3A_253 = vector.shape_cast %get3A_252 : vector<1x128x32xi16> to vector<128x32xi16>
    %convert_element_type3A_254 = arith.sitofp %get3A_253 : vector<128x32xi16> to vector<128x32xf32>
    %dot_general3A_255 = arith.constant dense<0.000000e+00> : vector<128x10xf32>
    %dot_general3A_256 = tpu.matmul %convert_element_type3A_254, %get3A_248, %dot_general3A_255 {dimension_numbers = #tpu.dot_dimension_numbers<[1], [0], [0], [1], [0, 0, 1, 1], [], []>, transpose_lhs_hint = false} : vector<128x32xf32>, vector<32x10xf32>, vector<128x10xf32> -> vector<128x10xf32>
    %add3A_257 = arith.addf %add3A_238, %dot_general3A_256 : vector<128x10xf32>
    %mul3A_258 = arith.mulf %get3A_248, %get3A_248 : vector<32x10xf32>
    %reduce_sum3A_259 = arith.constant dense<0.000000e+00> : vector<10xf32>
    %reduce_sum3A_260 = vector.multi_reduction <add>, %mul3A_258, %reduce_sum3A_259 [0] : vector<32x10xf32> to vector<10xf32>
    %broadcast_in_dim3A_261 = vector.shape_cast %reduce_sum3A_260 : vector<10xf32> to vector<1x10xf32>
    %add3A_262 = arith.addf %add3A_243, %broadcast_in_dim3A_261 : vector<1x10xf32>
    %get3A_263 = arith.constant 14 : index
    %get3A_264 = arith.constant 0 : index
    %get3A_265 = arith.constant 0 : index
    %get3A_266 = vector.load %arg1[%get3A_263, %get3A_264, %get3A_265] : memref<32x32x10xf32, #tpu.memory_space<vmem>>, vector<1x32x10xf32>
    %get3A_267 = vector.shape_cast %get3A_266 : vector<1x32x10xf32> to vector<32x10xf32>
    %get3A_268 = arith.constant 14 : index
    %get3A_269 = arith.constant 0 : index
    %get3A_270 = arith.constant 0 : index
    %get3A_271 = vector.load %arg0[%get3A_268, %get3A_269, %get3A_270] : memref<32x128x32xi16, #tpu.memory_space<vmem>>, vector<1x128x32xi16>
    %get3A_272 = vector.shape_cast %get3A_271 : vector<1x128x32xi16> to vector<128x32xi16>
    %convert_element_type3A_273 = arith.sitofp %get3A_272 : vector<128x32xi16> to vector<128x32xf32>
    %dot_general3A_274 = arith.constant dense<0.000000e+00> : vector<128x10xf32>
    %dot_general3A_275 = tpu.matmul %convert_element_type3A_273, %get3A_267, %dot_general3A_274 {dimension_numbers = #tpu.dot_dimension_numbers<[1], [0], [0], [1], [0, 0, 1, 1], [], []>, transpose_lhs_hint = false} : vector<128x32xf32>, vector<32x10xf32>, vector<128x10xf32> -> vector<128x10xf32>
    %add3A_276 = arith.addf %add3A_257, %dot_general3A_275 : vector<128x10xf32>
    %mul3A_277 = arith.mulf %get3A_267, %get3A_267 : vector<32x10xf32>
    %reduce_sum3A_278 = arith.constant dense<0.000000e+00> : vector<10xf32>
    %reduce_sum3A_279 = vector.multi_reduction <add>, %mul3A_277, %reduce_sum3A_278 [0] : vector<32x10xf32> to vector<10xf32>
    %broadcast_in_dim3A_280 = vector.shape_cast %reduce_sum3A_279 : vector<10xf32> to vector<1x10xf32>
    %add3A_281 = arith.addf %add3A_262, %broadcast_in_dim3A_280 : vector<1x10xf32>
    %get3A_282 = arith.constant 15 : index
    %get3A_283 = arith.constant 0 : index
    %get3A_284 = arith.constant 0 : index
    %get3A_285 = vector.load %arg1[%get3A_282, %get3A_283, %get3A_284] : memref<32x32x10xf32, #tpu.memory_space<vmem>>, vector<1x32x10xf32>
    %get3A_286 = vector.shape_cast %get3A_285 : vector<1x32x10xf32> to vector<32x10xf32>
    %get3A_287 = arith.constant 15 : index
    %get3A_288 = arith.constant 0 : index
    %get3A_289 = arith.constant 0 : index
    %get3A_290 = vector.load %arg0[%get3A_287, %get3A_288, %get3A_289] : memref<32x128x32xi16, #tpu.memory_space<vmem>>, vector<1x128x32xi16>
    %get3A_291 = vector.shape_cast %get3A_290 : vector<1x128x32xi16> to vector<128x32xi16>
    %convert_element_type3A_292 = arith.sitofp %get3A_291 : vector<128x32xi16> to vector<128x32xf32>
    %dot_general3A_293 = arith.constant dense<0.000000e+00> : vector<128x10xf32>
    %dot_general3A_294 = tpu.matmul %convert_element_type3A_292, %get3A_286, %dot_general3A_293 {dimension_numbers = #tpu.dot_dimension_numbers<[1], [0], [0], [1], [0, 0, 1, 1], [], []>, transpose_lhs_hint = false} : vector<128x32xf32>, vector<32x10xf32>, vector<128x10xf32> -> vector<128x10xf32>
    %add3A_295 = arith.addf %add3A_276, %dot_general3A_294 : vector<128x10xf32>
    %mul3A_296 = arith.mulf %get3A_286, %get3A_286 : vector<32x10xf32>
    %reduce_sum3A_297 = arith.constant dense<0.000000e+00> : vector<10xf32>
    %reduce_sum3A_298 = vector.multi_reduction <add>, %mul3A_296, %reduce_sum3A_297 [0] : vector<32x10xf32> to vector<10xf32>
    %broadcast_in_dim3A_299 = vector.shape_cast %reduce_sum3A_298 : vector<10xf32> to vector<1x10xf32>
    %add3A_300 = arith.addf %add3A_281, %broadcast_in_dim3A_299 : vector<1x10xf32>
    %get3A_301 = arith.constant 16 : index
    %get3A_302 = arith.constant 0 : index
    %get3A_303 = arith.constant 0 : index
    %get3A_304 = vector.load %arg1[%get3A_301, %get3A_302, %get3A_303] : memref<32x32x10xf32, #tpu.memory_space<vmem>>, vector<1x32x10xf32>
    %get3A_305 = vector.shape_cast %get3A_304 : vector<1x32x10xf32> to vector<32x10xf32>
    %get3A_306 = arith.constant 16 : index
    %get3A_307 = arith.constant 0 : index
    %get3A_308 = arith.constant 0 : index
    %get3A_309 = vector.load %arg0[%get3A_306, %get3A_307, %get3A_308] : memref<32x128x32xi16, #tpu.memory_space<vmem>>, vector<1x128x32xi16>
    %get3A_310 = vector.shape_cast %get3A_309 : vector<1x128x32xi16> to vector<128x32xi16>
    %convert_element_type3A_311 = arith.sitofp %get3A_310 : vector<128x32xi16> to vector<128x32xf32>
    %dot_general3A_312 = arith.constant dense<0.000000e+00> : vector<128x10xf32>
    %dot_general3A_313 = tpu.matmul %convert_element_type3A_311, %get3A_305, %dot_general3A_312 {dimension_numbers = #tpu.dot_dimension_numbers<[1], [0], [0], [1], [0, 0, 1, 1], [], []>, transpose_lhs_hint = false} : vector<128x32xf32>, vector<32x10xf32>, vector<128x10xf32> -> vector<128x10xf32>
    %add3A_314 = arith.addf %add3A_295, %dot_general3A_313 : vector<128x10xf32>
    %mul3A_315 = arith.mulf %get3A_305, %get3A_305 : vector<32x10xf32>
    %reduce_sum3A_316 = arith.constant dense<0.000000e+00> : vector<10xf32>
    %reduce_sum3A_317 = vector.multi_reduction <add>, %mul3A_315, %reduce_sum3A_316 [0] : vector<32x10xf32> to vector<10xf32>
    %broadcast_in_dim3A_318 = vector.shape_cast %reduce_sum3A_317 : vector<10xf32> to vector<1x10xf32>
    %add3A_319 = arith.addf %add3A_300, %broadcast_in_dim3A_318 : vector<1x10xf32>
    %get3A_320 = arith.constant 17 : index
    %get3A_321 = arith.constant 0 : index
    %get3A_322 = arith.constant 0 : index
    %get3A_323 = vector.load %arg1[%get3A_320, %get3A_321, %get3A_322] : memref<32x32x10xf32, #tpu.memory_space<vmem>>, vector<1x32x10xf32>
    %get3A_324 = vector.shape_cast %get3A_323 : vector<1x32x10xf32> to vector<32x10xf32>
    %get3A_325 = arith.constant 17 : index
    %get3A_326 = arith.constant 0 : index
    %get3A_327 = arith.constant 0 : index
    %get3A_328 = vector.load %arg0[%get3A_325, %get3A_326, %get3A_327] : memref<32x128x32xi16, #tpu.memory_space<vmem>>, vector<1x128x32xi16>
    %get3A_329 = vector.shape_cast %get3A_328 : vector<1x128x32xi16> to vector<128x32xi16>
    %convert_element_type3A_330 = arith.sitofp %get3A_329 : vector<128x32xi16> to vector<128x32xf32>
    %dot_general3A_331 = arith.constant dense<0.000000e+00> : vector<128x10xf32>
    %dot_general3A_332 = tpu.matmul %convert_element_type3A_330, %get3A_324, %dot_general3A_331 {dimension_numbers = #tpu.dot_dimension_numbers<[1], [0], [0], [1], [0, 0, 1, 1], [], []>, transpose_lhs_hint = false} : vector<128x32xf32>, vector<32x10xf32>, vector<128x10xf32> -> vector<128x10xf32>
    %add3A_333 = arith.addf %add3A_314, %dot_general3A_332 : vector<128x10xf32>
    %mul3A_334 = arith.mulf %get3A_324, %get3A_324 : vector<32x10xf32>
    %reduce_sum3A_335 = arith.constant dense<0.000000e+00> : vector<10xf32>
    %reduce_sum3A_336 = vector.multi_reduction <add>, %mul3A_334, %reduce_sum3A_335 [0] : vector<32x10xf32> to vector<10xf32>
    %broadcast_in_dim3A_337 = vector.shape_cast %reduce_sum3A_336 : vector<10xf32> to vector<1x10xf32>
    %add3A_338 = arith.addf %add3A_319, %broadcast_in_dim3A_337 : vector<1x10xf32>
    %get3A_339 = arith.constant 18 : index
    %get3A_340 = arith.constant 0 : index
    %get3A_341 = arith.constant 0 : index
    %get3A_342 = vector.load %arg1[%get3A_339, %get3A_340, %get3A_341] : memref<32x32x10xf32, #tpu.memory_space<vmem>>, vector<1x32x10xf32>
    %get3A_343 = vector.shape_cast %get3A_342 : vector<1x32x10xf32> to vector<32x10xf32>
    %get3A_344 = arith.constant 18 : index
    %get3A_345 = arith.constant 0 : index
    %get3A_346 = arith.constant 0 : index
    %get3A_347 = vector.load %arg0[%get3A_344, %get3A_345, %get3A_346] : memref<32x128x32xi16, #tpu.memory_space<vmem>>, vector<1x128x32xi16>
    %get3A_348 = vector.shape_cast %get3A_347 : vector<1x128x32xi16> to vector<128x32xi16>
    %convert_element_type3A_349 = arith.sitofp %get3A_348 : vector<128x32xi16> to vector<128x32xf32>
    %dot_general3A_350 = arith.constant dense<0.000000e+00> : vector<128x10xf32>
    %dot_general3A_351 = tpu.matmul %convert_element_type3A_349, %get3A_343, %dot_general3A_350 {dimension_numbers = #tpu.dot_dimension_numbers<[1], [0], [0], [1], [0, 0, 1, 1], [], []>, transpose_lhs_hint = false} : vector<128x32xf32>, vector<32x10xf32>, vector<128x10xf32> -> vector<128x10xf32>
    %add3A_352 = arith.addf %add3A_333, %dot_general3A_351 : vector<128x10xf32>
    %mul3A_353 = arith.mulf %get3A_343, %get3A_343 : vector<32x10xf32>
    %reduce_sum3A_354 = arith.constant dense<0.000000e+00> : vector<10xf32>
    %reduce_sum3A_355 = vector.multi_reduction <add>, %mul3A_353, %reduce_sum3A_354 [0] : vector<32x10xf32> to vector<10xf32>
    %broadcast_in_dim3A_356 = vector.shape_cast %reduce_sum3A_355 : vector<10xf32> to vector<1x10xf32>
    %add3A_357 = arith.addf %add3A_338, %broadcast_in_dim3A_356 : vector<1x10xf32>
    %get3A_358 = arith.constant 19 : index
    %get3A_359 = arith.constant 0 : index
    %get3A_360 = arith.constant 0 : index
    %get3A_361 = vector.load %arg1[%get3A_358, %get3A_359, %get3A_360] : memref<32x32x10xf32, #tpu.memory_space<vmem>>, vector<1x32x10xf32>
    %get3A_362 = vector.shape_cast %get3A_361 : vector<1x32x10xf32> to vector<32x10xf32>
    %get3A_363 = arith.constant 19 : index
    %get3A_364 = arith.constant 0 : index
    %get3A_365 = arith.constant 0 : index
    %get3A_366 = vector.load %arg0[%get3A_363, %get3A_364, %get3A_365] : memref<32x128x32xi16, #tpu.memory_space<vmem>>, vector<1x128x32xi16>
    %get3A_367 = vector.shape_cast %get3A_366 : vector<1x128x32xi16> to vector<128x32xi16>
    %convert_element_type3A_368 = arith.sitofp %get3A_367 : vector<128x32xi16> to vector<128x32xf32>
    %dot_general3A_369 = arith.constant dense<0.000000e+00> : vector<128x10xf32>
    %dot_general3A_370 = tpu.matmul %convert_element_type3A_368, %get3A_362, %dot_general3A_369 {dimension_numbers = #tpu.dot_dimension_numbers<[1], [0], [0], [1], [0, 0, 1, 1], [], []>, transpose_lhs_hint = false} : vector<128x32xf32>, vector<32x10xf32>, vector<128x10xf32> -> vector<128x10xf32>
    %add3A_371 = arith.addf %add3A_352, %dot_general3A_370 : vector<128x10xf32>
    %mul3A_372 = arith.mulf %get3A_362, %get3A_362 : vector<32x10xf32>
    %reduce_sum3A_373 = arith.constant dense<0.000000e+00> : vector<10xf32>
    %reduce_sum3A_374 = vector.multi_reduction <add>, %mul3A_372, %reduce_sum3A_373 [0] : vector<32x10xf32> to vector<10xf32>
    %broadcast_in_dim3A_375 = vector.shape_cast %reduce_sum3A_374 : vector<10xf32> to vector<1x10xf32>
    %add3A_376 = arith.addf %add3A_357, %broadcast_in_dim3A_375 : vector<1x10xf32>
    %get3A_377 = arith.constant 20 : index
    %get3A_378 = arith.constant 0 : index
    %get3A_379 = arith.constant 0 : index
    %get3A_380 = vector.load %arg1[%get3A_377, %get3A_378, %get3A_379] : memref<32x32x10xf32, #tpu.memory_space<vmem>>, vector<1x32x10xf32>
    %get3A_381 = vector.shape_cast %get3A_380 : vector<1x32x10xf32> to vector<32x10xf32>
    %get3A_382 = arith.constant 20 : index
    %get3A_383 = arith.constant 0 : index
    %get3A_384 = arith.constant 0 : index
    %get3A_385 = vector.load %arg0[%get3A_382, %get3A_383, %get3A_384] : memref<32x128x32xi16, #tpu.memory_space<vmem>>, vector<1x128x32xi16>
    %get3A_386 = vector.shape_cast %get3A_385 : vector<1x128x32xi16> to vector<128x32xi16>
    %convert_element_type3A_387 = arith.sitofp %get3A_386 : vector<128x32xi16> to vector<128x32xf32>
    %dot_general3A_388 = arith.constant dense<0.000000e+00> : vector<128x10xf32>
    %dot_general3A_389 = tpu.matmul %convert_element_type3A_387, %get3A_381, %dot_general3A_388 {dimension_numbers = #tpu.dot_dimension_numbers<[1], [0], [0], [1], [0, 0, 1, 1], [], []>, transpose_lhs_hint = false} : vector<128x32xf32>, vector<32x10xf32>, vector<128x10xf32> -> vector<128x10xf32>
    %add3A_390 = arith.addf %add3A_371, %dot_general3A_389 : vector<128x10xf32>
    %mul3A_391 = arith.mulf %get3A_381, %get3A_381 : vector<32x10xf32>
    %reduce_sum3A_392 = arith.constant dense<0.000000e+00> : vector<10xf32>
    %reduce_sum3A_393 = vector.multi_reduction <add>, %mul3A_391, %reduce_sum3A_392 [0] : vector<32x10xf32> to vector<10xf32>
    %broadcast_in_dim3A_394 = vector.shape_cast %reduce_sum3A_393 : vector<10xf32> to vector<1x10xf32>
    %add3A_395 = arith.addf %add3A_376, %broadcast_in_dim3A_394 : vector<1x10xf32>
    %get3A_396 = arith.constant 21 : index
    %get3A_397 = arith.constant 0 : index
    %get3A_398 = arith.constant 0 : index
    %get3A_399 = vector.load %arg1[%get3A_396, %get3A_397, %get3A_398] : memref<32x32x10xf32, #tpu.memory_space<vmem>>, vector<1x32x10xf32>
    %get3A_400 = vector.shape_cast %get3A_399 : vector<1x32x10xf32> to vector<32x10xf32>
    %get3A_401 = arith.constant 21 : index
    %get3A_402 = arith.constant 0 : index
    %get3A_403 = arith.constant 0 : index
    %get3A_404 = vector.load %arg0[%get3A_401, %get3A_402, %get3A_403] : memref<32x128x32xi16, #tpu.memory_space<vmem>>, vector<1x128x32xi16>
    %get3A_405 = vector.shape_cast %get3A_404 : vector<1x128x32xi16> to vector<128x32xi16>
    %convert_element_type3A_406 = arith.sitofp %get3A_405 : vector<128x32xi16> to vector<128x32xf32>
    %dot_general3A_407 = arith.constant dense<0.000000e+00> : vector<128x10xf32>
    %dot_general3A_408 = tpu.matmul %convert_element_type3A_406, %get3A_400, %dot_general3A_407 {dimension_numbers = #tpu.dot_dimension_numbers<[1], [0], [0], [1], [0, 0, 1, 1], [], []>, transpose_lhs_hint = false} : vector<128x32xf32>, vector<32x10xf32>, vector<128x10xf32> -> vector<128x10xf32>
    %add3A_409 = arith.addf %add3A_390, %dot_general3A_408 : vector<128x10xf32>
    %mul3A_410 = arith.mulf %get3A_400, %get3A_400 : vector<32x10xf32>
    %reduce_sum3A_411 = arith.constant dense<0.000000e+00> : vector<10xf32>
    %reduce_sum3A_412 = vector.multi_reduction <add>, %mul3A_410, %reduce_sum3A_411 [0] : vector<32x10xf32> to vector<10xf32>
    %broadcast_in_dim3A_413 = vector.shape_cast %reduce_sum3A_412 : vector<10xf32> to vector<1x10xf32>
    %add3A_414 = arith.addf %add3A_395, %broadcast_in_dim3A_413 : vector<1x10xf32>
    %get3A_415 = arith.constant 22 : index
    %get3A_416 = arith.constant 0 : index
    %get3A_417 = arith.constant 0 : index
    %get3A_418 = vector.load %arg1[%get3A_415, %get3A_416, %get3A_417] : memref<32x32x10xf32, #tpu.memory_space<vmem>>, vector<1x32x10xf32>
    %get3A_419 = vector.shape_cast %get3A_418 : vector<1x32x10xf32> to vector<32x10xf32>
    %get3A_420 = arith.constant 22 : index
    %get3A_421 = arith.constant 0 : index
    %get3A_422 = arith.constant 0 : index
    %get3A_423 = vector.load %arg0[%get3A_420, %get3A_421, %get3A_422] : memref<32x128x32xi16, #tpu.memory_space<vmem>>, vector<1x128x32xi16>
    %get3A_424 = vector.shape_cast %get3A_423 : vector<1x128x32xi16> to vector<128x32xi16>
    %convert_element_type3A_425 = arith.sitofp %get3A_424 : vector<128x32xi16> to vector<128x32xf32>
    %dot_general3A_426 = arith.constant dense<0.000000e+00> : vector<128x10xf32>
    %dot_general3A_427 = tpu.matmul %convert_element_type3A_425, %get3A_419, %dot_general3A_426 {dimension_numbers = #tpu.dot_dimension_numbers<[1], [0], [0], [1], [0, 0, 1, 1], [], []>, transpose_lhs_hint = false} : vector<128x32xf32>, vector<32x10xf32>, vector<128x10xf32> -> vector<128x10xf32>
    %add3A_428 = arith.addf %add3A_409, %dot_general3A_427 : vector<128x10xf32>
    %mul3A_429 = arith.mulf %get3A_419, %get3A_419 : vector<32x10xf32>
    %reduce_sum3A_430 = arith.constant dense<0.000000e+00> : vector<10xf32>
    %reduce_sum3A_431 = vector.multi_reduction <add>, %mul3A_429, %reduce_sum3A_430 [0] : vector<32x10xf32> to vector<10xf32>
    %broadcast_in_dim3A_432 = vector.shape_cast %reduce_sum3A_431 : vector<10xf32> to vector<1x10xf32>
    %add3A_433 = arith.addf %add3A_414, %broadcast_in_dim3A_432 : vector<1x10xf32>
    %get3A_434 = arith.constant 23 : index
    %get3A_435 = arith.constant 0 : index
    %get3A_436 = arith.constant 0 : index
    %get3A_437 = vector.load %arg1[%get3A_434, %get3A_435, %get3A_436] : memref<32x32x10xf32, #tpu.memory_space<vmem>>, vector<1x32x10xf32>
    %get3A_438 = vector.shape_cast %get3A_437 : vector<1x32x10xf32> to vector<32x10xf32>
    %get3A_439 = arith.constant 23 : index
    %get3A_440 = arith.constant 0 : index
    %get3A_441 = arith.constant 0 : index
    %get3A_442 = vector.load %arg0[%get3A_439, %get3A_440, %get3A_441] : memref<32x128x32xi16, #tpu.memory_space<vmem>>, vector<1x128x32xi16>
    %get3A_443 = vector.shape_cast %get3A_442 : vector<1x128x32xi16> to vector<128x32xi16>
    %convert_element_type3A_444 = arith.sitofp %get3A_443 : vector<128x32xi16> to vector<128x32xf32>
    %dot_general3A_445 = arith.constant dense<0.000000e+00> : vector<128x10xf32>
    %dot_general3A_446 = tpu.matmul %convert_element_type3A_444, %get3A_438, %dot_general3A_445 {dimension_numbers = #tpu.dot_dimension_numbers<[1], [0], [0], [1], [0, 0, 1, 1], [], []>, transpose_lhs_hint = false} : vector<128x32xf32>, vector<32x10xf32>, vector<128x10xf32> -> vector<128x10xf32>
    %add3A_447 = arith.addf %add3A_428, %dot_general3A_446 : vector<128x10xf32>
    %mul3A_448 = arith.mulf %get3A_438, %get3A_438 : vector<32x10xf32>
    %reduce_sum3A_449 = arith.constant dense<0.000000e+00> : vector<10xf32>
    %reduce_sum3A_450 = vector.multi_reduction <add>, %mul3A_448, %reduce_sum3A_449 [0] : vector<32x10xf32> to vector<10xf32>
    %broadcast_in_dim3A_451 = vector.shape_cast %reduce_sum3A_450 : vector<10xf32> to vector<1x10xf32>
    %add3A_452 = arith.addf %add3A_433, %broadcast_in_dim3A_451 : vector<1x10xf32>
    %get3A_453 = arith.constant 24 : index
    %get3A_454 = arith.constant 0 : index
    %get3A_455 = arith.constant 0 : index
    %get3A_456 = vector.load %arg1[%get3A_453, %get3A_454, %get3A_455] : memref<32x32x10xf32, #tpu.memory_space<vmem>>, vector<1x32x10xf32>
    %get3A_457 = vector.shape_cast %get3A_456 : vector<1x32x10xf32> to vector<32x10xf32>
    %get3A_458 = arith.constant 24 : index
    %get3A_459 = arith.constant 0 : index
    %get3A_460 = arith.constant 0 : index
    %get3A_461 = vector.load %arg0[%get3A_458, %get3A_459, %get3A_460] : memref<32x128x32xi16, #tpu.memory_space<vmem>>, vector<1x128x32xi16>
    %get3A_462 = vector.shape_cast %get3A_461 : vector<1x128x32xi16> to vector<128x32xi16>
    %convert_element_type3A_463 = arith.sitofp %get3A_462 : vector<128x32xi16> to vector<128x32xf32>
    %dot_general3A_464 = arith.constant dense<0.000000e+00> : vector<128x10xf32>
    %dot_general3A_465 = tpu.matmul %convert_element_type3A_463, %get3A_457, %dot_general3A_464 {dimension_numbers = #tpu.dot_dimension_numbers<[1], [0], [0], [1], [0, 0, 1, 1], [], []>, transpose_lhs_hint = false} : vector<128x32xf32>, vector<32x10xf32>, vector<128x10xf32> -> vector<128x10xf32>
    %add3A_466 = arith.addf %add3A_447, %dot_general3A_465 : vector<128x10xf32>
    %mul3A_467 = arith.mulf %get3A_457, %get3A_457 : vector<32x10xf32>
    %reduce_sum3A_468 = arith.constant dense<0.000000e+00> : vector<10xf32>
    %reduce_sum3A_469 = vector.multi_reduction <add>, %mul3A_467, %reduce_sum3A_468 [0] : vector<32x10xf32> to vector<10xf32>
    %broadcast_in_dim3A_470 = vector.shape_cast %reduce_sum3A_469 : vector<10xf32> to vector<1x10xf32>
    %add3A_471 = arith.addf %add3A_452, %broadcast_in_dim3A_470 : vector<1x10xf32>
    %get3A_472 = arith.constant 25 : index
    %get3A_473 = arith.constant 0 : index
    %get3A_474 = arith.constant 0 : index
    %get3A_475 = vector.load %arg1[%get3A_472, %get3A_473, %get3A_474] : memref<32x32x10xf32, #tpu.memory_space<vmem>>, vector<1x32x10xf32>
    %get3A_476 = vector.shape_cast %get3A_475 : vector<1x32x10xf32> to vector<32x10xf32>
    %get3A_477 = arith.constant 25 : index
    %get3A_478 = arith.constant 0 : index
    %get3A_479 = arith.constant 0 : index
    %get3A_480 = vector.load %arg0[%get3A_477, %get3A_478, %get3A_479] : memref<32x128x32xi16, #tpu.memory_space<vmem>>, vector<1x128x32xi16>
    %get3A_481 = vector.shape_cast %get3A_480 : vector<1x128x32xi16> to vector<128x32xi16>
    %convert_element_type3A_482 = arith.sitofp %get3A_481 : vector<128x32xi16> to vector<128x32xf32>
    %dot_general3A_483 = arith.constant dense<0.000000e+00> : vector<128x10xf32>
    %dot_general3A_484 = tpu.matmul %convert_element_type3A_482, %get3A_476, %dot_general3A_483 {dimension_numbers = #tpu.dot_dimension_numbers<[1], [0], [0], [1], [0, 0, 1, 1], [], []>, transpose_lhs_hint = false} : vector<128x32xf32>, vector<32x10xf32>, vector<128x10xf32> -> vector<128x10xf32>
    %add3A_485 = arith.addf %add3A_466, %dot_general3A_484 : vector<128x10xf32>
    %mul3A_486 = arith.mulf %get3A_476, %get3A_476 : vector<32x10xf32>
    %reduce_sum3A_487 = arith.constant dense<0.000000e+00> : vector<10xf32>
    %reduce_sum3A_488 = vector.multi_reduction <add>, %mul3A_486, %reduce_sum3A_487 [0] : vector<32x10xf32> to vector<10xf32>
    %broadcast_in_dim3A_489 = vector.shape_cast %reduce_sum3A_488 : vector<10xf32> to vector<1x10xf32>
    %add3A_490 = arith.addf %add3A_471, %broadcast_in_dim3A_489 : vector<1x10xf32>
    %get3A_491 = arith.constant 26 : index
    %get3A_492 = arith.constant 0 : index
    %get3A_493 = arith.constant 0 : index
    %get3A_494 = vector.load %arg1[%get3A_491, %get3A_492, %get3A_493] : memref<32x32x10xf32, #tpu.memory_space<vmem>>, vector<1x32x10xf32>
    %get3A_495 = vector.shape_cast %get3A_494 : vector<1x32x10xf32> to vector<32x10xf32>
    %get3A_496 = arith.constant 26 : index
    %get3A_497 = arith.constant 0 : index
    %get3A_498 = arith.constant 0 : index
    %get3A_499 = vector.load %arg0[%get3A_496, %get3A_497, %get3A_498] : memref<32x128x32xi16, #tpu.memory_space<vmem>>, vector<1x128x32xi16>
    %get3A_500 = vector.shape_cast %get3A_499 : vector<1x128x32xi16> to vector<128x32xi16>
    %convert_element_type3A_501 = arith.sitofp %get3A_500 : vector<128x32xi16> to vector<128x32xf32>
    %dot_general3A_502 = arith.constant dense<0.000000e+00> : vector<128x10xf32>
    %dot_general3A_503 = tpu.matmul %convert_element_type3A_501, %get3A_495, %dot_general3A_502 {dimension_numbers = #tpu.dot_dimension_numbers<[1], [0], [0], [1], [0, 0, 1, 1], [], []>, transpose_lhs_hint = false} : vector<128x32xf32>, vector<32x10xf32>, vector<128x10xf32> -> vector<128x10xf32>
    %add3A_504 = arith.addf %add3A_485, %dot_general3A_503 : vector<128x10xf32>
    %mul3A_505 = arith.mulf %get3A_495, %get3A_495 : vector<32x10xf32>
    %reduce_sum3A_506 = arith.constant dense<0.000000e+00> : vector<10xf32>
    %reduce_sum3A_507 = vector.multi_reduction <add>, %mul3A_505, %reduce_sum3A_506 [0] : vector<32x10xf32> to vector<10xf32>
    %broadcast_in_dim3A_508 = vector.shape_cast %reduce_sum3A_507 : vector<10xf32> to vector<1x10xf32>
    %add3A_509 = arith.addf %add3A_490, %broadcast_in_dim3A_508 : vector<1x10xf32>
    %get3A_510 = arith.constant 27 : index
    %get3A_511 = arith.constant 0 : index
    %get3A_512 = arith.constant 0 : index
    %get3A_513 = vector.load %arg1[%get3A_510, %get3A_511, %get3A_512] : memref<32x32x10xf32, #tpu.memory_space<vmem>>, vector<1x32x10xf32>
    %get3A_514 = vector.shape_cast %get3A_513 : vector<1x32x10xf32> to vector<32x10xf32>
    %get3A_515 = arith.constant 27 : index
    %get3A_516 = arith.constant 0 : index
    %get3A_517 = arith.constant 0 : index
    %get3A_518 = vector.load %arg0[%get3A_515, %get3A_516, %get3A_517] : memref<32x128x32xi16, #tpu.memory_space<vmem>>, vector<1x128x32xi16>
    %get3A_519 = vector.shape_cast %get3A_518 : vector<1x128x32xi16> to vector<128x32xi16>
    %convert_element_type3A_520 = arith.sitofp %get3A_519 : vector<128x32xi16> to vector<128x32xf32>
    %dot_general3A_521 = arith.constant dense<0.000000e+00> : vector<128x10xf32>
    %dot_general3A_522 = tpu.matmul %convert_element_type3A_520, %get3A_514, %dot_general3A_521 {dimension_numbers = #tpu.dot_dimension_numbers<[1], [0], [0], [1], [0, 0, 1, 1], [], []>, transpose_lhs_hint = false} : vector<128x32xf32>, vector<32x10xf32>, vector<128x10xf32> -> vector<128x10xf32>
    %add3A_523 = arith.addf %add3A_504, %dot_general3A_522 : vector<128x10xf32>
    %mul3A_524 = arith.mulf %get3A_514, %get3A_514 : vector<32x10xf32>
    %reduce_sum3A_525 = arith.constant dense<0.000000e+00> : vector<10xf32>
    %reduce_sum3A_526 = vector.multi_reduction <add>, %mul3A_524, %reduce_sum3A_525 [0] : vector<32x10xf32> to vector<10xf32>
    %broadcast_in_dim3A_527 = vector.shape_cast %reduce_sum3A_526 : vector<10xf32> to vector<1x10xf32>
    %add3A_528 = arith.addf %add3A_509, %broadcast_in_dim3A_527 : vector<1x10xf32>
    %get3A_529 = arith.constant 28 : index
    %get3A_530 = arith.constant 0 : index
    %get3A_531 = arith.constant 0 : index
    %get3A_532 = vector.load %arg1[%get3A_529, %get3A_530, %get3A_531] : memref<32x32x10xf32, #tpu.memory_space<vmem>>, vector<1x32x10xf32>
    %get3A_533 = vector.shape_cast %get3A_532 : vector<1x32x10xf32> to vector<32x10xf32>
    %get3A_534 = arith.constant 28 : index
    %get3A_535 = arith.constant 0 : index
    %get3A_536 = arith.constant 0 : index
    %get3A_537 = vector.load %arg0[%get3A_534, %get3A_535, %get3A_536] : memref<32x128x32xi16, #tpu.memory_space<vmem>>, vector<1x128x32xi16>
    %get3A_538 = vector.shape_cast %get3A_537 : vector<1x128x32xi16> to vector<128x32xi16>
    %convert_element_type3A_539 = arith.sitofp %get3A_538 : vector<128x32xi16> to vector<128x32xf32>
    %dot_general3A_540 = arith.constant dense<0.000000e+00> : vector<128x10xf32>
    %dot_general3A_541 = tpu.matmul %convert_element_type3A_539, %get3A_533, %dot_general3A_540 {dimension_numbers = #tpu.dot_dimension_numbers<[1], [0], [0], [1], [0, 0, 1, 1], [], []>, transpose_lhs_hint = false} : vector<128x32xf32>, vector<32x10xf32>, vector<128x10xf32> -> vector<128x10xf32>
    %add3A_542 = arith.addf %add3A_523, %dot_general3A_541 : vector<128x10xf32>
    %mul3A_543 = arith.mulf %get3A_533, %get3A_533 : vector<32x10xf32>
    %reduce_sum3A_544 = arith.constant dense<0.000000e+00> : vector<10xf32>
    %reduce_sum3A_545 = vector.multi_reduction <add>, %mul3A_543, %reduce_sum3A_544 [0] : vector<32x10xf32> to vector<10xf32>
    %broadcast_in_dim3A_546 = vector.shape_cast %reduce_sum3A_545 : vector<10xf32> to vector<1x10xf32>
    %add3A_547 = arith.addf %add3A_528, %broadcast_in_dim3A_546 : vector<1x10xf32>
    %get3A_548 = arith.constant 29 : index
    %get3A_549 = arith.constant 0 : index
    %get3A_550 = arith.constant 0 : index
    %get3A_551 = vector.load %arg1[%get3A_548, %get3A_549, %get3A_550] : memref<32x32x10xf32, #tpu.memory_space<vmem>>, vector<1x32x10xf32>
    %get3A_552 = vector.shape_cast %get3A_551 : vector<1x32x10xf32> to vector<32x10xf32>
    %get3A_553 = arith.constant 29 : index
    %get3A_554 = arith.constant 0 : index
    %get3A_555 = arith.constant 0 : index
    %get3A_556 = vector.load %arg0[%get3A_553, %get3A_554, %get3A_555] : memref<32x128x32xi16, #tpu.memory_space<vmem>>, vector<1x128x32xi16>
    %get3A_557 = vector.shape_cast %get3A_556 : vector<1x128x32xi16> to vector<128x32xi16>
    %convert_element_type3A_558 = arith.sitofp %get3A_557 : vector<128x32xi16> to vector<128x32xf32>
    %dot_general3A_559 = arith.constant dense<0.000000e+00> : vector<128x10xf32>
    %dot_general3A_560 = tpu.matmul %convert_element_type3A_558, %get3A_552, %dot_general3A_559 {dimension_numbers = #tpu.dot_dimension_numbers<[1], [0], [0], [1], [0, 0, 1, 1], [], []>, transpose_lhs_hint = false} : vector<128x32xf32>, vector<32x10xf32>, vector<128x10xf32> -> vector<128x10xf32>
    %add3A_561 = arith.addf %add3A_542, %dot_general3A_560 : vector<128x10xf32>
    %mul3A_562 = arith.mulf %get3A_552, %get3A_552 : vector<32x10xf32>
    %reduce_sum3A_563 = arith.constant dense<0.000000e+00> : vector<10xf32>
    %reduce_sum3A_564 = vector.multi_reduction <add>, %mul3A_562, %reduce_sum3A_563 [0] : vector<32x10xf32> to vector<10xf32>
    %broadcast_in_dim3A_565 = vector.shape_cast %reduce_sum3A_564 : vector<10xf32> to vector<1x10xf32>
    %add3A_566 = arith.addf %add3A_547, %broadcast_in_dim3A_565 : vector<1x10xf32>
    %get3A_567 = arith.constant 30 : index
    %get3A_568 = arith.constant 0 : index
    %get3A_569 = arith.constant 0 : index
    %get3A_570 = vector.load %arg1[%get3A_567, %get3A_568, %get3A_569] : memref<32x32x10xf32, #tpu.memory_space<vmem>>, vector<1x32x10xf32>
    %get3A_571 = vector.shape_cast %get3A_570 : vector<1x32x10xf32> to vector<32x10xf32>
    %get3A_572 = arith.constant 30 : index
    %get3A_573 = arith.constant 0 : index
    %get3A_574 = arith.constant 0 : index
    %get3A_575 = vector.load %arg0[%get3A_572, %get3A_573, %get3A_574] : memref<32x128x32xi16, #tpu.memory_space<vmem>>, vector<1x128x32xi16>
    %get3A_576 = vector.shape_cast %get3A_575 : vector<1x128x32xi16> to vector<128x32xi16>
    %convert_element_type3A_577 = arith.sitofp %get3A_576 : vector<128x32xi16> to vector<128x32xf32>
    %dot_general3A_578 = arith.constant dense<0.000000e+00> : vector<128x10xf32>
    %dot_general3A_579 = tpu.matmul %convert_element_type3A_577, %get3A_571, %dot_general3A_578 {dimension_numbers = #tpu.dot_dimension_numbers<[1], [0], [0], [1], [0, 0, 1, 1], [], []>, transpose_lhs_hint = false} : vector<128x32xf32>, vector<32x10xf32>, vector<128x10xf32> -> vector<128x10xf32>
    %add3A_580 = arith.addf %add3A_561, %dot_general3A_579 : vector<128x10xf32>
    %mul3A_581 = arith.mulf %get3A_571, %get3A_571 : vector<32x10xf32>
    %reduce_sum3A_582 = arith.constant dense<0.000000e+00> : vector<10xf32>
    %reduce_sum3A_583 = vector.multi_reduction <add>, %mul3A_581, %reduce_sum3A_582 [0] : vector<32x10xf32> to vector<10xf32>
    %broadcast_in_dim3A_584 = vector.shape_cast %reduce_sum3A_583 : vector<10xf32> to vector<1x10xf32>
    %add3A_585 = arith.addf %add3A_566, %broadcast_in_dim3A_584 : vector<1x10xf32>
    %get3A_586 = arith.constant 31 : index
    %get3A_587 = arith.constant 0 : index
    %get3A_588 = arith.constant 0 : index
    %get3A_589 = vector.load %arg1[%get3A_586, %get3A_587, %get3A_588] : memref<32x32x10xf32, #tpu.memory_space<vmem>>, vector<1x32x10xf32>
    %get3A_590 = vector.shape_cast %get3A_589 : vector<1x32x10xf32> to vector<32x10xf32>
    %get3A_591 = arith.constant 31 : index
    %get3A_592 = arith.constant 0 : index
    %get3A_593 = arith.constant 0 : index
    %get3A_594 = vector.load %arg0[%get3A_591, %get3A_592, %get3A_593] : memref<32x128x32xi16, #tpu.memory_space<vmem>>, vector<1x128x32xi16>
    %get3A_595 = vector.shape_cast %get3A_594 : vector<1x128x32xi16> to vector<128x32xi16>
    %convert_element_type3A_596 = arith.sitofp %get3A_595 : vector<128x32xi16> to vector<128x32xf32>
    %dot_general3A_597 = arith.constant dense<0.000000e+00> : vector<128x10xf32>
    %dot_general3A_598 = tpu.matmul %convert_element_type3A_596, %get3A_590, %dot_general3A_597 {dimension_numbers = #tpu.dot_dimension_numbers<[1], [0], [0], [1], [0, 0, 1, 1], [], []>, transpose_lhs_hint = false} : vector<128x32xf32>, vector<32x10xf32>, vector<128x10xf32> -> vector<128x10xf32>
    %add3A_599 = arith.addf %add3A_580, %dot_general3A_598 : vector<128x10xf32>
    %mul3A_600 = arith.mulf %get3A_590, %get3A_590 : vector<32x10xf32>
    %reduce_sum3A_601 = arith.constant dense<0.000000e+00> : vector<10xf32>
    %reduce_sum3A_602 = vector.multi_reduction <add>, %mul3A_600, %reduce_sum3A_601 [0] : vector<32x10xf32> to vector<10xf32>
    %broadcast_in_dim3A_603 = vector.shape_cast %reduce_sum3A_602 : vector<10xf32> to vector<1x10xf32>
    %add3A_604 = arith.addf %add3A_585, %broadcast_in_dim3A_603 : vector<1x10xf32>
    %get3A_605 = arith.constant 0 : index
    %get3A_606 = arith.constant 0 : index
    %get3A_607 = vector.load %arg3[%get3A_605, %get3A_606] : memref<1024x10xf32, #tpu.memory_space<vmem>>, vector<1024x10xf32>
    %get3A_608 = arith.constant 0 : index
    %get3A_609 = arith.constant 0 : index
    %get3A_610 = vector.load %arg2[%get3A_608, %get3A_609] : memref<128x1024xf32, #tpu.memory_space<vmem>>, vector<128x1024xf32>
    %dot_general3A_611 = arith.constant dense<0.000000e+00> : vector<128x10xf32>
    %dot_general3A_612 = tpu.matmul %get3A_610, %get3A_607, %dot_general3A_611 {dimension_numbers = #tpu.dot_dimension_numbers<[1], [0], [0], [1], [0, 0, 1, 1], [], []>, transpose_lhs_hint = false} : vector<128x1024xf32>, vector<1024x10xf32>, vector<128x10xf32> -> vector<128x10xf32>
    %add3A_613 = arith.addf %add3A_599, %dot_general3A_612 : vector<128x10xf32>
    %mul3A_614 = arith.mulf %get3A_607, %get3A_607 : vector<1024x10xf32>
    %reduce_sum3A_615 = arith.constant dense<0.000000e+00> : vector<10xf32>
    %reduce_sum3A_616 = vector.multi_reduction <add>, %mul3A_614, %reduce_sum3A_615 [0] : vector<1024x10xf32> to vector<10xf32>
    %broadcast_in_dim3A_617 = vector.shape_cast %reduce_sum3A_616 : vector<10xf32> to vector<1x10xf32>
    %add3A_618 = arith.addf %add3A_604, %broadcast_in_dim3A_617 : vector<1x10xf32>
    %sqrt3A = math.sqrt %add3A_618 : vector<1x10xf32>
    %add3A_619 = arith.constant 9.99999996E-13 : f32
    %add3A_620 = vector.broadcast %add3A_619 : f32 to vector<1x10xf32>
    %add3A_621 = arith.addf %sqrt3A, %add3A_620 : vector<1x10xf32>
    %sqrt3A_622 = arith.constant 2.048000e+03 : f32
    %sqrt3A_623 = math.sqrt %sqrt3A_622 : f32
    %mul3A_624 = vector.broadcast %sqrt3A_623 : f32 to vector<1x10xf32>
    %mul3A_625 = arith.mulf %add3A_621, %mul3A_624 : vector<1x10xf32>
    %div3A = arith.constant 1.000000e+00 : f32
    %div3A_626 = vector.broadcast %div3A : f32 to vector<1x10xf32>
    %div3A_627 = arith.divf %div3A_626, %mul3A_625 : vector<1x10xf32>
    %mul3A_628 = vector.broadcast %div3A_627 : vector<1x10xf32> to vector<128x10xf32>
    %mul3A_629 = arith.mulf %add3A_613, %mul3A_628 : vector<128x10xf32>
    %swap3A = arith.constant 0 : index
    %swap3A_630 = arith.constant 0 : index
    %swap3A_631 = vector.load %arg4[%swap3A, %swap3A_630] : memref<128x10xf32, #tpu.memory_space<vmem>>, vector<128x10xf32>
    tpu.vector_store %arg4[%swap3A, %swap3A_630], %mul3A_629 {strides = array<i32>} : memref<128x10xf32, #tpu.memory_space<vmem>>, vector<128x10xf32>,
    return
  }
}

</mosaic_0001>

<sc_bundles>
// kernel: _run.6.cloned.1.call-start
scs
__scs_entry_jumppad:
0x0: {  	(pc) =	sbr.rel $0x88, $3  }
0x1: {  	(tag) =	ssettag $0x0;
	lr =	simm.s32 $0x1  }
0x2: {  	[smem:$0x3F9D] =	sst lr;
	_ =	strace $0xD0000000  }
0x3: {  	_ = 	snop  }
0x4: {  	_ = 	snop  }
0x5: {  	_ = 	snop  }
0x6: {  	_ = 	snop  }
0x7: {  	_ = 	snop  }
__scs_overlays_trampoline_lowered:
0x8: {  	[smem:$0x3FAC] =	sst s0  }
0x9: {  	[smem:$0x3FAD] =	sst s1  }
0xa: {  	[smem:$0x3FAE] =	sst s2  }
0xb: {  	[smem:$0x3FAF] =	sst s3  }
0xc: {  	[smem:$0x3FB0] =	sst s4  }
0xd: {  	[smem:$0x3FB1] =	sst s5  }
0xe: {  	[smem:$0x3FB2] =	sst s6  }
0xf: {  	[smem:$0x3FB3] =	sst s7  }
0x10: {  	[smem:$0x3FB4] =	sst s8  }
0x11: {  	[smem:$0x3FB5] =	sst s9;
	s0 =	simm.s32 @!p0 $0x0  }
0x12: {  	s1 =	sld [smem:$0x3F9B];
	s0 =	simm.s32 @p0 $0x1  }
0x13: {  	[smem:$0x3FB6] =	sst s0;
	s0 =	simm.s32 @!p1 $0x0  }
0x14: {  	s2 =	sld [smem:$0x3F9A];
	s0 =	simm.s32 @p1 $0x1  }
0x15: {  	[smem:$0x3FB7] =	sst s0;
	s0 =	simm.s32 @!p2 $0x0  }
0x16: {  	s3 =	sld [smem:$0x3FDB];
	s0 =	simm.s32 @p2 $0x1  }
0x17: {  	s4 =	simm.s32 $0x1BF5;
	[smem:$0x3FB9] =	sst s0  }
0x18: {  	s0 =	sld [smem:$0x3F9C];
	_ =	swait.ge [sflag:s4], $0x0  }
0x19: {  	s7 =	sld [smem:$0x3F9D]  }
0x1a: {  	s8 =	sadd.s32 $0xFFFFE003, lr  }
0x1b: {  	s9 =	sadd.s32 $0xFFFFFEF7, lr;
	s5 =	simm.s32 $0xFFFFFFFF;
	p2 =	slt.u32 s8, $0xFFFFF086  }
0x1c: {  	p1 =	slt.u32 s9, $0xF7A;
	s5 =	simm.s32 @!p2 $0x0  }
0x1d: {  	s5 =	simm.s32 @p1 $0x1;
	p0 =	seq.s32 s7, s2  }
0x1e: {  	s7 =	smul.u32 @!p0 $0xF7A, s2;
	p2 =	seq.s32 @!p0 s5, $0x0  }
0x1f: {  	s9 =	smul.u32 $0xF7A, s1;
	s8 =	simm.s32 @!p0 $0x1BF5;
	p2 =	por !p2, p0  }
0x20: {  	[sflag:s8] =	ssyncset.s32 @!p0 $0xFFFFF086;
	s6 =	sadd.s32 @!p0 s3, s7;
	s7 =	simm.s32 @!p0 $0x108  }
0x21: {  	s3 =	sadd.s32 s3, s9;
	s6 =	sadd.s32 @!p0 $0x88, s6;
	s7 =	simm.s32 @p2 $0x1082  }
0x22: {  	[simem:s7], [sflag:s8] =	dma.local @!p0 [hbm:s6], $0xF7A  }
0x23: {  	s9 =	sor.u32 $0xD0000000, s2;
	s6 =	simm.s32 $0x108;
	_ =	swait.ge @!p0 [sflag:s8], $0x0  }
0x24: {  	s3 =	sadd.s32 $0x88, s3;
	s6 =	simm.s32 @!p1 $0x1082;
	[sflag:s4] =	ssyncset.s32 $0xFFFFF086  }
0x25: {  	[simem:s6], [sflag:s4] =	dma.local [hbm:s3], $0xF7A  }
0x26: {  	[smem:$0x3F9D] =	sst s1;
	(tag) =	ssettag s2;
	_ =	strace s9  }
0x27: {  	s1 =	sld [smem:$0x3FAD]  }
0x28: {  	s2 =	sld [smem:$0x3FAE]  }
0x29: {  	s4 =	sld [smem:$0x3FB0]  }
0x2a: {  	p0 =	seq.s32 s5, $0x0;
	s5 =	sld [smem:$0x3FB1]  }
0x2b: {  	s6 =	sld [smem:$0x3FB2]  }
0x2c: {  	s7 =	sld [smem:$0x3FB3]  }
0x2d: {  	s3 =	simm.s32 $0x108;
	s8 =	sld [smem:$0x3FB4]  }
0x2e: {  	s3 =	simm.s32 @!p0 $0x1082;
	s9 =	sld [smem:$0x3FB5]  }
0x2f: {  	lr =	sadd.s32 s0, s3;
	s0 =	sld [smem:$0x3FAC]  }
0x30: {  	s3 =	sld [smem:$0x3FAF]  }
0x31: {  	[smem:$0x3FB8] =	sst s10  }
0x32: {  	s10 =	sld [smem:$0x3FB6];
	_ =	sdelay $0x3  }
0x33: {  	p0 =	seq.s32 s10, $0x1;
	s10 =	sld [smem:$0x3FB8];
	_ =	sdelay $0x3  }
0x34: {  	[smem:$0x3FB8] =	sst s10  }
0x35: {  	s10 =	sld [smem:$0x3FB7];
	_ =	sdelay $0x3  }
0x36: {  	p1 =	seq.s32 s10, $0x1;
	s10 =	sld [smem:$0x3FB8];
	_ =	sdelay $0x3  }
0x37: {  	[smem:$0x3FB8] =	sst s10  }
0x38: {  	s10 =	sld [smem:$0x3FB9]  }
0x39: {  	_ = 	snop;
	(pc) =	sbr.ind lr, $3  }
0x3a: {  	_ = 	snop  }
0x3b: {  	_ = 	snop  }
0x3c: {  	p2 =	seq.s32 s10, $0x1;
	s10 =	sld [smem:$0x3FB8]  }
0x3d: {  	_ =	shalt  }
0x3e: {  	_ =	shalt  }
0x3f: {  	_ =	shalt  }
0x40: {  	_ =	shalt  }
0x41: {  	_ =	shalt  }
0x42: {  	_ =	shalt  }
0x43: {  	_ =	shalt  }
0x44: {  	_ =	shalt  }
0x45: {  	_ =	shalt  }
0x46: {  	_ =	shalt  }
0x47: {  	_ =	shalt  }
0x48: {  	_ =	shalt  }
0x49: {  	_ =	shalt  }
0x4a: {  	_ =	shalt  }
0x4b: {  	_ =	shalt  }
0x4c: {  	_ =	shalt  }
0x4d: {  	_ =	shalt  }
0x4e: {  	_ =	shalt  }
0x4f: {  	_ =	shalt  }
0x50: {  	_ =	shalt  }
0x51: {  	_ =	shalt  }
0x52: {  	_ =	shalt  }
0x53: {  	_ =	shalt  }
0x54: {  	_ =	shalt  }
0x55: {  	_ =	shalt  }
0x56: {  	_ =	shalt  }
0x57: {  	_ =	shalt  }
0x58: {  	_ =	shalt  }
0x59: {  	_ =	shalt  }
0x5a: {  	_ =	shalt  }
0x5b: {  	_ =	shalt  }
0x5c: {  	_ =	shalt  }
0x5d: {  	_ =	shalt  }
0x5e: {  	_ =	shalt  }
0x5f: {  	_ =	shalt  }
0x60: {  	_ =	shalt  }
0x61: {  	_ =	shalt  }
0x62: {  	_ =	shalt  }
0x63: {  	_ =	shalt  }
0x64: {  	_ =	shalt  }
0x65: {  	_ =	shalt  }
0x66: {  	_ =	shalt  }
0x67: {  	_ =	shalt  }
0x68: {  	_ =	shalt  }
0x69: {  	_ =	shalt  }
0x6a: {  	_ =	shalt  }
0x6b: {  	_ =	shalt  }
0x6c: {  	_ =	shalt  }
0x6d: {  	_ =	shalt  }
0x6e: {  	_ =	shalt  }
0x6f: {  	_ =	shalt  }
0x70: {  	_ =	shalt  }
0x71: {  	_ =	shalt  }
0x72: {  	_ =	shalt  }
0x73: {  	_ =	shalt  }
0x74: {  	_ =	shalt  }
0x75: {  	_ =	shalt  }
0x76: {  	_ =	shalt  }
0x77: {  	_ =	shalt  }
0x78: {  	_ =	shalt  }
0x79: {  	_ =	shalt  }
0x7a: {  	_ =	shalt  }
0x7b: {  	_ =	shalt  }
0x7c: {  	_ =	shalt  }
0x7d: {  	_ =	shalt  }
0x7e: {  	_ =	shalt  }
0x7f: {  	_ =	shalt  }
0x80: {  	_ =	shalt  }
0x81: {  	_ =	shalt  }
0x82: {  	_ =	shalt  }
0x83: {  	_ =	shalt  }
0x84: {  	_ =	shalt  }
0x85: {  	_ =	shalt  }
0x86: {  	_ =	shalt  }
0x87: {  	_ =	shalt  }
.Lfunc_end0:
.L_simem_size_0:
called_computation_lowered:
.L_overlay_start_0:
0x88: {  	s2 =	sld [smem:$0x3FD9]  }
0x89: {  	s3 =	sld [smem:$0x3FFE];
	_ =	sdelay $0x1  }
0x8a: {  	s1 =	srdreg.scid  }
0x8b: {  	s0 =	sand.u32 $0x1, s1  }
0x8c: {  	s16 =	sshll.u32 s0, $0xA;
	s2 =	sadd.s32 s3, s2  }
0x8d: {  	s2 =	sadd.s32 s2, s16  }
0x8e: {  	[smem:$0x3FC4] =	sst s2  }
0x8f: {  	_ = 	snop  }
0x90: {  	(tm) =	ssettm $0x1  }
0x91: {  	s17 =	sld [smem:$0x3FFB];
	_ =	sdelay $0x3  }
0x92: {  	_ =	strace s17  }
0x93: {  	s2 =	sld [smem:$0x3FFC];
	_ =	sdelay $0x3  }
0x94: {  	_ =	strace s2  }
0x95: {  	s2 =	sld [smem:$0x3FFD];
	_ =	sdelay $0x3  }
0x96: {  	_ =	strace s2  }
0x97: {  	_ =	strace $0x8FFFFFFF  }
0x98: {  	s18 =	sld [smem:$0x3FDB];
	_ =	sdelay $0x1  }
0x99: {  	s19 =	simm.s32 $_scs_section_size  }
0x9a: {  	s4 =	simm.s32 $_size__tile_overlayer_lowered;
	s5 =	simm.s32 $_tile_overlayer_lowered  }
0x9b: {  	s22 =	simm.s32 $0x1BFF;
	s21 =	sshll.u32 s5, $0x1;
	s2 =	sadd.s32 s19, s18  }
0x9c: {  	s6 =	simm.s32 $0x0;
	s20 =	sshll.u32 s4, $0x1;
	s4 =	sadd.s32 s21, s2  }
0x9d: {  	[timem:s6], [sflag:s22] =	dma.local [hbm:s4], s20  }
0x9e: {  	_ =	swait.ge [sflag:s22], s20  }
0x9f: {  	s3 =	ssub.s32 $0x0, s20;
	[sflag:s22] =	ssyncset.done $0x0  }
0xa0: {  	[sflag:s22] =	ssyncadd.s32 s3;
	_ =	sdelay $0x1  }
0xa1: {  	s23 =	simm.s32 $0x1B8B  }
0xa2: {  	_ =	swait.ge [sflag:s23], $0x1  }
0xa3: {  	[sflag:s23] =	ssyncset.done $0x0  }
0xa4: {  	s25 =	simm.s32 $0x1B8E;
	s24 =	sld [smem:$0x3FFE];
	[sflag:s23] =	ssyncadd.s32 $0xFFFFFFFF  }
0xa5: {  	s26 =	simm.s32 $execute0_lowered;
	[smem:$0x3FD2] =	sst s25  }
0xa6: {  	s4 =	sshll.u32 s26, $0x1;
	_ =	strace $0x80000046;
	[dreg:$0x1] =	wrdreg $0xFFFFFFFF  }
0xa7: {  	s28 =	simm.s32 $_size_execute0_lowered;
	s2 =	sadd.s32 s2, s4;
	[dreg:$0x0] =	wrdreg $0x0  }
0xa8: {  	s4 =	sshll.u32 s28, $0x1;
	[dreg:$0x2] =	wrdreg s2  }
0xa9: {  	[dreg:$0x3] =	wrdreg s4  }
0xaa: {  	[dreg:$0x4] =	wrdreg $0xC0  }
0xab: {  	_ =	task [dreg:s6], $0x5FFFF  }
0xac: {  	[dreg:$0x1] =	wrdreg $0xFFFFFFFF  }
0xad: {  	[dreg:$0x0] =	wrdreg $0x60  }
0xae: {  	[dreg:$0x2] =	wrdreg s24  }
0xaf: {  	[dreg:$0x3] =	wrdreg $0x9  }
0xb0: {  	_ =	task.clear_ibuf [dreg:s6], $0x4FFFF;
	_ =	strace $0x90000046  }
0xb1: {  	s29 =	simm.s32 $0x9;
	_ =	strace $0x80000048  }
0xb2: {  	_ =	swait.ge [sflag:s29], $0x1  }
0xb3: {  	[sflag:s29] =	ssyncadd.s32 $0xFFFFFFFF  }
0xb4: {  	_ =	strace $0x90000048  }
0xb5: {  	_ =	sfence  }
0xb6: {  	s30 =	sld [smem:$0x0];
	_ =	sdelay $0x2  }
0xb7: {  	s31 =	sshll.u32 s1, $0xD;
	s1 =	sshrl.u32 s1, $0x2  }
0xb8: {  	s3 =	sand.u32 $0x4000, s31;
	s1 =	sadd.s32 s1, s30  }
0xb9: {  	s0 =	sor.u32 s3, s0;
	s1 =	sshll.u32 s1, $0x11  }
0xba: {  	s0 =	sor.u32 s1, s0  }
0xbb: {  	s0 =	sadd.s32 $0x8F2B, s0  }
0xbc: {  	[sflag:s0] =	ssyncadd.remote.s32 $0x1  }
0xbd: {  	_ =	sfence.sel $0xFFFF  }
0xbe: {  	[dreg:$0x0] =	wrdreg $0xFFFFFFFF;
	(pc) =	sbr.abs _section_cstart, $3  }
0xbf: {  	[dreg:$0x1] =	wrdreg $0xFFFFFFFF  }
0xc0: {  	_ =	task.clear_ibuf [dreg:s6], $0x2FFFF;
	_ =	strace $0x9FFFFFFF  }
0xc1: {  	(tm) =	ssettm $0x7FFFFFFF  }
tec
execute0_lowered:
.L_overlay_start_1:
0x0: {  	(tag) =	ssettag $0x1  }
0x1: {  	s1 =	srdreg.scid;
	s0 =	stileid.u32  }
0x2: {  	s4 =	rddreg [dreg:$0x0];
	s2 =	simm.s32 $0x0;
	s10 =	simm.s32 $0x4100  }
0x3: {  	s11 =	simm.s32 $0x1;
	s12 =	simm.s32 $0x5980;
	s13 =	simm.s32 $0x2  }
0x4: {  	s14 =	simm.s32 $0x7200;
	s5 =	sand.u32 $0x1, s1;
	s1 =	rddreg [dreg:$0x1]  }
0x5: {  	s15 =	simm.s32 $0x0;
	s3 =	sshll.u32 s0, $0x1;
	[smem:$0x7FF] =	sst s2  }
0x6: {  	s6 =	sor.u32 s5, s3;
	_ =	strace $0x80000047;
	s3 =	sadd.s32 $0x400, s4  }
0x7: {  	s5 =	ssub.s32 $0x2, s5;
	s7 =	smul.u32 $0x620, s6;
	s8 =	sshll.u32 s6, $0x9  }
0x8: {  	s6 =	sshll.u32 s6, $0x8;
	s9 =	sshrl.u32 s5, $0x1;
	s8 =	sadd.s32 s8, s4  }
0x9: {  	s6 =	sadd.s32 s6, s4;
	s9 =	ssub.s32 s5, s9;
	s7 =	sadd.s32 s7, s4  }
0xa: {  	s4 =	sadd.s32 $0xFA00, s8;
	s6 =	sadd.s32 $0x13A00, s6;
	s8 =	simm.s32 $0x3  }
0xb: {  	v0 =	vlaneseq.u32;
	v1 =	vimm.s32 $0xFFFF;
	v2 =	vimm.s32 $0x10000;
	s5 =	sadd.s32 $0x3600, s7;
	s7 =	smax.u32 s9, $0x1;
	s9 =	simm.s32 $0x1000  }
.LBB2_1:
0xc: {  	[tilespmem:s2], [sflag:$0x3] =	stream.linear.gather [hbm4b:s4+s2], $0x1000, $0x38;
	[tilespmem:$0x7A00] =	vst v63  }
0xd: {  	_ =	swait.ge [sflag:s8], $0x1000  }
0xe: {  	[sflag:s8] =	ssyncset.done $0x0  }
0xf: {  	[sflag:s8] =	ssyncadd.s32 $0xFFFFF000  }
0x10: {  	[tilespmem:s9], [sflag:$0x3] =	stream.linear.gather [hbm4b:s5+s2], $0x3100, $0x38;
	[tilespmem:$0x7A00] =	vst v63  }
0x11: {  	_ =	swait.ge [sflag:s8], $0x3100  }
0x12: {  	[sflag:s8] =	ssyncset.done $0x0  }
0x13: {  	s16 =	simm.s32 $0x0;
	[sflag:s8] =	ssyncadd.s32 $0xFFFFCF00  }
0x14: {  	[tilespmem:s10], [sflag:$0x1] =	stream.linear.gather [hbm4b:s3+s2], $0x1880, $0x38;
	[tilespmem:$0x7A00] =	vst v63  }
.LBB2_2:
0x15: {  	s17 =	sshllo.u32 s16, $0x1  }
0x16: {  	_ =	swait.ge [sflag:s11], $0x1880;
	s18 =	smul.u32 $0x310, s17  }
0x17: {  	v11 =	vimm.s32 $0x0;
	v12 =	vimm.s32 $0x0;
	[sflag:s11] =	ssyncset.done $0x0  }
0x18: {  	v13 =	vimm.s32 $0x0;
	v14 =	vimm.s32 $0x0;
	v15 =	vimm.s32 $0x0;
	[sflag:s11] =	ssyncadd.s32 $0xFFFFE780;
	s19 =	sadd.s32 s3, s18;
	s18 =	simm.s32 $0x0  }
0x19: {  	v16 =	vimm.s32 $0x0;
	v17 =	vimm.s32 $0x0;
	v18 =	vimm.s32 $0x0;
	[tilespmem:s12], [sflag:$0x2] =	stream.linear.gather [hbm4b:s19+s18], $0x1880, $0x38;
	[tilespmem:$0x7A00] =	vst v63  }
.LBB2_3:
0x1a: {  	s19 =	sshll.u32 s18, $0x4  }
0x1b: {  	v3 =	vld [tilespmem:s19+$0x4100]  }
0x1c: {  	v4 =	vld [tilespmem:s19+$0x4410]  }
0x1d: {  	v5 =	vld [tilespmem:s19+$0x4720]  }
0x1e: {  	v6 =	vld [tilespmem:s19+$0x4A30]  }
0x1f: {  	v7 =	vld [tilespmem:s19+$0x4D40]  }
0x20: {  	v8 =	vld [tilespmem:s19+$0x5050]  }
0x21: {  	v9 =	vld [tilespmem:s19+$0x5360]  }
0x22: {  	p0 =	por $0x1, $0x1;
	s20 =	simm.s32 $0x0;
	v10 =	vld [tilespmem:s19+$0x5670]  }
.LBB2_4:
0x23: {  	v19 =	vmov s20  }
0x24: {  	v20 =	vperm.xlane v3, v19;
	v21 =	vperm.xlane v4, v19  }
0x25: {  	v22 =	vperm.xlane v5, v19;
	v23 =	vperm.xlane v6, v19  }
0x26: {  	s21 =	sor.u32 s19, s20;
	s24 =	sor.u32 $0x1, s20;
	v24 =	vperm.xlane v7, v19;
	v26 =	vperm.xlane v8, v19  }
0x27: {  	s25 =	sor.u32 $0x2, s20;
	s26 =	sor.u32 $0x3, s20;
	s21 =	sshll.u32 s21, $0x4;
	v27 =	vperm.xlane v9, v19;
	v19 =	vperm.xlane v10, v19;
	v28 =	vmov s24  }
0x28: {  	v51 =	vmov s25;
	v63 =	vmov s26;
	s21 =	sand.u32 $0x3FFFFFF0, s21;
	v20 =	vadd.s32 v0, v20  }
0x29: {  	v29 =	vperm.xlane v3, v28;
	v30 =	vperm.xlane v4, v28;
	v21 =	vadd.s32 v0, v21;
	v25 =	vld [tilespmem:s21+$0x1000];
	s21 =	sor.u32 s19, s24  }
0x2a: {  	v43 =	vperm.xlane v5, v28;
	v44 =	vperm.xlane v6, v28;
	v22 =	vadd.s32 v0, v22;
	s21 =	sshll.u32 s21, $0x4  }
0x2b: {  	v46 =	vperm.xlane v7, v28;
	v47 =	vperm.xlane v8, v28;
	v23 =	vadd.s32 v0, v23;
	s21 =	sand.u32 $0x3FFFFFF0, s21  }
0x2c: {  	v49 =	vperm.xlane v9, v28;
	v28 =	vperm.xlane v10, v28;
	v24 =	vadd.s32 v0, v24;
	v45 =	vld [tilespmem:s21+$0x1000]  }
0x2d: {  	v54 =	vperm.xlane v3, v51;
	v55 =	vperm.xlane v4, v51;
	v26 =	vadd.s32 v0, v26;
	v20 =	vld.idx.msk [tilespmem:v20+s2+$0x0], $0xffff  }
0x2e: {  	v31 =	vperm.xlane v5, v51;
	v56 =	vperm.xlane v6, v51;
	v27 =	vadd.s32 v0, v27;
	v21 =	vld.idx.msk [tilespmem:v21+s2+$0x0], $0xffff  }
0x2f: {  	v59 =	vperm.xlane v7, v51;
	v32 =	vperm.xlane v8, v51;
	v19 =	vadd.s32 v0, v19;
	v22 =	vld.idx.msk [tilespmem:v22+s2+$0x0], $0xffff  }
0x30: {  	v34 =	vperm.xlane v9, v51;
	v37 =	vperm.xlane v3, v63;
	v23 =	vld.idx.msk [tilespmem:v23+s2+$0x0], $0xffff  }
0x31: {  	v39 =	vperm.xlane v4, v63;
	v29 =	vadd.s32 v0, v29;
	v50 =	vadd.s32 v0, v49;
	v24 =	vld.idx.msk [tilespmem:v24+s2+$0x0], $0xffff  }
0x32: {  	v41 =	vadd.s32 v0, v30;
	v48 =	vadd.s32 v0, v46;
	v53 =	vadd.s32 v0, v28;
	v26 =	vld.idx.msk [tilespmem:v26+s2+$0x0], $0xffff  }
0x33: {  	v28 =	vadd.s32 v0, v54;
	v58 =	vadd.s32 v0, v31;
	v42 =	vld.idx.msk [tilespmem:v27+s2+$0x0], $0xffff;
	v20 =	vmul.u16 v20, v25  }
0x34: {  	v31 =	vadd.s32 v0, v59;
	v61 =	vadd.s32 v0, v32;
	s21 =	sor.u32 s19, s25;
	v19 =	vld.idx.msk [tilespmem:v19+s2+$0x0], $0xffff;
	v22 =	vmul.u16 v22, v25  }
0x35: {  	v30 =	vperm.xlane v10, v51;
	v62 =	vadd.s32 v0, v34;
	s21 =	sshll.u32 s21, $0x4;
	v18 =	vadd.s16 v18, v20  }
0x36: {  	s21 =	sand.u32 $0x3FFFFFF0, s21;
	v57 =	vld.idx.msk [tilespmem:v50+s2+$0x0], $0xffff;
	v20 =	vmul.u16 v23, v25;
	v16 =	vadd.s16 v16, v22;
	v22 =	vadd.s32 v0, v43  }
0x37: {  	v40 =	vadd.s32 v0, v37;
	v51 =	vperm.xlane v10, v63;
	v33 =	vld [tilespmem:s21+$0x1000];
	v21 =	vmul.u16 v21, v25  }
0x38: {  	v26 =	vmul.u16 v26, v25;
	v23 =	vld.idx.msk [tilespmem:v41+s2+$0x0], $0xffff;
	v15 =	vadd.s16 v15, v20;
	v20 =	vmul.u16 v24, v25  }
0x39: {  	v19 =	vmul.u16 v19, v25;
	v17 =	vadd.s16 v17, v21;
	v21 =	vmul.u16 v42, v25;
	v25 =	vld.idx.msk [tilespmem:v58+s2+$0x0], $0xffff  }
0x3a: {  	v30 =	vadd.s32 v0, v30;
	v24 =	vadd.s32 v0, v44;
	v14 =	vadd.s16 v14, v20;
	v20 =	vld.idx.msk [tilespmem:v29+s2+$0x0], $0xffff  }
0x3b: {  	s29 =	sor.u32 $0x5, s20;
	v50 =	vperm.xlane v8, v63;
	v13 =	vadd.s16 v13, v26;
	v11 =	vadd.s16 v11, v19;
	v52 =	vld.idx.msk [tilespmem:v22+s2+$0x0], $0xffff  }
0x3c: {  	v26 =	vld.idx.msk [tilespmem:v48+s2+$0x0], $0xffff;
	v41 =	vperm.xlane v5, v63;
	v43 =	vadd.s32 v0, v39;
	v39 =	vmov s29  }
0x3d: {  	v48 =	vld.idx.msk [tilespmem:v40+s2+$0x0], $0xffff;
	v40 =	vperm.xlane v3, v39;
	v32 =	vperm.xlane v10, v39;
	v29 =	vadd.s32 v0, v47  }
0x3e: {  	v42 =	vld.idx.msk [tilespmem:v62+s2+$0x0], $0xffff;
	v35 =	vperm.xlane v9, v39;
	v12 =	vadd.s16 v12, v21;
	v47 =	vperm.xlane v7, v63  }
0x3f: {  	s28 =	sor.u32 $0x4, s20;
	v32 =	vadd.s32 v0, v32;
	v23 =	vmul.u16 v23, v45;
	v19 =	vmul.u16 v20, v45;
	v20 =	vld.idx.msk [tilespmem:v24+s2+$0x0], $0xffff  }
0x40: {  	v25 =	vmul.u16 v25, v33;
	v21 =	vmul.u16 v52, v45;
	v52 =	vmov s28  }
0x41: {  	v22 =	vld.idx.msk [tilespmem:v53+s2+$0x0], $0xffff;
	v24 =	vadd.s32 v0, v55;
	v18 =	vadd.s16 v19, v18;
	v53 =	vperm.xlane v3, v52  }
0x42: {  	s21 =	sor.u32 s19, s26;
	v19 =	vld.idx.msk [tilespmem:v29+s2+$0x0], $0xffff;
	v29 =	vadd.s32 v0, v56;
	v55 =	vperm.xlane v4, v52;
	v59 =	vperm.xlane v6, v52  }
0x43: {  	v60 =	vld.idx.msk [tilespmem:v28+s2+$0x0], $0xffff;
	s21 =	sshll.u32 s21, $0x4;
	v28 =	vperm.xlane v10, v52;
	v16 =	vadd.s16 v21, v16;
	v21 =	vmul.u16 v42, v33  }
0x44: {  	s21 =	sand.u32 $0x3FFFFFF0, s21;
	v17 =	vadd.s16 v23, v17;
	v42 =	vperm.xlane v4, v39;
	v20 =	vmul.u16 v20, v45  }
0x45: {  	v46 =	vld [tilespmem:s21+$0x1000];
	v16 =	vadd.s16 v25, v16;
	v25 =	vadd.s32 v0, v47;
	v56 =	vadd.s32 v0, v53  }
0x46: {  	v58 =	vadd.s32 v0, v55;
	v24 =	vld.idx.msk [tilespmem:v24+s2+$0x0], $0xffff;
	v15 =	vadd.s16 v20, v15;
	v20 =	vmul.u16 v26, v45  }
0x47: {  	v38 =	vld.idx.msk [tilespmem:v31+s2+$0x0], $0xffff;
	s21 =	sor.u32 s19, s28;
	v27 =	vadd.s32 v0, v59;
	v28 =	vadd.s32 v0, v28;
	v19 =	vmul.u16 v19, v45  }
0x48: {  	s21 =	sshll.u32 s21, $0x4;
	v47 =	vperm.xlane v8, v39;
	v36 =	vld.idx.msk [tilespmem:v29+s2+$0x0], $0xffff;
	v29 =	vadd.s32 v0, v41;
	v14 =	vadd.s16 v20, v14  }
0x49: {  	s21 =	sand.u32 $0x3FFFFFF0, s21;
	v26 =	vld.idx.msk [tilespmem:v43+s2+$0x0], $0xffff;
	v20 =	vmul.u16 v57, v45;
	v13 =	vadd.s16 v19, v13;
	v19 =	vmul.u16 v22, v45  }
0x4a: {  	v62 =	vld [tilespmem:s21+$0x1000];
	v43 =	vadd.s32 v0, v40;
	v45 =	vperm.xlane v6, v63;
	v22 =	vmul.u16 v48, v46  }
0x4b: {  	v44 =	vld.idx.msk [tilespmem:v30+s2+$0x0], $0xffff;
	v57 =	vperm.xlane v5, v52;
	v24 =	vmul.u16 v24, v33;
	v12 =	vadd.s16 v20, v12  }
0x4c: {  	v32 =	vld.idx.msk [tilespmem:v32+s2+$0x0], $0xffff;
	v11 =	vadd.s16 v19, v11;
	v19 =	vmul.u16 v60, v33;
	v60 =	vperm.xlane v7, v52  }
0x4d: {  	v20 =	vld.idx.msk [tilespmem:v61+s2+$0x0], $0xffff;
	v23 =	vadd.s32 v0, v45;
	v61 =	vperm.xlane v8, v52;
	v45 =	vperm.xlane v6, v39  }
0x4e: {  	v25 =	vld.idx.msk [tilespmem:v25+s2+$0x0], $0xffff;
	v17 =	vadd.s16 v24, v17;
	v12 =	vadd.s16 v21, v12;
	v26 =	vmul.u16 v26, v46  }
0x4f: {  	s30 =	sor.u32 $0x6, s20;
	v41 =	vld.idx.msk [tilespmem:v27+s2+$0x0], $0xffff;
	v21 =	vadd.s32 v0, v51;
	v18 =	vadd.s16 v19, v18;
	v19 =	vmul.u16 v36, v33  }
0x50: {  	v49 =	vld.idx.msk [tilespmem:v29+s2+$0x0], $0xffff;
	v29 =	vadd.s32 v0, v57;
	v24 =	vadd.s32 v0, v42;
	v51 =	vmov s30  }
0x51: {  	s31 =	sor.u32 $0x7, s20;
	v28 =	vld.idx.msk [tilespmem:v28+s2+$0x0], $0xffff;
	v30 =	vadd.s32 v0, v60;
	v15 =	vadd.s16 v19, v15;
	v19 =	vmul.u16 v38, v33  }
0x52: {  	v36 =	vld.idx.msk [tilespmem:v56+s2+$0x0], $0xffff;
	v56 =	vperm.xlane v6, v51;
	v60 =	vmov s31;
	v20 =	vmul.u16 v20, v33  }
0x53: {  	v48 =	vld.idx.msk [tilespmem:v43+s2+$0x0], $0xffff;
	v18 =	vadd.s16 v22, v18;
	v14 =	vadd.s16 v19, v14;
	v19 =	vmul.u16 v44, v33  }
0x54: {  	v17 =	vadd.s16 v26, v17;
	v22 =	vld.idx.msk [tilespmem:v58+s2+$0x0], $0xffff;
	v26 =	vadd.s32 v0, v45;
	v13 =	vadd.s16 v20, v13  }
0x55: {  	v23 =	vld.idx.msk [tilespmem:v23+s2+$0x0], $0xffff;
	v20 =	vperm.xlane v9, v63;
	v11 =	vadd.s16 v19, v11;
	v19 =	vadd.s32 v0, v50  }
0x56: {  	v37 =	vadd.s32 v0, v61;
	v25 =	vmul.u16 v25, v46;
	v61 =	vperm.xlane v3, v60;
	v21 =	vld.idx.msk [tilespmem:v21+s2+$0x0], $0xffff  }
0x57: {  	v40 =	vperm.xlane v7, v60;
	v42 =	vperm.xlane v9, v60;
	v29 =	vld.idx.msk [tilespmem:v29+s2+$0x0], $0xffff;
	v20 =	vadd.s32 v0, v20  }
0x58: {  	s21 =	sor.u32 s19, s29;
	v54 =	vmul.u16 v49, v46;
	v24 =	vld.idx.msk [tilespmem:v24+s2+$0x0], $0xffff;
	v63 =	vperm.xlane v9, v52;
	v50 =	vadd.s32 v0, v35  }
0x59: {  	s21 =	sshll.u32 s21, $0x4;
	v14 =	vadd.s16 v25, v14;
	v25 =	vmul.u16 v36, v62;
	v36 =	vperm.xlane v3, v51;
	v26 =	vld.idx.msk [tilespmem:v26+s2+$0x0], $0xffff  }
0x5a: {  	s21 =	sand.u32 $0x3FFFFFF0, s21;
	v52 =	vperm.xlane v4, v51;
	v16 =	vadd.s16 v54, v16;
	v38 =	vadd.s32 v0, v63;
	v19 =	vld.idx.msk [tilespmem:v19+s2+$0x0], $0xffff  }
0x5b: {  	s20 =	sor.u32 s19, s31;
	v54 =	vperm.xlane v5, v51;
	v18 =	vadd.s16 v25, v18;
	v25 =	vld [tilespmem:s21+$0x1000];
	v53 =	vadd.s32 v0, v36  }
0x5c: {  	s20 =	sshll.u32 s20, $0x4;
	v44 =	vperm.xlane v5, v39;
	v49 =	vadd.s32 v0, v47;
	v55 =	vadd.s32 v0, v52;
	v20 =	vld.idx.msk [tilespmem:v20+s2+$0x0], $0xffff  }
0x5d: {  	s20 =	sand.u32 $0x3FFFFFF0, s20;
	v47 =	vperm.xlane v5, v60;
	v35 =	vperm.xlane v10, v51;
	v36 =	vadd.s32 v0, v54;
	v34 =	vld.idx.msk [tilespmem:v50+s2+$0x0], $0xffff  }
0x5e: {  	v40 =	vadd.s32 v0, v40;
	v22 =	vmul.u16 v22, v62;
	v29 =	vmul.u16 v29, v62;
	v50 =	vld [tilespmem:s20+$0x1000]  }
0x5f: {  	v23 =	vmul.u16 v23, v46;
	v35 =	vadd.s32 v0, v35;
	v31 =	vld.idx.msk [tilespmem:v38+s2+$0x0], $0xffff;
	v19 =	vmul.u16 v19, v46  }
0x60: {  	v16 =	vadd.s16 v29, v16;
	v29 =	vadd.s32 v0, v56;
	v38 =	vperm.xlane v8, v51;
	v57 =	vld.idx.msk [tilespmem:v53+s2+$0x0], $0xffff  }
0x61: {  	v27 =	vld.idx.msk [tilespmem:v55+s2+$0x0], $0xffff;
	v20 =	vmul.u16 v20, v46;
	v13 =	vadd.s16 v19, v13;
	v19 =	vmul.u16 v21, v46  }
0x62: {  	v36 =	vld.idx.msk [tilespmem:v36+s2+$0x0], $0xffff;
	v58 =	vadd.s32 v0, v38;
	v46 =	vperm.xlane v7, v39;
	v21 =	vmul.u16 v41, v62  }
0x63: {  	v41 =	vperm.xlane v8, v60;
	v12 =	vadd.s16 v20, v12;
	v20 =	vld.idx.msk [tilespmem:v30+s2+$0x0], $0xffff;
	v30 =	vadd.s32 v0, v44  }
0x64: {  	v17 =	vadd.s16 v22, v17;
	v15 =	vadd.s16 v23, v15;
	v35 =	vld.idx.msk [tilespmem:v35+s2+$0x0], $0xffff;
	v33 =	vadd.s32 v0, v46  }
0x65: {  	v23 =	vmul.u16 v28, v62;
	v63 =	vld.idx.msk [tilespmem:v29+s2+$0x0], $0xffff;
	v44 =	vperm.xlane v4, v60;
	v52 =	vadd.s32 v0, v41  }
0x66: {  	v22 =	vmul.u16 v48, v25;
	v26 =	vmul.u16 v26, v25;
	v11 =	vadd.s16 v19, v11;
	v19 =	vld.idx.msk [tilespmem:v37+s2+$0x0], $0xffff  }
0x67: {  	v53 =	vadd.s32 v0, v42;
	v48 =	vld.idx.msk [tilespmem:v58+s2+$0x0], $0xffff;
	v37 =	vperm.xlane v7, v51;
	v29 =	vadd.s32 v0, v44  }
0x68: {  	v18 =	vadd.s16 v22, v18;
	v38 =	vperm.xlane v10, v60;
	v39 =	vperm.xlane v9, v51;
	v30 =	vld.idx.msk [tilespmem:v30+s2+$0x0], $0xffff  }
0x69: {  	v15 =	vadd.s16 v21, v15;
	v37 =	vadd.s32 v0, v37;
	v20 =	vmul.u16 v20, v62;
	v21 =	vld.idx.msk [tilespmem:v33+s2+$0x0], $0xffff  }
0x6a: {  	s21 =	sor.u32 s19, s30;
	v34 =	vmul.u16 v34, v25;
	v31 =	vmul.u16 v31, v62;
	v59 =	vadd.s32 v0, v39;
	v58 =	vld.idx.msk [tilespmem:v52+s2+$0x0], $0xffff  }
0x6b: {  	s21 =	sshll.u32 s21, $0x4;
	v38 =	vadd.s32 v0, v38;
	v19 =	vmul.u16 v19, v62;
	v14 =	vadd.s16 v20, v14;
	v20 =	vld.idx.msk [tilespmem:v49+s2+$0x0], $0xffff  }
0x6c: {  	s21 =	sand.u32 $0x3FFFFFF0, s21;
	v12 =	vadd.s16 v31, v12;
	v46 =	vadd.s32 v0, v61;
	v39 =	vadd.s32 v0, v47;
	v29 =	vld.idx.msk [tilespmem:v29+s2+$0x0], $0xffff  }
0x6d: {  	v11 =	vadd.s16 v23, v11;
	v49 =	vperm.xlane v6, v60;
	v13 =	vadd.s16 v19, v13;
	v19 =	vld [tilespmem:s21+$0x1000]  }
0x6e: {  	v15 =	vadd.s16 v26, v15;
	v12 =	vadd.s16 v34, v12;
	v62 =	vmul.u16 v24, v25;
	v45 =	vld.idx.msk [tilespmem:v37+s2+$0x0], $0xffff  }
0x6f: {  	v28 =	vld.idx.msk [tilespmem:v59+s2+$0x0], $0xffff;
	v33 =	vadd.s32 v0, v49;
	v30 =	vmul.u16 v30, v25;
	v21 =	vmul.u16 v21, v25  }
0x70: {  	v59 =	vld.idx.msk [tilespmem:v53+s2+$0x0], $0xffff;
	v17 =	vadd.s16 v62, v17;
	v62 =	vmul.u16 v58, v50;
	v20 =	vmul.u16 v20, v25  }
0x71: {  	v51 =	vld.idx.msk [tilespmem:v46+s2+$0x0], $0xffff;
	v16 =	vadd.s16 v30, v16;
	v25 =	vmul.u16 v32, v25;
	v61 =	vmul.u16 v29, v50  }
0x72: {  	v54 =	vld.idx.msk [tilespmem:v39+s2+$0x0], $0xffff;
	v56 =	vmul.u16 v27, v19;
	v13 =	vadd.s16 v20, v13;
	v20 =	vmul.u16 v57, v19  }
0x73: {  	v60 =	vld.idx.msk [tilespmem:v38+s2+$0x0], $0xffff;
	v14 =	vadd.s16 v21, v14;
	v24 =	vmul.u16 v63, v19;
	v22 =	vmul.u16 v45, v19  }
0x74: {  	v23 =	vmul.u16 v48, v19;
	v55 =	vld.idx.msk [tilespmem:v33+s2+$0x0], $0xffff;
	v18 =	vadd.s16 v20, v18;
	v20 =	vmul.u16 v36, v19  }
0x75: {  	v63 =	vmul.u16 v59, v50;
	v11 =	vadd.s16 v25, v11;
	v57 =	vld.idx.msk [tilespmem:v40+s2+$0x0], $0xffff;
	v17 =	vadd.s16 v56, v17  }
0x76: {  	v15 =	vadd.s16 v24, v15;
	v16 =	vadd.s16 v20, v16;
	v20 =	vmul.u16 v28, v19  }
0x77: {  	p1 =	por p0, p0;
	v14 =	vadd.s16 v22, v14;
	v13 =	vadd.s16 v23, v13;
	v19 =	vmul.u16 v35, v19  }
.Ltmp0:
0x78: {  	v24 =	vmul.u16 v60, v50;
	v12 =	vadd.s16 v20, v12;
	v20 =	vmul.u16 v51, v50;
	(pc) =	sbr.rel @p1 .LBB2_4-.Ltmp0, $4  }
0x79: {  	v17 =	vadd.s16 v61, v17;
	v21 =	vmul.u16 v55, v50;
	v11 =	vadd.s16 v19, v11  }
0x7a: {  	v19 =	vmul.u16 v54, v50;
	v18 =	vadd.s16 v20, v18;
	v20 =	vmul.u16 v57, v50  }
0x7b: {  	v13 =	vadd.s16 v62, v13;
	v15 =	vadd.s16 v21, v15;
	v12 =	vadd.s16 v63, v12  }
0x7c: {  	p0 =	por $0x0, $0x0;
	s20 =	simm.s32 $0x8;
	v11 =	vadd.s16 v24, v11;
	v16 =	vadd.s16 v19, v16;
	v14 =	vadd.s16 v20, v14  }
0x7d: {  	s18 =	sadd.s32 $0x1, s18  }
0x7e: {  	p0 =	sne.s32 s18, $0x31  }
.Ltmp1:
0x7f: {  	_ = 	snop;
	(pc) =	sbr.rel @p0 .LBB2_3-.Ltmp1, $1  }
0x80: {  	_ =	sdelay $0x3  }
0x81: {  	v3 =	vshll.u32 v18, $0x10  }
0x82: {  	vm14 =	vlt.s32 v18, $0x10000;
	vm1 =	vlt.s32 v17, $0x10000;
	v7 =	vshll.u32 v16, $0x10  }
0x83: {  	vm5 =	vlt.s32 v16, $0x10000;
	v54 =	vshll.u32 v15, $0x10;
	v57 =	vshll.u32 v14, $0x10  }
0x84: {  	vm7 =	vlt.s32 v15, $0x10000;
	vm9 =	vlt.s32 v14, $0x10000;
	v10 =	vshll.u32 v13, $0x10  }
0x85: {  	vm11 =	vlt.s32 v13, $0x10000;
	v59 =	vshll.u32 v12, $0x10;
	v60 =	vshll.u32 v11, $0x10  }
0x86: {  	vm13 =	vlt.s32 v12, $0x10000;
	v3 =	vshra.s32 v3, $0x10;
	v5 =	vsel vm14, $0xFFFF0000, v2  }
0x87: {  	v6 =	vsel vm1, $0xFFFF0000, v2;
	v53 =	vshra.s32 v7, $0x10;
	v56 =	vsel vm5, $0xFFFF0000, v2  }
0x88: {  	v8 =	vsel vm7, $0xFFFF0000, v2;
	v9 =	vsel vm9, $0xFFFF0000, v2;
	v62 =	vsel vm13, $0xFFFF0000, v2  }
0x89: {  	vm0 =	vgt.s32 v3, $0x0;
	v3 =	vshll.u32 v17, $0x10;
	vm4 =	vgt.s32 v53, $0x0  }
0x8a: {  	v4 =	vsel vm0, $0x1, v1;
	v3 =	vshra.s32 v3, $0x10;
	v55 =	vsel vm4, $0x1, v1  }
0x8b: {  	s18 =	sshll.u32 s16, $0x8;
	vm15 =	vgt.s32 v3, $0x0;
	v4 =	vor.u32 v5, v4;
	v5 =	vshra.s32 v54, $0x10  }
0x8c: {  	s18 =	sand.u32 $0x3FFFFF00, s18;
	v3 =	vsel vm15, $0x1, v1;
	vm6 =	vgt.s32 v5, $0x0;
	v5 =	vshra.s32 v57, $0x10  }
0x8d: {  	[tilespmem:s18+$0x7200] =	vst v4;
	v4 =	vshra.s32 v59, $0x10;
	vm15 =	vlt.s32 v11, $0x10000;
	v3 =	vor.u32 v6, v3  }
0x8e: {  	v6 =	vor.u32 v56, v55;
	v58 =	vsel vm6, $0x1, v1;
	vm8 =	vgt.s32 v5, $0x0  }
0x8f: {  	vm12 =	vgt.s32 v4, $0x0;
	v7 =	vor.u32 v8, v58;
	v8 =	vshra.s32 v10, $0x10;
	[tilespmem:s18+$0x7210] =	vst v3  }
0x90: {  	v4 =	vshra.s32 v60, $0x10;
	v5 =	vsel vm8, $0x1, v1;
	[tilespmem:s18+$0x7220] =	vst v6;
	vm10 =	vgt.s32 v8, $0x0  }
0x91: {  	v5 =	vor.u32 v9, v5;
	v8 =	vsel vm11, $0xFFFF0000, v2;
	[tilespmem:s18+$0x7230] =	vst v7;
	v3 =	vsel vm10, $0x1, v1  }
0x92: {  	v61 =	vsel vm12, $0x1, v1;
	vm14 =	vgt.s32 v4, $0x0;
	[tilespmem:s18+$0x7240] =	vst v5;
	v3 =	vor.u32 v8, v3  }
0x93: {  	v63 =	vsel vm15, $0xFFFF0000, v2;
	v4 =	vsel vm14, $0x1, v1;
	[tilespmem:s18+$0x7250] =	vst v3;
	v3 =	vor.u32 v62, v61  }
0x94: {  	p0 =	seq.s32 s16, $0x7;
	[tilespmem:s18+$0x7260] =	vst v3;
	v3 =	vor.u32 v63, v4  }
0x95: {  	[tilespmem:s18+$0x7270] =	vst v3;
	s18 =	smul.u32 @!p0 $0x3100, s16;
	_ =	sdelay $0x1  }
0x96: {  	_ =	swait.ge [sflag:s13], $0x1880;
	s18 =	sshrl.u32 @!p0 s18, $0x3  }
0x97: {  	s19 =	simm.s32 @!p0 $0x0;
	[sflag:s13] =	ssyncset.done $0x0;
	s18 =	sadd.s32 @!p0 s3, s18  }
0x98: {  	v12 =	vimm.s32 $0x0;
	v13 =	vimm.s32 $0x0;
	s20 =	simm.s32 @!p0 $0x4100;
	[sflag:s13] =	ssyncadd.s32 $0xFFFFE780;
	s18 =	sadd.s32 @!p0 $0x620, s18  }
0x99: {  	v14 =	vimm.s32 $0x0;
	v15 =	vimm.s32 $0x0;
	v16 =	vimm.s32 $0x0;
	[tilespmem:s20], [sflag:$0x1] =	stream.linear.gather @!p0 [hbm4b:s18+s19], $0x1880, $0x38;
	[tilespmem:$0x7A00] =	vst v63  }
0x9a: {  	v18 =	vimm.s32 $0x0;
	v17 =	vimm.s32 $0x0;
	v11 =	vimm.s32 $0x0;
	s18 =	simm.s32 $0x0  }
.LBB2_7:
0x9b: {  	s19 =	sshll.u32 s18, $0x4  }
0x9c: {  	v3 =	vld [tilespmem:s19+$0x5980]  }
0x9d: {  	v4 =	vld [tilespmem:s19+$0x5C90]  }
0x9e: {  	v5 =	vld [tilespmem:s19+$0x5FA0]  }
0x9f: {  	v6 =	vld [tilespmem:s19+$0x62B0]  }
0xa0: {  	v7 =	vld [tilespmem:s19+$0x65C0]  }
0xa1: {  	v8 =	vld [tilespmem:s19+$0x68D0]  }
0xa2: {  	v9 =	vld [tilespmem:s19+$0x6BE0]  }
0xa3: {  	p0 =	por $0x1, $0x1;
	s20 =	simm.s32 $0x0;
	v10 =	vld [tilespmem:s19+$0x6EF0]  }
.LBB2_8:
0xa4: {  	v19 =	vmov s20  }
0xa5: {  	v20 =	vperm.xlane v3, v19;
	v21 =	vperm.xlane v4, v19  }
0xa6: {  	v22 =	vperm.xlane v5, v19;
	v23 =	vperm.xlane v6, v19  }
0xa7: {  	s21 =	sor.u32 s19, s20;
	s24 =	sor.u32 $0x1, s20;
	v24 =	vperm.xlane v7, v19;
	v26 =	vperm.xlane v8, v19  }
0xa8: {  	s25 =	sor.u32 $0x2, s20;
	s26 =	sor.u32 $0x3, s20;
	s21 =	sshll.u32 s21, $0x4;
	v27 =	vperm.xlane v9, v19;
	v19 =	vperm.xlane v10, v19;
	v28 =	vmov s24  }
0xa9: {  	v51 =	vmov s25;
	v63 =	vmov s26;
	s21 =	sand.u32 $0x3FFFFFF0, s21;
	v20 =	vadd.s32 v0, v20  }
0xaa: {  	v29 =	vperm.xlane v3, v28;
	v30 =	vperm.xlane v4, v28;
	v21 =	vadd.s32 v0, v21;
	v25 =	vld [tilespmem:s21+$0x1000];
	s21 =	sor.u32 s19, s24  }
0xab: {  	v43 =	vperm.xlane v5, v28;
	v44 =	vperm.xlane v6, v28;
	v22 =	vadd.s32 v0, v22;
	s21 =	sshll.u32 s21, $0x4  }
0xac: {  	v46 =	vperm.xlane v7, v28;
	v47 =	vperm.xlane v8, v28;
	v23 =	vadd.s32 v0, v23;
	s21 =	sand.u32 $0x3FFFFFF0, s21  }
0xad: {  	v49 =	vperm.xlane v9, v28;
	v28 =	vperm.xlane v10, v28;
	v24 =	vadd.s32 v0, v24;
	v45 =	vld [tilespmem:s21+$0x1000]  }
0xae: {  	v54 =	vperm.xlane v3, v51;
	v55 =	vperm.xlane v4, v51;
	v26 =	vadd.s32 v0, v26;
	v20 =	vld.idx.msk [tilespmem:v20+s2+$0x0], $0xffff  }
0xaf: {  	v31 =	vperm.xlane v5, v51;
	v56 =	vperm.xlane v6, v51;
	v27 =	vadd.s32 v0, v27;
	v21 =	vld.idx.msk [tilespmem:v21+s2+$0x0], $0xffff  }
0xb0: {  	v59 =	vperm.xlane v7, v51;
	v32 =	vperm.xlane v8, v51;
	v19 =	vadd.s32 v0, v19;
	v22 =	vld.idx.msk [tilespmem:v22+s2+$0x0], $0xffff  }
0xb1: {  	v34 =	vperm.xlane v9, v51;
	v37 =	vperm.xlane v3, v63;
	v23 =	vld.idx.msk [tilespmem:v23+s2+$0x0], $0xffff  }
0xb2: {  	v39 =	vperm.xlane v4, v63;
	v29 =	vadd.s32 v0, v29;
	v50 =	vadd.s32 v0, v49;
	v24 =	vld.idx.msk [tilespmem:v24+s2+$0x0], $0xffff  }
0xb3: {  	v41 =	vadd.s32 v0, v30;
	v48 =	vadd.s32 v0, v46;
	v53 =	vadd.s32 v0, v28;
	v26 =	vld.idx.msk [tilespmem:v26+s2+$0x0], $0xffff  }
0xb4: {  	v28 =	vadd.s32 v0, v54;
	v58 =	vadd.s32 v0, v31;
	v42 =	vld.idx.msk [tilespmem:v27+s2+$0x0], $0xffff;
	v20 =	vmul.u16 v20, v25  }
0xb5: {  	v31 =	vadd.s32 v0, v59;
	v61 =	vadd.s32 v0, v32;
	s21 =	sor.u32 s19, s25;
	v19 =	vld.idx.msk [tilespmem:v19+s2+$0x0], $0xffff;
	v22 =	vmul.u16 v22, v25  }
0xb6: {  	v30 =	vperm.xlane v10, v51;
	v62 =	vadd.s32 v0, v34;
	s21 =	sshll.u32 s21, $0x4;
	v18 =	vadd.s16 v18, v20  }
0xb7: {  	s21 =	sand.u32 $0x3FFFFFF0, s21;
	v57 =	vld.idx.msk [tilespmem:v50+s2+$0x0], $0xffff;
	v20 =	vmul.u16 v23, v25;
	v16 =	vadd.s16 v16, v22;
	v22 =	vadd.s32 v0, v43  }
0xb8: {  	v40 =	vadd.s32 v0, v37;
	v51 =	vperm.xlane v10, v63;
	v33 =	vld [tilespmem:s21+$0x1000];
	v21 =	vmul.u16 v21, v25  }
0xb9: {  	v26 =	vmul.u16 v26, v25;
	v23 =	vld.idx.msk [tilespmem:v41+s2+$0x0], $0xffff;
	v15 =	vadd.s16 v15, v20;
	v20 =	vmul.u16 v24, v25  }
0xba: {  	v19 =	vmul.u16 v19, v25;
	v17 =	vadd.s16 v17, v21;
	v21 =	vmul.u16 v42, v25;
	v25 =	vld.idx.msk [tilespmem:v58+s2+$0x0], $0xffff  }
0xbb: {  	v30 =	vadd.s32 v0, v30;
	v24 =	vadd.s32 v0, v44;
	v14 =	vadd.s16 v14, v20;
	v20 =	vld.idx.msk [tilespmem:v29+s2+$0x0], $0xffff  }
0xbc: {  	s29 =	sor.u32 $0x5, s20;
	v50 =	vperm.xlane v8, v63;
	v13 =	vadd.s16 v13, v26;
	v11 =	vadd.s16 v11, v19;
	v52 =	vld.idx.msk [tilespmem:v22+s2+$0x0], $0xffff  }
0xbd: {  	v26 =	vld.idx.msk [tilespmem:v48+s2+$0x0], $0xffff;
	v41 =	vperm.xlane v5, v63;
	v43 =	vadd.s32 v0, v39;
	v39 =	vmov s29  }
0xbe: {  	v48 =	vld.idx.msk [tilespmem:v40+s2+$0x0], $0xffff;
	v40 =	vperm.xlane v3, v39;
	v32 =	vperm.xlane v10, v39;
	v29 =	vadd.s32 v0, v47  }
0xbf: {  	v42 =	vld.idx.msk [tilespmem:v62+s2+$0x0], $0xffff;
	v35 =	vperm.xlane v9, v39;
	v12 =	vadd.s16 v12, v21;
	v47 =	vperm.xlane v7, v63  }
0xc0: {  	s28 =	sor.u32 $0x4, s20;
	v32 =	vadd.s32 v0, v32;
	v23 =	vmul.u16 v23, v45;
	v19 =	vmul.u16 v20, v45;
	v20 =	vld.idx.msk [tilespmem:v24+s2+$0x0], $0xffff  }
0xc1: {  	v25 =	vmul.u16 v25, v33;
	v21 =	vmul.u16 v52, v45;
	v52 =	vmov s28  }
0xc2: {  	v22 =	vld.idx.msk [tilespmem:v53+s2+$0x0], $0xffff;
	v24 =	vadd.s32 v0, v55;
	v18 =	vadd.s16 v19, v18;
	v53 =	vperm.xlane v3, v52  }
0xc3: {  	s21 =	sor.u32 s19, s26;
	v19 =	vld.idx.msk [tilespmem:v29+s2+$0x0], $0xffff;
	v29 =	vadd.s32 v0, v56;
	v55 =	vperm.xlane v4, v52;
	v59 =	vperm.xlane v6, v52  }
0xc4: {  	v60 =	vld.idx.msk [tilespmem:v28+s2+$0x0], $0xffff;
	s21 =	sshll.u32 s21, $0x4;
	v28 =	vperm.xlane v10, v52;
	v16 =	vadd.s16 v21, v16;
	v21 =	vmul.u16 v42, v33  }
0xc5: {  	s21 =	sand.u32 $0x3FFFFFF0, s21;
	v17 =	vadd.s16 v23, v17;
	v42 =	vperm.xlane v4, v39;
	v20 =	vmul.u16 v20, v45  }
0xc6: {  	v46 =	vld [tilespmem:s21+$0x1000];
	v16 =	vadd.s16 v25, v16;
	v25 =	vadd.s32 v0, v47;
	v56 =	vadd.s32 v0, v53  }
0xc7: {  	v58 =	vadd.s32 v0, v55;
	v24 =	vld.idx.msk [tilespmem:v24+s2+$0x0], $0xffff;
	v15 =	vadd.s16 v20, v15;
	v20 =	vmul.u16 v26, v45  }
0xc8: {  	v38 =	vld.idx.msk [tilespmem:v31+s2+$0x0], $0xffff;
	s21 =	sor.u32 s19, s28;
	v27 =	vadd.s32 v0, v59;
	v28 =	vadd.s32 v0, v28;
	v19 =	vmul.u16 v19, v45  }
0xc9: {  	s21 =	sshll.u32 s21, $0x4;
	v47 =	vperm.xlane v8, v39;
	v36 =	vld.idx.msk [tilespmem:v29+s2+$0x0], $0xffff;
	v29 =	vadd.s32 v0, v41;
	v14 =	vadd.s16 v20, v14  }
0xca: {  	s21 =	sand.u32 $0x3FFFFFF0, s21;
	v26 =	vld.idx.msk [tilespmem:v43+s2+$0x0], $0xffff;
	v20 =	vmul.u16 v57, v45;
	v13 =	vadd.s16 v19, v13;
	v19 =	vmul.u16 v22, v45  }
0xcb: {  	v62 =	vld [tilespmem:s21+$0x1000];
	v43 =	vadd.s32 v0, v40;
	v45 =	vperm.xlane v6, v63;
	v22 =	vmul.u16 v48, v46  }
0xcc: {  	v44 =	vld.idx.msk [tilespmem:v30+s2+$0x0], $0xffff;
	v57 =	vperm.xlane v5, v52;
	v24 =	vmul.u16 v24, v33;
	v12 =	vadd.s16 v20, v12  }
0xcd: {  	v32 =	vld.idx.msk [tilespmem:v32+s2+$0x0], $0xffff;
	v11 =	vadd.s16 v19, v11;
	v19 =	vmul.u16 v60, v33;
	v60 =	vperm.xlane v7, v52  }
0xce: {  	v20 =	vld.idx.msk [tilespmem:v61+s2+$0x0], $0xffff;
	v23 =	vadd.s32 v0, v45;
	v61 =	vperm.xlane v8, v52;
	v45 =	vperm.xlane v6, v39  }
0xcf: {  	v25 =	vld.idx.msk [tilespmem:v25+s2+$0x0], $0xffff;
	v17 =	vadd.s16 v24, v17;
	v12 =	vadd.s16 v21, v12;
	v26 =	vmul.u16 v26, v46  }
0xd0: {  	s30 =	sor.u32 $0x6, s20;
	v41 =	vld.idx.msk [tilespmem:v27+s2+$0x0], $0xffff;
	v21 =	vadd.s32 v0, v51;
	v18 =	vadd.s16 v19, v18;
	v19 =	vmul.u16 v36, v33  }
0xd1: {  	v49 =	vld.idx.msk [tilespmem:v29+s2+$0x0], $0xffff;
	v29 =	vadd.s32 v0, v57;
	v24 =	vadd.s32 v0, v42;
	v51 =	vmov s30  }
0xd2: {  	s31 =	sor.u32 $0x7, s20;
	v28 =	vld.idx.msk [tilespmem:v28+s2+$0x0], $0xffff;
	v30 =	vadd.s32 v0, v60;
	v15 =	vadd.s16 v19, v15;
	v19 =	vmul.u16 v38, v33  }
0xd3: {  	v36 =	vld.idx.msk [tilespmem:v56+s2+$0x0], $0xffff;
	v56 =	vperm.xlane v6, v51;
	v60 =	vmov s31;
	v20 =	vmul.u16 v20, v33  }
0xd4: {  	v48 =	vld.idx.msk [tilespmem:v43+s2+$0x0], $0xffff;
	v18 =	vadd.s16 v22, v18;
	v14 =	vadd.s16 v19, v14;
	v19 =	vmul.u16 v44, v33  }
0xd5: {  	v17 =	vadd.s16 v26, v17;
	v22 =	vld.idx.msk [tilespmem:v58+s2+$0x0], $0xffff;
	v26 =	vadd.s32 v0, v45;
	v13 =	vadd.s16 v20, v13  }
0xd6: {  	v23 =	vld.idx.msk [tilespmem:v23+s2+$0x0], $0xffff;
	v20 =	vperm.xlane v9, v63;
	v11 =	vadd.s16 v19, v11;
	v19 =	vadd.s32 v0, v50  }
0xd7: {  	v37 =	vadd.s32 v0, v61;
	v25 =	vmul.u16 v25, v46;
	v61 =	vperm.xlane v3, v60;
	v21 =	vld.idx.msk [tilespmem:v21+s2+$0x0], $0xffff  }
0xd8: {  	v40 =	vperm.xlane v7, v60;
	v42 =	vperm.xlane v9, v60;
	v29 =	vld.idx.msk [tilespmem:v29+s2+$0x0], $0xffff;
	v20 =	vadd.s32 v0, v20  }
0xd9: {  	s21 =	sor.u32 s19, s29;
	v54 =	vmul.u16 v49, v46;
	v24 =	vld.idx.msk [tilespmem:v24+s2+$0x0], $0xffff;
	v63 =	vperm.xlane v9, v52;
	v50 =	vadd.s32 v0, v35  }
0xda: {  	s21 =	sshll.u32 s21, $0x4;
	v14 =	vadd.s16 v25, v14;
	v25 =	vmul.u16 v36, v62;
	v36 =	vperm.xlane v3, v51;
	v26 =	vld.idx.msk [tilespmem:v26+s2+$0x0], $0xffff  }
0xdb: {  	s21 =	sand.u32 $0x3FFFFFF0, s21;
	v52 =	vperm.xlane v4, v51;
	v16 =	vadd.s16 v54, v16;
	v38 =	vadd.s32 v0, v63;
	v19 =	vld.idx.msk [tilespmem:v19+s2+$0x0], $0xffff  }
0xdc: {  	s20 =	sor.u32 s19, s31;
	v54 =	vperm.xlane v5, v51;
	v18 =	vadd.s16 v25, v18;
	v25 =	vld [tilespmem:s21+$0x1000];
	v53 =	vadd.s32 v0, v36  }
0xdd: {  	s20 =	sshll.u32 s20, $0x4;
	v44 =	vperm.xlane v5, v39;
	v49 =	vadd.s32 v0, v47;
	v55 =	vadd.s32 v0, v52;
	v20 =	vld.idx.msk [tilespmem:v20+s2+$0x0], $0xffff  }
0xde: {  	s20 =	sand.u32 $0x3FFFFFF0, s20;
	v47 =	vperm.xlane v5, v60;
	v35 =	vperm.xlane v10, v51;
	v36 =	vadd.s32 v0, v54;
	v34 =	vld.idx.msk [tilespmem:v50+s2+$0x0], $0xffff  }
0xdf: {  	v40 =	vadd.s32 v0, v40;
	v22 =	vmul.u16 v22, v62;
	v29 =	vmul.u16 v29, v62;
	v50 =	vld [tilespmem:s20+$0x1000]  }
0xe0: {  	v23 =	vmul.u16 v23, v46;
	v35 =	vadd.s32 v0, v35;
	v31 =	vld.idx.msk [tilespmem:v38+s2+$0x0], $0xffff;
	v19 =	vmul.u16 v19, v46  }
0xe1: {  	v16 =	vadd.s16 v29, v16;
	v29 =	vadd.s32 v0, v56;
	v38 =	vperm.xlane v8, v51;
	v57 =	vld.idx.msk [tilespmem:v53+s2+$0x0], $0xffff  }
0xe2: {  	v27 =	vld.idx.msk [tilespmem:v55+s2+$0x0], $0xffff;
	v20 =	vmul.u16 v20, v46;
	v13 =	vadd.s16 v19, v13;
	v19 =	vmul.u16 v21, v46  }
0xe3: {  	v36 =	vld.idx.msk [tilespmem:v36+s2+$0x0], $0xffff;
	v58 =	vadd.s32 v0, v38;
	v46 =	vperm.xlane v7, v39;
	v21 =	vmul.u16 v41, v62  }
0xe4: {  	v41 =	vperm.xlane v8, v60;
	v12 =	vadd.s16 v20, v12;
	v20 =	vld.idx.msk [tilespmem:v30+s2+$0x0], $0xffff;
	v30 =	vadd.s32 v0, v44  }
0xe5: {  	v17 =	vadd.s16 v22, v17;
	v15 =	vadd.s16 v23, v15;
	v35 =	vld.idx.msk [tilespmem:v35+s2+$0x0], $0xffff;
	v33 =	vadd.s32 v0, v46  }
0xe6: {  	v23 =	vmul.u16 v28, v62;
	v63 =	vld.idx.msk [tilespmem:v29+s2+$0x0], $0xffff;
	v44 =	vperm.xlane v4, v60;
	v52 =	vadd.s32 v0, v41  }
0xe7: {  	v22 =	vmul.u16 v48, v25;
	v26 =	vmul.u16 v26, v25;
	v11 =	vadd.s16 v19, v11;
	v19 =	vld.idx.msk [tilespmem:v37+s2+$0x0], $0xffff  }
0xe8: {  	v53 =	vadd.s32 v0, v42;
	v48 =	vld.idx.msk [tilespmem:v58+s2+$0x0], $0xffff;
	v37 =	vperm.xlane v7, v51;
	v29 =	vadd.s32 v0, v44  }
0xe9: {  	v18 =	vadd.s16 v22, v18;
	v38 =	vperm.xlane v10, v60;
	v39 =	vperm.xlane v9, v51;
	v30 =	vld.idx.msk [tilespmem:v30+s2+$0x0], $0xffff  }
0xea: {  	v15 =	vadd.s16 v21, v15;
	v37 =	vadd.s32 v0, v37;
	v20 =	vmul.u16 v20, v62;
	v21 =	vld.idx.msk [tilespmem:v33+s2+$0x0], $0xffff  }
0xeb: {  	s21 =	sor.u32 s19, s30;
	v34 =	vmul.u16 v34, v25;
	v31 =	vmul.u16 v31, v62;
	v59 =	vadd.s32 v0, v39;
	v58 =	vld.idx.msk [tilespmem:v52+s2+$0x0], $0xffff  }
0xec: {  	s21 =	sshll.u32 s21, $0x4;
	v38 =	vadd.s32 v0, v38;
	v19 =	vmul.u16 v19, v62;
	v14 =	vadd.s16 v20, v14;
	v20 =	vld.idx.msk [tilespmem:v49+s2+$0x0], $0xffff  }
0xed: {  	s21 =	sand.u32 $0x3FFFFFF0, s21;
	v12 =	vadd.s16 v31, v12;
	v46 =	vadd.s32 v0, v61;
	v39 =	vadd.s32 v0, v47;
	v29 =	vld.idx.msk [tilespmem:v29+s2+$0x0], $0xffff  }
0xee: {  	v11 =	vadd.s16 v23, v11;
	v49 =	vperm.xlane v6, v60;
	v13 =	vadd.s16 v19, v13;
	v19 =	vld [tilespmem:s21+$0x1000]  }
0xef: {  	v15 =	vadd.s16 v26, v15;
	v12 =	vadd.s16 v34, v12;
	v62 =	vmul.u16 v24, v25;
	v45 =	vld.idx.msk [tilespmem:v37+s2+$0x0], $0xffff  }
0xf0: {  	v28 =	vld.idx.msk [tilespmem:v59+s2+$0x0], $0xffff;
	v33 =	vadd.s32 v0, v49;
	v30 =	vmul.u16 v30, v25;
	v21 =	vmul.u16 v21, v25  }
0xf1: {  	v59 =	vld.idx.msk [tilespmem:v53+s2+$0x0], $0xffff;
	v17 =	vadd.s16 v62, v17;
	v62 =	vmul.u16 v58, v50;
	v20 =	vmul.u16 v20, v25  }
0xf2: {  	v51 =	vld.idx.msk [tilespmem:v46+s2+$0x0], $0xffff;
	v16 =	vadd.s16 v30, v16;
	v25 =	vmul.u16 v32, v25;
	v61 =	vmul.u16 v29, v50  }
0xf3: {  	v54 =	vld.idx.msk [tilespmem:v39+s2+$0x0], $0xffff;
	v56 =	vmul.u16 v27, v19;
	v13 =	vadd.s16 v20, v13;
	v20 =	vmul.u16 v57, v19  }
0xf4: {  	v60 =	vld.idx.msk [tilespmem:v38+s2+$0x0], $0xffff;
	v14 =	vadd.s16 v21, v14;
	v24 =	vmul.u16 v63, v19;
	v22 =	vmul.u16 v45, v19  }
0xf5: {  	v23 =	vmul.u16 v48, v19;
	v55 =	vld.idx.msk [tilespmem:v33+s2+$0x0], $0xffff;
	v18 =	vadd.s16 v20, v18;
	v20 =	vmul.u16 v36, v19  }
0xf6: {  	v63 =	vmul.u16 v59, v50;
	v11 =	vadd.s16 v25, v11;
	v57 =	vld.idx.msk [tilespmem:v40+s2+$0x0], $0xffff;
	v17 =	vadd.s16 v56, v17  }
0xf7: {  	v15 =	vadd.s16 v24, v15;
	v16 =	vadd.s16 v20, v16;
	v20 =	vmul.u16 v28, v19  }
0xf8: {  	p1 =	por p0, p0;
	v14 =	vadd.s16 v22, v14;
	v13 =	vadd.s16 v23, v13;
	v19 =	vmul.u16 v35, v19  }
.Ltmp2:
0xf9: {  	v24 =	vmul.u16 v60, v50;
	v12 =	vadd.s16 v20, v12;
	v20 =	vmul.u16 v51, v50;
	(pc) =	sbr.rel @p1 .LBB2_8-.Ltmp2, $4  }
0xfa: {  	v17 =	vadd.s16 v61, v17;
	v21 =	vmul.u16 v55, v50;
	v11 =	vadd.s16 v19, v11  }
0xfb: {  	v19 =	vmul.u16 v54, v50;
	v18 =	vadd.s16 v20, v18;
	v20 =	vmul.u16 v57, v50  }
0xfc: {  	v13 =	vadd.s16 v62, v13;
	v15 =	vadd.s16 v21, v15;
	v12 =	vadd.s16 v63, v12  }
0xfd: {  	p0 =	por $0x0, $0x0;
	s20 =	simm.s32 $0x8;
	v11 =	vadd.s16 v24, v11;
	v16 =	vadd.s16 v19, v16;
	v14 =	vadd.s16 v20, v14  }
0xfe: {  	s18 =	sadd.s32 $0x1, s18  }
0xff: {  	p0 =	sne.s32 s18, $0x31  }
.Ltmp3:
0x100: {  	_ = 	snop;
	(pc) =	sbr.rel @p0 .LBB2_7-.Ltmp3, $1  }
0x101: {  	_ =	sdelay $0x3  }
0x102: {  	v3 =	vshll.u32 v18, $0x10  }
0x103: {  	vm14 =	vlt.s32 v18, $0x10000;
	vm1 =	vlt.s32 v17, $0x10000;
	v7 =	vshll.u32 v16, $0x10  }
0x104: {  	vm5 =	vlt.s32 v16, $0x10000;
	v52 =	vshll.u32 v15, $0x10;
	v55 =	vshll.u32 v14, $0x10  }
0x105: {  	vm7 =	vlt.s32 v15, $0x10000;
	vm9 =	vlt.s32 v14, $0x10000;
	v10 =	vshll.u32 v13, $0x10  }
0x106: {  	vm11 =	vlt.s32 v13, $0x10000;
	v58 =	vshll.u32 v12, $0x10;
	v60 =	vshll.u32 v11, $0x10  }
0x107: {  	vm13 =	vlt.s32 v12, $0x10000;
	v3 =	vshra.s32 v3, $0x10;
	v5 =	vsel vm14, $0xFFFF0000, v2  }
0x108: {  	v6 =	vsel vm1, $0xFFFF0000, v2;
	v51 =	vshra.s32 v7, $0x10;
	v54 =	vsel vm5, $0xFFFF0000, v2  }
0x109: {  	v8 =	vsel vm7, $0xFFFF0000, v2;
	v9 =	vsel vm9, $0xFFFF0000, v2;
	v57 =	vshra.s32 v10, $0x10  }
0x10a: {  	v59 =	vsel vm11, $0xFFFF0000, v2;
	v62 =	vsel vm13, $0xFFFF0000, v2;
	vm0 =	vgt.s32 v3, $0x0  }
0x10b: {  	v3 =	vshll.u32 v17, $0x10;
	vm4 =	vgt.s32 v51, $0x0;
	vm10 =	vgt.s32 v57, $0x0  }
0x10c: {  	v4 =	vsel vm0, $0x1, v1;
	v3 =	vshra.s32 v3, $0x10;
	v53 =	vsel vm4, $0x1, v1  }
0x10d: {  	s17 =	sshll.u32 s17, $0x7;
	vm15 =	vgt.s32 v3, $0x0;
	v4 =	vor.u32 v5, v4;
	v5 =	vshra.s32 v52, $0x10  }
0x10e: {  	s17 =	sand.u32 $0x3FFFFF80, s17;
	v3 =	vsel vm15, $0x1, v1;
	vm6 =	vgt.s32 v5, $0x0;
	v5 =	vshra.s32 v55, $0x10  }
0x10f: {  	[tilespmem:s17+$0x7200] =	vst v4;
	v4 =	vshra.s32 v58, $0x10;
	vm15 =	vlt.s32 v11, $0x10000;
	v3 =	vor.u32 v6, v3  }
0x110: {  	s16 =	sadd.s32 $0x1, s16;
	v6 =	vor.u32 v54, v53;
	v56 =	vsel vm6, $0x1, v1;
	vm8 =	vgt.s32 v5, $0x0;
	[tilespmem:s17+$0x7210] =	vst v3  }
0x111: {  	p0 =	sne.s32 s16, $0x8;
	vm12 =	vgt.s32 v4, $0x0;
	v5 =	vsel vm8, $0x1, v1;
	v7 =	vor.u32 v8, v56;
	[tilespmem:s17+$0x7220] =	vst v6  }
.Ltmp4:
0x112: {  	v4 =	vshra.s32 v60, $0x10;
	v3 =	vsel vm10, $0x1, v1;
	v5 =	vor.u32 v9, v5;
	[tilespmem:s17+$0x7230] =	vst v7;
	(pc) =	sbr.rel @p0 .LBB2_2-.Ltmp4, $4  }
0x113: {  	v61 =	vsel vm12, $0x1, v1;
	vm14 =	vgt.s32 v4, $0x0;
	v3 =	vor.u32 v59, v3;
	[tilespmem:s17+$0x7240] =	vst v5  }
0x114: {  	v63 =	vsel vm15, $0xFFFF0000, v2;
	v4 =	vsel vm14, $0x1, v1;
	[tilespmem:s17+$0x7250] =	vst v3;
	v3 =	vor.u32 v62, v61  }
0x115: {  	[tilespmem:s17+$0x7260] =	vst v3;
	v3 =	vor.u32 v63, v4  }
0x116: {  	[tilespmem:s17+$0x7270] =	vst v3  }
0x117: {  	s15 =	sadd.s32 $0x1, s15  }
0x118: {  	p0 =	sne.s32 s15, s7  }
.Ltmp5:
0x119: {  	_ = 	snop;
	(pc) =	sbr.rel @p0 .LBB2_1-.Ltmp5, $4  }
0x11a: {  	[hbm4b:s6+s2] =	stream.linear.scatter [tilespmem:s14], [sflag:$0x3], $0x800, $0x38;
	[tilespmem:$0x7A00] =	vst v63  }
0x11b: {  	_ =	swait.ge [sflag:s8], $0x800  }
0x11c: {  	[sflag:s8] =	ssyncset.done $0x0  }
0x11d: {  	[sflag:s8] =	ssyncadd.s32 $0xFFFFF800  }
0x11e: {  	_ =	sfence.sel $0x180000  }
0x11f: {  	[bflag:$0x0] =	sbarrier.arrive $0xFFFF  }
0x120: {  	p0 =	sne.s32 s0, $0x0;
	_ =	strace $0x90000047  }
0x121: {  	s0 =	sadd.s32 @!p0 $0x100000, s1;
	[bflag:$0x2] =	sbarrier.arrive $0xFFFF  }
0x122: {  	[sflag:s0] =	ssyncadd.tile.s32 @!p0 $0x1;
	_ =	shalt  }
.Lfunc_end2:
_tile_overlayer_lowered:
.L_overlay_start_2:
0x123: {  	(tag) =	ssettag $0x2  }
0x124: {  	s0 =	rddreg [dreg:$0x0];
	s2 =	stileid.u32  }
0x125: {  	s1 =	rddreg [dreg:$0x1];
	p0 =	sne.s32 s2, $0x0  }
0x126: {  	s3 =	rddreg [dreg:$0x2];
	[bflag:$0x3] =	sbarrier.arrive $0xFFFF;
	s2 =	simm.s32 @!p0 $0x1C03  }
0x127: {  	[timem:s3], [sflag:s2] =	dma.local @!p0 [hbm:s0], s1  }
0x128: {  	s0 =	simm.s32 @!p0 $0x3  }
0x129: {  	_ =	swait.ge @!p0 [sflag:s0], s1  }
0x12a: {  	s1 =	ssub.s32 @!p0 $0x0, s1;
	[sflag:s0] =	ssyncset.done @!p0 $0x0  }
0x12b: {  	[sflag:s0] =	ssyncadd.s32 @!p0 s1  }
0x12c: {  	[bflag:$0x3] =	sbarrier.arrive $0xFFFF  }
0x12d: {  	_ =	shalt  }

</sc_bundles>
